<compile_context>
chip_gen: v7x
topology: tpu7x:2x2x1
jax: 0.10.2.dev20260603
libtpu: 0.0.44.dev20260713+nightly
codegen_flags: <defaults>
</compile_context>

<pallas_src>
import functools
import math

import jax
import jax.numpy as jnp
from jax import lax
from jax.experimental import pallas as pl
from jax.experimental.pallas import tpu as pltpu
from jax.experimental.pallas import tpu_sc as plsc

N = 10000
E = 320000
D = 128
D2 = 64
NCLS = 10
NCLS_PAD = 16

NC = 2
NS = 16
NW = NC * NS
EPW = E // NW

CH_A = 40
NCH_A = EPW // CH_A
CH_E = 80
NCH_E = EPW // CH_E

ROWS_PER_TILE = N // NS

_MESH = plsc.VectorSubcoreMesh(core_axis_name="c", subcore_axis_name="s")


def _ring4(nchunk, gissue, consume, cdrain):
  gissue(0, 0)
  gissue(1, 1)

  @pl.loop(0, nchunk // 4)
  def _(j):
    for p in range(4):
      c = 4 * j + p
      b2 = (p + 2) % 4
      if p >= 2:
        cdrain(b2)
      else:
        pl.when(c >= 2)(functools.partial(cdrain, b2))
      pl.when(c + 2 < nchunk)(functools.partial(gissue, c + 2, b2))
      consume(c, p)

  rem = nchunk % 4
  for t in range(rem):
    consume(nchunk - rem + t, t)
  for c in range(nchunk - rem - 2, nchunk):
    cdrain(c % 4)


def _agg_body(h_hbm, z0_hbm, src_hbm, dst_hbm, out0_hbm, out1_hbm,
              idx_s, idx_d, rows0, rows1, rows2, rows3, agg,
              sg0, sg1, sg2, sg3, ss0, ss1, ss2, ss3):
  cid = lax.axis_index("c")
  sid = lax.axis_index("s")
  wid = sid * NC + cid

  rsl = pl.ds(sid * ROWS_PER_TILE, ROWS_PER_TILE)

  @pl.when(cid == 0)
  def _():
    pltpu.sync_copy(h_hbm.at[rsl], agg.at[rsl])

  @pl.when(cid == 1)
  def _():
    pltpu.sync_copy(z0_hbm.at[rsl], agg.at[rsl])

  csl = pl.ds(wid * EPW, EPW)
  pltpu.sync_copy(src_hbm.at[csl], idx_s)
  pltpu.sync_copy(dst_hbm.at[csl], idx_d)

  plsc.subcore_barrier()

  rows = [rows0, rows1, rows2, rows3]
  sg = [sg0, sg1, sg2, sg3]
  ss = [ss0, ss1, ss2, ss3]

  def gissue(c, b):
    pltpu.async_copy(h_hbm.at[idx_s.at[pl.ds(c * CH_A, CH_A)]], rows[b], sg[b])

  def consume(c, b):
    pltpu.make_async_copy(h_hbm.at[pl.ds(0, CH_A)], rows[b], sg[b]).wait()
    pltpu.async_copy(rows[b], agg.at[idx_d.at[pl.ds(c * CH_A, CH_A)]],
                     ss[b], add=True)

  def cdrain(b):
    pltpu.make_async_copy(h_hbm.at[pl.ds(0, CH_A)], rows[b], ss[b]).wait()

  _ring4(NCH_A, gissue, consume, cdrain)

  plsc.subcore_barrier()

  @pl.when(cid == 0)
  def _():
    pltpu.sync_copy(agg.at[rsl], out0_hbm.at[rsl])

  @pl.when(cid == 1)
  def _():
    pltpu.sync_copy(agg.at[rsl], out1_hbm.at[rsl])


_agg_call = pl.kernel(
    _agg_body,
    out_type=(jax.ShapeDtypeStruct((N, D), jnp.float32),
              jax.ShapeDtypeStruct((N, D), jnp.float32)),
    mesh=_MESH,
    compiler_params=pltpu.CompilerParams(use_tc_tiling_on_sc=False),
    scratch_types=(
        [pltpu.VMEM((EPW,), jnp.int32)] * 2
        + [pltpu.VMEM((CH_A, D), jnp.float32)] * 4
        + [pltpu.VMEM_SHARED((N, D), jnp.float32)]
        + [pltpu.SemaphoreType.DMA] * 8
    ),
)


ROWS_B = 1000


def _mlp_body(a0_ref, a1_ref, wa_ref, g_ref, c_ref, wb_ref, bb_ref, out_ref):
  z = a0_ref[...] + a1_ref[...]
  t = jnp.dot(z, wa_ref[...], preferred_element_type=jnp.float32)
  t = jnp.maximum(t * g_ref[...] + c_ref[...], 0.0)
  o = jnp.dot(t, wb_ref[...], preferred_element_type=jnp.float32)
  out_ref[...] = jnp.maximum(o + bb_ref[...], 0.0)


def _mlp_call(a0, a1, wa, g, c, wb, bb):
  grid = (N // ROWS_B,)
  row_spec = pl.BlockSpec((ROWS_B, D), lambda i: (i, 0))
  full = lambda shape: pl.BlockSpec(shape, lambda i: (0,) * len(shape))
  return pl.pallas_call(
      _mlp_body,
      grid=grid,
      in_specs=[row_spec, row_spec, full((D, D)), full((1, D)), full((1, D)),
                full((D, D)), full((1, D))],
      out_specs=row_spec,
      out_shape=jax.ShapeDtypeStruct((N, D), jnp.float32),
  )(a0, a1, wa, g.reshape(1, D), c.reshape(1, D), wb, bb.reshape(1, D))


def _head_body(h_ref, wl1_ref, bl1_ref, w2a_ref, w2b_ref, bl2_ref,
               h2_ref, p_ref, q_ref):
  t = jnp.dot(h_ref[...], wl1_ref[...], preferred_element_type=jnp.float32)
  h2 = jnp.maximum(t + bl1_ref[...], 0.0)
  h2_ref[...] = h2
  p_ref[...] = jnp.dot(h2, w2a_ref[...], preferred_element_type=jnp.float32) + bl2_ref[...]
  q_ref[...] = jnp.dot(h2, w2b_ref[...], preferred_element_type=jnp.float32)


def _head_call(h, wl1, bl1, w2a, w2b, bl2p):
  grid = (N // ROWS_B,)
  full = lambda shape: pl.BlockSpec(shape, lambda i: (0,) * len(shape))
  return pl.pallas_call(
      _head_body,
      grid=grid,
      in_specs=[pl.BlockSpec((ROWS_B, D), lambda i: (i, 0)),
                full((D, D2)), full((1, D2)),
                full((D2, NCLS_PAD)), full((D2, NCLS_PAD)), full((1, NCLS_PAD))],
      out_specs=[pl.BlockSpec((ROWS_B, D2), lambda i: (i, 0)),
                 pl.BlockSpec((ROWS_B, NCLS_PAD), lambda i: (i, 0)),
                 pl.BlockSpec((ROWS_B, NCLS_PAD), lambda i: (i, 0))],
      out_shape=[jax.ShapeDtypeStruct((N, D2), jnp.float32),
                 jax.ShapeDtypeStruct((N, NCLS_PAD), jnp.float32),
                 jax.ShapeDtypeStruct((N, NCLS_PAD), jnp.float32)],
  )(h, wl1, bl1.reshape(1, D2), w2a, w2b, bl2p.reshape(1, NCLS_PAD))


def _out_body(p_hbm, q_hbm, src_hbm, dst_hbm, out_hbm,
              idx_s, idx_d,
              ps0, ps1, ps2, ps3, qd0, qd1, qd2, qd3,
              sg0, sg1, sg2, sg3, sw0, sw1, sw2, sw3):
  cid = lax.axis_index("c")
  sid = lax.axis_index("s")
  wid = sid * NC + cid

  csl = pl.ds(wid * EPW, EPW)
  pltpu.sync_copy(src_hbm.at[csl], idx_s)
  pltpu.sync_copy(dst_hbm.at[csl], idx_d)

  ps = [ps0, ps1, ps2, ps3]
  qd = [qd0, qd1, qd2, qd3]
  sg = [sg0, sg1, sg2, sg3]
  sw = [sw0, sw1, sw2, sw3]

  def gissue(c, b):
    esl = pl.ds(c * CH_E, CH_E)
    pltpu.async_copy(p_hbm.at[idx_s.at[esl]], ps[b], sg[b])
    pltpu.async_copy(q_hbm.at[idx_d.at[esl]], qd[b], sg[b])

  def consume(c, b):
    pltpu.make_async_copy(p_hbm.at[pl.ds(0, CH_E)], ps[b], sg[b]).wait()
    pltpu.make_async_copy(q_hbm.at[pl.ds(0, CH_E)], qd[b], sg[b]).wait()

    @pl.loop(0, CH_E, unroll=8)
    def _(i):
      ps[b][i, :] = ps[b][i, :] + qd[b][i, :]

    esl = pl.ds((wid * NCH_E + c) * CH_E, CH_E)
    pltpu.async_copy(ps[b], out_hbm.at[esl], sw[b])

  def cdrain(b):
    pltpu.make_async_copy(p_hbm.at[pl.ds(0, CH_E)], ps[b], sw[b]).wait()

  _ring4(NCH_E, gissue, consume, cdrain)


_out_call = pl.kernel(
    _out_body,
    out_type=jax.ShapeDtypeStruct((E, NCLS_PAD), jnp.float32),
    mesh=_MESH,
    compiler_params=pltpu.CompilerParams(use_tc_tiling_on_sc=False),
    scratch_types=(
        [pltpu.VMEM((EPW,), jnp.int32)] * 2
        + [pltpu.VMEM((CH_E, NCLS_PAD), jnp.float32)] * 8
        + [pltpu.SemaphoreType.DMA] * 8
    ),
)


def _e_body(h2_hbm, src_hbm, dst_hbm, e_hbm,
            idx_s, idx_d,
            bs0, bs1, bs2, bs3, bd0, bd1, bd2, bd3,
            sg0, sg1, sg2, sg3, sw0, sw1, sw2, sw3):
  cid = lax.axis_index("c")
  sid = lax.axis_index("s")
  wid = sid * NC + cid

  csl = pl.ds(wid * EPW, EPW)
  pltpu.sync_copy(src_hbm.at[csl], idx_s)
  pltpu.sync_copy(dst_hbm.at[csl], idx_d)

  bs = [bs0, bs1, bs2, bs3]
  bd = [bd0, bd1, bd2, bd3]
  sg = [sg0, sg1, sg2, sg3]
  sw = [sw0, sw1, sw2, sw3]

  def gissue(c, b):
    isl = pl.ds(c * CH_E, CH_E)
    pltpu.async_copy(h2_hbm.at[idx_s.at[isl]], bs[b], sg[b])
    pltpu.async_copy(h2_hbm.at[idx_d.at[isl]], bd[b], sg[b])

  def consume(c, b):
    pltpu.make_async_copy(h2_hbm.at[pl.ds(0, CH_E)], bs[b], sg[b]).wait()
    pltpu.make_async_copy(h2_hbm.at[pl.ds(0, CH_E)], bd[b], sg[b]).wait()
    esl = pl.ds((wid * NCH_E + c) * CH_E, CH_E)
    pltpu.async_copy(bs[b], e_hbm.at[esl, pl.ds(0, D2)], sw[b])
    pltpu.async_copy(bd[b], e_hbm.at[esl, pl.ds(D2, D2)], sw[b])

  def cdrain(b):
    pltpu.make_async_copy(h2_hbm.at[pl.ds(0, CH_E)], bs[b], sw[b]).wait()
    pltpu.make_async_copy(h2_hbm.at[pl.ds(0, CH_E)], bd[b], sw[b]).wait()

  _ring4(NCH_E, gissue, consume, cdrain)


_e_call = pl.kernel(
    _e_body,
    out_type=jax.ShapeDtypeStruct((E, D), jnp.float32),
    mesh=_MESH,
    compiler_params=pltpu.CompilerParams(use_tc_tiling_on_sc=False),
    scratch_types=(
        [pltpu.VMEM((EPW,), jnp.int32)] * 2
        + [pltpu.VMEM((CH_E, D2), jnp.float32)] * 8
        + [pltpu.SemaphoreType.DMA] * 8
    ),
)


@jax.jit
def kernel(x, edge_index, batch, Wa, ba, bng, bnb, Wb, bb, Wl1, bl1, Wl2, bl2):
  del batch
  src = edge_index[0]
  dst = edge_index[1]
  z0 = jnp.zeros((N, D), jnp.float32)

  inv_std = 1.0 / math.sqrt(1.0 + 1e-5)
  g = bng * inv_std
  cterm = g * ba + bnb

  h = x
  for l in range(Wa.shape[0]):
    a0, a1 = _agg_call(h, z0, src, dst)
    h = _mlp_call(a0, a1, Wa[l], g[l], cterm[l], Wb[l], bb[l])

  w2a = jnp.pad(Wl2[:D2], ((0, 0), (0, NCLS_PAD - NCLS)))
  w2b = jnp.pad(Wl2[D2:], ((0, 0), (0, NCLS_PAD - NCLS)))
  bl2p = jnp.pad(bl2, (0, NCLS_PAD - NCLS))
  h2, p, q = _head_call(h, Wl1, bl1, w2a, w2b, bl2p)

  outp = _out_call(p, q, src, dst)
  e = _e_call(h2, src, dst)
  return (outp[:, :NCLS], e)

# --- scband reference (transcript-rebuilt; emitter-appended) ---
"""Pipeline reference for scband-gin2-48361331753437 (READ-ONLY COPY).

The authoritative reference and input builder live on the scoring server;
editing this copy changes nothing except your own understanding.
"""

import jax, jax.numpy as jnp
import numpy as np

N = 10000
E = 320000
D_FEAT = 128
DIM = 128
DIM2 = 64
NCLS = 10
L = 4  # conv1 + c_depth(3) convs, all 128->128


def setup_inputs(seed: int = 0) -> dict:
    key = jax.random.key(seed)
    ks = jax.random.split(key, 14)
    x = jax.random.normal(ks[0], (N, D_FEAT), dtype=jnp.float32)
    edge_index = jax.random.randint(ks[1], (2, E), 0, N, dtype=jnp.int32)
    batch = jnp.sort(jax.random.randint(ks[2], (N,), 0, 64, dtype=jnp.int32))
    Wa = jax.random.normal(ks[3], (L, DIM, DIM), dtype=jnp.float32) * 0.05
    ba = jax.random.normal(ks[4], (L, DIM), dtype=jnp.float32) * 0.02
    bng = 1.0 + jax.random.normal(ks[5], (L, DIM), dtype=jnp.float32) * 0.1
    bnb = jax.random.normal(ks[6], (L, DIM), dtype=jnp.float32) * 0.1
    Wb = jax.random.normal(ks[7], (L, DIM, DIM), dtype=jnp.float32) * 0.05
    bb = jax.random.normal(ks[8], (L, DIM), dtype=jnp.float32) * 0.02
    Wl1 = jax.random.normal(ks[9], (DIM, DIM2), dtype=jnp.float32) * 0.05
    bl1 = jax.random.normal(ks[10], (DIM2,), dtype=jnp.float32) * 0.02
    Wl2 = jax.random.normal(ks[11], (2 * DIM2, NCLS), dtype=jnp.float32) * 0.05
    bl2 = jax.random.normal(ks[12], (NCLS,), dtype=jnp.float32) * 0.02
    return {"x": x, "edge_index": edge_index, "batch": batch,
            "Wa": Wa, "ba": ba, "bng": bng, "bnb": bnb, "Wb": Wb, "bb": bb,
            "Wl1": Wl1, "bl1": bl1, "Wl2": Wl2, "bl2": bl2}


def reference(x, edge_index, batch, Wa, ba, bng, bnb, Wb, bb, Wl1, bl1, Wl2, bl2):
    src = edge_index[0]
    dst = edge_index[1]
    inv_std = 1.0 / jnp.sqrt(1.0 + 1e-5)  # BN eval mode: running_mean=0, running_var=1
    h = x
    for l in range(L):
        # GINConv: nn((1+eps)*x + sum_{j in N(i)} x_j), eps=0
        agg = jax.ops.segment_sum(h[src], dst, num_segments=N)
        z = h + agg
        t = z @ Wa[l] + ba[l]
        t = bng[l] * (t * inv_std) + bnb[l]
        t = jax.nn.relu(t)
        t = t @ Wb[l] + bb[l]
        h = jax.nn.relu(t)
    h = jax.nn.relu(h @ Wl1 + bl1)
    # dropout is a no-op in eval mode
    e = jnp.concatenate([h[src], h[dst]], axis=1)
    out = e @ Wl2 + bl2
    return (out, e)

if __name__ == "__main__":
    import jax
    _d = setup_inputs()
    print(jax.jit(kernel)(*tuple(_d.values())))

</pallas_src>

<mosaic_0001>
#map = affine_map<(d0, d1) -> (0, 0)>
#map1 = affine_map<(d0, d1) -> (0)>
module attributes {stable_mosaic.version = 14 : i64} {
  func.func @_agg_body(%arg0: i32, %arg1: i32, %arg2: memref<10000x128xf32, #tpu.memory_space<hbm>>, %arg3: memref<10000x128xf32, #tpu.memory_space<hbm>>, %arg4: memref<320000xi32, #tpu.memory_space<hbm>>, %arg5: memref<320000xi32, #tpu.memory_space<hbm>>, %arg6: memref<10000x128xf32, #tpu.memory_space<hbm>>, %arg7: memref<10000x128xf32, #tpu.memory_space<hbm>>, %arg8: memref<10000xi32, #tpu.memory_space<vmem>>, %arg9: memref<10000xi32, #tpu.memory_space<vmem>>, %arg10: memref<40x128xf32, #tpu.memory_space<vmem>>, %arg11: memref<40x128xf32, #tpu.memory_space<vmem>>, %arg12: memref<40x128xf32, #tpu.memory_space<vmem>>, %arg13: memref<40x128xf32, #tpu.memory_space<vmem>>, %arg14: memref<10000x128xf32, #tpu.memory_space<vmem_shared>>, %arg15: memref<!tpu.dma_semaphore, #tpu.memory_space<semaphore_mem>>, %arg16: memref<!tpu.dma_semaphore, #tpu.memory_space<semaphore_mem>>, %arg17: memref<!tpu.dma_semaphore, #tpu.memory_space<semaphore_mem>>, %arg18: memref<!tpu.dma_semaphore, #tpu.memory_space<semaphore_mem>>, %arg19: memref<!tpu.dma_semaphore, #tpu.memory_space<semaphore_mem>>, %arg20: memref<!tpu.dma_semaphore, #tpu.memory_space<semaphore_mem>>, %arg21: memref<!tpu.dma_semaphore, #tpu.memory_space<semaphore_mem>>, %arg22: memref<!tpu.dma_semaphore, #tpu.memory_space<semaphore_mem>>) attributes {dimension_semantics = [#tpu.dimension_semantics<core_parallel>, #tpu.dimension_semantics<subcore_parallel>], iteration_bounds = array<i64: 2, 16>, scalar_prefetch = 0 : i64, scratch_operands = 15 : i64, tpu.core_type = #tpu.core_type<sc_vector_subcore>, window_params = [{transform_indices = #map}, {transform_indices = #map}, {transform_indices = #map1}, {transform_indices = #map1}, {transform_indices = #map}, {transform_indices = #map}]} {
    %mul3A = arith.constant 2 : i32
    %mul3A_0 = arith.muli %arg1, %mul3A : i32
    %add3A = arith.addi %mul3A_0, %arg0 : i32
    %mul3A_1 = arith.constant 625 : i32
    %mul3A_2 = arith.muli %arg1, %mul3A_1 : i32
    %eq3A = arith.constant 0 : i32
    %eq3A_3 = arith.cmpi eq, %arg0, %eq3A : i32
    %convert_element_type3A = arith.extui %eq3A_3 : i1 to i32
    %cond3A = arith.constant 0 : i32
    %cond3A_4 = arith.cmpi ne, %convert_element_type3A, %cond3A : i32
    scf.if %cond3A_4 {
      "tpu.region"() ({
        %run_scoped3A = tpu.sem_alloc : memref<!tpu.dma_semaphore, #tpu.memory_space<semaphore_mem>>
        %dma_start3A_81 = arith.constant 0 : i32
        %dma_start3A_82 = tpu.memref_slice %arg14[%mul3A_2, %dma_start3A_81] : memref<10000x128xf32, #tpu.memory_space<vmem_shared>> -> memref<625x128xf32, #tpu.memory_space<vmem_shared>>
        %dma_start3A_83 = arith.constant 0 : i32
        %dma_start3A_84 = tpu.memref_slice %arg2[%mul3A_2, %dma_start3A_83] : memref<10000x128xf32, #tpu.memory_space<hbm>> -> memref<625x128xf32, #tpu.memory_space<hbm>>
        tpu.enqueue_dma source(%dma_start3A_84 : memref<625x128xf32, #tpu.memory_space<hbm>>) target(%dma_start3A_82 : memref<625x128xf32, #tpu.memory_space<vmem_shared>>) target_semaphore(%run_scoped3A : memref<!tpu.dma_semaphore, #tpu.memory_space<semaphore_mem>>)
        %dma_wait3A_85 = arith.constant 0 : i32
        %dma_wait3A_86 = tpu.memref_slice %arg14[%mul3A_2, %dma_wait3A_85] : memref<10000x128xf32, #tpu.memory_space<vmem_shared>> -> memref<625x128xf32, #tpu.memory_space<vmem_shared>>
        %dma_wait3A_87 = arith.constant 0 : i32
        %dma_wait3A_88 = tpu.memref_slice %arg2[%mul3A_2, %dma_wait3A_87] : memref<10000x128xf32, #tpu.memory_space<hbm>> -> memref<625x128xf32, #tpu.memory_space<hbm>>
        tpu.wait_dma2 semaphore(%run_scoped3A : memref<!tpu.dma_semaphore, #tpu.memory_space<semaphore_mem>>) src(%dma_wait3A_88 : memref<625x128xf32, #tpu.memory_space<hbm>>) dst(%dma_wait3A_86 : memref<625x128xf32, #tpu.memory_space<vmem_shared>>)
        tpu.yield
      }) : () -> ()
    } else {
    }
    %eq3A_5 = arith.constant 1 : i32
    %eq3A_6 = arith.cmpi eq, %arg0, %eq3A_5 : i32
    %convert_element_type3A_7 = arith.extui %eq3A_6 : i1 to i32
    %cond3A_8 = arith.constant 0 : i32
    %cond3A_9 = arith.cmpi ne, %convert_element_type3A_7, %cond3A_8 : i32
    scf.if %cond3A_9 {
      "tpu.region"() ({
        %run_scoped3A = tpu.sem_alloc : memref<!tpu.dma_semaphore, #tpu.memory_space<semaphore_mem>>
        %dma_start3A_81 = arith.constant 0 : i32
        %dma_start3A_82 = tpu.memref_slice %arg14[%mul3A_2, %dma_start3A_81] : memref<10000x128xf32, #tpu.memory_space<vmem_shared>> -> memref<625x128xf32, #tpu.memory_space<vmem_shared>>
        %dma_start3A_83 = arith.constant 0 : i32
        %dma_start3A_84 = tpu.memref_slice %arg3[%mul3A_2, %dma_start3A_83] : memref<10000x128xf32, #tpu.memory_space<hbm>> -> memref<625x128xf32, #tpu.memory_space<hbm>>
        tpu.enqueue_dma source(%dma_start3A_84 : memref<625x128xf32, #tpu.memory_space<hbm>>) target(%dma_start3A_82 : memref<625x128xf32, #tpu.memory_space<vmem_shared>>) target_semaphore(%run_scoped3A : memref<!tpu.dma_semaphore, #tpu.memory_space<semaphore_mem>>)
        %dma_wait3A_85 = arith.constant 0 : i32
        %dma_wait3A_86 = tpu.memref_slice %arg14[%mul3A_2, %dma_wait3A_85] : memref<10000x128xf32, #tpu.memory_space<vmem_shared>> -> memref<625x128xf32, #tpu.memory_space<vmem_shared>>
        %dma_wait3A_87 = arith.constant 0 : i32
        %dma_wait3A_88 = tpu.memref_slice %arg3[%mul3A_2, %dma_wait3A_87] : memref<10000x128xf32, #tpu.memory_space<hbm>> -> memref<625x128xf32, #tpu.memory_space<hbm>>
        tpu.wait_dma2 semaphore(%run_scoped3A : memref<!tpu.dma_semaphore, #tpu.memory_space<semaphore_mem>>) src(%dma_wait3A_88 : memref<625x128xf32, #tpu.memory_space<hbm>>) dst(%dma_wait3A_86 : memref<625x128xf32, #tpu.memory_space<vmem_shared>>)
        tpu.yield
      }) : () -> ()
    } else {
    }
    %mul3A_10 = arith.constant 10000 : i32
    %mul3A_11 = arith.muli %add3A, %mul3A_10 : i32
    "tpu.region"() ({
      %run_scoped3A = tpu.sem_alloc : memref<!tpu.dma_semaphore, #tpu.memory_space<semaphore_mem>>
      %dma_start3A_81 = tpu.memref_slice %arg4[%mul3A_11] : memref<320000xi32, #tpu.memory_space<hbm>> -> memref<10000xi32, #tpu.memory_space<hbm>>
      %dma_start3A_82 = tpu.memref_slice %arg4[%mul3A_11] : memref<320000xi32, #tpu.memory_space<hbm>> -> memref<10000xi32, #tpu.memory_space<hbm>>
      tpu.enqueue_dma source(%dma_start3A_82 : memref<10000xi32, #tpu.memory_space<hbm>>) target(%arg8 : memref<10000xi32, #tpu.memory_space<vmem>>) target_semaphore(%run_scoped3A : memref<!tpu.dma_semaphore, #tpu.memory_space<semaphore_mem>>)
      %dma_wait3A_83 = tpu.memref_slice %arg4[%mul3A_11] : memref<320000xi32, #tpu.memory_space<hbm>> -> memref<10000xi32, #tpu.memory_space<hbm>>
      %dma_wait3A_84 = tpu.memref_slice %arg4[%mul3A_11] : memref<320000xi32, #tpu.memory_space<hbm>> -> memref<10000xi32, #tpu.memory_space<hbm>>
      tpu.wait_dma2 semaphore(%run_scoped3A : memref<!tpu.dma_semaphore, #tpu.memory_space<semaphore_mem>>) src(%dma_wait3A_84 : memref<10000xi32, #tpu.memory_space<hbm>>) dst(%arg8 : memref<10000xi32, #tpu.memory_space<vmem>>)
      tpu.yield
    }) : () -> ()
    "tpu.region"() ({
      %run_scoped3A = tpu.sem_alloc : memref<!tpu.dma_semaphore, #tpu.memory_space<semaphore_mem>>
      %dma_start3A_81 = tpu.memref_slice %arg5[%mul3A_11] : memref<320000xi32, #tpu.memory_space<hbm>> -> memref<10000xi32, #tpu.memory_space<hbm>>
      %dma_start3A_82 = tpu.memref_slice %arg5[%mul3A_11] : memref<320000xi32, #tpu.memory_space<hbm>> -> memref<10000xi32, #tpu.memory_space<hbm>>
      tpu.enqueue_dma source(%dma_start3A_82 : memref<10000xi32, #tpu.memory_space<hbm>>) target(%arg9 : memref<10000xi32, #tpu.memory_space<vmem>>) target_semaphore(%run_scoped3A : memref<!tpu.dma_semaphore, #tpu.memory_space<semaphore_mem>>)
      %dma_wait3A_83 = tpu.memref_slice %arg5[%mul3A_11] : memref<320000xi32, #tpu.memory_space<hbm>> -> memref<10000xi32, #tpu.memory_space<hbm>>
      %dma_wait3A_84 = tpu.memref_slice %arg5[%mul3A_11] : memref<320000xi32, #tpu.memory_space<hbm>> -> memref<10000xi32, #tpu.memory_space<hbm>>
      tpu.wait_dma2 semaphore(%run_scoped3A : memref<!tpu.dma_semaphore, #tpu.memory_space<semaphore_mem>>) src(%dma_wait3A_84 : memref<10000xi32, #tpu.memory_space<hbm>>) dst(%arg9 : memref<10000xi32, #tpu.memory_space<vmem>>)
      tpu.yield
    }) : () -> ()
    %barrier3A = arith.constant 0 : index
    tpu.barrier barrier_id(%barrier3A)
    %dma_start3A = arith.constant 0 : i32
    %dma_start3A_12 = tpu.memref_slice %arg8[%dma_start3A] : memref<10000xi32, #tpu.memory_space<vmem>> -> memref<40xi32, #tpu.memory_space<vmem>>
    %dma_start3A_13 = arith.constant 0 : i32
    %dma_start3A_14 = arith.constant 0 : i32
    %dma_start3A_15 = tpu.memref_slice %arg2[%dma_start3A_13, %dma_start3A_14] : memref<10000x128xf32, #tpu.memory_space<hbm>> -> memref<10000x128xf32, #tpu.memory_space<hbm>>
    tpu.enqueue_indirect_dma source(%dma_start3A_15 : memref<10000x128xf32, #tpu.memory_space<hbm>>) target(%arg10 : memref<40x128xf32, #tpu.memory_space<vmem>>) offsets(%dma_start3A_12 : memref<40xi32, #tpu.memory_space<vmem>>) semaphore(%arg15 : memref<!tpu.dma_semaphore, #tpu.memory_space<semaphore_mem>>)
    %dma_start3A_16 = arith.constant 40 : i32
    %dma_start3A_17 = tpu.memref_slice %arg8[%dma_start3A_16] : memref<10000xi32, #tpu.memory_space<vmem>> -> memref<40xi32, #tpu.memory_space<vmem>>
    %dma_start3A_18 = arith.constant 0 : i32
    %dma_start3A_19 = arith.constant 0 : i32
    %dma_start3A_20 = tpu.memref_slice %arg2[%dma_start3A_18, %dma_start3A_19] : memref<10000x128xf32, #tpu.memory_space<hbm>> -> memref<10000x128xf32, #tpu.memory_space<hbm>>
    tpu.enqueue_indirect_dma source(%dma_start3A_20 : memref<10000x128xf32, #tpu.memory_space<hbm>>) target(%arg11 : memref<40x128xf32, #tpu.memory_space<vmem>>) offsets(%dma_start3A_17 : memref<40xi32, #tpu.memory_space<vmem>>) semaphore(%arg16 : memref<!tpu.dma_semaphore, #tpu.memory_space<semaphore_mem>>)
    %scan3A = arith.constant 0 : i32
    %scan3A_21 = arith.constant 62 : i32
    %scan3A_22 = arith.addi %scan3A, %scan3A_21 : i32
    %scan3A_23 = arith.constant 1 : i32
    scf.for %scan3A_81 = %scan3A to %scan3A_22 step %scan3A_23  : i32 {
      %mul3A_82 = arith.constant 1 : i32
      %mul3A_83 = arith.muli %scan3A_81, %mul3A_82 : i32
      %add3A_84 = arith.constant 0 : i32
      %add3A_85 = arith.addi %add3A_84, %mul3A_83 : i32
      %mul3A_86 = arith.constant 4 : i32
      %mul3A_87 = arith.muli %mul3A_86, %add3A_85 : i32
      %add3A_88 = arith.constant 0 : i32
      %add3A_89 = arith.addi %mul3A_87, %add3A_88 : i32
      %ge3A = arith.constant 2 : i32
      %ge3A_90 = arith.cmpi sge, %add3A_89, %ge3A : i32
      %convert_element_type3A_91 = arith.extui %ge3A_90 : i1 to i32
      %cond3A_92 = arith.constant 0 : i32
      %cond3A_93 = arith.cmpi ne, %convert_element_type3A_91, %cond3A_92 : i32
      scf.if %cond3A_93 {
        %dma_wait3A_206 = arith.constant 0 : i32
        %dma_wait3A_207 = arith.constant 0 : i32
        %dma_wait3A_208 = tpu.memref_slice %arg2[%dma_wait3A_206, %dma_wait3A_207] : memref<10000x128xf32, #tpu.memory_space<hbm>> -> memref<40x128xf32, #tpu.memory_space<hbm>>
        %dma_wait3A_209 = arith.constant 0 : i32
        %dma_wait3A_210 = arith.constant 0 : i32
        %dma_wait3A_211 = tpu.memref_slice %arg2[%dma_wait3A_209, %dma_wait3A_210] : memref<10000x128xf32, #tpu.memory_space<hbm>> -> memref<40x128xf32, #tpu.memory_space<hbm>>
        tpu.wait_dma2 semaphore(%arg21 : memref<!tpu.dma_semaphore, #tpu.memory_space<semaphore_mem>>) src(%dma_wait3A_211 : memref<40x128xf32, #tpu.memory_space<hbm>>) dst(%arg12 : memref<40x128xf32, #tpu.memory_space<vmem>>)
      } else {
      }
      %add3A_94 = arith.constant 2 : i32
      %add3A_95 = arith.addi %add3A_89, %add3A_94 : i32
      %lt3A = arith.constant 250 : i32
      %lt3A_96 = arith.cmpi slt, %add3A_95, %lt3A : i32
      %add3A_97 = arith.constant 2 : i32
      %add3A_98 = arith.addi %add3A_89, %add3A_97 : i32
      %convert_element_type3A_99 = arith.extui %lt3A_96 : i1 to i32
      %cond3A_100 = arith.constant 0 : i32
      %cond3A_101 = arith.cmpi ne, %convert_element_type3A_99, %cond3A_100 : i32
      scf.if %cond3A_101 {
        %mul3A_206 = arith.constant 40 : i32
        %mul3A_207 = arith.muli %add3A_98, %mul3A_206 : i32
        %dma_start3A_208 = tpu.memref_slice %arg8[%mul3A_207] : memref<10000xi32, #tpu.memory_space<vmem>> -> memref<40xi32, #tpu.memory_space<vmem>>
        %dma_start3A_209 = arith.constant 0 : i32
        %dma_start3A_210 = arith.constant 0 : i32
        %dma_start3A_211 = tpu.memref_slice %arg2[%dma_start3A_209, %dma_start3A_210] : memref<10000x128xf32, #tpu.memory_space<hbm>> -> memref<10000x128xf32, #tpu.memory_space<hbm>>
        tpu.enqueue_indirect_dma source(%dma_start3A_211 : memref<10000x128xf32, #tpu.memory_space<hbm>>) target(%arg12 : memref<40x128xf32, #tpu.memory_space<vmem>>) offsets(%dma_start3A_208 : memref<40xi32, #tpu.memory_space<vmem>>) semaphore(%arg17 : memref<!tpu.dma_semaphore, #tpu.memory_space<semaphore_mem>>)
      } else {
      }
      %dma_wait3A_102 = arith.constant 0 : i32
      %dma_wait3A_103 = arith.constant 0 : i32
      %dma_wait3A_104 = tpu.memref_slice %arg2[%dma_wait3A_102, %dma_wait3A_103] : memref<10000x128xf32, #tpu.memory_space<hbm>> -> memref<40x128xf32, #tpu.memory_space<hbm>>
      %dma_wait3A_105 = arith.constant 0 : i32
      %dma_wait3A_106 = arith.constant 0 : i32
      %dma_wait3A_107 = tpu.memref_slice %arg2[%dma_wait3A_105, %dma_wait3A_106] : memref<10000x128xf32, #tpu.memory_space<hbm>> -> memref<40x128xf32, #tpu.memory_space<hbm>>
      tpu.wait_dma2 semaphore(%arg15 : memref<!tpu.dma_semaphore, #tpu.memory_space<semaphore_mem>>) src(%dma_wait3A_107 : memref<40x128xf32, #tpu.memory_space<hbm>>) dst(%arg10 : memref<40x128xf32, #tpu.memory_space<vmem>>)
      %mul3A_108 = arith.constant 40 : i32
      %mul3A_109 = arith.muli %add3A_89, %mul3A_108 : i32
      %dma_start3A_110 = tpu.memref_slice %arg9[%mul3A_109] : memref<10000xi32, #tpu.memory_space<vmem>> -> memref<40xi32, #tpu.memory_space<vmem>>
      %dma_start3A_111 = arith.constant 0 : i32
      %dma_start3A_112 = arith.constant 0 : i32
      %dma_start3A_113 = tpu.memref_slice %arg14[%dma_start3A_111, %dma_start3A_112] : memref<10000x128xf32, #tpu.memory_space<vmem_shared>> -> memref<10000x128xf32, #tpu.memory_space<vmem_shared>>
      tpu.enqueue_indirect_dma source(%arg10 : memref<40x128xf32, #tpu.memory_space<vmem>>) target(%dma_start3A_113 : memref<10000x128xf32, #tpu.memory_space<vmem_shared>>) offsets(%dma_start3A_110 : memref<40xi32, #tpu.memory_space<vmem>>) semaphore(%arg19 : memref<!tpu.dma_semaphore, #tpu.memory_space<semaphore_mem>>) {add = true}
      %mul3A_114 = arith.constant 4 : i32
      %mul3A_115 = arith.muli %mul3A_114, %add3A_85 : i32
      %add3A_116 = arith.constant 1 : i32
      %add3A_117 = arith.addi %mul3A_115, %add3A_116 : i32
      %ge3A_118 = arith.constant 2 : i32
      %ge3A_119 = arith.cmpi sge, %add3A_117, %ge3A_118 : i32
      %convert_element_type3A_120 = arith.extui %ge3A_119 : i1 to i32
      %cond3A_121 = arith.constant 0 : i32
      %cond3A_122 = arith.cmpi ne, %convert_element_type3A_120, %cond3A_121 : i32
      scf.if %cond3A_122 {
        %dma_wait3A_206 = arith.constant 0 : i32
        %dma_wait3A_207 = arith.constant 0 : i32
        %dma_wait3A_208 = tpu.memref_slice %arg2[%dma_wait3A_206, %dma_wait3A_207] : memref<10000x128xf32, #tpu.memory_space<hbm>> -> memref<40x128xf32, #tpu.memory_space<hbm>>
        %dma_wait3A_209 = arith.constant 0 : i32
        %dma_wait3A_210 = arith.constant 0 : i32
        %dma_wait3A_211 = tpu.memref_slice %arg2[%dma_wait3A_209, %dma_wait3A_210] : memref<10000x128xf32, #tpu.memory_space<hbm>> -> memref<40x128xf32, #tpu.memory_space<hbm>>
        tpu.wait_dma2 semaphore(%arg22 : memref<!tpu.dma_semaphore, #tpu.memory_space<semaphore_mem>>) src(%dma_wait3A_211 : memref<40x128xf32, #tpu.memory_space<hbm>>) dst(%arg13 : memref<40x128xf32, #tpu.memory_space<vmem>>)
      } else {
      }
      %add3A_123 = arith.constant 2 : i32
      %add3A_124 = arith.addi %add3A_117, %add3A_123 : i32
      %lt3A_125 = arith.constant 250 : i32
      %lt3A_126 = arith.cmpi slt, %add3A_124, %lt3A_125 : i32
      %add3A_127 = arith.constant 2 : i32
      %add3A_128 = arith.addi %add3A_117, %add3A_127 : i32
      %convert_element_type3A_129 = arith.extui %lt3A_126 : i1 to i32
      %cond3A_130 = arith.constant 0 : i32
      %cond3A_131 = arith.cmpi ne, %convert_element_type3A_129, %cond3A_130 : i32
      scf.if %cond3A_131 {
        %mul3A_206 = arith.constant 40 : i32
        %mul3A_207 = arith.muli %add3A_128, %mul3A_206 : i32
        %dma_start3A_208 = tpu.memref_slice %arg8[%mul3A_207] : memref<10000xi32, #tpu.memory_space<vmem>> -> memref<40xi32, #tpu.memory_space<vmem>>
        %dma_start3A_209 = arith.constant 0 : i32
        %dma_start3A_210 = arith.constant 0 : i32
        %dma_start3A_211 = tpu.memref_slice %arg2[%dma_start3A_209, %dma_start3A_210] : memref<10000x128xf32, #tpu.memory_space<hbm>> -> memref<10000x128xf32, #tpu.memory_space<hbm>>
        tpu.enqueue_indirect_dma source(%dma_start3A_211 : memref<10000x128xf32, #tpu.memory_space<hbm>>) target(%arg13 : memref<40x128xf32, #tpu.memory_space<vmem>>) offsets(%dma_start3A_208 : memref<40xi32, #tpu.memory_space<vmem>>) semaphore(%arg18 : memref<!tpu.dma_semaphore, #tpu.memory_space<semaphore_mem>>)
      } else {
      }
      %dma_wait3A_132 = arith.constant 0 : i32
      %dma_wait3A_133 = arith.constant 0 : i32
      %dma_wait3A_134 = tpu.memref_slice %arg2[%dma_wait3A_132, %dma_wait3A_133] : memref<10000x128xf32, #tpu.memory_space<hbm>> -> memref<40x128xf32, #tpu.memory_space<hbm>>
      %dma_wait3A_135 = arith.constant 0 : i32
      %dma_wait3A_136 = arith.constant 0 : i32
      %dma_wait3A_137 = tpu.memref_slice %arg2[%dma_wait3A_135, %dma_wait3A_136] : memref<10000x128xf32, #tpu.memory_space<hbm>> -> memref<40x128xf32, #tpu.memory_space<hbm>>
      tpu.wait_dma2 semaphore(%arg16 : memref<!tpu.dma_semaphore, #tpu.memory_space<semaphore_mem>>) src(%dma_wait3A_137 : memref<40x128xf32, #tpu.memory_space<hbm>>) dst(%arg11 : memref<40x128xf32, #tpu.memory_space<vmem>>)
      %mul3A_138 = arith.constant 40 : i32
      %mul3A_139 = arith.muli %add3A_117, %mul3A_138 : i32
      %dma_start3A_140 = tpu.memref_slice %arg9[%mul3A_139] : memref<10000xi32, #tpu.memory_space<vmem>> -> memref<40xi32, #tpu.memory_space<vmem>>
      %dma_start3A_141 = arith.constant 0 : i32
      %dma_start3A_142 = arith.constant 0 : i32
      %dma_start3A_143 = tpu.memref_slice %arg14[%dma_start3A_141, %dma_start3A_142] : memref<10000x128xf32, #tpu.memory_space<vmem_shared>> -> memref<10000x128xf32, #tpu.memory_space<vmem_shared>>
      tpu.enqueue_indirect_dma source(%arg11 : memref<40x128xf32, #tpu.memory_space<vmem>>) target(%dma_start3A_143 : memref<10000x128xf32, #tpu.memory_space<vmem_shared>>) offsets(%dma_start3A_140 : memref<40xi32, #tpu.memory_space<vmem>>) semaphore(%arg20 : memref<!tpu.dma_semaphore, #tpu.memory_space<semaphore_mem>>) {add = true}
      %mul3A_144 = arith.constant 4 : i32
      %mul3A_145 = arith.muli %mul3A_144, %add3A_85 : i32
      %add3A_146 = arith.constant 2 : i32
      %add3A_147 = arith.addi %mul3A_145, %add3A_146 : i32
      %dma_wait3A_148 = arith.constant 0 : i32
      %dma_wait3A_149 = arith.constant 0 : i32
      %dma_wait3A_150 = tpu.memref_slice %arg2[%dma_wait3A_148, %dma_wait3A_149] : memref<10000x128xf32, #tpu.memory_space<hbm>> -> memref<40x128xf32, #tpu.memory_space<hbm>>
      %dma_wait3A_151 = arith.constant 0 : i32
      %dma_wait3A_152 = arith.constant 0 : i32
      %dma_wait3A_153 = tpu.memref_slice %arg2[%dma_wait3A_151, %dma_wait3A_152] : memref<10000x128xf32, #tpu.memory_space<hbm>> -> memref<40x128xf32, #tpu.memory_space<hbm>>
      tpu.wait_dma2 semaphore(%arg19 : memref<!tpu.dma_semaphore, #tpu.memory_space<semaphore_mem>>) src(%dma_wait3A_153 : memref<40x128xf32, #tpu.memory_space<hbm>>) dst(%arg10 : memref<40x128xf32, #tpu.memory_space<vmem>>)
      %add3A_154 = arith.constant 2 : i32
      %add3A_155 = arith.addi %add3A_147, %add3A_154 : i32
      %lt3A_156 = arith.constant 250 : i32
      %lt3A_157 = arith.cmpi slt, %add3A_155, %lt3A_156 : i32
      %add3A_158 = arith.constant 2 : i32
      %add3A_159 = arith.addi %add3A_147, %add3A_158 : i32
      %convert_element_type3A_160 = arith.extui %lt3A_157 : i1 to i32
      %cond3A_161 = arith.constant 0 : i32
      %cond3A_162 = arith.cmpi ne, %convert_element_type3A_160, %cond3A_161 : i32
      scf.if %cond3A_162 {
        %mul3A_206 = arith.constant 40 : i32
        %mul3A_207 = arith.muli %add3A_159, %mul3A_206 : i32
        %dma_start3A_208 = tpu.memref_slice %arg8[%mul3A_207] : memref<10000xi32, #tpu.memory_space<vmem>> -> memref<40xi32, #tpu.memory_space<vmem>>
        %dma_start3A_209 = arith.constant 0 : i32
        %dma_start3A_210 = arith.constant 0 : i32
        %dma_start3A_211 = tpu.memref_slice %arg2[%dma_start3A_209, %dma_start3A_210] : memref<10000x128xf32, #tpu.memory_space<hbm>> -> memref<10000x128xf32, #tpu.memory_space<hbm>>
        tpu.enqueue_indirect_dma source(%dma_start3A_211 : memref<10000x128xf32, #tpu.memory_space<hbm>>) target(%arg10 : memref<40x128xf32, #tpu.memory_space<vmem>>) offsets(%dma_start3A_208 : memref<40xi32, #tpu.memory_space<vmem>>) semaphore(%arg15 : memref<!tpu.dma_semaphore, #tpu.memory_space<semaphore_mem>>)
      } else {
      }
      %dma_wait3A_163 = arith.constant 0 : i32
      %dma_wait3A_164 = arith.constant 0 : i32
      %dma_wait3A_165 = tpu.memref_slice %arg2[%dma_wait3A_163, %dma_wait3A_164] : memref<10000x128xf32, #tpu.memory_space<hbm>> -> memref<40x128xf32, #tpu.memory_space<hbm>>
      %dma_wait3A_166 = arith.constant 0 : i32
      %dma_wait3A_167 = arith.constant 0 : i32
      %dma_wait3A_168 = tpu.memref_slice %arg2[%dma_wait3A_166, %dma_wait3A_167] : memref<10000x128xf32, #tpu.memory_space<hbm>> -> memref<40x128xf32, #tpu.memory_space<hbm>>
      tpu.wait_dma2 semaphore(%arg17 : memref<!tpu.dma_semaphore, #tpu.memory_space<semaphore_mem>>) src(%dma_wait3A_168 : memref<40x128xf32, #tpu.memory_space<hbm>>) dst(%arg12 : memref<40x128xf32, #tpu.memory_space<vmem>>)
      %mul3A_169 = arith.constant 40 : i32
      %mul3A_170 = arith.muli %add3A_147, %mul3A_169 : i32
      %dma_start3A_171 = tpu.memref_slice %arg9[%mul3A_170] : memref<10000xi32, #tpu.memory_space<vmem>> -> memref<40xi32, #tpu.memory_space<vmem>>
      %dma_start3A_172 = arith.constant 0 : i32
      %dma_start3A_173 = arith.constant 0 : i32
      %dma_start3A_174 = tpu.memref_slice %arg14[%dma_start3A_172, %dma_start3A_173] : memref<10000x128xf32, #tpu.memory_space<vmem_shared>> -> memref<10000x128xf32, #tpu.memory_space<vmem_shared>>
      tpu.enqueue_indirect_dma source(%arg12 : memref<40x128xf32, #tpu.memory_space<vmem>>) target(%dma_start3A_174 : memref<10000x128xf32, #tpu.memory_space<vmem_shared>>) offsets(%dma_start3A_171 : memref<40xi32, #tpu.memory_space<vmem>>) semaphore(%arg21 : memref<!tpu.dma_semaphore, #tpu.memory_space<semaphore_mem>>) {add = true}
      %mul3A_175 = arith.constant 4 : i32
      %mul3A_176 = arith.muli %mul3A_175, %add3A_85 : i32
      %add3A_177 = arith.constant 3 : i32
      %add3A_178 = arith.addi %mul3A_176, %add3A_177 : i32
      %dma_wait3A_179 = arith.constant 0 : i32
      %dma_wait3A_180 = arith.constant 0 : i32
      %dma_wait3A_181 = tpu.memref_slice %arg2[%dma_wait3A_179, %dma_wait3A_180] : memref<10000x128xf32, #tpu.memory_space<hbm>> -> memref<40x128xf32, #tpu.memory_space<hbm>>
      %dma_wait3A_182 = arith.constant 0 : i32
      %dma_wait3A_183 = arith.constant 0 : i32
      %dma_wait3A_184 = tpu.memref_slice %arg2[%dma_wait3A_182, %dma_wait3A_183] : memref<10000x128xf32, #tpu.memory_space<hbm>> -> memref<40x128xf32, #tpu.memory_space<hbm>>
      tpu.wait_dma2 semaphore(%arg20 : memref<!tpu.dma_semaphore, #tpu.memory_space<semaphore_mem>>) src(%dma_wait3A_184 : memref<40x128xf32, #tpu.memory_space<hbm>>) dst(%arg11 : memref<40x128xf32, #tpu.memory_space<vmem>>)
      %add3A_185 = arith.constant 2 : i32
      %add3A_186 = arith.addi %add3A_178, %add3A_185 : i32
      %lt3A_187 = arith.constant 250 : i32
      %lt3A_188 = arith.cmpi slt, %add3A_186, %lt3A_187 : i32
      %add3A_189 = arith.constant 2 : i32
      %add3A_190 = arith.addi %add3A_178, %add3A_189 : i32
      %convert_element_type3A_191 = arith.extui %lt3A_188 : i1 to i32
      %cond3A_192 = arith.constant 0 : i32
      %cond3A_193 = arith.cmpi ne, %convert_element_type3A_191, %cond3A_192 : i32
      scf.if %cond3A_193 {
        %mul3A_206 = arith.constant 40 : i32
        %mul3A_207 = arith.muli %add3A_190, %mul3A_206 : i32
        %dma_start3A_208 = tpu.memref_slice %arg8[%mul3A_207] : memref<10000xi32, #tpu.memory_space<vmem>> -> memref<40xi32, #tpu.memory_space<vmem>>
        %dma_start3A_209 = arith.constant 0 : i32
        %dma_start3A_210 = arith.constant 0 : i32
        %dma_start3A_211 = tpu.memref_slice %arg2[%dma_start3A_209, %dma_start3A_210] : memref<10000x128xf32, #tpu.memory_space<hbm>> -> memref<10000x128xf32, #tpu.memory_space<hbm>>
        tpu.enqueue_indirect_dma source(%dma_start3A_211 : memref<10000x128xf32, #tpu.memory_space<hbm>>) target(%arg11 : memref<40x128xf32, #tpu.memory_space<vmem>>) offsets(%dma_start3A_208 : memref<40xi32, #tpu.memory_space<vmem>>) semaphore(%arg16 : memref<!tpu.dma_semaphore, #tpu.memory_space<semaphore_mem>>)
      } else {
      }
      %dma_wait3A_194 = arith.constant 0 : i32
      %dma_wait3A_195 = arith.constant 0 : i32
      %dma_wait3A_196 = tpu.memref_slice %arg2[%dma_wait3A_194, %dma_wait3A_195] : memref<10000x128xf32, #tpu.memory_space<hbm>> -> memref<40x128xf32, #tpu.memory_space<hbm>>
      %dma_wait3A_197 = arith.constant 0 : i32
      %dma_wait3A_198 = arith.constant 0 : i32
      %dma_wait3A_199 = tpu.memref_slice %arg2[%dma_wait3A_197, %dma_wait3A_198] : memref<10000x128xf32, #tpu.memory_space<hbm>> -> memref<40x128xf32, #tpu.memory_space<hbm>>
      tpu.wait_dma2 semaphore(%arg18 : memref<!tpu.dma_semaphore, #tpu.memory_space<semaphore_mem>>) src(%dma_wait3A_199 : memref<40x128xf32, #tpu.memory_space<hbm>>) dst(%arg13 : memref<40x128xf32, #tpu.memory_space<vmem>>)
      %mul3A_200 = arith.constant 40 : i32
      %mul3A_201 = arith.muli %add3A_178, %mul3A_200 : i32
      %dma_start3A_202 = tpu.memref_slice %arg9[%mul3A_201] : memref<10000xi32, #tpu.memory_space<vmem>> -> memref<40xi32, #tpu.memory_space<vmem>>
      %dma_start3A_203 = arith.constant 0 : i32
      %dma_start3A_204 = arith.constant 0 : i32
      %dma_start3A_205 = tpu.memref_slice %arg14[%dma_start3A_203, %dma_start3A_204] : memref<10000x128xf32, #tpu.memory_space<vmem_shared>> -> memref<10000x128xf32, #tpu.memory_space<vmem_shared>>
      tpu.enqueue_indirect_dma source(%arg13 : memref<40x128xf32, #tpu.memory_space<vmem>>) target(%dma_start3A_205 : memref<10000x128xf32, #tpu.memory_space<vmem_shared>>) offsets(%dma_start3A_202 : memref<40xi32, #tpu.memory_space<vmem>>) semaphore(%arg22 : memref<!tpu.dma_semaphore, #tpu.memory_space<semaphore_mem>>) {add = true}
    }
    %scan3A_24 = arith.constant 62 : i32
    %dma_wait3A = arith.constant 0 : i32
    %dma_wait3A_25 = arith.constant 0 : i32
    %dma_wait3A_26 = tpu.memref_slice %arg2[%dma_wait3A, %dma_wait3A_25] : memref<10000x128xf32, #tpu.memory_space<hbm>> -> memref<40x128xf32, #tpu.memory_space<hbm>>
    %dma_wait3A_27 = arith.constant 0 : i32
    %dma_wait3A_28 = arith.constant 0 : i32
    %dma_wait3A_29 = tpu.memref_slice %arg2[%dma_wait3A_27, %dma_wait3A_28] : memref<10000x128xf32, #tpu.memory_space<hbm>> -> memref<40x128xf32, #tpu.memory_space<hbm>>
    tpu.wait_dma2 semaphore(%arg15 : memref<!tpu.dma_semaphore, #tpu.memory_space<semaphore_mem>>) src(%dma_wait3A_29 : memref<40x128xf32, #tpu.memory_space<hbm>>) dst(%arg10 : memref<40x128xf32, #tpu.memory_space<vmem>>)
    %dma_start3A_30 = arith.constant 9920 : i32
    %dma_start3A_31 = tpu.memref_slice %arg9[%dma_start3A_30] : memref<10000xi32, #tpu.memory_space<vmem>> -> memref<40xi32, #tpu.memory_space<vmem>>
    %dma_start3A_32 = arith.constant 0 : i32
    %dma_start3A_33 = arith.constant 0 : i32
    %dma_start3A_34 = tpu.memref_slice %arg14[%dma_start3A_32, %dma_start3A_33] : memref<10000x128xf32, #tpu.memory_space<vmem_shared>> -> memref<10000x128xf32, #tpu.memory_space<vmem_shared>>
    tpu.enqueue_indirect_dma source(%arg10 : memref<40x128xf32, #tpu.memory_space<vmem>>) target(%dma_start3A_34 : memref<10000x128xf32, #tpu.memory_space<vmem_shared>>) offsets(%dma_start3A_31 : memref<40xi32, #tpu.memory_space<vmem>>) semaphore(%arg19 : memref<!tpu.dma_semaphore, #tpu.memory_space<semaphore_mem>>) {add = true}
    %dma_wait3A_35 = arith.constant 0 : i32
    %dma_wait3A_36 = arith.constant 0 : i32
    %dma_wait3A_37 = tpu.memref_slice %arg2[%dma_wait3A_35, %dma_wait3A_36] : memref<10000x128xf32, #tpu.memory_space<hbm>> -> memref<40x128xf32, #tpu.memory_space<hbm>>
    %dma_wait3A_38 = arith.constant 0 : i32
    %dma_wait3A_39 = arith.constant 0 : i32
    %dma_wait3A_40 = tpu.memref_slice %arg2[%dma_wait3A_38, %dma_wait3A_39] : memref<10000x128xf32, #tpu.memory_space<hbm>> -> memref<40x128xf32, #tpu.memory_space<hbm>>
    tpu.wait_dma2 semaphore(%arg16 : memref<!tpu.dma_semaphore, #tpu.memory_space<semaphore_mem>>) src(%dma_wait3A_40 : memref<40x128xf32, #tpu.memory_space<hbm>>) dst(%arg11 : memref<40x128xf32, #tpu.memory_space<vmem>>)
    %dma_start3A_41 = arith.constant 9960 : i32
    %dma_start3A_42 = tpu.memref_slice %arg9[%dma_start3A_41] : memref<10000xi32, #tpu.memory_space<vmem>> -> memref<40xi32, #tpu.memory_space<vmem>>
    %dma_start3A_43 = arith.constant 0 : i32
    %dma_start3A_44 = arith.constant 0 : i32
    %dma_start3A_45 = tpu.memref_slice %arg14[%dma_start3A_43, %dma_start3A_44] : memref<10000x128xf32, #tpu.memory_space<vmem_shared>> -> memref<10000x128xf32, #tpu.memory_space<vmem_shared>>
    tpu.enqueue_indirect_dma source(%arg11 : memref<40x128xf32, #tpu.memory_space<vmem>>) target(%dma_start3A_45 : memref<10000x128xf32, #tpu.memory_space<vmem_shared>>) offsets(%dma_start3A_42 : memref<40xi32, #tpu.memory_space<vmem>>) semaphore(%arg20 : memref<!tpu.dma_semaphore, #tpu.memory_space<semaphore_mem>>) {add = true}
    %dma_wait3A_46 = arith.constant 0 : i32
    %dma_wait3A_47 = arith.constant 0 : i32
    %dma_wait3A_48 = tpu.memref_slice %arg2[%dma_wait3A_46, %dma_wait3A_47] : memref<10000x128xf32, #tpu.memory_space<hbm>> -> memref<40x128xf32, #tpu.memory_space<hbm>>
    %dma_wait3A_49 = arith.constant 0 : i32
    %dma_wait3A_50 = arith.constant 0 : i32
    %dma_wait3A_51 = tpu.memref_slice %arg2[%dma_wait3A_49, %dma_wait3A_50] : memref<10000x128xf32, #tpu.memory_space<hbm>> -> memref<40x128xf32, #tpu.memory_space<hbm>>
    tpu.wait_dma2 semaphore(%arg21 : memref<!tpu.dma_semaphore, #tpu.memory_space<semaphore_mem>>) src(%dma_wait3A_51 : memref<40x128xf32, #tpu.memory_space<hbm>>) dst(%arg12 : memref<40x128xf32, #tpu.memory_space<vmem>>)
    %dma_wait3A_52 = arith.constant 0 : i32
    %dma_wait3A_53 = arith.constant 0 : i32
    %dma_wait3A_54 = tpu.memref_slice %arg2[%dma_wait3A_52, %dma_wait3A_53] : memref<10000x128xf32, #tpu.memory_space<hbm>> -> memref<40x128xf32, #tpu.memory_space<hbm>>
    %dma_wait3A_55 = arith.constant 0 : i32
    %dma_wait3A_56 = arith.constant 0 : i32
    %dma_wait3A_57 = tpu.memref_slice %arg2[%dma_wait3A_55, %dma_wait3A_56] : memref<10000x128xf32, #tpu.memory_space<hbm>> -> memref<40x128xf32, #tpu.memory_space<hbm>>
    tpu.wait_dma2 semaphore(%arg22 : memref<!tpu.dma_semaphore, #tpu.memory_space<semaphore_mem>>) src(%dma_wait3A_57 : memref<40x128xf32, #tpu.memory_space<hbm>>) dst(%arg13 : memref<40x128xf32, #tpu.memory_space<vmem>>)
    %dma_wait3A_58 = arith.constant 0 : i32
    %dma_wait3A_59 = arith.constant 0 : i32
    %dma_wait3A_60 = tpu.memref_slice %arg2[%dma_wait3A_58, %dma_wait3A_59] : memref<10000x128xf32, #tpu.memory_space<hbm>> -> memref<40x128xf32, #tpu.memory_space<hbm>>
    %dma_wait3A_61 = arith.constant 0 : i32
    %dma_wait3A_62 = arith.constant 0 : i32
    %dma_wait3A_63 = tpu.memref_slice %arg2[%dma_wait3A_61, %dma_wait3A_62] : memref<10000x128xf32, #tpu.memory_space<hbm>> -> memref<40x128xf32, #tpu.memory_space<hbm>>
    tpu.wait_dma2 semaphore(%arg19 : memref<!tpu.dma_semaphore, #tpu.memory_space<semaphore_mem>>) src(%dma_wait3A_63 : memref<40x128xf32, #tpu.memory_space<hbm>>) dst(%arg10 : memref<40x128xf32, #tpu.memory_space<vmem>>)
    %dma_wait3A_64 = arith.constant 0 : i32
    %dma_wait3A_65 = arith.constant 0 : i32
    %dma_wait3A_66 = tpu.memref_slice %arg2[%dma_wait3A_64, %dma_wait3A_65] : memref<10000x128xf32, #tpu.memory_space<hbm>> -> memref<40x128xf32, #tpu.memory_space<hbm>>
    %dma_wait3A_67 = arith.constant 0 : i32
    %dma_wait3A_68 = arith.constant 0 : i32
    %dma_wait3A_69 = tpu.memref_slice %arg2[%dma_wait3A_67, %dma_wait3A_68] : memref<10000x128xf32, #tpu.memory_space<hbm>> -> memref<40x128xf32, #tpu.memory_space<hbm>>
    tpu.wait_dma2 semaphore(%arg20 : memref<!tpu.dma_semaphore, #tpu.memory_space<semaphore_mem>>) src(%dma_wait3A_69 : memref<40x128xf32, #tpu.memory_space<hbm>>) dst(%arg11 : memref<40x128xf32, #tpu.memory_space<vmem>>)
    %barrier3A_70 = arith.constant 0 : index
    tpu.barrier barrier_id(%barrier3A_70)
    %eq3A_71 = arith.constant 0 : i32
    %eq3A_72 = arith.cmpi eq, %arg0, %eq3A_71 : i32
    %convert_element_type3A_73 = arith.extui %eq3A_72 : i1 to i32
    %cond3A_74 = arith.constant 0 : i32
    %cond3A_75 = arith.cmpi ne, %convert_element_type3A_73, %cond3A_74 : i32
    scf.if %cond3A_75 {
      "tpu.region"() ({
        %run_scoped3A = tpu.sem_alloc : memref<!tpu.dma_semaphore, #tpu.memory_space<semaphore_mem>>
        %dma_start3A_81 = arith.constant 0 : i32
        %dma_start3A_82 = tpu.memref_slice %arg6[%mul3A_2, %dma_start3A_81] : memref<10000x128xf32, #tpu.memory_space<hbm>> -> memref<625x128xf32, #tpu.memory_space<hbm>>
        %dma_start3A_83 = arith.constant 0 : i32
        %dma_start3A_84 = tpu.memref_slice %arg14[%mul3A_2, %dma_start3A_83] : memref<10000x128xf32, #tpu.memory_space<vmem_shared>> -> memref<625x128xf32, #tpu.memory_space<vmem_shared>>
        tpu.enqueue_dma source(%dma_start3A_84 : memref<625x128xf32, #tpu.memory_space<vmem_shared>>) target(%dma_start3A_82 : memref<625x128xf32, #tpu.memory_space<hbm>>) target_semaphore(%run_scoped3A : memref<!tpu.dma_semaphore, #tpu.memory_space<semaphore_mem>>)
        %dma_wait3A_85 = arith.constant 0 : i32
        %dma_wait3A_86 = tpu.memref_slice %arg6[%mul3A_2, %dma_wait3A_85] : memref<10000x128xf32, #tpu.memory_space<hbm>> -> memref<625x128xf32, #tpu.memory_space<hbm>>
        %dma_wait3A_87 = arith.constant 0 : i32
        %dma_wait3A_88 = tpu.memref_slice %arg14[%mul3A_2, %dma_wait3A_87] : memref<10000x128xf32, #tpu.memory_space<vmem_shared>> -> memref<625x128xf32, #tpu.memory_space<vmem_shared>>
        tpu.wait_dma2 semaphore(%run_scoped3A : memref<!tpu.dma_semaphore, #tpu.memory_space<semaphore_mem>>) src(%dma_wait3A_88 : memref<625x128xf32, #tpu.memory_space<vmem_shared>>) dst(%dma_wait3A_86 : memref<625x128xf32, #tpu.memory_space<hbm>>)
        tpu.yield
      }) : () -> ()
    } else {
    }
    %eq3A_76 = arith.constant 1 : i32
    %eq3A_77 = arith.cmpi eq, %arg0, %eq3A_76 : i32
    %convert_element_type3A_78 = arith.extui %eq3A_77 : i1 to i32
    %cond3A_79 = arith.constant 0 : i32
    %cond3A_80 = arith.cmpi ne, %convert_element_type3A_78, %cond3A_79 : i32
    scf.if %cond3A_80 {
      "tpu.region"() ({
        %run_scoped3A = tpu.sem_alloc : memref<!tpu.dma_semaphore, #tpu.memory_space<semaphore_mem>>
        %dma_start3A_81 = arith.constant 0 : i32
        %dma_start3A_82 = tpu.memref_slice %arg7[%mul3A_2, %dma_start3A_81] : memref<10000x128xf32, #tpu.memory_space<hbm>> -> memref<625x128xf32, #tpu.memory_space<hbm>>
        %dma_start3A_83 = arith.constant 0 : i32
        %dma_start3A_84 = tpu.memref_slice %arg14[%mul3A_2, %dma_start3A_83] : memref<10000x128xf32, #tpu.memory_space<vmem_shared>> -> memref<625x128xf32, #tpu.memory_space<vmem_shared>>
        tpu.enqueue_dma source(%dma_start3A_84 : memref<625x128xf32, #tpu.memory_space<vmem_shared>>) target(%dma_start3A_82 : memref<625x128xf32, #tpu.memory_space<hbm>>) target_semaphore(%run_scoped3A : memref<!tpu.dma_semaphore, #tpu.memory_space<semaphore_mem>>)
        %dma_wait3A_85 = arith.constant 0 : i32
        %dma_wait3A_86 = tpu.memref_slice %arg7[%mul3A_2, %dma_wait3A_85] : memref<10000x128xf32, #tpu.memory_space<hbm>> -> memref<625x128xf32, #tpu.memory_space<hbm>>
        %dma_wait3A_87 = arith.constant 0 : i32
        %dma_wait3A_88 = tpu.memref_slice %arg14[%mul3A_2, %dma_wait3A_87] : memref<10000x128xf32, #tpu.memory_space<vmem_shared>> -> memref<625x128xf32, #tpu.memory_space<vmem_shared>>
        tpu.wait_dma2 semaphore(%run_scoped3A : memref<!tpu.dma_semaphore, #tpu.memory_space<semaphore_mem>>) src(%dma_wait3A_88 : memref<625x128xf32, #tpu.memory_space<vmem_shared>>) dst(%dma_wait3A_86 : memref<625x128xf32, #tpu.memory_space<hbm>>)
        tpu.yield
      }) : () -> ()
    } else {
    }
    return
  }
}

#map = affine_map<(d0, d1) -> (0, 0)>
#map1 = affine_map<(d0, d1) -> (0)>
module attributes {stable_mosaic.version = 14 : i64} {
  func.func @_agg_body(%arg0: i32, %arg1: i32, %arg2: memref<10000x128xf32, #tpu.memory_space<hbm>>, %arg3: memref<10000x128xf32, #tpu.memory_space<hbm>>, %arg4: memref<320000xi32, #tpu.memory_space<hbm>>, %arg5: memref<320000xi32, #tpu.memory_space<hbm>>, %arg6: memref<10000x128xf32, #tpu.memory_space<hbm>>, %arg7: memref<10000x128xf32, #tpu.memory_space<hbm>>, %arg8: memref<10000xi32, #tpu.memory_space<vmem>>, %arg9: memref<10000xi32, #tpu.memory_space<vmem>>, %arg10: memref<40x128xf32, #tpu.memory_space<vmem>>, %arg11: memref<40x128xf32, #tpu.memory_space<vmem>>, %arg12: memref<40x128xf32, #tpu.memory_space<vmem>>, %arg13: memref<40x128xf32, #tpu.memory_space<vmem>>, %arg14: memref<10000x128xf32, #tpu.memory_space<vmem_shared>>, %arg15: memref<!tpu.dma_semaphore, #tpu.memory_space<semaphore_mem>>, %arg16: memref<!tpu.dma_semaphore, #tpu.memory_space<semaphore_mem>>, %arg17: memref<!tpu.dma_semaphore, #tpu.memory_space<semaphore_mem>>, %arg18: memref<!tpu.dma_semaphore, #tpu.memory_space<semaphore_mem>>, %arg19: memref<!tpu.dma_semaphore, #tpu.memory_space<semaphore_mem>>, %arg20: memref<!tpu.dma_semaphore, #tpu.memory_space<semaphore_mem>>, %arg21: memref<!tpu.dma_semaphore, #tpu.memory_space<semaphore_mem>>, %arg22: memref<!tpu.dma_semaphore, #tpu.memory_space<semaphore_mem>>) attributes {dimension_semantics = [#tpu.dimension_semantics<core_parallel>, #tpu.dimension_semantics<subcore_parallel>], iteration_bounds = array<i64: 2, 16>, scalar_prefetch = 0 : i64, scratch_operands = 15 : i64, tpu.core_type = #tpu.core_type<sc_vector_subcore>, window_params = [{transform_indices = #map}, {transform_indices = #map}, {transform_indices = #map1}, {transform_indices = #map1}, {transform_indices = #map}, {transform_indices = #map}]} {
    %mul3A = arith.constant 2 : i32
    %mul3A_0 = arith.muli %arg1, %mul3A : i32
    %add3A = arith.addi %mul3A_0, %arg0 : i32
    %mul3A_1 = arith.constant 625 : i32
    %mul3A_2 = arith.muli %arg1, %mul3A_1 : i32
    %eq3A = arith.constant 0 : i32
    %eq3A_3 = arith.cmpi eq, %arg0, %eq3A : i32
    %convert_element_type3A = arith.extui %eq3A_3 : i1 to i32
    %cond3A = arith.constant 0 : i32
    %cond3A_4 = arith.cmpi ne, %convert_element_type3A, %cond3A : i32
    scf.if %cond3A_4 {
      "tpu.region"() ({
        %run_scoped3A = tpu.sem_alloc : memref<!tpu.dma_semaphore, #tpu.memory_space<semaphore_mem>>
        %dma_start3A_81 = arith.constant 0 : i32
        %dma_start3A_82 = tpu.memref_slice %arg14[%mul3A_2, %dma_start3A_81] : memref<10000x128xf32, #tpu.memory_space<vmem_shared>> -> memref<625x128xf32, #tpu.memory_space<vmem_shared>>
        %dma_start3A_83 = arith.constant 0 : i32
        %dma_start3A_84 = tpu.memref_slice %arg2[%mul3A_2, %dma_start3A_83] : memref<10000x128xf32, #tpu.memory_space<hbm>> -> memref<625x128xf32, #tpu.memory_space<hbm>>
        tpu.enqueue_dma source(%dma_start3A_84 : memref<625x128xf32, #tpu.memory_space<hbm>>) target(%dma_start3A_82 : memref<625x128xf32, #tpu.memory_space<vmem_shared>>) target_semaphore(%run_scoped3A : memref<!tpu.dma_semaphore, #tpu.memory_space<semaphore_mem>>)
        %dma_wait3A_85 = arith.constant 0 : i32
        %dma_wait3A_86 = tpu.memref_slice %arg14[%mul3A_2, %dma_wait3A_85] : memref<10000x128xf32, #tpu.memory_space<vmem_shared>> -> memref<625x128xf32, #tpu.memory_space<vmem_shared>>
        %dma_wait3A_87 = arith.constant 0 : i32
        %dma_wait3A_88 = tpu.memref_slice %arg2[%mul3A_2, %dma_wait3A_87] : memref<10000x128xf32, #tpu.memory_space<hbm>> -> memref<625x128xf32, #tpu.memory_space<hbm>>
        tpu.wait_dma2 semaphore(%run_scoped3A : memref<!tpu.dma_semaphore, #tpu.memory_space<semaphore_mem>>) src(%dma_wait3A_88 : memref<625x128xf32, #tpu.memory_space<hbm>>) dst(%dma_wait3A_86 : memref<625x128xf32, #tpu.memory_space<vmem_shared>>)
        tpu.yield
      }) : () -> ()
    } else {
    }
    %eq3A_5 = arith.constant 1 : i32
    %eq3A_6 = arith.cmpi eq, %arg0, %eq3A_5 : i32
    %convert_element_type3A_7 = arith.extui %eq3A_6 : i1 to i32
    %cond3A_8 = arith.constant 0 : i32
    %cond3A_9 = arith.cmpi ne, %convert_element_type3A_7, %cond3A_8 : i32
    scf.if %cond3A_9 {
      "tpu.region"() ({
        %run_scoped3A = tpu.sem_alloc : memref<!tpu.dma_semaphore, #tpu.memory_space<semaphore_mem>>
        %dma_start3A_81 = arith.constant 0 : i32
        %dma_start3A_82 = tpu.memref_slice %arg14[%mul3A_2, %dma_start3A_81] : memref<10000x128xf32, #tpu.memory_space<vmem_shared>> -> memref<625x128xf32, #tpu.memory_space<vmem_shared>>
        %dma_start3A_83 = arith.constant 0 : i32
        %dma_start3A_84 = tpu.memref_slice %arg3[%mul3A_2, %dma_start3A_83] : memref<10000x128xf32, #tpu.memory_space<hbm>> -> memref<625x128xf32, #tpu.memory_space<hbm>>
        tpu.enqueue_dma source(%dma_start3A_84 : memref<625x128xf32, #tpu.memory_space<hbm>>) target(%dma_start3A_82 : memref<625x128xf32, #tpu.memory_space<vmem_shared>>) target_semaphore(%run_scoped3A : memref<!tpu.dma_semaphore, #tpu.memory_space<semaphore_mem>>)
        %dma_wait3A_85 = arith.constant 0 : i32
        %dma_wait3A_86 = tpu.memref_slice %arg14[%mul3A_2, %dma_wait3A_85] : memref<10000x128xf32, #tpu.memory_space<vmem_shared>> -> memref<625x128xf32, #tpu.memory_space<vmem_shared>>
        %dma_wait3A_87 = arith.constant 0 : i32
        %dma_wait3A_88 = tpu.memref_slice %arg3[%mul3A_2, %dma_wait3A_87] : memref<10000x128xf32, #tpu.memory_space<hbm>> -> memref<625x128xf32, #tpu.memory_space<hbm>>
        tpu.wait_dma2 semaphore(%run_scoped3A : memref<!tpu.dma_semaphore, #tpu.memory_space<semaphore_mem>>) src(%dma_wait3A_88 : memref<625x128xf32, #tpu.memory_space<hbm>>) dst(%dma_wait3A_86 : memref<625x128xf32, #tpu.memory_space<vmem_shared>>)
        tpu.yield
      }) : () -> ()
    } else {
    }
    %mul3A_10 = arith.constant 10000 : i32
    %mul3A_11 = arith.muli %add3A, %mul3A_10 : i32
    "tpu.region"() ({
      %run_scoped3A = tpu.sem_alloc : memref<!tpu.dma_semaphore, #tpu.memory_space<semaphore_mem>>
      %dma_start3A_81 = tpu.memref_slice %arg4[%mul3A_11] : memref<320000xi32, #tpu.memory_space<hbm>> -> memref<10000xi32, #tpu.memory_space<hbm>>
      %dma_start3A_82 = tpu.memref_slice %arg4[%mul3A_11] : memref<320000xi32, #tpu.memory_space<hbm>> -> memref<10000xi32, #tpu.memory_space<hbm>>
      tpu.enqueue_dma source(%dma_start3A_82 : memref<10000xi32, #tpu.memory_space<hbm>>) target(%arg8 : memref<10000xi32, #tpu.memory_space<vmem>>) target_semaphore(%run_scoped3A : memref<!tpu.dma_semaphore, #tpu.memory_space<semaphore_mem>>)
      %dma_wait3A_83 = tpu.memref_slice %arg4[%mul3A_11] : memref<320000xi32, #tpu.memory_space<hbm>> -> memref<10000xi32, #tpu.memory_space<hbm>>
      %dma_wait3A_84 = tpu.memref_slice %arg4[%mul3A_11] : memref<320000xi32, #tpu.memory_space<hbm>> -> memref<10000xi32, #tpu.memory_space<hbm>>
      tpu.wait_dma2 semaphore(%run_scoped3A : memref<!tpu.dma_semaphore, #tpu.memory_space<semaphore_mem>>) src(%dma_wait3A_84 : memref<10000xi32, #tpu.memory_space<hbm>>) dst(%arg8 : memref<10000xi32, #tpu.memory_space<vmem>>)
      tpu.yield
    }) : () -> ()
    "tpu.region"() ({
      %run_scoped3A = tpu.sem_alloc : memref<!tpu.dma_semaphore, #tpu.memory_space<semaphore_mem>>
      %dma_start3A_81 = tpu.memref_slice %arg5[%mul3A_11] : memref<320000xi32, #tpu.memory_space<hbm>> -> memref<10000xi32, #tpu.memory_space<hbm>>
      %dma_start3A_82 = tpu.memref_slice %arg5[%mul3A_11] : memref<320000xi32, #tpu.memory_space<hbm>> -> memref<10000xi32, #tpu.memory_space<hbm>>
      tpu.enqueue_dma source(%dma_start3A_82 : memref<10000xi32, #tpu.memory_space<hbm>>) target(%arg9 : memref<10000xi32, #tpu.memory_space<vmem>>) target_semaphore(%run_scoped3A : memref<!tpu.dma_semaphore, #tpu.memory_space<semaphore_mem>>)
      %dma_wait3A_83 = tpu.memref_slice %arg5[%mul3A_11] : memref<320000xi32, #tpu.memory_space<hbm>> -> memref<10000xi32, #tpu.memory_space<hbm>>
      %dma_wait3A_84 = tpu.memref_slice %arg5[%mul3A_11] : memref<320000xi32, #tpu.memory_space<hbm>> -> memref<10000xi32, #tpu.memory_space<hbm>>
      tpu.wait_dma2 semaphore(%run_scoped3A : memref<!tpu.dma_semaphore, #tpu.memory_space<semaphore_mem>>) src(%dma_wait3A_84 : memref<10000xi32, #tpu.memory_space<hbm>>) dst(%arg9 : memref<10000xi32, #tpu.memory_space<vmem>>)
      tpu.yield
    }) : () -> ()
    %barrier3A = arith.constant 0 : index
    tpu.barrier barrier_id(%barrier3A)
    %dma_start3A = arith.constant 0 : i32
    %dma_start3A_12 = tpu.memref_slice %arg8[%dma_start3A] : memref<10000xi32, #tpu.memory_space<vmem>> -> memref<40xi32, #tpu.memory_space<vmem>>
    %dma_start3A_13 = arith.constant 0 : i32
    %dma_start3A_14 = arith.constant 0 : i32
    %dma_start3A_15 = tpu.memref_slice %arg2[%dma_start3A_13, %dma_start3A_14] : memref<10000x128xf32, #tpu.memory_space<hbm>> -> memref<10000x128xf32, #tpu.memory_space<hbm>>
    tpu.enqueue_indirect_dma source(%dma_start3A_15 : memref<10000x128xf32, #tpu.memory_space<hbm>>) target(%arg10 : memref<40x128xf32, #tpu.memory_space<vmem>>) offsets(%dma_start3A_12 : memref<40xi32, #tpu.memory_space<vmem>>) semaphore(%arg15 : memref<!tpu.dma_semaphore, #tpu.memory_space<semaphore_mem>>)
    %dma_start3A_16 = arith.constant 40 : i32
    %dma_start3A_17 = tpu.memref_slice %arg8[%dma_start3A_16] : memref<10000xi32, #tpu.memory_space<vmem>> -> memref<40xi32, #tpu.memory_space<vmem>>
    %dma_start3A_18 = arith.constant 0 : i32
    %dma_start3A_19 = arith.constant 0 : i32
    %dma_start3A_20 = tpu.memref_slice %arg2[%dma_start3A_18, %dma_start3A_19] : memref<10000x128xf32, #tpu.memory_space<hbm>> -> memref<10000x128xf32, #tpu.memory_space<hbm>>
    tpu.enqueue_indirect_dma source(%dma_start3A_20 : memref<10000x128xf32, #tpu.memory_space<hbm>>) target(%arg11 : memref<40x128xf32, #tpu.memory_space<vmem>>) offsets(%dma_start3A_17 : memref<40xi32, #tpu.memory_space<vmem>>) semaphore(%arg16 : memref<!tpu.dma_semaphore, #tpu.memory_space<semaphore_mem>>)
    %scan3A = arith.constant 0 : i32
    %scan3A_21 = arith.constant 62 : i32
    %scan3A_22 = arith.addi %scan3A, %scan3A_21 : i32
    %scan3A_23 = arith.constant 1 : i32
    scf.for %scan3A_81 = %scan3A to %scan3A_22 step %scan3A_23  : i32 {
      %mul3A_82 = arith.constant 1 : i32
      %mul3A_83 = arith.muli %scan3A_81, %mul3A_82 : i32
      %add3A_84 = arith.constant 0 : i32
      %add3A_85 = arith.addi %add3A_84, %mul3A_83 : i32
      %mul3A_86 = arith.constant 4 : i32
      %mul3A_87 = arith.muli %mul3A_86, %add3A_85 : i32
      %add3A_88 = arith.constant 0 : i32
      %add3A_89 = arith.addi %mul3A_87, %add3A_88 : i32
      %ge3A = arith.constant 2 : i32
      %ge3A_90 = arith.cmpi sge, %add3A_89, %ge3A : i32
      %convert_element_type3A_91 = arith.extui %ge3A_90 : i1 to i32
      %cond3A_92 = arith.constant 0 : i32
      %cond3A_93 = arith.cmpi ne, %convert_element_type3A_91, %cond3A_92 : i32
      scf.if %cond3A_93 {
        %dma_wait3A_206 = arith.constant 0 : i32
        %dma_wait3A_207 = arith.constant 0 : i32
        %dma_wait3A_208 = tpu.memref_slice %arg2[%dma_wait3A_206, %dma_wait3A_207] : memref<10000x128xf32, #tpu.memory_space<hbm>> -> memref<40x128xf32, #tpu.memory_space<hbm>>
        %dma_wait3A_209 = arith.constant 0 : i32
        %dma_wait3A_210 = arith.constant 0 : i32
        %dma_wait3A_211 = tpu.memref_slice %arg2[%dma_wait3A_209, %dma_wait3A_210] : memref<10000x128xf32, #tpu.memory_space<hbm>> -> memref<40x128xf32, #tpu.memory_space<hbm>>
        tpu.wait_dma2 semaphore(%arg21 : memref<!tpu.dma_semaphore, #tpu.memory_space<semaphore_mem>>) src(%dma_wait3A_211 : memref<40x128xf32, #tpu.memory_space<hbm>>) dst(%arg12 : memref<40x128xf32, #tpu.memory_space<vmem>>)
      } else {
      }
      %add3A_94 = arith.constant 2 : i32
      %add3A_95 = arith.addi %add3A_89, %add3A_94 : i32
      %lt3A = arith.constant 250 : i32
      %lt3A_96 = arith.cmpi slt, %add3A_95, %lt3A : i32
      %add3A_97 = arith.constant 2 : i32
      %add3A_98 = arith.addi %add3A_89, %add3A_97 : i32
      %convert_element_type3A_99 = arith.extui %lt3A_96 : i1 to i32
      %cond3A_100 = arith.constant 0 : i32
      %cond3A_101 = arith.cmpi ne, %convert_element_type3A_99, %cond3A_100 : i32
      scf.if %cond3A_101 {
        %mul3A_206 = arith.constant 40 : i32
        %mul3A_207 = arith.muli %add3A_98, %mul3A_206 : i32
        %dma_start3A_208 = tpu.memref_slice %arg8[%mul3A_207] : memref<10000xi32, #tpu.memory_space<vmem>> -> memref<40xi32, #tpu.memory_space<vmem>>
        %dma_start3A_209 = arith.constant 0 : i32
        %dma_start3A_210 = arith.constant 0 : i32
        %dma_start3A_211 = tpu.memref_slice %arg2[%dma_start3A_209, %dma_start3A_210] : memref<10000x128xf32, #tpu.memory_space<hbm>> -> memref<10000x128xf32, #tpu.memory_space<hbm>>
        tpu.enqueue_indirect_dma source(%dma_start3A_211 : memref<10000x128xf32, #tpu.memory_space<hbm>>) target(%arg12 : memref<40x128xf32, #tpu.memory_space<vmem>>) offsets(%dma_start3A_208 : memref<40xi32, #tpu.memory_space<vmem>>) semaphore(%arg17 : memref<!tpu.dma_semaphore, #tpu.memory_space<semaphore_mem>>)
      } else {
      }
      %dma_wait3A_102 = arith.constant 0 : i32
      %dma_wait3A_103 = arith.constant 0 : i32
      %dma_wait3A_104 = tpu.memref_slice %arg2[%dma_wait3A_102, %dma_wait3A_103] : memref<10000x128xf32, #tpu.memory_space<hbm>> -> memref<40x128xf32, #tpu.memory_space<hbm>>
      %dma_wait3A_105 = arith.constant 0 : i32
      %dma_wait3A_106 = arith.constant 0 : i32
      %dma_wait3A_107 = tpu.memref_slice %arg2[%dma_wait3A_105, %dma_wait3A_106] : memref<10000x128xf32, #tpu.memory_space<hbm>> -> memref<40x128xf32, #tpu.memory_space<hbm>>
      tpu.wait_dma2 semaphore(%arg15 : memref<!tpu.dma_semaphore, #tpu.memory_space<semaphore_mem>>) src(%dma_wait3A_107 : memref<40x128xf32, #tpu.memory_space<hbm>>) dst(%arg10 : memref<40x128xf32, #tpu.memory_space<vmem>>)
      %mul3A_108 = arith.constant 40 : i32
      %mul3A_109 = arith.muli %add3A_89, %mul3A_108 : i32
      %dma_start3A_110 = tpu.memref_slice %arg9[%mul3A_109] : memref<10000xi32, #tpu.memory_space<vmem>> -> memref<40xi32, #tpu.memory_space<vmem>>
      %dma_start3A_111 = arith.constant 0 : i32
      %dma_start3A_112 = arith.constant 0 : i32
      %dma_start3A_113 = tpu.memref_slice %arg14[%dma_start3A_111, %dma_start3A_112] : memref<10000x128xf32, #tpu.memory_space<vmem_shared>> -> memref<10000x128xf32, #tpu.memory_space<vmem_shared>>
      tpu.enqueue_indirect_dma source(%arg10 : memref<40x128xf32, #tpu.memory_space<vmem>>) target(%dma_start3A_113 : memref<10000x128xf32, #tpu.memory_space<vmem_shared>>) offsets(%dma_start3A_110 : memref<40xi32, #tpu.memory_space<vmem>>) semaphore(%arg19 : memref<!tpu.dma_semaphore, #tpu.memory_space<semaphore_mem>>) {add = true}
      %mul3A_114 = arith.constant 4 : i32
      %mul3A_115 = arith.muli %mul3A_114, %add3A_85 : i32
      %add3A_116 = arith.constant 1 : i32
      %add3A_117 = arith.addi %mul3A_115, %add3A_116 : i32
      %ge3A_118 = arith.constant 2 : i32
      %ge3A_119 = arith.cmpi sge, %add3A_117, %ge3A_118 : i32
      %convert_element_type3A_120 = arith.extui %ge3A_119 : i1 to i32
      %cond3A_121 = arith.constant 0 : i32
      %cond3A_122 = arith.cmpi ne, %convert_element_type3A_120, %cond3A_121 : i32
      scf.if %cond3A_122 {
        %dma_wait3A_206 = arith.constant 0 : i32
        %dma_wait3A_207 = arith.constant 0 : i32
        %dma_wait3A_208 = tpu.memref_slice %arg2[%dma_wait3A_206, %dma_wait3A_207] : memref<10000x128xf32, #tpu.memory_space<hbm>> -> memref<40x128xf32, #tpu.memory_space<hbm>>
        %dma_wait3A_209 = arith.constant 0 : i32
        %dma_wait3A_210 = arith.constant 0 : i32
        %dma_wait3A_211 = tpu.memref_slice %arg2[%dma_wait3A_209, %dma_wait3A_210] : memref<10000x128xf32, #tpu.memory_space<hbm>> -> memref<40x128xf32, #tpu.memory_space<hbm>>
        tpu.wait_dma2 semaphore(%arg22 : memref<!tpu.dma_semaphore, #tpu.memory_space<semaphore_mem>>) src(%dma_wait3A_211 : memref<40x128xf32, #tpu.memory_space<hbm>>) dst(%arg13 : memref<40x128xf32, #tpu.memory_space<vmem>>)
      } else {
      }
      %add3A_123 = arith.constant 2 : i32
      %add3A_124 = arith.addi %add3A_117, %add3A_123 : i32
      %lt3A_125 = arith.constant 250 : i32
      %lt3A_126 = arith.cmpi slt, %add3A_124, %lt3A_125 : i32
      %add3A_127 = arith.constant 2 : i32
      %add3A_128 = arith.addi %add3A_117, %add3A_127 : i32
      %convert_element_type3A_129 = arith.extui %lt3A_126 : i1 to i32
      %cond3A_130 = arith.constant 0 : i32
      %cond3A_131 = arith.cmpi ne, %convert_element_type3A_129, %cond3A_130 : i32
      scf.if %cond3A_131 {
        %mul3A_206 = arith.constant 40 : i32
        %mul3A_207 = arith.muli %add3A_128, %mul3A_206 : i32
        %dma_start3A_208 = tpu.memref_slice %arg8[%mul3A_207] : memref<10000xi32, #tpu.memory_space<vmem>> -> memref<40xi32, #tpu.memory_space<vmem>>
        %dma_start3A_209 = arith.constant 0 : i32
        %dma_start3A_210 = arith.constant 0 : i32
        %dma_start3A_211 = tpu.memref_slice %arg2[%dma_start3A_209, %dma_start3A_210] : memref<10000x128xf32, #tpu.memory_space<hbm>> -> memref<10000x128xf32, #tpu.memory_space<hbm>>
        tpu.enqueue_indirect_dma source(%dma_start3A_211 : memref<10000x128xf32, #tpu.memory_space<hbm>>) target(%arg13 : memref<40x128xf32, #tpu.memory_space<vmem>>) offsets(%dma_start3A_208 : memref<40xi32, #tpu.memory_space<vmem>>) semaphore(%arg18 : memref<!tpu.dma_semaphore, #tpu.memory_space<semaphore_mem>>)
      } else {
      }
      %dma_wait3A_132 = arith.constant 0 : i32
      %dma_wait3A_133 = arith.constant 0 : i32
      %dma_wait3A_134 = tpu.memref_slice %arg2[%dma_wait3A_132, %dma_wait3A_133] : memref<10000x128xf32, #tpu.memory_space<hbm>> -> memref<40x128xf32, #tpu.memory_space<hbm>>
      %dma_wait3A_135 = arith.constant 0 : i32
      %dma_wait3A_136 = arith.constant 0 : i32
      %dma_wait3A_137 = tpu.memref_slice %arg2[%dma_wait3A_135, %dma_wait3A_136] : memref<10000x128xf32, #tpu.memory_space<hbm>> -> memref<40x128xf32, #tpu.memory_space<hbm>>
      tpu.wait_dma2 semaphore(%arg16 : memref<!tpu.dma_semaphore, #tpu.memory_space<semaphore_mem>>) src(%dma_wait3A_137 : memref<40x128xf32, #tpu.memory_space<hbm>>) dst(%arg11 : memref<40x128xf32, #tpu.memory_space<vmem>>)
      %mul3A_138 = arith.constant 40 : i32
      %mul3A_139 = arith.muli %add3A_117, %mul3A_138 : i32
      %dma_start3A_140 = tpu.memref_slice %arg9[%mul3A_139] : memref<10000xi32, #tpu.memory_space<vmem>> -> memref<40xi32, #tpu.memory_space<vmem>>
      %dma_start3A_141 = arith.constant 0 : i32
      %dma_start3A_142 = arith.constant 0 : i32
      %dma_start3A_143 = tpu.memref_slice %arg14[%dma_start3A_141, %dma_start3A_142] : memref<10000x128xf32, #tpu.memory_space<vmem_shared>> -> memref<10000x128xf32, #tpu.memory_space<vmem_shared>>
      tpu.enqueue_indirect_dma source(%arg11 : memref<40x128xf32, #tpu.memory_space<vmem>>) target(%dma_start3A_143 : memref<10000x128xf32, #tpu.memory_space<vmem_shared>>) offsets(%dma_start3A_140 : memref<40xi32, #tpu.memory_space<vmem>>) semaphore(%arg20 : memref<!tpu.dma_semaphore, #tpu.memory_space<semaphore_mem>>) {add = true}
      %mul3A_144 = arith.constant 4 : i32
      %mul3A_145 = arith.muli %mul3A_144, %add3A_85 : i32
      %add3A_146 = arith.constant 2 : i32
      %add3A_147 = arith.addi %mul3A_145, %add3A_146 : i32
      %dma_wait3A_148 = arith.constant 0 : i32
      %dma_wait3A_149 = arith.constant 0 : i32
      %dma_wait3A_150 = tpu.memref_slice %arg2[%dma_wait3A_148, %dma_wait3A_149] : memref<10000x128xf32, #tpu.memory_space<hbm>> -> memref<40x128xf32, #tpu.memory_space<hbm>>
      %dma_wait3A_151 = arith.constant 0 : i32
      %dma_wait3A_152 = arith.constant 0 : i32
      %dma_wait3A_153 = tpu.memref_slice %arg2[%dma_wait3A_151, %dma_wait3A_152] : memref<10000x128xf32, #tpu.memory_space<hbm>> -> memref<40x128xf32, #tpu.memory_space<hbm>>
      tpu.wait_dma2 semaphore(%arg19 : memref<!tpu.dma_semaphore, #tpu.memory_space<semaphore_mem>>) src(%dma_wait3A_153 : memref<40x128xf32, #tpu.memory_space<hbm>>) dst(%arg10 : memref<40x128xf32, #tpu.memory_space<vmem>>)
      %add3A_154 = arith.constant 2 : i32
      %add3A_155 = arith.addi %add3A_147, %add3A_154 : i32
      %lt3A_156 = arith.constant 250 : i32
      %lt3A_157 = arith.cmpi slt, %add3A_155, %lt3A_156 : i32
      %add3A_158 = arith.constant 2 : i32
      %add3A_159 = arith.addi %add3A_147, %add3A_158 : i32
      %convert_element_type3A_160 = arith.extui %lt3A_157 : i1 to i32
      %cond3A_161 = arith.constant 0 : i32
      %cond3A_162 = arith.cmpi ne, %convert_element_type3A_160, %cond3A_161 : i32
      scf.if %cond3A_162 {
        %mul3A_206 = arith.constant 40 : i32
        %mul3A_207 = arith.muli %add3A_159, %mul3A_206 : i32
        %dma_start3A_208 = tpu.memref_slice %arg8[%mul3A_207] : memref<10000xi32, #tpu.memory_space<vmem>> -> memref<40xi32, #tpu.memory_space<vmem>>
        %dma_start3A_209 = arith.constant 0 : i32
        %dma_start3A_210 = arith.constant 0 : i32
        %dma_start3A_211 = tpu.memref_slice %arg2[%dma_start3A_209, %dma_start3A_210] : memref<10000x128xf32, #tpu.memory_space<hbm>> -> memref<10000x128xf32, #tpu.memory_space<hbm>>
        tpu.enqueue_indirect_dma source(%dma_start3A_211 : memref<10000x128xf32, #tpu.memory_space<hbm>>) target(%arg10 : memref<40x128xf32, #tpu.memory_space<vmem>>) offsets(%dma_start3A_208 : memref<40xi32, #tpu.memory_space<vmem>>) semaphore(%arg15 : memref<!tpu.dma_semaphore, #tpu.memory_space<semaphore_mem>>)
      } else {
      }
      %dma_wait3A_163 = arith.constant 0 : i32
      %dma_wait3A_164 = arith.constant 0 : i32
      %dma_wait3A_165 = tpu.memref_slice %arg2[%dma_wait3A_163, %dma_wait3A_164] : memref<10000x128xf32, #tpu.memory_space<hbm>> -> memref<40x128xf32, #tpu.memory_space<hbm>>
      %dma_wait3A_166 = arith.constant 0 : i32
      %dma_wait3A_167 = arith.constant 0 : i32
      %dma_wait3A_168 = tpu.memref_slice %arg2[%dma_wait3A_166, %dma_wait3A_167] : memref<10000x128xf32, #tpu.memory_space<hbm>> -> memref<40x128xf32, #tpu.memory_space<hbm>>
      tpu.wait_dma2 semaphore(%arg17 : memref<!tpu.dma_semaphore, #tpu.memory_space<semaphore_mem>>) src(%dma_wait3A_168 : memref<40x128xf32, #tpu.memory_space<hbm>>) dst(%arg12 : memref<40x128xf32, #tpu.memory_space<vmem>>)
      %mul3A_169 = arith.constant 40 : i32
      %mul3A_170 = arith.muli %add3A_147, %mul3A_169 : i32
      %dma_start3A_171 = tpu.memref_slice %arg9[%mul3A_170] : memref<10000xi32, #tpu.memory_space<vmem>> -> memref<40xi32, #tpu.memory_space<vmem>>
      %dma_start3A_172 = arith.constant 0 : i32
      %dma_start3A_173 = arith.constant 0 : i32
      %dma_start3A_174 = tpu.memref_slice %arg14[%dma_start3A_172, %dma_start3A_173] : memref<10000x128xf32, #tpu.memory_space<vmem_shared>> -> memref<10000x128xf32, #tpu.memory_space<vmem_shared>>
      tpu.enqueue_indirect_dma source(%arg12 : memref<40x128xf32, #tpu.memory_space<vmem>>) target(%dma_start3A_174 : memref<10000x128xf32, #tpu.memory_space<vmem_shared>>) offsets(%dma_start3A_171 : memref<40xi32, #tpu.memory_space<vmem>>) semaphore(%arg21 : memref<!tpu.dma_semaphore, #tpu.memory_space<semaphore_mem>>) {add = true}
      %mul3A_175 = arith.constant 4 : i32
      %mul3A_176 = arith.muli %mul3A_175, %add3A_85 : i32
      %add3A_177 = arith.constant 3 : i32
      %add3A_178 = arith.addi %mul3A_176, %add3A_177 : i32
      %dma_wait3A_179 = arith.constant 0 : i32
      %dma_wait3A_180 = arith.constant 0 : i32
      %dma_wait3A_181 = tpu.memref_slice %arg2[%dma_wait3A_179, %dma_wait3A_180] : memref<10000x128xf32, #tpu.memory_space<hbm>> -> memref<40x128xf32, #tpu.memory_space<hbm>>
      %dma_wait3A_182 = arith.constant 0 : i32
      %dma_wait3A_183 = arith.constant 0 : i32
      %dma_wait3A_184 = tpu.memref_slice %arg2[%dma_wait3A_182, %dma_wait3A_183] : memref<10000x128xf32, #tpu.memory_space<hbm>> -> memref<40x128xf32, #tpu.memory_space<hbm>>
      tpu.wait_dma2 semaphore(%arg20 : memref<!tpu.dma_semaphore, #tpu.memory_space<semaphore_mem>>) src(%dma_wait3A_184 : memref<40x128xf32, #tpu.memory_space<hbm>>) dst(%arg11 : memref<40x128xf32, #tpu.memory_space<vmem>>)
      %add3A_185 = arith.constant 2 : i32
      %add3A_186 = arith.addi %add3A_178, %add3A_185 : i32
      %lt3A_187 = arith.constant 250 : i32
      %lt3A_188 = arith.cmpi slt, %add3A_186, %lt3A_187 : i32
      %add3A_189 = arith.constant 2 : i32
      %add3A_190 = arith.addi %add3A_178, %add3A_189 : i32
      %convert_element_type3A_191 = arith.extui %lt3A_188 : i1 to i32
      %cond3A_192 = arith.constant 0 : i32
      %cond3A_193 = arith.cmpi ne, %convert_element_type3A_191, %cond3A_192 : i32
      scf.if %cond3A_193 {
        %mul3A_206 = arith.constant 40 : i32
        %mul3A_207 = arith.muli %add3A_190, %mul3A_206 : i32
        %dma_start3A_208 = tpu.memref_slice %arg8[%mul3A_207] : memref<10000xi32, #tpu.memory_space<vmem>> -> memref<40xi32, #tpu.memory_space<vmem>>
        %dma_start3A_209 = arith.constant 0 : i32
        %dma_start3A_210 = arith.constant 0 : i32
        %dma_start3A_211 = tpu.memref_slice %arg2[%dma_start3A_209, %dma_start3A_210] : memref<10000x128xf32, #tpu.memory_space<hbm>> -> memref<10000x128xf32, #tpu.memory_space<hbm>>
        tpu.enqueue_indirect_dma source(%dma_start3A_211 : memref<10000x128xf32, #tpu.memory_space<hbm>>) target(%arg11 : memref<40x128xf32, #tpu.memory_space<vmem>>) offsets(%dma_start3A_208 : memref<40xi32, #tpu.memory_space<vmem>>) semaphore(%arg16 : memref<!tpu.dma_semaphore, #tpu.memory_space<semaphore_mem>>)
      } else {
      }
      %dma_wait3A_194 = arith.constant 0 : i32
      %dma_wait3A_195 = arith.constant 0 : i32
      %dma_wait3A_196 = tpu.memref_slice %arg2[%dma_wait3A_194, %dma_wait3A_195] : memref<10000x128xf32, #tpu.memory_space<hbm>> -> memref<40x128xf32, #tpu.memory_space<hbm>>
      %dma_wait3A_197 = arith.constant 0 : i32
      %dma_wait3A_198 = arith.constant 0 : i32
      %dma_wait3A_199 = tpu.memref_slice %arg2[%dma_wait3A_197, %dma_wait3A_198] : memref<10000x128xf32, #tpu.memory_space<hbm>> -> memref<40x128xf32, #tpu.memory_space<hbm>>
      tpu.wait_dma2 semaphore(%arg18 : memref<!tpu.dma_semaphore, #tpu.memory_space<semaphore_mem>>) src(%dma_wait3A_199 : memref<40x128xf32, #tpu.memory_space<hbm>>) dst(%arg13 : memref<40x128xf32, #tpu.memory_space<vmem>>)
      %mul3A_200 = arith.constant 40 : i32
      %mul3A_201 = arith.muli %add3A_178, %mul3A_200 : i32
      %dma_start3A_202 = tpu.memref_slice %arg9[%mul3A_201] : memref<10000xi32, #tpu.memory_space<vmem>> -> memref<40xi32, #tpu.memory_space<vmem>>
      %dma_start3A_203 = arith.constant 0 : i32
      %dma_start3A_204 = arith.constant 0 : i32
      %dma_start3A_205 = tpu.memref_slice %arg14[%dma_start3A_203, %dma_start3A_204] : memref<10000x128xf32, #tpu.memory_space<vmem_shared>> -> memref<10000x128xf32, #tpu.memory_space<vmem_shared>>
      tpu.enqueue_indirect_dma source(%arg13 : memref<40x128xf32, #tpu.memory_space<vmem>>) target(%dma_start3A_205 : memref<10000x128xf32, #tpu.memory_space<vmem_shared>>) offsets(%dma_start3A_202 : memref<40xi32, #tpu.memory_space<vmem>>) semaphore(%arg22 : memref<!tpu.dma_semaphore, #tpu.memory_space<semaphore_mem>>) {add = true}
    }
    %scan3A_24 = arith.constant 62 : i32
    %dma_wait3A = arith.constant 0 : i32
    %dma_wait3A_25 = arith.constant 0 : i32
    %dma_wait3A_26 = tpu.memref_slice %arg2[%dma_wait3A, %dma_wait3A_25] : memref<10000x128xf32, #tpu.memory_space<hbm>> -> memref<40x128xf32, #tpu.memory_space<hbm>>
    %dma_wait3A_27 = arith.constant 0 : i32
    %dma_wait3A_28 = arith.constant 0 : i32
    %dma_wait3A_29 = tpu.memref_slice %arg2[%dma_wait3A_27, %dma_wait3A_28] : memref<10000x128xf32, #tpu.memory_space<hbm>> -> memref<40x128xf32, #tpu.memory_space<hbm>>
    tpu.wait_dma2 semaphore(%arg15 : memref<!tpu.dma_semaphore, #tpu.memory_space<semaphore_mem>>) src(%dma_wait3A_29 : memref<40x128xf32, #tpu.memory_space<hbm>>) dst(%arg10 : memref<40x128xf32, #tpu.memory_space<vmem>>)
    %dma_start3A_30 = arith.constant 9920 : i32
    %dma_start3A_31 = tpu.memref_slice %arg9[%dma_start3A_30] : memref<10000xi32, #tpu.memory_space<vmem>> -> memref<40xi32, #tpu.memory_space<vmem>>
    %dma_start3A_32 = arith.constant 0 : i32
    %dma_start3A_33 = arith.constant 0 : i32
    %dma_start3A_34 = tpu.memref_slice %arg14[%dma_start3A_32, %dma_start3A_33] : memref<10000x128xf32, #tpu.memory_space<vmem_shared>> -> memref<10000x128xf32, #tpu.memory_space<vmem_shared>>
    tpu.enqueue_indirect_dma source(%arg10 : memref<40x128xf32, #tpu.memory_space<vmem>>) target(%dma_start3A_34 : memref<10000x128xf32, #tpu.memory_space<vmem_shared>>) offsets(%dma_start3A_31 : memref<40xi32, #tpu.memory_space<vmem>>) semaphore(%arg19 : memref<!tpu.dma_semaphore, #tpu.memory_space<semaphore_mem>>) {add = true}
    %dma_wait3A_35 = arith.constant 0 : i32
    %dma_wait3A_36 = arith.constant 0 : i32
    %dma_wait3A_37 = tpu.memref_slice %arg2[%dma_wait3A_35, %dma_wait3A_36] : memref<10000x128xf32, #tpu.memory_space<hbm>> -> memref<40x128xf32, #tpu.memory_space<hbm>>
    %dma_wait3A_38 = arith.constant 0 : i32
    %dma_wait3A_39 = arith.constant 0 : i32
    %dma_wait3A_40 = tpu.memref_slice %arg2[%dma_wait3A_38, %dma_wait3A_39] : memref<10000x128xf32, #tpu.memory_space<hbm>> -> memref<40x128xf32, #tpu.memory_space<hbm>>
    tpu.wait_dma2 semaphore(%arg16 : memref<!tpu.dma_semaphore, #tpu.memory_space<semaphore_mem>>) src(%dma_wait3A_40 : memref<40x128xf32, #tpu.memory_space<hbm>>) dst(%arg11 : memref<40x128xf32, #tpu.memory_space<vmem>>)
    %dma_start3A_41 = arith.constant 9960 : i32
    %dma_start3A_42 = tpu.memref_slice %arg9[%dma_start3A_41] : memref<10000xi32, #tpu.memory_space<vmem>> -> memref<40xi32, #tpu.memory_space<vmem>>
    %dma_start3A_43 = arith.constant 0 : i32
    %dma_start3A_44 = arith.constant 0 : i32
    %dma_start3A_45 = tpu.memref_slice %arg14[%dma_start3A_43, %dma_start3A_44] : memref<10000x128xf32, #tpu.memory_space<vmem_shared>> -> memref<10000x128xf32, #tpu.memory_space<vmem_shared>>
    tpu.enqueue_indirect_dma source(%arg11 : memref<40x128xf32, #tpu.memory_space<vmem>>) target(%dma_start3A_45 : memref<10000x128xf32, #tpu.memory_space<vmem_shared>>) offsets(%dma_start3A_42 : memref<40xi32, #tpu.memory_space<vmem>>) semaphore(%arg20 : memref<!tpu.dma_semaphore, #tpu.memory_space<semaphore_mem>>) {add = true}
    %dma_wait3A_46 = arith.constant 0 : i32
    %dma_wait3A_47 = arith.constant 0 : i32
    %dma_wait3A_48 = tpu.memref_slice %arg2[%dma_wait3A_46, %dma_wait3A_47] : memref<10000x128xf32, #tpu.memory_space<hbm>> -> memref<40x128xf32, #tpu.memory_space<hbm>>
    %dma_wait3A_49 = arith.constant 0 : i32
    %dma_wait3A_50 = arith.constant 0 : i32
    %dma_wait3A_51 = tpu.memref_slice %arg2[%dma_wait3A_49, %dma_wait3A_50] : memref<10000x128xf32, #tpu.memory_space<hbm>> -> memref<40x128xf32, #tpu.memory_space<hbm>>
    tpu.wait_dma2 semaphore(%arg21 : memref<!tpu.dma_semaphore, #tpu.memory_space<semaphore_mem>>) src(%dma_wait3A_51 : memref<40x128xf32, #tpu.memory_space<hbm>>) dst(%arg12 : memref<40x128xf32, #tpu.memory_space<vmem>>)
    %dma_wait3A_52 = arith.constant 0 : i32
    %dma_wait3A_53 = arith.constant 0 : i32
    %dma_wait3A_54 = tpu.memref_slice %arg2[%dma_wait3A_52, %dma_wait3A_53] : memref<10000x128xf32, #tpu.memory_space<hbm>> -> memref<40x128xf32, #tpu.memory_space<hbm>>
    %dma_wait3A_55 = arith.constant 0 : i32
    %dma_wait3A_56 = arith.constant 0 : i32
    %dma_wait3A_57 = tpu.memref_slice %arg2[%dma_wait3A_55, %dma_wait3A_56] : memref<10000x128xf32, #tpu.memory_space<hbm>> -> memref<40x128xf32, #tpu.memory_space<hbm>>
    tpu.wait_dma2 semaphore(%arg22 : memref<!tpu.dma_semaphore, #tpu.memory_space<semaphore_mem>>) src(%dma_wait3A_57 : memref<40x128xf32, #tpu.memory_space<hbm>>) dst(%arg13 : memref<40x128xf32, #tpu.memory_space<vmem>>)
    %dma_wait3A_58 = arith.constant 0 : i32
    %dma_wait3A_59 = arith.constant 0 : i32
    %dma_wait3A_60 = tpu.memref_slice %arg2[%dma_wait3A_58, %dma_wait3A_59] : memref<10000x128xf32, #tpu.memory_space<hbm>> -> memref<40x128xf32, #tpu.memory_space<hbm>>
    %dma_wait3A_61 = arith.constant 0 : i32
    %dma_wait3A_62 = arith.constant 0 : i32
    %dma_wait3A_63 = tpu.memref_slice %arg2[%dma_wait3A_61, %dma_wait3A_62] : memref<10000x128xf32, #tpu.memory_space<hbm>> -> memref<40x128xf32, #tpu.memory_space<hbm>>
    tpu.wait_dma2 semaphore(%arg19 : memref<!tpu.dma_semaphore, #tpu.memory_space<semaphore_mem>>) src(%dma_wait3A_63 : memref<40x128xf32, #tpu.memory_space<hbm>>) dst(%arg10 : memref<40x128xf32, #tpu.memory_space<vmem>>)
    %dma_wait3A_64 = arith.constant 0 : i32
    %dma_wait3A_65 = arith.constant 0 : i32
    %dma_wait3A_66 = tpu.memref_slice %arg2[%dma_wait3A_64, %dma_wait3A_65] : memref<10000x128xf32, #tpu.memory_space<hbm>> -> memref<40x128xf32, #tpu.memory_space<hbm>>
    %dma_wait3A_67 = arith.constant 0 : i32
    %dma_wait3A_68 = arith.constant 0 : i32
    %dma_wait3A_69 = tpu.memref_slice %arg2[%dma_wait3A_67, %dma_wait3A_68] : memref<10000x128xf32, #tpu.memory_space<hbm>> -> memref<40x128xf32, #tpu.memory_space<hbm>>
    tpu.wait_dma2 semaphore(%arg20 : memref<!tpu.dma_semaphore, #tpu.memory_space<semaphore_mem>>) src(%dma_wait3A_69 : memref<40x128xf32, #tpu.memory_space<hbm>>) dst(%arg11 : memref<40x128xf32, #tpu.memory_space<vmem>>)
    %barrier3A_70 = arith.constant 0 : index
    tpu.barrier barrier_id(%barrier3A_70)
    %eq3A_71 = arith.constant 0 : i32
    %eq3A_72 = arith.cmpi eq, %arg0, %eq3A_71 : i32
    %convert_element_type3A_73 = arith.extui %eq3A_72 : i1 to i32
    %cond3A_74 = arith.constant 0 : i32
    %cond3A_75 = arith.cmpi ne, %convert_element_type3A_73, %cond3A_74 : i32
    scf.if %cond3A_75 {
      "tpu.region"() ({
        %run_scoped3A = tpu.sem_alloc : memref<!tpu.dma_semaphore, #tpu.memory_space<semaphore_mem>>
        %dma_start3A_81 = arith.constant 0 : i32
        %dma_start3A_82 = tpu.memref_slice %arg6[%mul3A_2, %dma_start3A_81] : memref<10000x128xf32, #tpu.memory_space<hbm>> -> memref<625x128xf32, #tpu.memory_space<hbm>>
        %dma_start3A_83 = arith.constant 0 : i32
        %dma_start3A_84 = tpu.memref_slice %arg14[%mul3A_2, %dma_start3A_83] : memref<10000x128xf32, #tpu.memory_space<vmem_shared>> -> memref<625x128xf32, #tpu.memory_space<vmem_shared>>
        tpu.enqueue_dma source(%dma_start3A_84 : memref<625x128xf32, #tpu.memory_space<vmem_shared>>) target(%dma_start3A_82 : memref<625x128xf32, #tpu.memory_space<hbm>>) target_semaphore(%run_scoped3A : memref<!tpu.dma_semaphore, #tpu.memory_space<semaphore_mem>>)
        %dma_wait3A_85 = arith.constant 0 : i32
        %dma_wait3A_86 = tpu.memref_slice %arg6[%mul3A_2, %dma_wait3A_85] : memref<10000x128xf32, #tpu.memory_space<hbm>> -> memref<625x128xf32, #tpu.memory_space<hbm>>
        %dma_wait3A_87 = arith.constant 0 : i32
        %dma_wait3A_88 = tpu.memref_slice %arg14[%mul3A_2, %dma_wait3A_87] : memref<10000x128xf32, #tpu.memory_space<vmem_shared>> -> memref<625x128xf32, #tpu.memory_space<vmem_shared>>
        tpu.wait_dma2 semaphore(%run_scoped3A : memref<!tpu.dma_semaphore, #tpu.memory_space<semaphore_mem>>) src(%dma_wait3A_88 : memref<625x128xf32, #tpu.memory_space<vmem_shared>>) dst(%dma_wait3A_86 : memref<625x128xf32, #tpu.memory_space<hbm>>)
        tpu.yield
      }) : () -> ()
    } else {
    }
    %eq3A_76 = arith.constant 1 : i32
    %eq3A_77 = arith.cmpi eq, %arg0, %eq3A_76 : i32
    %convert_element_type3A_78 = arith.extui %eq3A_77 : i1 to i32
    %cond3A_79 = arith.constant 0 : i32
    %cond3A_80 = arith.cmpi ne, %convert_element_type3A_78, %cond3A_79 : i32
    scf.if %cond3A_80 {
      "tpu.region"() ({
        %run_scoped3A = tpu.sem_alloc : memref<!tpu.dma_semaphore, #tpu.memory_space<semaphore_mem>>
        %dma_start3A_81 = arith.constant 0 : i32
        %dma_start3A_82 = tpu.memref_slice %arg7[%mul3A_2, %dma_start3A_81] : memref<10000x128xf32, #tpu.memory_space<hbm>> -> memref<625x128xf32, #tpu.memory_space<hbm>>
        %dma_start3A_83 = arith.constant 0 : i32
        %dma_start3A_84 = tpu.memref_slice %arg14[%mul3A_2, %dma_start3A_83] : memref<10000x128xf32, #tpu.memory_space<vmem_shared>> -> memref<625x128xf32, #tpu.memory_space<vmem_shared>>
        tpu.enqueue_dma source(%dma_start3A_84 : memref<625x128xf32, #tpu.memory_space<vmem_shared>>) target(%dma_start3A_82 : memref<625x128xf32, #tpu.memory_space<hbm>>) target_semaphore(%run_scoped3A : memref<!tpu.dma_semaphore, #tpu.memory_space<semaphore_mem>>)
        %dma_wait3A_85 = arith.constant 0 : i32
        %dma_wait3A_86 = tpu.memref_slice %arg7[%mul3A_2, %dma_wait3A_85] : memref<10000x128xf32, #tpu.memory_space<hbm>> -> memref<625x128xf32, #tpu.memory_space<hbm>>
        %dma_wait3A_87 = arith.constant 0 : i32
        %dma_wait3A_88 = tpu.memref_slice %arg14[%mul3A_2, %dma_wait3A_87] : memref<10000x128xf32, #tpu.memory_space<vmem_shared>> -> memref<625x128xf32, #tpu.memory_space<vmem_shared>>
        tpu.wait_dma2 semaphore(%run_scoped3A : memref<!tpu.dma_semaphore, #tpu.memory_space<semaphore_mem>>) src(%dma_wait3A_88 : memref<625x128xf32, #tpu.memory_space<vmem_shared>>) dst(%dma_wait3A_86 : memref<625x128xf32, #tpu.memory_space<hbm>>)
        tpu.yield
      }) : () -> ()
    } else {
    }
    return
  }
}

#map = affine_map<(d0, d1) -> (0, 0)>
#map1 = affine_map<(d0, d1) -> (0)>
module attributes {stable_mosaic.version = 14 : i64} {
  func.func @_agg_body(%arg0: i32, %arg1: i32, %arg2: memref<10000x128xf32, #tpu.memory_space<hbm>>, %arg3: memref<10000x128xf32, #tpu.memory_space<hbm>>, %arg4: memref<320000xi32, #tpu.memory_space<hbm>>, %arg5: memref<320000xi32, #tpu.memory_space<hbm>>, %arg6: memref<10000x128xf32, #tpu.memory_space<hbm>>, %arg7: memref<10000x128xf32, #tpu.memory_space<hbm>>, %arg8: memref<10000xi32, #tpu.memory_space<vmem>>, %arg9: memref<10000xi32, #tpu.memory_space<vmem>>, %arg10: memref<40x128xf32, #tpu.memory_space<vmem>>, %arg11: memref<40x128xf32, #tpu.memory_space<vmem>>, %arg12: memref<40x128xf32, #tpu.memory_space<vmem>>, %arg13: memref<40x128xf32, #tpu.memory_space<vmem>>, %arg14: memref<10000x128xf32, #tpu.memory_space<vmem_shared>>, %arg15: memref<!tpu.dma_semaphore, #tpu.memory_space<semaphore_mem>>, %arg16: memref<!tpu.dma_semaphore, #tpu.memory_space<semaphore_mem>>, %arg17: memref<!tpu.dma_semaphore, #tpu.memory_space<semaphore_mem>>, %arg18: memref<!tpu.dma_semaphore, #tpu.memory_space<semaphore_mem>>, %arg19: memref<!tpu.dma_semaphore, #tpu.memory_space<semaphore_mem>>, %arg20: memref<!tpu.dma_semaphore, #tpu.memory_space<semaphore_mem>>, %arg21: memref<!tpu.dma_semaphore, #tpu.memory_space<semaphore_mem>>, %arg22: memref<!tpu.dma_semaphore, #tpu.memory_space<semaphore_mem>>) attributes {dimension_semantics = [#tpu.dimension_semantics<core_parallel>, #tpu.dimension_semantics<subcore_parallel>], iteration_bounds = array<i64: 2, 16>, scalar_prefetch = 0 : i64, scratch_operands = 15 : i64, tpu.core_type = #tpu.core_type<sc_vector_subcore>, window_params = [{transform_indices = #map}, {transform_indices = #map}, {transform_indices = #map1}, {transform_indices = #map1}, {transform_indices = #map}, {transform_indices = #map}]} {
    %mul3A = arith.constant 2 : i32
    %mul3A_0 = arith.muli %arg1, %mul3A : i32
    %add3A = arith.addi %mul3A_0, %arg0 : i32
    %mul3A_1 = arith.constant 625 : i32
    %mul3A_2 = arith.muli %arg1, %mul3A_1 : i32
    %eq3A = arith.constant 0 : i32
    %eq3A_3 = arith.cmpi eq, %arg0, %eq3A : i32
    %convert_element_type3A = arith.extui %eq3A_3 : i1 to i32
    %cond3A = arith.constant 0 : i32
    %cond3A_4 = arith.cmpi ne, %convert_element_type3A, %cond3A : i32
    scf.if %cond3A_4 {
      "tpu.region"() ({
        %run_scoped3A = tpu.sem_alloc : memref<!tpu.dma_semaphore, #tpu.memory_space<semaphore_mem>>
        %dma_start3A_81 = arith.constant 0 : i32
        %dma_start3A_82 = tpu.memref_slice %arg14[%mul3A_2, %dma_start3A_81] : memref<10000x128xf32, #tpu.memory_space<vmem_shared>> -> memref<625x128xf32, #tpu.memory_space<vmem_shared>>
        %dma_start3A_83 = arith.constant 0 : i32
        %dma_start3A_84 = tpu.memref_slice %arg2[%mul3A_2, %dma_start3A_83] : memref<10000x128xf32, #tpu.memory_space<hbm>> -> memref<625x128xf32, #tpu.memory_space<hbm>>
        tpu.enqueue_dma source(%dma_start3A_84 : memref<625x128xf32, #tpu.memory_space<hbm>>) target(%dma_start3A_82 : memref<625x128xf32, #tpu.memory_space<vmem_shared>>) target_semaphore(%run_scoped3A : memref<!tpu.dma_semaphore, #tpu.memory_space<semaphore_mem>>)
        %dma_wait3A_85 = arith.constant 0 : i32
        %dma_wait3A_86 = tpu.memref_slice %arg14[%mul3A_2, %dma_wait3A_85] : memref<10000x128xf32, #tpu.memory_space<vmem_shared>> -> memref<625x128xf32, #tpu.memory_space<vmem_shared>>
        %dma_wait3A_87 = arith.constant 0 : i32
        %dma_wait3A_88 = tpu.memref_slice %arg2[%mul3A_2, %dma_wait3A_87] : memref<10000x128xf32, #tpu.memory_space<hbm>> -> memref<625x128xf32, #tpu.memory_space<hbm>>
        tpu.wait_dma2 semaphore(%run_scoped3A : memref<!tpu.dma_semaphore, #tpu.memory_space<semaphore_mem>>) src(%dma_wait3A_88 : memref<625x128xf32, #tpu.memory_space<hbm>>) dst(%dma_wait3A_86 : memref<625x128xf32, #tpu.memory_space<vmem_shared>>)
        tpu.yield
      }) : () -> ()
    } else {
    }
    %eq3A_5 = arith.constant 1 : i32
    %eq3A_6 = arith.cmpi eq, %arg0, %eq3A_5 : i32
    %convert_element_type3A_7 = arith.extui %eq3A_6 : i1 to i32
    %cond3A_8 = arith.constant 0 : i32
    %cond3A_9 = arith.cmpi ne, %convert_element_type3A_7, %cond3A_8 : i32
    scf.if %cond3A_9 {
      "tpu.region"() ({
        %run_scoped3A = tpu.sem_alloc : memref<!tpu.dma_semaphore, #tpu.memory_space<semaphore_mem>>
        %dma_start3A_81 = arith.constant 0 : i32
        %dma_start3A_82 = tpu.memref_slice %arg14[%mul3A_2, %dma_start3A_81] : memref<10000x128xf32, #tpu.memory_space<vmem_shared>> -> memref<625x128xf32, #tpu.memory_space<vmem_shared>>
        %dma_start3A_83 = arith.constant 0 : i32
        %dma_start3A_84 = tpu.memref_slice %arg3[%mul3A_2, %dma_start3A_83] : memref<10000x128xf32, #tpu.memory_space<hbm>> -> memref<625x128xf32, #tpu.memory_space<hbm>>
        tpu.enqueue_dma source(%dma_start3A_84 : memref<625x128xf32, #tpu.memory_space<hbm>>) target(%dma_start3A_82 : memref<625x128xf32, #tpu.memory_space<vmem_shared>>) target_semaphore(%run_scoped3A : memref<!tpu.dma_semaphore, #tpu.memory_space<semaphore_mem>>)
        %dma_wait3A_85 = arith.constant 0 : i32
        %dma_wait3A_86 = tpu.memref_slice %arg14[%mul3A_2, %dma_wait3A_85] : memref<10000x128xf32, #tpu.memory_space<vmem_shared>> -> memref<625x128xf32, #tpu.memory_space<vmem_shared>>
        %dma_wait3A_87 = arith.constant 0 : i32
        %dma_wait3A_88 = tpu.memref_slice %arg3[%mul3A_2, %dma_wait3A_87] : memref<10000x128xf32, #tpu.memory_space<hbm>> -> memref<625x128xf32, #tpu.memory_space<hbm>>
        tpu.wait_dma2 semaphore(%run_scoped3A : memref<!tpu.dma_semaphore, #tpu.memory_space<semaphore_mem>>) src(%dma_wait3A_88 : memref<625x128xf32, #tpu.memory_space<hbm>>) dst(%dma_wait3A_86 : memref<625x128xf32, #tpu.memory_space<vmem_shared>>)
        tpu.yield
      }) : () -> ()
    } else {
    }
    %mul3A_10 = arith.constant 10000 : i32
    %mul3A_11 = arith.muli %add3A, %mul3A_10 : i32
    "tpu.region"() ({
      %run_scoped3A = tpu.sem_alloc : memref<!tpu.dma_semaphore, #tpu.memory_space<semaphore_mem>>
      %dma_start3A_81 = tpu.memref_slice %arg4[%mul3A_11] : memref<320000xi32, #tpu.memory_space<hbm>> -> memref<10000xi32, #tpu.memory_space<hbm>>
      %dma_start3A_82 = tpu.memref_slice %arg4[%mul3A_11] : memref<320000xi32, #tpu.memory_space<hbm>> -> memref<10000xi32, #tpu.memory_space<hbm>>
      tpu.enqueue_dma source(%dma_start3A_82 : memref<10000xi32, #tpu.memory_space<hbm>>) target(%arg8 : memref<10000xi32, #tpu.memory_space<vmem>>) target_semaphore(%run_scoped3A : memref<!tpu.dma_semaphore, #tpu.memory_space<semaphore_mem>>)
      %dma_wait3A_83 = tpu.memref_slice %arg4[%mul3A_11] : memref<320000xi32, #tpu.memory_space<hbm>> -> memref<10000xi32, #tpu.memory_space<hbm>>
      %dma_wait3A_84 = tpu.memref_slice %arg4[%mul3A_11] : memref<320000xi32, #tpu.memory_space<hbm>> -> memref<10000xi32, #tpu.memory_space<hbm>>
      tpu.wait_dma2 semaphore(%run_scoped3A : memref<!tpu.dma_semaphore, #tpu.memory_space<semaphore_mem>>) src(%dma_wait3A_84 : memref<10000xi32, #tpu.memory_space<hbm>>) dst(%arg8 : memref<10000xi32, #tpu.memory_space<vmem>>)
      tpu.yield
    }) : () -> ()
    "tpu.region"() ({
      %run_scoped3A = tpu.sem_alloc : memref<!tpu.dma_semaphore, #tpu.memory_space<semaphore_mem>>
      %dma_start3A_81 = tpu.memref_slice %arg5[%mul3A_11] : memref<320000xi32, #tpu.memory_space<hbm>> -> memref<10000xi32, #tpu.memory_space<hbm>>
      %dma_start3A_82 = tpu.memref_slice %arg5[%mul3A_11] : memref<320000xi32, #tpu.memory_space<hbm>> -> memref<10000xi32, #tpu.memory_space<hbm>>
      tpu.enqueue_dma source(%dma_start3A_82 : memref<10000xi32, #tpu.memory_space<hbm>>) target(%arg9 : memref<10000xi32, #tpu.memory_space<vmem>>) target_semaphore(%run_scoped3A : memref<!tpu.dma_semaphore, #tpu.memory_space<semaphore_mem>>)
      %dma_wait3A_83 = tpu.memref_slice %arg5[%mul3A_11] : memref<320000xi32, #tpu.memory_space<hbm>> -> memref<10000xi32, #tpu.memory_space<hbm>>
      %dma_wait3A_84 = tpu.memref_slice %arg5[%mul3A_11] : memref<320000xi32, #tpu.memory_space<hbm>> -> memref<10000xi32, #tpu.memory_space<hbm>>
      tpu.wait_dma2 semaphore(%run_scoped3A : memref<!tpu.dma_semaphore, #tpu.memory_space<semaphore_mem>>) src(%dma_wait3A_84 : memref<10000xi32, #tpu.memory_space<hbm>>) dst(%arg9 : memref<10000xi32, #tpu.memory_space<vmem>>)
      tpu.yield
    }) : () -> ()
    %barrier3A = arith.constant 0 : index
    tpu.barrier barrier_id(%barrier3A)
    %dma_start3A = arith.constant 0 : i32
    %dma_start3A_12 = tpu.memref_slice %arg8[%dma_start3A] : memref<10000xi32, #tpu.memory_space<vmem>> -> memref<40xi32, #tpu.memory_space<vmem>>
    %dma_start3A_13 = arith.constant 0 : i32
    %dma_start3A_14 = arith.constant 0 : i32
    %dma_start3A_15 = tpu.memref_slice %arg2[%dma_start3A_13, %dma_start3A_14] : memref<10000x128xf32, #tpu.memory_space<hbm>> -> memref<10000x128xf32, #tpu.memory_space<hbm>>
    tpu.enqueue_indirect_dma source(%dma_start3A_15 : memref<10000x128xf32, #tpu.memory_space<hbm>>) target(%arg10 : memref<40x128xf32, #tpu.memory_space<vmem>>) offsets(%dma_start3A_12 : memref<40xi32, #tpu.memory_space<vmem>>) semaphore(%arg15 : memref<!tpu.dma_semaphore, #tpu.memory_space<semaphore_mem>>)
    %dma_start3A_16 = arith.constant 40 : i32
    %dma_start3A_17 = tpu.memref_slice %arg8[%dma_start3A_16] : memref<10000xi32, #tpu.memory_space<vmem>> -> memref<40xi32, #tpu.memory_space<vmem>>
    %dma_start3A_18 = arith.constant 0 : i32
    %dma_start3A_19 = arith.constant 0 : i32
    %dma_start3A_20 = tpu.memref_slice %arg2[%dma_start3A_18, %dma_start3A_19] : memref<10000x128xf32, #tpu.memory_space<hbm>> -> memref<10000x128xf32, #tpu.memory_space<hbm>>
    tpu.enqueue_indirect_dma source(%dma_start3A_20 : memref<10000x128xf32, #tpu.memory_space<hbm>>) target(%arg11 : memref<40x128xf32, #tpu.memory_space<vmem>>) offsets(%dma_start3A_17 : memref<40xi32, #tpu.memory_space<vmem>>) semaphore(%arg16 : memref<!tpu.dma_semaphore, #tpu.memory_space<semaphore_mem>>)
    %scan3A = arith.constant 0 : i32
    %scan3A_21 = arith.constant 62 : i32
    %scan3A_22 = arith.addi %scan3A, %scan3A_21 : i32
    %scan3A_23 = arith.constant 1 : i32
    scf.for %scan3A_81 = %scan3A to %scan3A_22 step %scan3A_23  : i32 {
      %mul3A_82 = arith.constant 1 : i32
      %mul3A_83 = arith.muli %scan3A_81, %mul3A_82 : i32
      %add3A_84 = arith.constant 0 : i32
      %add3A_85 = arith.addi %add3A_84, %mul3A_83 : i32
      %mul3A_86 = arith.constant 4 : i32
      %mul3A_87 = arith.muli %mul3A_86, %add3A_85 : i32
      %add3A_88 = arith.constant 0 : i32
      %add3A_89 = arith.addi %mul3A_87, %add3A_88 : i32
      %ge3A = arith.constant 2 : i32
      %ge3A_90 = arith.cmpi sge, %add3A_89, %ge3A : i32
      %convert_element_type3A_91 = arith.extui %ge3A_90 : i1 to i32
      %cond3A_92 = arith.constant 0 : i32
      %cond3A_93 = arith.cmpi ne, %convert_element_type3A_91, %cond3A_92 : i32
      scf.if %cond3A_93 {
        %dma_wait3A_206 = arith.constant 0 : i32
        %dma_wait3A_207 = arith.constant 0 : i32
        %dma_wait3A_208 = tpu.memref_slice %arg2[%dma_wait3A_206, %dma_wait3A_207] : memref<10000x128xf32, #tpu.memory_space<hbm>> -> memref<40x128xf32, #tpu.memory_space<hbm>>
        %dma_wait3A_209 = arith.constant 0 : i32
        %dma_wait3A_210 = arith.constant 0 : i32
        %dma_wait3A_211 = tpu.memref_slice %arg2[%dma_wait3A_209, %dma_wait3A_210] : memref<10000x128xf32, #tpu.memory_space<hbm>> -> memref<40x128xf32, #tpu.memory_space<hbm>>
        tpu.wait_dma2 semaphore(%arg21 : memref<!tpu.dma_semaphore, #tpu.memory_space<semaphore_mem>>) src(%dma_wait3A_211 : memref<40x128xf32, #tpu.memory_space<hbm>>) dst(%arg12 : memref<40x128xf32, #tpu.memory_space<vmem>>)
      } else {
      }
      %add3A_94 = arith.constant 2 : i32
      %add3A_95 = arith.addi %add3A_89, %add3A_94 : i32
      %lt3A = arith.constant 250 : i32
      %lt3A_96 = arith.cmpi slt, %add3A_95, %lt3A : i32
      %add3A_97 = arith.constant 2 : i32
      %add3A_98 = arith.addi %add3A_89, %add3A_97 : i32
      %convert_element_type3A_99 = arith.extui %lt3A_96 : i1 to i32
      %cond3A_100 = arith.constant 0 : i32
      %cond3A_101 = arith.cmpi ne, %convert_element_type3A_99, %cond3A_100 : i32
      scf.if %cond3A_101 {
        %mul3A_206 = arith.constant 40 : i32
        %mul3A_207 = arith.muli %add3A_98, %mul3A_206 : i32
        %dma_start3A_208 = tpu.memref_slice %arg8[%mul3A_207] : memref<10000xi32, #tpu.memory_space<vmem>> -> memref<40xi32, #tpu.memory_space<vmem>>
        %dma_start3A_209 = arith.constant 0 : i32
        %dma_start3A_210 = arith.constant 0 : i32
        %dma_start3A_211 = tpu.memref_slice %arg2[%dma_start3A_209, %dma_start3A_210] : memref<10000x128xf32, #tpu.memory_space<hbm>> -> memref<10000x128xf32, #tpu.memory_space<hbm>>
        tpu.enqueue_indirect_dma source(%dma_start3A_211 : memref<10000x128xf32, #tpu.memory_space<hbm>>) target(%arg12 : memref<40x128xf32, #tpu.memory_space<vmem>>) offsets(%dma_start3A_208 : memref<40xi32, #tpu.memory_space<vmem>>) semaphore(%arg17 : memref<!tpu.dma_semaphore, #tpu.memory_space<semaphore_mem>>)
      } else {
      }
      %dma_wait3A_102 = arith.constant 0 : i32
      %dma_wait3A_103 = arith.constant 0 : i32
      %dma_wait3A_104 = tpu.memref_slice %arg2[%dma_wait3A_102, %dma_wait3A_103] : memref<10000x128xf32, #tpu.memory_space<hbm>> -> memref<40x128xf32, #tpu.memory_space<hbm>>
      %dma_wait3A_105 = arith.constant 0 : i32
      %dma_wait3A_106 = arith.constant 0 : i32
      %dma_wait3A_107 = tpu.memref_slice %arg2[%dma_wait3A_105, %dma_wait3A_106] : memref<10000x128xf32, #tpu.memory_space<hbm>> -> memref<40x128xf32, #tpu.memory_space<hbm>>
      tpu.wait_dma2 semaphore(%arg15 : memref<!tpu.dma_semaphore, #tpu.memory_space<semaphore_mem>>) src(%dma_wait3A_107 : memref<40x128xf32, #tpu.memory_space<hbm>>) dst(%arg10 : memref<40x128xf32, #tpu.memory_space<vmem>>)
      %mul3A_108 = arith.constant 40 : i32
      %mul3A_109 = arith.muli %add3A_89, %mul3A_108 : i32
      %dma_start3A_110 = tpu.memref_slice %arg9[%mul3A_109] : memref<10000xi32, #tpu.memory_space<vmem>> -> memref<40xi32, #tpu.memory_space<vmem>>
      %dma_start3A_111 = arith.constant 0 : i32
      %dma_start3A_112 = arith.constant 0 : i32
      %dma_start3A_113 = tpu.memref_slice %arg14[%dma_start3A_111, %dma_start3A_112] : memref<10000x128xf32, #tpu.memory_space<vmem_shared>> -> memref<10000x128xf32, #tpu.memory_space<vmem_shared>>
      tpu.enqueue_indirect_dma source(%arg10 : memref<40x128xf32, #tpu.memory_space<vmem>>) target(%dma_start3A_113 : memref<10000x128xf32, #tpu.memory_space<vmem_shared>>) offsets(%dma_start3A_110 : memref<40xi32, #tpu.memory_space<vmem>>) semaphore(%arg19 : memref<!tpu.dma_semaphore, #tpu.memory_space<semaphore_mem>>) {add = true}
      %mul3A_114 = arith.constant 4 : i32
      %mul3A_115 = arith.muli %mul3A_114, %add3A_85 : i32
      %add3A_116 = arith.constant 1 : i32
      %add3A_117 = arith.addi %mul3A_115, %add3A_116 : i32
      %ge3A_118 = arith.constant 2 : i32
      %ge3A_119 = arith.cmpi sge, %add3A_117, %ge3A_118 : i32
      %convert_element_type3A_120 = arith.extui %ge3A_119 : i1 to i32
      %cond3A_121 = arith.constant 0 : i32
      %cond3A_122 = arith.cmpi ne, %convert_element_type3A_120, %cond3A_121 : i32
      scf.if %cond3A_122 {
        %dma_wait3A_206 = arith.constant 0 : i32
        %dma_wait3A_207 = arith.constant 0 : i32
        %dma_wait3A_208 = tpu.memref_slice %arg2[%dma_wait3A_206, %dma_wait3A_207] : memref<10000x128xf32, #tpu.memory_space<hbm>> -> memref<40x128xf32, #tpu.memory_space<hbm>>
        %dma_wait3A_209 = arith.constant 0 : i32
        %dma_wait3A_210 = arith.constant 0 : i32
        %dma_wait3A_211 = tpu.memref_slice %arg2[%dma_wait3A_209, %dma_wait3A_210] : memref<10000x128xf32, #tpu.memory_space<hbm>> -> memref<40x128xf32, #tpu.memory_space<hbm>>
        tpu.wait_dma2 semaphore(%arg22 : memref<!tpu.dma_semaphore, #tpu.memory_space<semaphore_mem>>) src(%dma_wait3A_211 : memref<40x128xf32, #tpu.memory_space<hbm>>) dst(%arg13 : memref<40x128xf32, #tpu.memory_space<vmem>>)
      } else {
      }
      %add3A_123 = arith.constant 2 : i32
      %add3A_124 = arith.addi %add3A_117, %add3A_123 : i32
      %lt3A_125 = arith.constant 250 : i32
      %lt3A_126 = arith.cmpi slt, %add3A_124, %lt3A_125 : i32
      %add3A_127 = arith.constant 2 : i32
      %add3A_128 = arith.addi %add3A_117, %add3A_127 : i32
      %convert_element_type3A_129 = arith.extui %lt3A_126 : i1 to i32
      %cond3A_130 = arith.constant 0 : i32
      %cond3A_131 = arith.cmpi ne, %convert_element_type3A_129, %cond3A_130 : i32
      scf.if %cond3A_131 {
        %mul3A_206 = arith.constant 40 : i32
        %mul3A_207 = arith.muli %add3A_128, %mul3A_206 : i32
        %dma_start3A_208 = tpu.memref_slice %arg8[%mul3A_207] : memref<10000xi32, #tpu.memory_space<vmem>> -> memref<40xi32, #tpu.memory_space<vmem>>
        %dma_start3A_209 = arith.constant 0 : i32
        %dma_start3A_210 = arith.constant 0 : i32
        %dma_start3A_211 = tpu.memref_slice %arg2[%dma_start3A_209, %dma_start3A_210] : memref<10000x128xf32, #tpu.memory_space<hbm>> -> memref<10000x128xf32, #tpu.memory_space<hbm>>
        tpu.enqueue_indirect_dma source(%dma_start3A_211 : memref<10000x128xf32, #tpu.memory_space<hbm>>) target(%arg13 : memref<40x128xf32, #tpu.memory_space<vmem>>) offsets(%dma_start3A_208 : memref<40xi32, #tpu.memory_space<vmem>>) semaphore(%arg18 : memref<!tpu.dma_semaphore, #tpu.memory_space<semaphore_mem>>)
      } else {
      }
      %dma_wait3A_132 = arith.constant 0 : i32
      %dma_wait3A_133 = arith.constant 0 : i32
      %dma_wait3A_134 = tpu.memref_slice %arg2[%dma_wait3A_132, %dma_wait3A_133] : memref<10000x128xf32, #tpu.memory_space<hbm>> -> memref<40x128xf32, #tpu.memory_space<hbm>>
      %dma_wait3A_135 = arith.constant 0 : i32
      %dma_wait3A_136 = arith.constant 0 : i32
      %dma_wait3A_137 = tpu.memref_slice %arg2[%dma_wait3A_135, %dma_wait3A_136] : memref<10000x128xf32, #tpu.memory_space<hbm>> -> memref<40x128xf32, #tpu.memory_space<hbm>>
      tpu.wait_dma2 semaphore(%arg16 : memref<!tpu.dma_semaphore, #tpu.memory_space<semaphore_mem>>) src(%dma_wait3A_137 : memref<40x128xf32, #tpu.memory_space<hbm>>) dst(%arg11 : memref<40x128xf32, #tpu.memory_space<vmem>>)
      %mul3A_138 = arith.constant 40 : i32
      %mul3A_139 = arith.muli %add3A_117, %mul3A_138 : i32
      %dma_start3A_140 = tpu.memref_slice %arg9[%mul3A_139] : memref<10000xi32, #tpu.memory_space<vmem>> -> memref<40xi32, #tpu.memory_space<vmem>>
      %dma_start3A_141 = arith.constant 0 : i32
      %dma_start3A_142 = arith.constant 0 : i32
      %dma_start3A_143 = tpu.memref_slice %arg14[%dma_start3A_141, %dma_start3A_142] : memref<10000x128xf32, #tpu.memory_space<vmem_shared>> -> memref<10000x128xf32, #tpu.memory_space<vmem_shared>>
      tpu.enqueue_indirect_dma source(%arg11 : memref<40x128xf32, #tpu.memory_space<vmem>>) target(%dma_start3A_143 : memref<10000x128xf32, #tpu.memory_space<vmem_shared>>) offsets(%dma_start3A_140 : memref<40xi32, #tpu.memory_space<vmem>>) semaphore(%arg20 : memref<!tpu.dma_semaphore, #tpu.memory_space<semaphore_mem>>) {add = true}
      %mul3A_144 = arith.constant 4 : i32
      %mul3A_145 = arith.muli %mul3A_144, %add3A_85 : i32
      %add3A_146 = arith.constant 2 : i32
      %add3A_147 = arith.addi %mul3A_145, %add3A_146 : i32
      %dma_wait3A_148 = arith.constant 0 : i32
      %dma_wait3A_149 = arith.constant 0 : i32
      %dma_wait3A_150 = tpu.memref_slice %arg2[%dma_wait3A_148, %dma_wait3A_149] : memref<10000x128xf32, #tpu.memory_space<hbm>> -> memref<40x128xf32, #tpu.memory_space<hbm>>
      %dma_wait3A_151 = arith.constant 0 : i32
      %dma_wait3A_152 = arith.constant 0 : i32
      %dma_wait3A_153 = tpu.memref_slice %arg2[%dma_wait3A_151, %dma_wait3A_152] : memref<10000x128xf32, #tpu.memory_space<hbm>> -> memref<40x128xf32, #tpu.memory_space<hbm>>
      tpu.wait_dma2 semaphore(%arg19 : memref<!tpu.dma_semaphore, #tpu.memory_space<semaphore_mem>>) src(%dma_wait3A_153 : memref<40x128xf32, #tpu.memory_space<hbm>>) dst(%arg10 : memref<40x128xf32, #tpu.memory_space<vmem>>)
      %add3A_154 = arith.constant 2 : i32
      %add3A_155 = arith.addi %add3A_147, %add3A_154 : i32
      %lt3A_156 = arith.constant 250 : i32
      %lt3A_157 = arith.cmpi slt, %add3A_155, %lt3A_156 : i32
      %add3A_158 = arith.constant 2 : i32
      %add3A_159 = arith.addi %add3A_147, %add3A_158 : i32
      %convert_element_type3A_160 = arith.extui %lt3A_157 : i1 to i32
      %cond3A_161 = arith.constant 0 : i32
      %cond3A_162 = arith.cmpi ne, %convert_element_type3A_160, %cond3A_161 : i32
      scf.if %cond3A_162 {
        %mul3A_206 = arith.constant 40 : i32
        %mul3A_207 = arith.muli %add3A_159, %mul3A_206 : i32
        %dma_start3A_208 = tpu.memref_slice %arg8[%mul3A_207] : memref<10000xi32, #tpu.memory_space<vmem>> -> memref<40xi32, #tpu.memory_space<vmem>>
        %dma_start3A_209 = arith.constant 0 : i32
        %dma_start3A_210 = arith.constant 0 : i32
        %dma_start3A_211 = tpu.memref_slice %arg2[%dma_start3A_209, %dma_start3A_210] : memref<10000x128xf32, #tpu.memory_space<hbm>> -> memref<10000x128xf32, #tpu.memory_space<hbm>>
        tpu.enqueue_indirect_dma source(%dma_start3A_211 : memref<10000x128xf32, #tpu.memory_space<hbm>>) target(%arg10 : memref<40x128xf32, #tpu.memory_space<vmem>>) offsets(%dma_start3A_208 : memref<40xi32, #tpu.memory_space<vmem>>) semaphore(%arg15 : memref<!tpu.dma_semaphore, #tpu.memory_space<semaphore_mem>>)
      } else {
      }
      %dma_wait3A_163 = arith.constant 0 : i32
      %dma_wait3A_164 = arith.constant 0 : i32
      %dma_wait3A_165 = tpu.memref_slice %arg2[%dma_wait3A_163, %dma_wait3A_164] : memref<10000x128xf32, #tpu.memory_space<hbm>> -> memref<40x128xf32, #tpu.memory_space<hbm>>
      %dma_wait3A_166 = arith.constant 0 : i32
      %dma_wait3A_167 = arith.constant 0 : i32
      %dma_wait3A_168 = tpu.memref_slice %arg2[%dma_wait3A_166, %dma_wait3A_167] : memref<10000x128xf32, #tpu.memory_space<hbm>> -> memref<40x128xf32, #tpu.memory_space<hbm>>
      tpu.wait_dma2 semaphore(%arg17 : memref<!tpu.dma_semaphore, #tpu.memory_space<semaphore_mem>>) src(%dma_wait3A_168 : memref<40x128xf32, #tpu.memory_space<hbm>>) dst(%arg12 : memref<40x128xf32, #tpu.memory_space<vmem>>)
      %mul3A_169 = arith.constant 40 : i32
      %mul3A_170 = arith.muli %add3A_147, %mul3A_169 : i32
      %dma_start3A_171 = tpu.memref_slice %arg9[%mul3A_170] : memref<10000xi32, #tpu.memory_space<vmem>> -> memref<40xi32, #tpu.memory_space<vmem>>
      %dma_start3A_172 = arith.constant 0 : i32
      %dma_start3A_173 = arith.constant 0 : i32
      %dma_start3A_174 = tpu.memref_slice %arg14[%dma_start3A_172, %dma_start3A_173] : memref<10000x128xf32, #tpu.memory_space<vmem_shared>> -> memref<10000x128xf32, #tpu.memory_space<vmem_shared>>
      tpu.enqueue_indirect_dma source(%arg12 : memref<40x128xf32, #tpu.memory_space<vmem>>) target(%dma_start3A_174 : memref<10000x128xf32, #tpu.memory_space<vmem_shared>>) offsets(%dma_start3A_171 : memref<40xi32, #tpu.memory_space<vmem>>) semaphore(%arg21 : memref<!tpu.dma_semaphore, #tpu.memory_space<semaphore_mem>>) {add = true}
      %mul3A_175 = arith.constant 4 : i32
      %mul3A_176 = arith.muli %mul3A_175, %add3A_85 : i32
      %add3A_177 = arith.constant 3 : i32
      %add3A_178 = arith.addi %mul3A_176, %add3A_177 : i32
      %dma_wait3A_179 = arith.constant 0 : i32
      %dma_wait3A_180 = arith.constant 0 : i32
      %dma_wait3A_181 = tpu.memref_slice %arg2[%dma_wait3A_179, %dma_wait3A_180] : memref<10000x128xf32, #tpu.memory_space<hbm>> -> memref<40x128xf32, #tpu.memory_space<hbm>>
      %dma_wait3A_182 = arith.constant 0 : i32
      %dma_wait3A_183 = arith.constant 0 : i32
      %dma_wait3A_184 = tpu.memref_slice %arg2[%dma_wait3A_182, %dma_wait3A_183] : memref<10000x128xf32, #tpu.memory_space<hbm>> -> memref<40x128xf32, #tpu.memory_space<hbm>>
      tpu.wait_dma2 semaphore(%arg20 : memref<!tpu.dma_semaphore, #tpu.memory_space<semaphore_mem>>) src(%dma_wait3A_184 : memref<40x128xf32, #tpu.memory_space<hbm>>) dst(%arg11 : memref<40x128xf32, #tpu.memory_space<vmem>>)
      %add3A_185 = arith.constant 2 : i32
      %add3A_186 = arith.addi %add3A_178, %add3A_185 : i32
      %lt3A_187 = arith.constant 250 : i32
      %lt3A_188 = arith.cmpi slt, %add3A_186, %lt3A_187 : i32
      %add3A_189 = arith.constant 2 : i32
      %add3A_190 = arith.addi %add3A_178, %add3A_189 : i32
      %convert_element_type3A_191 = arith.extui %lt3A_188 : i1 to i32
      %cond3A_192 = arith.constant 0 : i32
      %cond3A_193 = arith.cmpi ne, %convert_element_type3A_191, %cond3A_192 : i32
      scf.if %cond3A_193 {
        %mul3A_206 = arith.constant 40 : i32
        %mul3A_207 = arith.muli %add3A_190, %mul3A_206 : i32
        %dma_start3A_208 = tpu.memref_slice %arg8[%mul3A_207] : memref<10000xi32, #tpu.memory_space<vmem>> -> memref<40xi32, #tpu.memory_space<vmem>>
        %dma_start3A_209 = arith.constant 0 : i32
        %dma_start3A_210 = arith.constant 0 : i32
        %dma_start3A_211 = tpu.memref_slice %arg2[%dma_start3A_209, %dma_start3A_210] : memref<10000x128xf32, #tpu.memory_space<hbm>> -> memref<10000x128xf32, #tpu.memory_space<hbm>>
        tpu.enqueue_indirect_dma source(%dma_start3A_211 : memref<10000x128xf32, #tpu.memory_space<hbm>>) target(%arg11 : memref<40x128xf32, #tpu.memory_space<vmem>>) offsets(%dma_start3A_208 : memref<40xi32, #tpu.memory_space<vmem>>) semaphore(%arg16 : memref<!tpu.dma_semaphore, #tpu.memory_space<semaphore_mem>>)
      } else {
      }
      %dma_wait3A_194 = arith.constant 0 : i32
      %dma_wait3A_195 = arith.constant 0 : i32
      %dma_wait3A_196 = tpu.memref_slice %arg2[%dma_wait3A_194, %dma_wait3A_195] : memref<10000x128xf32, #tpu.memory_space<hbm>> -> memref<40x128xf32, #tpu.memory_space<hbm>>
      %dma_wait3A_197 = arith.constant 0 : i32
      %dma_wait3A_198 = arith.constant 0 : i32
      %dma_wait3A_199 = tpu.memref_slice %arg2[%dma_wait3A_197, %dma_wait3A_198] : memref<10000x128xf32, #tpu.memory_space<hbm>> -> memref<40x128xf32, #tpu.memory_space<hbm>>
      tpu.wait_dma2 semaphore(%arg18 : memref<!tpu.dma_semaphore, #tpu.memory_space<semaphore_mem>>) src(%dma_wait3A_199 : memref<40x128xf32, #tpu.memory_space<hbm>>) dst(%arg13 : memref<40x128xf32, #tpu.memory_space<vmem>>)
      %mul3A_200 = arith.constant 40 : i32
      %mul3A_201 = arith.muli %add3A_178, %mul3A_200 : i32
      %dma_start3A_202 = tpu.memref_slice %arg9[%mul3A_201] : memref<10000xi32, #tpu.memory_space<vmem>> -> memref<40xi32, #tpu.memory_space<vmem>>
      %dma_start3A_203 = arith.constant 0 : i32
      %dma_start3A_204 = arith.constant 0 : i32
      %dma_start3A_205 = tpu.memref_slice %arg14[%dma_start3A_203, %dma_start3A_204] : memref<10000x128xf32, #tpu.memory_space<vmem_shared>> -> memref<10000x128xf32, #tpu.memory_space<vmem_shared>>
      tpu.enqueue_indirect_dma source(%arg13 : memref<40x128xf32, #tpu.memory_space<vmem>>) target(%dma_start3A_205 : memref<10000x128xf32, #tpu.memory_space<vmem_shared>>) offsets(%dma_start3A_202 : memref<40xi32, #tpu.memory_space<vmem>>) semaphore(%arg22 : memref<!tpu.dma_semaphore, #tpu.memory_space<semaphore_mem>>) {add = true}
    }
    %scan3A_24 = arith.constant 62 : i32
    %dma_wait3A = arith.constant 0 : i32
    %dma_wait3A_25 = arith.constant 0 : i32
    %dma_wait3A_26 = tpu.memref_slice %arg2[%dma_wait3A, %dma_wait3A_25] : memref<10000x128xf32, #tpu.memory_space<hbm>> -> memref<40x128xf32, #tpu.memory_space<hbm>>
    %dma_wait3A_27 = arith.constant 0 : i32
    %dma_wait3A_28 = arith.constant 0 : i32
    %dma_wait3A_29 = tpu.memref_slice %arg2[%dma_wait3A_27, %dma_wait3A_28] : memref<10000x128xf32, #tpu.memory_space<hbm>> -> memref<40x128xf32, #tpu.memory_space<hbm>>
    tpu.wait_dma2 semaphore(%arg15 : memref<!tpu.dma_semaphore, #tpu.memory_space<semaphore_mem>>) src(%dma_wait3A_29 : memref<40x128xf32, #tpu.memory_space<hbm>>) dst(%arg10 : memref<40x128xf32, #tpu.memory_space<vmem>>)
    %dma_start3A_30 = arith.constant 9920 : i32
    %dma_start3A_31 = tpu.memref_slice %arg9[%dma_start3A_30] : memref<10000xi32, #tpu.memory_space<vmem>> -> memref<40xi32, #tpu.memory_space<vmem>>
    %dma_start3A_32 = arith.constant 0 : i32
    %dma_start3A_33 = arith.constant 0 : i32
    %dma_start3A_34 = tpu.memref_slice %arg14[%dma_start3A_32, %dma_start3A_33] : memref<10000x128xf32, #tpu.memory_space<vmem_shared>> -> memref<10000x128xf32, #tpu.memory_space<vmem_shared>>
    tpu.enqueue_indirect_dma source(%arg10 : memref<40x128xf32, #tpu.memory_space<vmem>>) target(%dma_start3A_34 : memref<10000x128xf32, #tpu.memory_space<vmem_shared>>) offsets(%dma_start3A_31 : memref<40xi32, #tpu.memory_space<vmem>>) semaphore(%arg19 : memref<!tpu.dma_semaphore, #tpu.memory_space<semaphore_mem>>) {add = true}
    %dma_wait3A_35 = arith.constant 0 : i32
    %dma_wait3A_36 = arith.constant 0 : i32
    %dma_wait3A_37 = tpu.memref_slice %arg2[%dma_wait3A_35, %dma_wait3A_36] : memref<10000x128xf32, #tpu.memory_space<hbm>> -> memref<40x128xf32, #tpu.memory_space<hbm>>
    %dma_wait3A_38 = arith.constant 0 : i32
    %dma_wait3A_39 = arith.constant 0 : i32
    %dma_wait3A_40 = tpu.memref_slice %arg2[%dma_wait3A_38, %dma_wait3A_39] : memref<10000x128xf32, #tpu.memory_space<hbm>> -> memref<40x128xf32, #tpu.memory_space<hbm>>
    tpu.wait_dma2 semaphore(%arg16 : memref<!tpu.dma_semaphore, #tpu.memory_space<semaphore_mem>>) src(%dma_wait3A_40 : memref<40x128xf32, #tpu.memory_space<hbm>>) dst(%arg11 : memref<40x128xf32, #tpu.memory_space<vmem>>)
    %dma_start3A_41 = arith.constant 9960 : i32
    %dma_start3A_42 = tpu.memref_slice %arg9[%dma_start3A_41] : memref<10000xi32, #tpu.memory_space<vmem>> -> memref<40xi32, #tpu.memory_space<vmem>>
    %dma_start3A_43 = arith.constant 0 : i32
    %dma_start3A_44 = arith.constant 0 : i32
    %dma_start3A_45 = tpu.memref_slice %arg14[%dma_start3A_43, %dma_start3A_44] : memref<10000x128xf32, #tpu.memory_space<vmem_shared>> -> memref<10000x128xf32, #tpu.memory_space<vmem_shared>>
    tpu.enqueue_indirect_dma source(%arg11 : memref<40x128xf32, #tpu.memory_space<vmem>>) target(%dma_start3A_45 : memref<10000x128xf32, #tpu.memory_space<vmem_shared>>) offsets(%dma_start3A_42 : memref<40xi32, #tpu.memory_space<vmem>>) semaphore(%arg20 : memref<!tpu.dma_semaphore, #tpu.memory_space<semaphore_mem>>) {add = true}
    %dma_wait3A_46 = arith.constant 0 : i32
    %dma_wait3A_47 = arith.constant 0 : i32
    %dma_wait3A_48 = tpu.memref_slice %arg2[%dma_wait3A_46, %dma_wait3A_47] : memref<10000x128xf32, #tpu.memory_space<hbm>> -> memref<40x128xf32, #tpu.memory_space<hbm>>
    %dma_wait3A_49 = arith.constant 0 : i32
    %dma_wait3A_50 = arith.constant 0 : i32
    %dma_wait3A_51 = tpu.memref_slice %arg2[%dma_wait3A_49, %dma_wait3A_50] : memref<10000x128xf32, #tpu.memory_space<hbm>> -> memref<40x128xf32, #tpu.memory_space<hbm>>
    tpu.wait_dma2 semaphore(%arg21 : memref<!tpu.dma_semaphore, #tpu.memory_space<semaphore_mem>>) src(%dma_wait3A_51 : memref<40x128xf32, #tpu.memory_space<hbm>>) dst(%arg12 : memref<40x128xf32, #tpu.memory_space<vmem>>)
    %dma_wait3A_52 = arith.constant 0 : i32
    %dma_wait3A_53 = arith.constant 0 : i32
    %dma_wait3A_54 = tpu.memref_slice %arg2[%dma_wait3A_52, %dma_wait3A_53] : memref<10000x128xf32, #tpu.memory_space<hbm>> -> memref<40x128xf32, #tpu.memory_space<hbm>>
    %dma_wait3A_55 = arith.constant 0 : i32
    %dma_wait3A_56 = arith.constant 0 : i32
    %dma_wait3A_57 = tpu.memref_slice %arg2[%dma_wait3A_55, %dma_wait3A_56] : memref<10000x128xf32, #tpu.memory_space<hbm>> -> memref<40x128xf32, #tpu.memory_space<hbm>>
    tpu.wait_dma2 semaphore(%arg22 : memref<!tpu.dma_semaphore, #tpu.memory_space<semaphore_mem>>) src(%dma_wait3A_57 : memref<40x128xf32, #tpu.memory_space<hbm>>) dst(%arg13 : memref<40x128xf32, #tpu.memory_space<vmem>>)
    %dma_wait3A_58 = arith.constant 0 : i32
    %dma_wait3A_59 = arith.constant 0 : i32
    %dma_wait3A_60 = tpu.memref_slice %arg2[%dma_wait3A_58, %dma_wait3A_59] : memref<10000x128xf32, #tpu.memory_space<hbm>> -> memref<40x128xf32, #tpu.memory_space<hbm>>
    %dma_wait3A_61 = arith.constant 0 : i32
    %dma_wait3A_62 = arith.constant 0 : i32
    %dma_wait3A_63 = tpu.memref_slice %arg2[%dma_wait3A_61, %dma_wait3A_62] : memref<10000x128xf32, #tpu.memory_space<hbm>> -> memref<40x128xf32, #tpu.memory_space<hbm>>
    tpu.wait_dma2 semaphore(%arg19 : memref<!tpu.dma_semaphore, #tpu.memory_space<semaphore_mem>>) src(%dma_wait3A_63 : memref<40x128xf32, #tpu.memory_space<hbm>>) dst(%arg10 : memref<40x128xf32, #tpu.memory_space<vmem>>)
    %dma_wait3A_64 = arith.constant 0 : i32
    %dma_wait3A_65 = arith.constant 0 : i32
    %dma_wait3A_66 = tpu.memref_slice %arg2[%dma_wait3A_64, %dma_wait3A_65] : memref<10000x128xf32, #tpu.memory_space<hbm>> -> memref<40x128xf32, #tpu.memory_space<hbm>>
    %dma_wait3A_67 = arith.constant 0 : i32
    %dma_wait3A_68 = arith.constant 0 : i32
    %dma_wait3A_69 = tpu.memref_slice %arg2[%dma_wait3A_67, %dma_wait3A_68] : memref<10000x128xf32, #tpu.memory_space<hbm>> -> memref<40x128xf32, #tpu.memory_space<hbm>>
    tpu.wait_dma2 semaphore(%arg20 : memref<!tpu.dma_semaphore, #tpu.memory_space<semaphore_mem>>) src(%dma_wait3A_69 : memref<40x128xf32, #tpu.memory_space<hbm>>) dst(%arg11 : memref<40x128xf32, #tpu.memory_space<vmem>>)
    %barrier3A_70 = arith.constant 0 : index
    tpu.barrier barrier_id(%barrier3A_70)
    %eq3A_71 = arith.constant 0 : i32
    %eq3A_72 = arith.cmpi eq, %arg0, %eq3A_71 : i32
    %convert_element_type3A_73 = arith.extui %eq3A_72 : i1 to i32
    %cond3A_74 = arith.constant 0 : i32
    %cond3A_75 = arith.cmpi ne, %convert_element_type3A_73, %cond3A_74 : i32
    scf.if %cond3A_75 {
      "tpu.region"() ({
        %run_scoped3A = tpu.sem_alloc : memref<!tpu.dma_semaphore, #tpu.memory_space<semaphore_mem>>
        %dma_start3A_81 = arith.constant 0 : i32
        %dma_start3A_82 = tpu.memref_slice %arg6[%mul3A_2, %dma_start3A_81] : memref<10000x128xf32, #tpu.memory_space<hbm>> -> memref<625x128xf32, #tpu.memory_space<hbm>>
        %dma_start3A_83 = arith.constant 0 : i32
        %dma_start3A_84 = tpu.memref_slice %arg14[%mul3A_2, %dma_start3A_83] : memref<10000x128xf32, #tpu.memory_space<vmem_shared>> -> memref<625x128xf32, #tpu.memory_space<vmem_shared>>
        tpu.enqueue_dma source(%dma_start3A_84 : memref<625x128xf32, #tpu.memory_space<vmem_shared>>) target(%dma_start3A_82 : memref<625x128xf32, #tpu.memory_space<hbm>>) target_semaphore(%run_scoped3A : memref<!tpu.dma_semaphore, #tpu.memory_space<semaphore_mem>>)
        %dma_wait3A_85 = arith.constant 0 : i32
        %dma_wait3A_86 = tpu.memref_slice %arg6[%mul3A_2, %dma_wait3A_85] : memref<10000x128xf32, #tpu.memory_space<hbm>> -> memref<625x128xf32, #tpu.memory_space<hbm>>
        %dma_wait3A_87 = arith.constant 0 : i32
        %dma_wait3A_88 = tpu.memref_slice %arg14[%mul3A_2, %dma_wait3A_87] : memref<10000x128xf32, #tpu.memory_space<vmem_shared>> -> memref<625x128xf32, #tpu.memory_space<vmem_shared>>
        tpu.wait_dma2 semaphore(%run_scoped3A : memref<!tpu.dma_semaphore, #tpu.memory_space<semaphore_mem>>) src(%dma_wait3A_88 : memref<625x128xf32, #tpu.memory_space<vmem_shared>>) dst(%dma_wait3A_86 : memref<625x128xf32, #tpu.memory_space<hbm>>)
        tpu.yield
      }) : () -> ()
    } else {
    }
    %eq3A_76 = arith.constant 1 : i32
    %eq3A_77 = arith.cmpi eq, %arg0, %eq3A_76 : i32
    %convert_element_type3A_78 = arith.extui %eq3A_77 : i1 to i32
    %cond3A_79 = arith.constant 0 : i32
    %cond3A_80 = arith.cmpi ne, %convert_element_type3A_78, %cond3A_79 : i32
    scf.if %cond3A_80 {
      "tpu.region"() ({
        %run_scoped3A = tpu.sem_alloc : memref<!tpu.dma_semaphore, #tpu.memory_space<semaphore_mem>>
        %dma_start3A_81 = arith.constant 0 : i32
        %dma_start3A_82 = tpu.memref_slice %arg7[%mul3A_2, %dma_start3A_81] : memref<10000x128xf32, #tpu.memory_space<hbm>> -> memref<625x128xf32, #tpu.memory_space<hbm>>
        %dma_start3A_83 = arith.constant 0 : i32
        %dma_start3A_84 = tpu.memref_slice %arg14[%mul3A_2, %dma_start3A_83] : memref<10000x128xf32, #tpu.memory_space<vmem_shared>> -> memref<625x128xf32, #tpu.memory_space<vmem_shared>>
        tpu.enqueue_dma source(%dma_start3A_84 : memref<625x128xf32, #tpu.memory_space<vmem_shared>>) target(%dma_start3A_82 : memref<625x128xf32, #tpu.memory_space<hbm>>) target_semaphore(%run_scoped3A : memref<!tpu.dma_semaphore, #tpu.memory_space<semaphore_mem>>)
        %dma_wait3A_85 = arith.constant 0 : i32
        %dma_wait3A_86 = tpu.memref_slice %arg7[%mul3A_2, %dma_wait3A_85] : memref<10000x128xf32, #tpu.memory_space<hbm>> -> memref<625x128xf32, #tpu.memory_space<hbm>>
        %dma_wait3A_87 = arith.constant 0 : i32
        %dma_wait3A_88 = tpu.memref_slice %arg14[%mul3A_2, %dma_wait3A_87] : memref<10000x128xf32, #tpu.memory_space<vmem_shared>> -> memref<625x128xf32, #tpu.memory_space<vmem_shared>>
        tpu.wait_dma2 semaphore(%run_scoped3A : memref<!tpu.dma_semaphore, #tpu.memory_space<semaphore_mem>>) src(%dma_wait3A_88 : memref<625x128xf32, #tpu.memory_space<vmem_shared>>) dst(%dma_wait3A_86 : memref<625x128xf32, #tpu.memory_space<hbm>>)
        tpu.yield
      }) : () -> ()
    } else {
    }
    return
  }
}

#map = affine_map<(d0, d1) -> (0, 0)>
#map1 = affine_map<(d0, d1) -> (0)>
module attributes {stable_mosaic.version = 14 : i64} {
  func.func @_agg_body(%arg0: i32, %arg1: i32, %arg2: memref<10000x128xf32, #tpu.memory_space<hbm>>, %arg3: memref<10000x128xf32, #tpu.memory_space<hbm>>, %arg4: memref<320000xi32, #tpu.memory_space<hbm>>, %arg5: memref<320000xi32, #tpu.memory_space<hbm>>, %arg6: memref<10000x128xf32, #tpu.memory_space<hbm>>, %arg7: memref<10000x128xf32, #tpu.memory_space<hbm>>, %arg8: memref<10000xi32, #tpu.memory_space<vmem>>, %arg9: memref<10000xi32, #tpu.memory_space<vmem>>, %arg10: memref<40x128xf32, #tpu.memory_space<vmem>>, %arg11: memref<40x128xf32, #tpu.memory_space<vmem>>, %arg12: memref<40x128xf32, #tpu.memory_space<vmem>>, %arg13: memref<40x128xf32, #tpu.memory_space<vmem>>, %arg14: memref<10000x128xf32, #tpu.memory_space<vmem_shared>>, %arg15: memref<!tpu.dma_semaphore, #tpu.memory_space<semaphore_mem>>, %arg16: memref<!tpu.dma_semaphore, #tpu.memory_space<semaphore_mem>>, %arg17: memref<!tpu.dma_semaphore, #tpu.memory_space<semaphore_mem>>, %arg18: memref<!tpu.dma_semaphore, #tpu.memory_space<semaphore_mem>>, %arg19: memref<!tpu.dma_semaphore, #tpu.memory_space<semaphore_mem>>, %arg20: memref<!tpu.dma_semaphore, #tpu.memory_space<semaphore_mem>>, %arg21: memref<!tpu.dma_semaphore, #tpu.memory_space<semaphore_mem>>, %arg22: memref<!tpu.dma_semaphore, #tpu.memory_space<semaphore_mem>>) attributes {dimension_semantics = [#tpu.dimension_semantics<core_parallel>, #tpu.dimension_semantics<subcore_parallel>], iteration_bounds = array<i64: 2, 16>, scalar_prefetch = 0 : i64, scratch_operands = 15 : i64, tpu.core_type = #tpu.core_type<sc_vector_subcore>, window_params = [{transform_indices = #map}, {transform_indices = #map}, {transform_indices = #map1}, {transform_indices = #map1}, {transform_indices = #map}, {transform_indices = #map}]} {
    %mul3A = arith.constant 2 : i32
    %mul3A_0 = arith.muli %arg1, %mul3A : i32
    %add3A = arith.addi %mul3A_0, %arg0 : i32
    %mul3A_1 = arith.constant 625 : i32
    %mul3A_2 = arith.muli %arg1, %mul3A_1 : i32
    %eq3A = arith.constant 0 : i32
    %eq3A_3 = arith.cmpi eq, %arg0, %eq3A : i32
    %convert_element_type3A = arith.extui %eq3A_3 : i1 to i32
    %cond3A = arith.constant 0 : i32
    %cond3A_4 = arith.cmpi ne, %convert_element_type3A, %cond3A : i32
    scf.if %cond3A_4 {
      "tpu.region"() ({
        %run_scoped3A = tpu.sem_alloc : memref<!tpu.dma_semaphore, #tpu.memory_space<semaphore_mem>>
        %dma_start3A_81 = arith.constant 0 : i32
        %dma_start3A_82 = tpu.memref_slice %arg14[%mul3A_2, %dma_start3A_81] : memref<10000x128xf32, #tpu.memory_space<vmem_shared>> -> memref<625x128xf32, #tpu.memory_space<vmem_shared>>
        %dma_start3A_83 = arith.constant 0 : i32
        %dma_start3A_84 = tpu.memref_slice %arg2[%mul3A_2, %dma_start3A_83] : memref<10000x128xf32, #tpu.memory_space<hbm>> -> memref<625x128xf32, #tpu.memory_space<hbm>>
        tpu.enqueue_dma source(%dma_start3A_84 : memref<625x128xf32, #tpu.memory_space<hbm>>) target(%dma_start3A_82 : memref<625x128xf32, #tpu.memory_space<vmem_shared>>) target_semaphore(%run_scoped3A : memref<!tpu.dma_semaphore, #tpu.memory_space<semaphore_mem>>)
        %dma_wait3A_85 = arith.constant 0 : i32
        %dma_wait3A_86 = tpu.memref_slice %arg14[%mul3A_2, %dma_wait3A_85] : memref<10000x128xf32, #tpu.memory_space<vmem_shared>> -> memref<625x128xf32, #tpu.memory_space<vmem_shared>>
        %dma_wait3A_87 = arith.constant 0 : i32
        %dma_wait3A_88 = tpu.memref_slice %arg2[%mul3A_2, %dma_wait3A_87] : memref<10000x128xf32, #tpu.memory_space<hbm>> -> memref<625x128xf32, #tpu.memory_space<hbm>>
        tpu.wait_dma2 semaphore(%run_scoped3A : memref<!tpu.dma_semaphore, #tpu.memory_space<semaphore_mem>>) src(%dma_wait3A_88 : memref<625x128xf32, #tpu.memory_space<hbm>>) dst(%dma_wait3A_86 : memref<625x128xf32, #tpu.memory_space<vmem_shared>>)
        tpu.yield
      }) : () -> ()
    } else {
    }
    %eq3A_5 = arith.constant 1 : i32
    %eq3A_6 = arith.cmpi eq, %arg0, %eq3A_5 : i32
    %convert_element_type3A_7 = arith.extui %eq3A_6 : i1 to i32
    %cond3A_8 = arith.constant 0 : i32
    %cond3A_9 = arith.cmpi ne, %convert_element_type3A_7, %cond3A_8 : i32
    scf.if %cond3A_9 {
      "tpu.region"() ({
        %run_scoped3A = tpu.sem_alloc : memref<!tpu.dma_semaphore, #tpu.memory_space<semaphore_mem>>
        %dma_start3A_81 = arith.constant 0 : i32
        %dma_start3A_82 = tpu.memref_slice %arg14[%mul3A_2, %dma_start3A_81] : memref<10000x128xf32, #tpu.memory_space<vmem_shared>> -> memref<625x128xf32, #tpu.memory_space<vmem_shared>>
        %dma_start3A_83 = arith.constant 0 : i32
        %dma_start3A_84 = tpu.memref_slice %arg3[%mul3A_2, %dma_start3A_83] : memref<10000x128xf32, #tpu.memory_space<hbm>> -> memref<625x128xf32, #tpu.memory_space<hbm>>
        tpu.enqueue_dma source(%dma_start3A_84 : memref<625x128xf32, #tpu.memory_space<hbm>>) target(%dma_start3A_82 : memref<625x128xf32, #tpu.memory_space<vmem_shared>>) target_semaphore(%run_scoped3A : memref<!tpu.dma_semaphore, #tpu.memory_space<semaphore_mem>>)
        %dma_wait3A_85 = arith.constant 0 : i32
        %dma_wait3A_86 = tpu.memref_slice %arg14[%mul3A_2, %dma_wait3A_85] : memref<10000x128xf32, #tpu.memory_space<vmem_shared>> -> memref<625x128xf32, #tpu.memory_space<vmem_shared>>
        %dma_wait3A_87 = arith.constant 0 : i32
        %dma_wait3A_88 = tpu.memref_slice %arg3[%mul3A_2, %dma_wait3A_87] : memref<10000x128xf32, #tpu.memory_space<hbm>> -> memref<625x128xf32, #tpu.memory_space<hbm>>
        tpu.wait_dma2 semaphore(%run_scoped3A : memref<!tpu.dma_semaphore, #tpu.memory_space<semaphore_mem>>) src(%dma_wait3A_88 : memref<625x128xf32, #tpu.memory_space<hbm>>) dst(%dma_wait3A_86 : memref<625x128xf32, #tpu.memory_space<vmem_shared>>)
        tpu.yield
      }) : () -> ()
    } else {
    }
    %mul3A_10 = arith.constant 10000 : i32
    %mul3A_11 = arith.muli %add3A, %mul3A_10 : i32
    "tpu.region"() ({
      %run_scoped3A = tpu.sem_alloc : memref<!tpu.dma_semaphore, #tpu.memory_space<semaphore_mem>>
      %dma_start3A_81 = tpu.memref_slice %arg4[%mul3A_11] : memref<320000xi32, #tpu.memory_space<hbm>> -> memref<10000xi32, #tpu.memory_space<hbm>>
      %dma_start3A_82 = tpu.memref_slice %arg4[%mul3A_11] : memref<320000xi32, #tpu.memory_space<hbm>> -> memref<10000xi32, #tpu.memory_space<hbm>>
      tpu.enqueue_dma source(%dma_start3A_82 : memref<10000xi32, #tpu.memory_space<hbm>>) target(%arg8 : memref<10000xi32, #tpu.memory_space<vmem>>) target_semaphore(%run_scoped3A : memref<!tpu.dma_semaphore, #tpu.memory_space<semaphore_mem>>)
      %dma_wait3A_83 = tpu.memref_slice %arg4[%mul3A_11] : memref<320000xi32, #tpu.memory_space<hbm>> -> memref<10000xi32, #tpu.memory_space<hbm>>
      %dma_wait3A_84 = tpu.memref_slice %arg4[%mul3A_11] : memref<320000xi32, #tpu.memory_space<hbm>> -> memref<10000xi32, #tpu.memory_space<hbm>>
      tpu.wait_dma2 semaphore(%run_scoped3A : memref<!tpu.dma_semaphore, #tpu.memory_space<semaphore_mem>>) src(%dma_wait3A_84 : memref<10000xi32, #tpu.memory_space<hbm>>) dst(%arg8 : memref<10000xi32, #tpu.memory_space<vmem>>)
      tpu.yield
    }) : () -> ()
    "tpu.region"() ({
      %run_scoped3A = tpu.sem_alloc : memref<!tpu.dma_semaphore, #tpu.memory_space<semaphore_mem>>
      %dma_start3A_81 = tpu.memref_slice %arg5[%mul3A_11] : memref<320000xi32, #tpu.memory_space<hbm>> -> memref<10000xi32, #tpu.memory_space<hbm>>
      %dma_start3A_82 = tpu.memref_slice %arg5[%mul3A_11] : memref<320000xi32, #tpu.memory_space<hbm>> -> memref<10000xi32, #tpu.memory_space<hbm>>
      tpu.enqueue_dma source(%dma_start3A_82 : memref<10000xi32, #tpu.memory_space<hbm>>) target(%arg9 : memref<10000xi32, #tpu.memory_space<vmem>>) target_semaphore(%run_scoped3A : memref<!tpu.dma_semaphore, #tpu.memory_space<semaphore_mem>>)
      %dma_wait3A_83 = tpu.memref_slice %arg5[%mul3A_11] : memref<320000xi32, #tpu.memory_space<hbm>> -> memref<10000xi32, #tpu.memory_space<hbm>>
      %dma_wait3A_84 = tpu.memref_slice %arg5[%mul3A_11] : memref<320000xi32, #tpu.memory_space<hbm>> -> memref<10000xi32, #tpu.memory_space<hbm>>
      tpu.wait_dma2 semaphore(%run_scoped3A : memref<!tpu.dma_semaphore, #tpu.memory_space<semaphore_mem>>) src(%dma_wait3A_84 : memref<10000xi32, #tpu.memory_space<hbm>>) dst(%arg9 : memref<10000xi32, #tpu.memory_space<vmem>>)
      tpu.yield
    }) : () -> ()
    %barrier3A = arith.constant 0 : index
    tpu.barrier barrier_id(%barrier3A)
    %dma_start3A = arith.constant 0 : i32
    %dma_start3A_12 = tpu.memref_slice %arg8[%dma_start3A] : memref<10000xi32, #tpu.memory_space<vmem>> -> memref<40xi32, #tpu.memory_space<vmem>>
    %dma_start3A_13 = arith.constant 0 : i32
    %dma_start3A_14 = arith.constant 0 : i32
    %dma_start3A_15 = tpu.memref_slice %arg2[%dma_start3A_13, %dma_start3A_14] : memref<10000x128xf32, #tpu.memory_space<hbm>> -> memref<10000x128xf32, #tpu.memory_space<hbm>>
    tpu.enqueue_indirect_dma source(%dma_start3A_15 : memref<10000x128xf32, #tpu.memory_space<hbm>>) target(%arg10 : memref<40x128xf32, #tpu.memory_space<vmem>>) offsets(%dma_start3A_12 : memref<40xi32, #tpu.memory_space<vmem>>) semaphore(%arg15 : memref<!tpu.dma_semaphore, #tpu.memory_space<semaphore_mem>>)
    %dma_start3A_16 = arith.constant 40 : i32
    %dma_start3A_17 = tpu.memref_slice %arg8[%dma_start3A_16] : memref<10000xi32, #tpu.memory_space<vmem>> -> memref<40xi32, #tpu.memory_space<vmem>>
    %dma_start3A_18 = arith.constant 0 : i32
    %dma_start3A_19 = arith.constant 0 : i32
    %dma_start3A_20 = tpu.memref_slice %arg2[%dma_start3A_18, %dma_start3A_19] : memref<10000x128xf32, #tpu.memory_space<hbm>> -> memref<10000x128xf32, #tpu.memory_space<hbm>>
    tpu.enqueue_indirect_dma source(%dma_start3A_20 : memref<10000x128xf32, #tpu.memory_space<hbm>>) target(%arg11 : memref<40x128xf32, #tpu.memory_space<vmem>>) offsets(%dma_start3A_17 : memref<40xi32, #tpu.memory_space<vmem>>) semaphore(%arg16 : memref<!tpu.dma_semaphore, #tpu.memory_space<semaphore_mem>>)
    %scan3A = arith.constant 0 : i32
    %scan3A_21 = arith.constant 62 : i32
    %scan3A_22 = arith.addi %scan3A, %scan3A_21 : i32
    %scan3A_23 = arith.constant 1 : i32
    scf.for %scan3A_81 = %scan3A to %scan3A_22 step %scan3A_23  : i32 {
      %mul3A_82 = arith.constant 1 : i32
      %mul3A_83 = arith.muli %scan3A_81, %mul3A_82 : i32
      %add3A_84 = arith.constant 0 : i32
      %add3A_85 = arith.addi %add3A_84, %mul3A_83 : i32
      %mul3A_86 = arith.constant 4 : i32
      %mul3A_87 = arith.muli %mul3A_86, %add3A_85 : i32
      %add3A_88 = arith.constant 0 : i32
      %add3A_89 = arith.addi %mul3A_87, %add3A_88 : i32
      %ge3A = arith.constant 2 : i32
      %ge3A_90 = arith.cmpi sge, %add3A_89, %ge3A : i32
      %convert_element_type3A_91 = arith.extui %ge3A_90 : i1 to i32
      %cond3A_92 = arith.constant 0 : i32
      %cond3A_93 = arith.cmpi ne, %convert_element_type3A_91, %cond3A_92 : i32
      scf.if %cond3A_93 {
        %dma_wait3A_206 = arith.constant 0 : i32
        %dma_wait3A_207 = arith.constant 0 : i32
        %dma_wait3A_208 = tpu.memref_slice %arg2[%dma_wait3A_206, %dma_wait3A_207] : memref<10000x128xf32, #tpu.memory_space<hbm>> -> memref<40x128xf32, #tpu.memory_space<hbm>>
        %dma_wait3A_209 = arith.constant 0 : i32
        %dma_wait3A_210 = arith.constant 0 : i32
        %dma_wait3A_211 = tpu.memref_slice %arg2[%dma_wait3A_209, %dma_wait3A_210] : memref<10000x128xf32, #tpu.memory_space<hbm>> -> memref<40x128xf32, #tpu.memory_space<hbm>>
        tpu.wait_dma2 semaphore(%arg21 : memref<!tpu.dma_semaphore, #tpu.memory_space<semaphore_mem>>) src(%dma_wait3A_211 : memref<40x128xf32, #tpu.memory_space<hbm>>) dst(%arg12 : memref<40x128xf32, #tpu.memory_space<vmem>>)
      } else {
      }
      %add3A_94 = arith.constant 2 : i32
      %add3A_95 = arith.addi %add3A_89, %add3A_94 : i32
      %lt3A = arith.constant 250 : i32
      %lt3A_96 = arith.cmpi slt, %add3A_95, %lt3A : i32
      %add3A_97 = arith.constant 2 : i32
      %add3A_98 = arith.addi %add3A_89, %add3A_97 : i32
      %convert_element_type3A_99 = arith.extui %lt3A_96 : i1 to i32
      %cond3A_100 = arith.constant 0 : i32
      %cond3A_101 = arith.cmpi ne, %convert_element_type3A_99, %cond3A_100 : i32
      scf.if %cond3A_101 {
        %mul3A_206 = arith.constant 40 : i32
        %mul3A_207 = arith.muli %add3A_98, %mul3A_206 : i32
        %dma_start3A_208 = tpu.memref_slice %arg8[%mul3A_207] : memref<10000xi32, #tpu.memory_space<vmem>> -> memref<40xi32, #tpu.memory_space<vmem>>
        %dma_start3A_209 = arith.constant 0 : i32
        %dma_start3A_210 = arith.constant 0 : i32
        %dma_start3A_211 = tpu.memref_slice %arg2[%dma_start3A_209, %dma_start3A_210] : memref<10000x128xf32, #tpu.memory_space<hbm>> -> memref<10000x128xf32, #tpu.memory_space<hbm>>
        tpu.enqueue_indirect_dma source(%dma_start3A_211 : memref<10000x128xf32, #tpu.memory_space<hbm>>) target(%arg12 : memref<40x128xf32, #tpu.memory_space<vmem>>) offsets(%dma_start3A_208 : memref<40xi32, #tpu.memory_space<vmem>>) semaphore(%arg17 : memref<!tpu.dma_semaphore, #tpu.memory_space<semaphore_mem>>)
      } else {
      }
      %dma_wait3A_102 = arith.constant 0 : i32
      %dma_wait3A_103 = arith.constant 0 : i32
      %dma_wait3A_104 = tpu.memref_slice %arg2[%dma_wait3A_102, %dma_wait3A_103] : memref<10000x128xf32, #tpu.memory_space<hbm>> -> memref<40x128xf32, #tpu.memory_space<hbm>>
      %dma_wait3A_105 = arith.constant 0 : i32
      %dma_wait3A_106 = arith.constant 0 : i32
      %dma_wait3A_107 = tpu.memref_slice %arg2[%dma_wait3A_105, %dma_wait3A_106] : memref<10000x128xf32, #tpu.memory_space<hbm>> -> memref<40x128xf32, #tpu.memory_space<hbm>>
      tpu.wait_dma2 semaphore(%arg15 : memref<!tpu.dma_semaphore, #tpu.memory_space<semaphore_mem>>) src(%dma_wait3A_107 : memref<40x128xf32, #tpu.memory_space<hbm>>) dst(%arg10 : memref<40x128xf32, #tpu.memory_space<vmem>>)
      %mul3A_108 = arith.constant 40 : i32
      %mul3A_109 = arith.muli %add3A_89, %mul3A_108 : i32
      %dma_start3A_110 = tpu.memref_slice %arg9[%mul3A_109] : memref<10000xi32, #tpu.memory_space<vmem>> -> memref<40xi32, #tpu.memory_space<vmem>>
      %dma_start3A_111 = arith.constant 0 : i32
      %dma_start3A_112 = arith.constant 0 : i32
      %dma_start3A_113 = tpu.memref_slice %arg14[%dma_start3A_111, %dma_start3A_112] : memref<10000x128xf32, #tpu.memory_space<vmem_shared>> -> memref<10000x128xf32, #tpu.memory_space<vmem_shared>>
      tpu.enqueue_indirect_dma source(%arg10 : memref<40x128xf32, #tpu.memory_space<vmem>>) target(%dma_start3A_113 : memref<10000x128xf32, #tpu.memory_space<vmem_shared>>) offsets(%dma_start3A_110 : memref<40xi32, #tpu.memory_space<vmem>>) semaphore(%arg19 : memref<!tpu.dma_semaphore, #tpu.memory_space<semaphore_mem>>) {add = true}
      %mul3A_114 = arith.constant 4 : i32
      %mul3A_115 = arith.muli %mul3A_114, %add3A_85 : i32
      %add3A_116 = arith.constant 1 : i32
      %add3A_117 = arith.addi %mul3A_115, %add3A_116 : i32
      %ge3A_118 = arith.constant 2 : i32
      %ge3A_119 = arith.cmpi sge, %add3A_117, %ge3A_118 : i32
      %convert_element_type3A_120 = arith.extui %ge3A_119 : i1 to i32
      %cond3A_121 = arith.constant 0 : i32
      %cond3A_122 = arith.cmpi ne, %convert_element_type3A_120, %cond3A_121 : i32
      scf.if %cond3A_122 {
        %dma_wait3A_206 = arith.constant 0 : i32
        %dma_wait3A_207 = arith.constant 0 : i32
        %dma_wait3A_208 = tpu.memref_slice %arg2[%dma_wait3A_206, %dma_wait3A_207] : memref<10000x128xf32, #tpu.memory_space<hbm>> -> memref<40x128xf32, #tpu.memory_space<hbm>>
        %dma_wait3A_209 = arith.constant 0 : i32
        %dma_wait3A_210 = arith.constant 0 : i32
        %dma_wait3A_211 = tpu.memref_slice %arg2[%dma_wait3A_209, %dma_wait3A_210] : memref<10000x128xf32, #tpu.memory_space<hbm>> -> memref<40x128xf32, #tpu.memory_space<hbm>>
        tpu.wait_dma2 semaphore(%arg22 : memref<!tpu.dma_semaphore, #tpu.memory_space<semaphore_mem>>) src(%dma_wait3A_211 : memref<40x128xf32, #tpu.memory_space<hbm>>) dst(%arg13 : memref<40x128xf32, #tpu.memory_space<vmem>>)
      } else {
      }
      %add3A_123 = arith.constant 2 : i32
      %add3A_124 = arith.addi %add3A_117, %add3A_123 : i32
      %lt3A_125 = arith.constant 250 : i32
      %lt3A_126 = arith.cmpi slt, %add3A_124, %lt3A_125 : i32
      %add3A_127 = arith.constant 2 : i32
      %add3A_128 = arith.addi %add3A_117, %add3A_127 : i32
      %convert_element_type3A_129 = arith.extui %lt3A_126 : i1 to i32
      %cond3A_130 = arith.constant 0 : i32
      %cond3A_131 = arith.cmpi ne, %convert_element_type3A_129, %cond3A_130 : i32
      scf.if %cond3A_131 {
        %mul3A_206 = arith.constant 40 : i32
        %mul3A_207 = arith.muli %add3A_128, %mul3A_206 : i32
        %dma_start3A_208 = tpu.memref_slice %arg8[%mul3A_207] : memref<10000xi32, #tpu.memory_space<vmem>> -> memref<40xi32, #tpu.memory_space<vmem>>
        %dma_start3A_209 = arith.constant 0 : i32
        %dma_start3A_210 = arith.constant 0 : i32
        %dma_start3A_211 = tpu.memref_slice %arg2[%dma_start3A_209, %dma_start3A_210] : memref<10000x128xf32, #tpu.memory_space<hbm>> -> memref<10000x128xf32, #tpu.memory_space<hbm>>
        tpu.enqueue_indirect_dma source(%dma_start3A_211 : memref<10000x128xf32, #tpu.memory_space<hbm>>) target(%arg13 : memref<40x128xf32, #tpu.memory_space<vmem>>) offsets(%dma_start3A_208 : memref<40xi32, #tpu.memory_space<vmem>>) semaphore(%arg18 : memref<!tpu.dma_semaphore, #tpu.memory_space<semaphore_mem>>)
      } else {
      }
      %dma_wait3A_132 = arith.constant 0 : i32
      %dma_wait3A_133 = arith.constant 0 : i32
      %dma_wait3A_134 = tpu.memref_slice %arg2[%dma_wait3A_132, %dma_wait3A_133] : memref<10000x128xf32, #tpu.memory_space<hbm>> -> memref<40x128xf32, #tpu.memory_space<hbm>>
      %dma_wait3A_135 = arith.constant 0 : i32
      %dma_wait3A_136 = arith.constant 0 : i32
      %dma_wait3A_137 = tpu.memref_slice %arg2[%dma_wait3A_135, %dma_wait3A_136] : memref<10000x128xf32, #tpu.memory_space<hbm>> -> memref<40x128xf32, #tpu.memory_space<hbm>>
      tpu.wait_dma2 semaphore(%arg16 : memref<!tpu.dma_semaphore, #tpu.memory_space<semaphore_mem>>) src(%dma_wait3A_137 : memref<40x128xf32, #tpu.memory_space<hbm>>) dst(%arg11 : memref<40x128xf32, #tpu.memory_space<vmem>>)
      %mul3A_138 = arith.constant 40 : i32
      %mul3A_139 = arith.muli %add3A_117, %mul3A_138 : i32
      %dma_start3A_140 = tpu.memref_slice %arg9[%mul3A_139] : memref<10000xi32, #tpu.memory_space<vmem>> -> memref<40xi32, #tpu.memory_space<vmem>>
      %dma_start3A_141 = arith.constant 0 : i32
      %dma_start3A_142 = arith.constant 0 : i32
      %dma_start3A_143 = tpu.memref_slice %arg14[%dma_start3A_141, %dma_start3A_142] : memref<10000x128xf32, #tpu.memory_space<vmem_shared>> -> memref<10000x128xf32, #tpu.memory_space<vmem_shared>>
      tpu.enqueue_indirect_dma source(%arg11 : memref<40x128xf32, #tpu.memory_space<vmem>>) target(%dma_start3A_143 : memref<10000x128xf32, #tpu.memory_space<vmem_shared>>) offsets(%dma_start3A_140 : memref<40xi32, #tpu.memory_space<vmem>>) semaphore(%arg20 : memref<!tpu.dma_semaphore, #tpu.memory_space<semaphore_mem>>) {add = true}
      %mul3A_144 = arith.constant 4 : i32
      %mul3A_145 = arith.muli %mul3A_144, %add3A_85 : i32
      %add3A_146 = arith.constant 2 : i32
      %add3A_147 = arith.addi %mul3A_145, %add3A_146 : i32
      %dma_wait3A_148 = arith.constant 0 : i32
      %dma_wait3A_149 = arith.constant 0 : i32
      %dma_wait3A_150 = tpu.memref_slice %arg2[%dma_wait3A_148, %dma_wait3A_149] : memref<10000x128xf32, #tpu.memory_space<hbm>> -> memref<40x128xf32, #tpu.memory_space<hbm>>
      %dma_wait3A_151 = arith.constant 0 : i32
      %dma_wait3A_152 = arith.constant 0 : i32
      %dma_wait3A_153 = tpu.memref_slice %arg2[%dma_wait3A_151, %dma_wait3A_152] : memref<10000x128xf32, #tpu.memory_space<hbm>> -> memref<40x128xf32, #tpu.memory_space<hbm>>
      tpu.wait_dma2 semaphore(%arg19 : memref<!tpu.dma_semaphore, #tpu.memory_space<semaphore_mem>>) src(%dma_wait3A_153 : memref<40x128xf32, #tpu.memory_space<hbm>>) dst(%arg10 : memref<40x128xf32, #tpu.memory_space<vmem>>)
      %add3A_154 = arith.constant 2 : i32
      %add3A_155 = arith.addi %add3A_147, %add3A_154 : i32
      %lt3A_156 = arith.constant 250 : i32
      %lt3A_157 = arith.cmpi slt, %add3A_155, %lt3A_156 : i32
      %add3A_158 = arith.constant 2 : i32
      %add3A_159 = arith.addi %add3A_147, %add3A_158 : i32
      %convert_element_type3A_160 = arith.extui %lt3A_157 : i1 to i32
      %cond3A_161 = arith.constant 0 : i32
      %cond3A_162 = arith.cmpi ne, %convert_element_type3A_160, %cond3A_161 : i32
      scf.if %cond3A_162 {
        %mul3A_206 = arith.constant 40 : i32
        %mul3A_207 = arith.muli %add3A_159, %mul3A_206 : i32
        %dma_start3A_208 = tpu.memref_slice %arg8[%mul3A_207] : memref<10000xi32, #tpu.memory_space<vmem>> -> memref<40xi32, #tpu.memory_space<vmem>>
        %dma_start3A_209 = arith.constant 0 : i32
        %dma_start3A_210 = arith.constant 0 : i32
        %dma_start3A_211 = tpu.memref_slice %arg2[%dma_start3A_209, %dma_start3A_210] : memref<10000x128xf32, #tpu.memory_space<hbm>> -> memref<10000x128xf32, #tpu.memory_space<hbm>>
        tpu.enqueue_indirect_dma source(%dma_start3A_211 : memref<10000x128xf32, #tpu.memory_space<hbm>>) target(%arg10 : memref<40x128xf32, #tpu.memory_space<vmem>>) offsets(%dma_start3A_208 : memref<40xi32, #tpu.memory_space<vmem>>) semaphore(%arg15 : memref<!tpu.dma_semaphore, #tpu.memory_space<semaphore_mem>>)
      } else {
      }
      %dma_wait3A_163 = arith.constant 0 : i32
      %dma_wait3A_164 = arith.constant 0 : i32
      %dma_wait3A_165 = tpu.memref_slice %arg2[%dma_wait3A_163, %dma_wait3A_164] : memref<10000x128xf32, #tpu.memory_space<hbm>> -> memref<40x128xf32, #tpu.memory_space<hbm>>
      %dma_wait3A_166 = arith.constant 0 : i32
      %dma_wait3A_167 = arith.constant 0 : i32
      %dma_wait3A_168 = tpu.memref_slice %arg2[%dma_wait3A_166, %dma_wait3A_167] : memref<10000x128xf32, #tpu.memory_space<hbm>> -> memref<40x128xf32, #tpu.memory_space<hbm>>
      tpu.wait_dma2 semaphore(%arg17 : memref<!tpu.dma_semaphore, #tpu.memory_space<semaphore_mem>>) src(%dma_wait3A_168 : memref<40x128xf32, #tpu.memory_space<hbm>>) dst(%arg12 : memref<40x128xf32, #tpu.memory_space<vmem>>)
      %mul3A_169 = arith.constant 40 : i32
      %mul3A_170 = arith.muli %add3A_147, %mul3A_169 : i32
      %dma_start3A_171 = tpu.memref_slice %arg9[%mul3A_170] : memref<10000xi32, #tpu.memory_space<vmem>> -> memref<40xi32, #tpu.memory_space<vmem>>
      %dma_start3A_172 = arith.constant 0 : i32
      %dma_start3A_173 = arith.constant 0 : i32
      %dma_start3A_174 = tpu.memref_slice %arg14[%dma_start3A_172, %dma_start3A_173] : memref<10000x128xf32, #tpu.memory_space<vmem_shared>> -> memref<10000x128xf32, #tpu.memory_space<vmem_shared>>
      tpu.enqueue_indirect_dma source(%arg12 : memref<40x128xf32, #tpu.memory_space<vmem>>) target(%dma_start3A_174 : memref<10000x128xf32, #tpu.memory_space<vmem_shared>>) offsets(%dma_start3A_171 : memref<40xi32, #tpu.memory_space<vmem>>) semaphore(%arg21 : memref<!tpu.dma_semaphore, #tpu.memory_space<semaphore_mem>>) {add = true}
      %mul3A_175 = arith.constant 4 : i32
      %mul3A_176 = arith.muli %mul3A_175, %add3A_85 : i32
      %add3A_177 = arith.constant 3 : i32
      %add3A_178 = arith.addi %mul3A_176, %add3A_177 : i32
      %dma_wait3A_179 = arith.constant 0 : i32
      %dma_wait3A_180 = arith.constant 0 : i32
      %dma_wait3A_181 = tpu.memref_slice %arg2[%dma_wait3A_179, %dma_wait3A_180] : memref<10000x128xf32, #tpu.memory_space<hbm>> -> memref<40x128xf32, #tpu.memory_space<hbm>>
      %dma_wait3A_182 = arith.constant 0 : i32
      %dma_wait3A_183 = arith.constant 0 : i32
      %dma_wait3A_184 = tpu.memref_slice %arg2[%dma_wait3A_182, %dma_wait3A_183] : memref<10000x128xf32, #tpu.memory_space<hbm>> -> memref<40x128xf32, #tpu.memory_space<hbm>>
      tpu.wait_dma2 semaphore(%arg20 : memref<!tpu.dma_semaphore, #tpu.memory_space<semaphore_mem>>) src(%dma_wait3A_184 : memref<40x128xf32, #tpu.memory_space<hbm>>) dst(%arg11 : memref<40x128xf32, #tpu.memory_space<vmem>>)
      %add3A_185 = arith.constant 2 : i32
      %add3A_186 = arith.addi %add3A_178, %add3A_185 : i32
      %lt3A_187 = arith.constant 250 : i32
      %lt3A_188 = arith.cmpi slt, %add3A_186, %lt3A_187 : i32
      %add3A_189 = arith.constant 2 : i32
      %add3A_190 = arith.addi %add3A_178, %add3A_189 : i32
      %convert_element_type3A_191 = arith.extui %lt3A_188 : i1 to i32
      %cond3A_192 = arith.constant 0 : i32
      %cond3A_193 = arith.cmpi ne, %convert_element_type3A_191, %cond3A_192 : i32
      scf.if %cond3A_193 {
        %mul3A_206 = arith.constant 40 : i32
        %mul3A_207 = arith.muli %add3A_190, %mul3A_206 : i32
        %dma_start3A_208 = tpu.memref_slice %arg8[%mul3A_207] : memref<10000xi32, #tpu.memory_space<vmem>> -> memref<40xi32, #tpu.memory_space<vmem>>
        %dma_start3A_209 = arith.constant 0 : i32
        %dma_start3A_210 = arith.constant 0 : i32
        %dma_start3A_211 = tpu.memref_slice %arg2[%dma_start3A_209, %dma_start3A_210] : memref<10000x128xf32, #tpu.memory_space<hbm>> -> memref<10000x128xf32, #tpu.memory_space<hbm>>
        tpu.enqueue_indirect_dma source(%dma_start3A_211 : memref<10000x128xf32, #tpu.memory_space<hbm>>) target(%arg11 : memref<40x128xf32, #tpu.memory_space<vmem>>) offsets(%dma_start3A_208 : memref<40xi32, #tpu.memory_space<vmem>>) semaphore(%arg16 : memref<!tpu.dma_semaphore, #tpu.memory_space<semaphore_mem>>)
      } else {
      }
      %dma_wait3A_194 = arith.constant 0 : i32
      %dma_wait3A_195 = arith.constant 0 : i32
      %dma_wait3A_196 = tpu.memref_slice %arg2[%dma_wait3A_194, %dma_wait3A_195] : memref<10000x128xf32, #tpu.memory_space<hbm>> -> memref<40x128xf32, #tpu.memory_space<hbm>>
      %dma_wait3A_197 = arith.constant 0 : i32
      %dma_wait3A_198 = arith.constant 0 : i32
      %dma_wait3A_199 = tpu.memref_slice %arg2[%dma_wait3A_197, %dma_wait3A_198] : memref<10000x128xf32, #tpu.memory_space<hbm>> -> memref<40x128xf32, #tpu.memory_space<hbm>>
      tpu.wait_dma2 semaphore(%arg18 : memref<!tpu.dma_semaphore, #tpu.memory_space<semaphore_mem>>) src(%dma_wait3A_199 : memref<40x128xf32, #tpu.memory_space<hbm>>) dst(%arg13 : memref<40x128xf32, #tpu.memory_space<vmem>>)
      %mul3A_200 = arith.constant 40 : i32
      %mul3A_201 = arith.muli %add3A_178, %mul3A_200 : i32
      %dma_start3A_202 = tpu.memref_slice %arg9[%mul3A_201] : memref<10000xi32, #tpu.memory_space<vmem>> -> memref<40xi32, #tpu.memory_space<vmem>>
      %dma_start3A_203 = arith.constant 0 : i32
      %dma_start3A_204 = arith.constant 0 : i32
      %dma_start3A_205 = tpu.memref_slice %arg14[%dma_start3A_203, %dma_start3A_204] : memref<10000x128xf32, #tpu.memory_space<vmem_shared>> -> memref<10000x128xf32, #tpu.memory_space<vmem_shared>>
      tpu.enqueue_indirect_dma source(%arg13 : memref<40x128xf32, #tpu.memory_space<vmem>>) target(%dma_start3A_205 : memref<10000x128xf32, #tpu.memory_space<vmem_shared>>) offsets(%dma_start3A_202 : memref<40xi32, #tpu.memory_space<vmem>>) semaphore(%arg22 : memref<!tpu.dma_semaphore, #tpu.memory_space<semaphore_mem>>) {add = true}
    }
    %scan3A_24 = arith.constant 62 : i32
    %dma_wait3A = arith.constant 0 : i32
    %dma_wait3A_25 = arith.constant 0 : i32
    %dma_wait3A_26 = tpu.memref_slice %arg2[%dma_wait3A, %dma_wait3A_25] : memref<10000x128xf32, #tpu.memory_space<hbm>> -> memref<40x128xf32, #tpu.memory_space<hbm>>
    %dma_wait3A_27 = arith.constant 0 : i32
    %dma_wait3A_28 = arith.constant 0 : i32
    %dma_wait3A_29 = tpu.memref_slice %arg2[%dma_wait3A_27, %dma_wait3A_28] : memref<10000x128xf32, #tpu.memory_space<hbm>> -> memref<40x128xf32, #tpu.memory_space<hbm>>
    tpu.wait_dma2 semaphore(%arg15 : memref<!tpu.dma_semaphore, #tpu.memory_space<semaphore_mem>>) src(%dma_wait3A_29 : memref<40x128xf32, #tpu.memory_space<hbm>>) dst(%arg10 : memref<40x128xf32, #tpu.memory_space<vmem>>)
    %dma_start3A_30 = arith.constant 9920 : i32
    %dma_start3A_31 = tpu.memref_slice %arg9[%dma_start3A_30] : memref<10000xi32, #tpu.memory_space<vmem>> -> memref<40xi32, #tpu.memory_space<vmem>>
    %dma_start3A_32 = arith.constant 0 : i32
    %dma_start3A_33 = arith.constant 0 : i32
    %dma_start3A_34 = tpu.memref_slice %arg14[%dma_start3A_32, %dma_start3A_33] : memref<10000x128xf32, #tpu.memory_space<vmem_shared>> -> memref<10000x128xf32, #tpu.memory_space<vmem_shared>>
    tpu.enqueue_indirect_dma source(%arg10 : memref<40x128xf32, #tpu.memory_space<vmem>>) target(%dma_start3A_34 : memref<10000x128xf32, #tpu.memory_space<vmem_shared>>) offsets(%dma_start3A_31 : memref<40xi32, #tpu.memory_space<vmem>>) semaphore(%arg19 : memref<!tpu.dma_semaphore, #tpu.memory_space<semaphore_mem>>) {add = true}
    %dma_wait3A_35 = arith.constant 0 : i32
    %dma_wait3A_36 = arith.constant 0 : i32
    %dma_wait3A_37 = tpu.memref_slice %arg2[%dma_wait3A_35, %dma_wait3A_36] : memref<10000x128xf32, #tpu.memory_space<hbm>> -> memref<40x128xf32, #tpu.memory_space<hbm>>
    %dma_wait3A_38 = arith.constant 0 : i32
    %dma_wait3A_39 = arith.constant 0 : i32
    %dma_wait3A_40 = tpu.memref_slice %arg2[%dma_wait3A_38, %dma_wait3A_39] : memref<10000x128xf32, #tpu.memory_space<hbm>> -> memref<40x128xf32, #tpu.memory_space<hbm>>
    tpu.wait_dma2 semaphore(%arg16 : memref<!tpu.dma_semaphore, #tpu.memory_space<semaphore_mem>>) src(%dma_wait3A_40 : memref<40x128xf32, #tpu.memory_space<hbm>>) dst(%arg11 : memref<40x128xf32, #tpu.memory_space<vmem>>)
    %dma_start3A_41 = arith.constant 9960 : i32
    %dma_start3A_42 = tpu.memref_slice %arg9[%dma_start3A_41] : memref<10000xi32, #tpu.memory_space<vmem>> -> memref<40xi32, #tpu.memory_space<vmem>>
    %dma_start3A_43 = arith.constant 0 : i32
    %dma_start3A_44 = arith.constant 0 : i32
    %dma_start3A_45 = tpu.memref_slice %arg14[%dma_start3A_43, %dma_start3A_44] : memref<10000x128xf32, #tpu.memory_space<vmem_shared>> -> memref<10000x128xf32, #tpu.memory_space<vmem_shared>>
    tpu.enqueue_indirect_dma source(%arg11 : memref<40x128xf32, #tpu.memory_space<vmem>>) target(%dma_start3A_45 : memref<10000x128xf32, #tpu.memory_space<vmem_shared>>) offsets(%dma_start3A_42 : memref<40xi32, #tpu.memory_space<vmem>>) semaphore(%arg20 : memref<!tpu.dma_semaphore, #tpu.memory_space<semaphore_mem>>) {add = true}
    %dma_wait3A_46 = arith.constant 0 : i32
    %dma_wait3A_47 = arith.constant 0 : i32
    %dma_wait3A_48 = tpu.memref_slice %arg2[%dma_wait3A_46, %dma_wait3A_47] : memref<10000x128xf32, #tpu.memory_space<hbm>> -> memref<40x128xf32, #tpu.memory_space<hbm>>
    %dma_wait3A_49 = arith.constant 0 : i32
    %dma_wait3A_50 = arith.constant 0 : i32
    %dma_wait3A_51 = tpu.memref_slice %arg2[%dma_wait3A_49, %dma_wait3A_50] : memref<10000x128xf32, #tpu.memory_space<hbm>> -> memref<40x128xf32, #tpu.memory_space<hbm>>
    tpu.wait_dma2 semaphore(%arg21 : memref<!tpu.dma_semaphore, #tpu.memory_space<semaphore_mem>>) src(%dma_wait3A_51 : memref<40x128xf32, #tpu.memory_space<hbm>>) dst(%arg12 : memref<40x128xf32, #tpu.memory_space<vmem>>)
    %dma_wait3A_52 = arith.constant 0 : i32
    %dma_wait3A_53 = arith.constant 0 : i32
    %dma_wait3A_54 = tpu.memref_slice %arg2[%dma_wait3A_52, %dma_wait3A_53] : memref<10000x128xf32, #tpu.memory_space<hbm>> -> memref<40x128xf32, #tpu.memory_space<hbm>>
    %dma_wait3A_55 = arith.constant 0 : i32
    %dma_wait3A_56 = arith.constant 0 : i32
    %dma_wait3A_57 = tpu.memref_slice %arg2[%dma_wait3A_55, %dma_wait3A_56] : memref<10000x128xf32, #tpu.memory_space<hbm>> -> memref<40x128xf32, #tpu.memory_space<hbm>>
    tpu.wait_dma2 semaphore(%arg22 : memref<!tpu.dma_semaphore, #tpu.memory_space<semaphore_mem>>) src(%dma_wait3A_57 : memref<40x128xf32, #tpu.memory_space<hbm>>) dst(%arg13 : memref<40x128xf32, #tpu.memory_space<vmem>>)
    %dma_wait3A_58 = arith.constant 0 : i32
    %dma_wait3A_59 = arith.constant 0 : i32
    %dma_wait3A_60 = tpu.memref_slice %arg2[%dma_wait3A_58, %dma_wait3A_59] : memref<10000x128xf32, #tpu.memory_space<hbm>> -> memref<40x128xf32, #tpu.memory_space<hbm>>
    %dma_wait3A_61 = arith.constant 0 : i32
    %dma_wait3A_62 = arith.constant 0 : i32
    %dma_wait3A_63 = tpu.memref_slice %arg2[%dma_wait3A_61, %dma_wait3A_62] : memref<10000x128xf32, #tpu.memory_space<hbm>> -> memref<40x128xf32, #tpu.memory_space<hbm>>
    tpu.wait_dma2 semaphore(%arg19 : memref<!tpu.dma_semaphore, #tpu.memory_space<semaphore_mem>>) src(%dma_wait3A_63 : memref<40x128xf32, #tpu.memory_space<hbm>>) dst(%arg10 : memref<40x128xf32, #tpu.memory_space<vmem>>)
    %dma_wait3A_64 = arith.constant 0 : i32
    %dma_wait3A_65 = arith.constant 0 : i32
    %dma_wait3A_66 = tpu.memref_slice %arg2[%dma_wait3A_64, %dma_wait3A_65] : memref<10000x128xf32, #tpu.memory_space<hbm>> -> memref<40x128xf32, #tpu.memory_space<hbm>>
    %dma_wait3A_67 = arith.constant 0 : i32
    %dma_wait3A_68 = arith.constant 0 : i32
    %dma_wait3A_69 = tpu.memref_slice %arg2[%dma_wait3A_67, %dma_wait3A_68] : memref<10000x128xf32, #tpu.memory_space<hbm>> -> memref<40x128xf32, #tpu.memory_space<hbm>>
    tpu.wait_dma2 semaphore(%arg20 : memref<!tpu.dma_semaphore, #tpu.memory_space<semaphore_mem>>) src(%dma_wait3A_69 : memref<40x128xf32, #tpu.memory_space<hbm>>) dst(%arg11 : memref<40x128xf32, #tpu.memory_space<vmem>>)
    %barrier3A_70 = arith.constant 0 : index
    tpu.barrier barrier_id(%barrier3A_70)
    %eq3A_71 = arith.constant 0 : i32
    %eq3A_72 = arith.cmpi eq, %arg0, %eq3A_71 : i32
    %convert_element_type3A_73 = arith.extui %eq3A_72 : i1 to i32
    %cond3A_74 = arith.constant 0 : i32
    %cond3A_75 = arith.cmpi ne, %convert_element_type3A_73, %cond3A_74 : i32
    scf.if %cond3A_75 {
      "tpu.region"() ({
        %run_scoped3A = tpu.sem_alloc : memref<!tpu.dma_semaphore, #tpu.memory_space<semaphore_mem>>
        %dma_start3A_81 = arith.constant 0 : i32
        %dma_start3A_82 = tpu.memref_slice %arg6[%mul3A_2, %dma_start3A_81] : memref<10000x128xf32, #tpu.memory_space<hbm>> -> memref<625x128xf32, #tpu.memory_space<hbm>>
        %dma_start3A_83 = arith.constant 0 : i32
        %dma_start3A_84 = tpu.memref_slice %arg14[%mul3A_2, %dma_start3A_83] : memref<10000x128xf32, #tpu.memory_space<vmem_shared>> -> memref<625x128xf32, #tpu.memory_space<vmem_shared>>
        tpu.enqueue_dma source(%dma_start3A_84 : memref<625x128xf32, #tpu.memory_space<vmem_shared>>) target(%dma_start3A_82 : memref<625x128xf32, #tpu.memory_space<hbm>>) target_semaphore(%run_scoped3A : memref<!tpu.dma_semaphore, #tpu.memory_space<semaphore_mem>>)
        %dma_wait3A_85 = arith.constant 0 : i32
        %dma_wait3A_86 = tpu.memref_slice %arg6[%mul3A_2, %dma_wait3A_85] : memref<10000x128xf32, #tpu.memory_space<hbm>> -> memref<625x128xf32, #tpu.memory_space<hbm>>
        %dma_wait3A_87 = arith.constant 0 : i32
        %dma_wait3A_88 = tpu.memref_slice %arg14[%mul3A_2, %dma_wait3A_87] : memref<10000x128xf32, #tpu.memory_space<vmem_shared>> -> memref<625x128xf32, #tpu.memory_space<vmem_shared>>
        tpu.wait_dma2 semaphore(%run_scoped3A : memref<!tpu.dma_semaphore, #tpu.memory_space<semaphore_mem>>) src(%dma_wait3A_88 : memref<625x128xf32, #tpu.memory_space<vmem_shared>>) dst(%dma_wait3A_86 : memref<625x128xf32, #tpu.memory_space<hbm>>)
        tpu.yield
      }) : () -> ()
    } else {
    }
    %eq3A_76 = arith.constant 1 : i32
    %eq3A_77 = arith.cmpi eq, %arg0, %eq3A_76 : i32
    %convert_element_type3A_78 = arith.extui %eq3A_77 : i1 to i32
    %cond3A_79 = arith.constant 0 : i32
    %cond3A_80 = arith.cmpi ne, %convert_element_type3A_78, %cond3A_79 : i32
    scf.if %cond3A_80 {
      "tpu.region"() ({
        %run_scoped3A = tpu.sem_alloc : memref<!tpu.dma_semaphore, #tpu.memory_space<semaphore_mem>>
        %dma_start3A_81 = arith.constant 0 : i32
        %dma_start3A_82 = tpu.memref_slice %arg7[%mul3A_2, %dma_start3A_81] : memref<10000x128xf32, #tpu.memory_space<hbm>> -> memref<625x128xf32, #tpu.memory_space<hbm>>
        %dma_start3A_83 = arith.constant 0 : i32
        %dma_start3A_84 = tpu.memref_slice %arg14[%mul3A_2, %dma_start3A_83] : memref<10000x128xf32, #tpu.memory_space<vmem_shared>> -> memref<625x128xf32, #tpu.memory_space<vmem_shared>>
        tpu.enqueue_dma source(%dma_start3A_84 : memref<625x128xf32, #tpu.memory_space<vmem_shared>>) target(%dma_start3A_82 : memref<625x128xf32, #tpu.memory_space<hbm>>) target_semaphore(%run_scoped3A : memref<!tpu.dma_semaphore, #tpu.memory_space<semaphore_mem>>)
        %dma_wait3A_85 = arith.constant 0 : i32
        %dma_wait3A_86 = tpu.memref_slice %arg7[%mul3A_2, %dma_wait3A_85] : memref<10000x128xf32, #tpu.memory_space<hbm>> -> memref<625x128xf32, #tpu.memory_space<hbm>>
        %dma_wait3A_87 = arith.constant 0 : i32
        %dma_wait3A_88 = tpu.memref_slice %arg14[%mul3A_2, %dma_wait3A_87] : memref<10000x128xf32, #tpu.memory_space<vmem_shared>> -> memref<625x128xf32, #tpu.memory_space<vmem_shared>>
        tpu.wait_dma2 semaphore(%run_scoped3A : memref<!tpu.dma_semaphore, #tpu.memory_space<semaphore_mem>>) src(%dma_wait3A_88 : memref<625x128xf32, #tpu.memory_space<vmem_shared>>) dst(%dma_wait3A_86 : memref<625x128xf32, #tpu.memory_space<hbm>>)
        tpu.yield
      }) : () -> ()
    } else {
    }
    return
  }
}

#map = affine_map<(d0, d1) -> (0, 0)>
#map1 = affine_map<(d0, d1) -> (0)>
module attributes {stable_mosaic.version = 14 : i64} {
  func.func @_out_body(%arg0: i32, %arg1: i32, %arg2: memref<10000x16xf32, #tpu.memory_space<hbm>>, %arg3: memref<10000x16xf32, #tpu.memory_space<hbm>>, %arg4: memref<320000xi32, #tpu.memory_space<hbm>>, %arg5: memref<320000xi32, #tpu.memory_space<hbm>>, %arg6: memref<320000x16xf32, #tpu.memory_space<hbm>>, %arg7: memref<10000xi32, #tpu.memory_space<vmem>>, %arg8: memref<10000xi32, #tpu.memory_space<vmem>>, %arg9: memref<80x16xf32, #tpu.memory_space<vmem>>, %arg10: memref<80x16xf32, #tpu.memory_space<vmem>>, %arg11: memref<80x16xf32, #tpu.memory_space<vmem>>, %arg12: memref<80x16xf32, #tpu.memory_space<vmem>>, %arg13: memref<80x16xf32, #tpu.memory_space<vmem>>, %arg14: memref<80x16xf32, #tpu.memory_space<vmem>>, %arg15: memref<80x16xf32, #tpu.memory_space<vmem>>, %arg16: memref<80x16xf32, #tpu.memory_space<vmem>>, %arg17: memref<!tpu.dma_semaphore, #tpu.memory_space<semaphore_mem>>, %arg18: memref<!tpu.dma_semaphore, #tpu.memory_space<semaphore_mem>>, %arg19: memref<!tpu.dma_semaphore, #tpu.memory_space<semaphore_mem>>, %arg20: memref<!tpu.dma_semaphore, #tpu.memory_space<semaphore_mem>>, %arg21: memref<!tpu.dma_semaphore, #tpu.memory_space<semaphore_mem>>, %arg22: memref<!tpu.dma_semaphore, #tpu.memory_space<semaphore_mem>>, %arg23: memref<!tpu.dma_semaphore, #tpu.memory_space<semaphore_mem>>, %arg24: memref<!tpu.dma_semaphore, #tpu.memory_space<semaphore_mem>>) attributes {dimension_semantics = [#tpu.dimension_semantics<core_parallel>, #tpu.dimension_semantics<subcore_parallel>], iteration_bounds = array<i64: 2, 16>, scalar_prefetch = 0 : i64, scratch_operands = 18 : i64, tpu.core_type = #tpu.core_type<sc_vector_subcore>, window_params = [{transform_indices = #map}, {transform_indices = #map}, {transform_indices = #map1}, {transform_indices = #map1}, {transform_indices = #map}]} {
    %mul3A = arith.constant 2 : i32
    %mul3A_0 = arith.muli %arg1, %mul3A : i32
    %add3A = arith.addi %mul3A_0, %arg0 : i32
    %mul3A_1 = arith.constant 10000 : i32
    %mul3A_2 = arith.muli %add3A, %mul3A_1 : i32
    "tpu.region"() ({
      %run_scoped3A = tpu.sem_alloc : memref<!tpu.dma_semaphore, #tpu.memory_space<semaphore_mem>>
      %dma_start3A_70 = tpu.memref_slice %arg4[%mul3A_2] : memref<320000xi32, #tpu.memory_space<hbm>> -> memref<10000xi32, #tpu.memory_space<hbm>>
      %dma_start3A_71 = tpu.memref_slice %arg4[%mul3A_2] : memref<320000xi32, #tpu.memory_space<hbm>> -> memref<10000xi32, #tpu.memory_space<hbm>>
      tpu.enqueue_dma source(%dma_start3A_71 : memref<10000xi32, #tpu.memory_space<hbm>>) target(%arg7 : memref<10000xi32, #tpu.memory_space<vmem>>) target_semaphore(%run_scoped3A : memref<!tpu.dma_semaphore, #tpu.memory_space<semaphore_mem>>)
      %dma_wait3A_72 = tpu.memref_slice %arg4[%mul3A_2] : memref<320000xi32, #tpu.memory_space<hbm>> -> memref<10000xi32, #tpu.memory_space<hbm>>
      %dma_wait3A_73 = tpu.memref_slice %arg4[%mul3A_2] : memref<320000xi32, #tpu.memory_space<hbm>> -> memref<10000xi32, #tpu.memory_space<hbm>>
      tpu.wait_dma2 semaphore(%run_scoped3A : memref<!tpu.dma_semaphore, #tpu.memory_space<semaphore_mem>>) src(%dma_wait3A_73 : memref<10000xi32, #tpu.memory_space<hbm>>) dst(%arg7 : memref<10000xi32, #tpu.memory_space<vmem>>)
      tpu.yield
    }) : () -> ()
    "tpu.region"() ({
      %run_scoped3A = tpu.sem_alloc : memref<!tpu.dma_semaphore, #tpu.memory_space<semaphore_mem>>
      %dma_start3A_70 = tpu.memref_slice %arg5[%mul3A_2] : memref<320000xi32, #tpu.memory_space<hbm>> -> memref<10000xi32, #tpu.memory_space<hbm>>
      %dma_start3A_71 = tpu.memref_slice %arg5[%mul3A_2] : memref<320000xi32, #tpu.memory_space<hbm>> -> memref<10000xi32, #tpu.memory_space<hbm>>
      tpu.enqueue_dma source(%dma_start3A_71 : memref<10000xi32, #tpu.memory_space<hbm>>) target(%arg8 : memref<10000xi32, #tpu.memory_space<vmem>>) target_semaphore(%run_scoped3A : memref<!tpu.dma_semaphore, #tpu.memory_space<semaphore_mem>>)
      %dma_wait3A_72 = tpu.memref_slice %arg5[%mul3A_2] : memref<320000xi32, #tpu.memory_space<hbm>> -> memref<10000xi32, #tpu.memory_space<hbm>>
      %dma_wait3A_73 = tpu.memref_slice %arg5[%mul3A_2] : memref<320000xi32, #tpu.memory_space<hbm>> -> memref<10000xi32, #tpu.memory_space<hbm>>
      tpu.wait_dma2 semaphore(%run_scoped3A : memref<!tpu.dma_semaphore, #tpu.memory_space<semaphore_mem>>) src(%dma_wait3A_73 : memref<10000xi32, #tpu.memory_space<hbm>>) dst(%arg8 : memref<10000xi32, #tpu.memory_space<vmem>>)
      tpu.yield
    }) : () -> ()
    %dma_start3A = arith.constant 0 : i32
    %dma_start3A_3 = tpu.memref_slice %arg7[%dma_start3A] : memref<10000xi32, #tpu.memory_space<vmem>> -> memref<80xi32, #tpu.memory_space<vmem>>
    %dma_start3A_4 = arith.constant 0 : i32
    %dma_start3A_5 = arith.constant 0 : i32
    %dma_start3A_6 = tpu.memref_slice %arg2[%dma_start3A_4, %dma_start3A_5] : memref<10000x16xf32, #tpu.memory_space<hbm>> -> memref<10000x16xf32, #tpu.memory_space<hbm>>
    tpu.enqueue_indirect_dma source(%dma_start3A_6 : memref<10000x16xf32, #tpu.memory_space<hbm>>) target(%arg9 : memref<80x16xf32, #tpu.memory_space<vmem>>) offsets(%dma_start3A_3 : memref<80xi32, #tpu.memory_space<vmem>>) semaphore(%arg17 : memref<!tpu.dma_semaphore, #tpu.memory_space<semaphore_mem>>)
    %dma_start3A_7 = arith.constant 0 : i32
    %dma_start3A_8 = tpu.memref_slice %arg8[%dma_start3A_7] : memref<10000xi32, #tpu.memory_space<vmem>> -> memref<80xi32, #tpu.memory_space<vmem>>
    %dma_start3A_9 = arith.constant 0 : i32
    %dma_start3A_10 = arith.constant 0 : i32
    %dma_start3A_11 = tpu.memref_slice %arg3[%dma_start3A_9, %dma_start3A_10] : memref<10000x16xf32, #tpu.memory_space<hbm>> -> memref<10000x16xf32, #tpu.memory_space<hbm>>
    tpu.enqueue_indirect_dma source(%dma_start3A_11 : memref<10000x16xf32, #tpu.memory_space<hbm>>) target(%arg13 : memref<80x16xf32, #tpu.memory_space<vmem>>) offsets(%dma_start3A_8 : memref<80xi32, #tpu.memory_space<vmem>>) semaphore(%arg17 : memref<!tpu.dma_semaphore, #tpu.memory_space<semaphore_mem>>)
    %dma_start3A_12 = arith.constant 80 : i32
    %dma_start3A_13 = tpu.memref_slice %arg7[%dma_start3A_12] : memref<10000xi32, #tpu.memory_space<vmem>> -> memref<80xi32, #tpu.memory_space<vmem>>
    %dma_start3A_14 = arith.constant 0 : i32
    %dma_start3A_15 = arith.constant 0 : i32
    %dma_start3A_16 = tpu.memref_slice %arg2[%dma_start3A_14, %dma_start3A_15] : memref<10000x16xf32, #tpu.memory_space<hbm>> -> memref<10000x16xf32, #tpu.memory_space<hbm>>
    tpu.enqueue_indirect_dma source(%dma_start3A_16 : memref<10000x16xf32, #tpu.memory_space<hbm>>) target(%arg10 : memref<80x16xf32, #tpu.memory_space<vmem>>) offsets(%dma_start3A_13 : memref<80xi32, #tpu.memory_space<vmem>>) semaphore(%arg18 : memref<!tpu.dma_semaphore, #tpu.memory_space<semaphore_mem>>)
    %dma_start3A_17 = arith.constant 80 : i32
    %dma_start3A_18 = tpu.memref_slice %arg8[%dma_start3A_17] : memref<10000xi32, #tpu.memory_space<vmem>> -> memref<80xi32, #tpu.memory_space<vmem>>
    %dma_start3A_19 = arith.constant 0 : i32
    %dma_start3A_20 = arith.constant 0 : i32
    %dma_start3A_21 = tpu.memref_slice %arg3[%dma_start3A_19, %dma_start3A_20] : memref<10000x16xf32, #tpu.memory_space<hbm>> -> memref<10000x16xf32, #tpu.memory_space<hbm>>
    tpu.enqueue_indirect_dma source(%dma_start3A_21 : memref<10000x16xf32, #tpu.memory_space<hbm>>) target(%arg14 : memref<80x16xf32, #tpu.memory_space<vmem>>) offsets(%dma_start3A_18 : memref<80xi32, #tpu.memory_space<vmem>>) semaphore(%arg18 : memref<!tpu.dma_semaphore, #tpu.memory_space<semaphore_mem>>)
    %scan3A = arith.constant 0 : i32
    %scan3A_22 = arith.constant 31 : i32
    %scan3A_23 = arith.addi %scan3A, %scan3A_22 : i32
    %scan3A_24 = arith.constant 1 : i32
    scf.for %scan3A_70 = %scan3A to %scan3A_23 step %scan3A_24  : i32 {
      %mul3A_71 = arith.constant 1 : i32
      %mul3A_72 = arith.muli %scan3A_70, %mul3A_71 : i32
      %add3A_73 = arith.constant 0 : i32
      %add3A_74 = arith.addi %add3A_73, %mul3A_72 : i32
      %mul3A_75 = arith.constant 4 : i32
      %mul3A_76 = arith.muli %mul3A_75, %add3A_74 : i32
      %add3A_77 = arith.constant 0 : i32
      %add3A_78 = arith.addi %mul3A_76, %add3A_77 : i32
      %ge3A = arith.constant 2 : i32
      %ge3A_79 = arith.cmpi sge, %add3A_78, %ge3A : i32
      %convert_element_type3A = arith.extui %ge3A_79 : i1 to i32
      %cond3A = arith.constant 0 : i32
      %cond3A_80 = arith.cmpi ne, %convert_element_type3A, %cond3A : i32
      scf.if %cond3A_80 {
        %dma_wait3A_249 = arith.constant 0 : i32
        %dma_wait3A_250 = arith.constant 0 : i32
        %dma_wait3A_251 = tpu.memref_slice %arg2[%dma_wait3A_249, %dma_wait3A_250] : memref<10000x16xf32, #tpu.memory_space<hbm>> -> memref<80x16xf32, #tpu.memory_space<hbm>>
        %dma_wait3A_252 = arith.constant 0 : i32
        %dma_wait3A_253 = arith.constant 0 : i32
        %dma_wait3A_254 = tpu.memref_slice %arg2[%dma_wait3A_252, %dma_wait3A_253] : memref<10000x16xf32, #tpu.memory_space<hbm>> -> memref<80x16xf32, #tpu.memory_space<hbm>>
        tpu.wait_dma2 semaphore(%arg23 : memref<!tpu.dma_semaphore, #tpu.memory_space<semaphore_mem>>) src(%dma_wait3A_254 : memref<80x16xf32, #tpu.memory_space<hbm>>) dst(%arg11 : memref<80x16xf32, #tpu.memory_space<vmem>>)
      } else {
      }
      %add3A_81 = arith.constant 2 : i32
      %add3A_82 = arith.addi %add3A_78, %add3A_81 : i32
      %lt3A = arith.constant 125 : i32
      %lt3A_83 = arith.cmpi slt, %add3A_82, %lt3A : i32
      %add3A_84 = arith.constant 2 : i32
      %add3A_85 = arith.addi %add3A_78, %add3A_84 : i32
      %convert_element_type3A_86 = arith.extui %lt3A_83 : i1 to i32
      %cond3A_87 = arith.constant 0 : i32
      %cond3A_88 = arith.cmpi ne, %convert_element_type3A_86, %cond3A_87 : i32
      scf.if %cond3A_88 {
        %mul3A_249 = arith.constant 80 : i32
        %mul3A_250 = arith.muli %add3A_85, %mul3A_249 : i32
        %dma_start3A_251 = tpu.memref_slice %arg7[%mul3A_250] : memref<10000xi32, #tpu.memory_space<vmem>> -> memref<80xi32, #tpu.memory_space<vmem>>
        %dma_start3A_252 = arith.constant 0 : i32
        %dma_start3A_253 = arith.constant 0 : i32
        %dma_start3A_254 = tpu.memref_slice %arg2[%dma_start3A_252, %dma_start3A_253] : memref<10000x16xf32, #tpu.memory_space<hbm>> -> memref<10000x16xf32, #tpu.memory_space<hbm>>
        tpu.enqueue_indirect_dma source(%dma_start3A_254 : memref<10000x16xf32, #tpu.memory_space<hbm>>) target(%arg11 : memref<80x16xf32, #tpu.memory_space<vmem>>) offsets(%dma_start3A_251 : memref<80xi32, #tpu.memory_space<vmem>>) semaphore(%arg19 : memref<!tpu.dma_semaphore, #tpu.memory_space<semaphore_mem>>)
        %dma_start3A_255 = tpu.memref_slice %arg8[%mul3A_250] : memref<10000xi32, #tpu.memory_space<vmem>> -> memref<80xi32, #tpu.memory_space<vmem>>
        %dma_start3A_256 = arith.constant 0 : i32
        %dma_start3A_257 = arith.constant 0 : i32
        %dma_start3A_258 = tpu.memref_slice %arg3[%dma_start3A_256, %dma_start3A_257] : memref<10000x16xf32, #tpu.memory_space<hbm>> -> memref<10000x16xf32, #tpu.memory_space<hbm>>
        tpu.enqueue_indirect_dma source(%dma_start3A_258 : memref<10000x16xf32, #tpu.memory_space<hbm>>) target(%arg15 : memref<80x16xf32, #tpu.memory_space<vmem>>) offsets(%dma_start3A_255 : memref<80xi32, #tpu.memory_space<vmem>>) semaphore(%arg19 : memref<!tpu.dma_semaphore, #tpu.memory_space<semaphore_mem>>)
      } else {
      }
      %dma_wait3A_89 = arith.constant 0 : i32
      %dma_wait3A_90 = arith.constant 0 : i32
      %dma_wait3A_91 = tpu.memref_slice %arg2[%dma_wait3A_89, %dma_wait3A_90] : memref<10000x16xf32, #tpu.memory_space<hbm>> -> memref<80x16xf32, #tpu.memory_space<hbm>>
      %dma_wait3A_92 = arith.constant 0 : i32
      %dma_wait3A_93 = arith.constant 0 : i32
      %dma_wait3A_94 = tpu.memref_slice %arg2[%dma_wait3A_92, %dma_wait3A_93] : memref<10000x16xf32, #tpu.memory_space<hbm>> -> memref<80x16xf32, #tpu.memory_space<hbm>>
      tpu.wait_dma2 semaphore(%arg17 : memref<!tpu.dma_semaphore, #tpu.memory_space<semaphore_mem>>) src(%dma_wait3A_94 : memref<80x16xf32, #tpu.memory_space<hbm>>) dst(%arg9 : memref<80x16xf32, #tpu.memory_space<vmem>>)
      %dma_wait3A_95 = arith.constant 0 : i32
      %dma_wait3A_96 = arith.constant 0 : i32
      %dma_wait3A_97 = tpu.memref_slice %arg3[%dma_wait3A_95, %dma_wait3A_96] : memref<10000x16xf32, #tpu.memory_space<hbm>> -> memref<80x16xf32, #tpu.memory_space<hbm>>
      %dma_wait3A_98 = arith.constant 0 : i32
      %dma_wait3A_99 = arith.constant 0 : i32
      %dma_wait3A_100 = tpu.memref_slice %arg3[%dma_wait3A_98, %dma_wait3A_99] : memref<10000x16xf32, #tpu.memory_space<hbm>> -> memref<80x16xf32, #tpu.memory_space<hbm>>
      tpu.wait_dma2 semaphore(%arg17 : memref<!tpu.dma_semaphore, #tpu.memory_space<semaphore_mem>>) src(%dma_wait3A_100 : memref<80x16xf32, #tpu.memory_space<hbm>>) dst(%arg13 : memref<80x16xf32, #tpu.memory_space<vmem>>)
      %scan3A_101 = arith.constant 0 : i32
      %scan3A_102 = arith.constant 80 : i32
      %scan3A_103 = arith.addi %scan3A_101, %scan3A_102 : i32
      %scan3A_104 = arith.constant 8 : i32
      scf.for %scan3A_249 = %scan3A_101 to %scan3A_103 step %scan3A_104  : i32 {
        %mul3A_250 = arith.constant 1 : i32
        %mul3A_251 = arith.muli %scan3A_249, %mul3A_250 : i32
        %add3A_252 = arith.constant 0 : i32
        %add3A_253 = arith.addi %add3A_252, %mul3A_251 : i32
        %get3A = arith.index_cast %add3A_253 : i32 to index
        %get3A_254 = arith.constant 0 : index
        %get3A_255 = tpu.vector_load %arg9[%get3A, %get3A_254] {strides = array<i32>} : memref<80x16xf32, #tpu.memory_space<vmem>>, vector<1x16xf32>,
        %get3A_256 = vector.shape_cast %get3A_255 : vector<1x16xf32> to vector<16xf32>
        %get3A_257 = arith.index_cast %add3A_253 : i32 to index
        %get3A_258 = arith.constant 0 : index
        %get3A_259 = tpu.vector_load %arg13[%get3A_257, %get3A_258] {strides = array<i32>} : memref<80x16xf32, #tpu.memory_space<vmem>>, vector<1x16xf32>,
        %get3A_260 = vector.shape_cast %get3A_259 : vector<1x16xf32> to vector<16xf32>
        %add3A_261 = arith.addf %get3A_256, %get3A_260 : vector<16xf32>
        %swap3A = arith.index_cast %add3A_253 : i32 to index
        %swap3A_262 = arith.constant 0 : index
        %swap3A_263 = tpu.vector_load %arg9[%swap3A, %swap3A_262] {strides = array<i32>} : memref<80x16xf32, #tpu.memory_space<vmem>>, vector<1x16xf32>,
        %swap3A_264 = vector.shape_cast %swap3A_263 : vector<1x16xf32> to vector<16xf32>
        %swap3A_265 = vector.shape_cast %add3A_261 : vector<16xf32> to vector<1x16xf32>
        tpu.vector_store %arg9[%swap3A, %swap3A_262], %swap3A_265 {strides = array<i32>} : memref<80x16xf32, #tpu.memory_space<vmem>>, vector<1x16xf32>,
        %scan3A_266 = arith.constant 1 : i32
        %scan3A_267 = arith.addi %scan3A_249, %scan3A_266 : i32
        %mul3A_268 = arith.constant 1 : i32
        %mul3A_269 = arith.muli %scan3A_267, %mul3A_268 : i32
        %add3A_270 = arith.constant 0 : i32
        %add3A_271 = arith.addi %add3A_270, %mul3A_269 : i32
        %get3A_272 = arith.index_cast %add3A_271 : i32 to index
        %get3A_273 = arith.constant 0 : index
        %get3A_274 = tpu.vector_load %arg9[%get3A_272, %get3A_273] {strides = array<i32>} : memref<80x16xf32, #tpu.memory_space<vmem>>, vector<1x16xf32>,
        %get3A_275 = vector.shape_cast %get3A_274 : vector<1x16xf32> to vector<16xf32>
        %get3A_276 = arith.index_cast %add3A_271 : i32 to index
        %get3A_277 = arith.constant 0 : index
        %get3A_278 = tpu.vector_load %arg13[%get3A_276, %get3A_277] {strides = array<i32>} : memref<80x16xf32, #tpu.memory_space<vmem>>, vector<1x16xf32>,
        %get3A_279 = vector.shape_cast %get3A_278 : vector<1x16xf32> to vector<16xf32>
        %add3A_280 = arith.addf %get3A_275, %get3A_279 : vector<16xf32>
        %swap3A_281 = arith.index_cast %add3A_271 : i32 to index
        %swap3A_282 = arith.constant 0 : index
        %swap3A_283 = tpu.vector_load %arg9[%swap3A_281, %swap3A_282] {strides = array<i32>} : memref<80x16xf32, #tpu.memory_space<vmem>>, vector<1x16xf32>,
        %swap3A_284 = vector.shape_cast %swap3A_283 : vector<1x16xf32> to vector<16xf32>
        %swap3A_285 = vector.shape_cast %add3A_280 : vector<16xf32> to vector<1x16xf32>
        tpu.vector_store %arg9[%swap3A_281, %swap3A_282], %swap3A_285 {strides = array<i32>} : memref<80x16xf32, #tpu.memory_space<vmem>>, vector<1x16xf32>,
        %scan3A_286 = arith.constant 2 : i32
        %scan3A_287 = arith.addi %scan3A_249, %scan3A_286 : i32
        %mul3A_288 = arith.constant 1 : i32
        %mul3A_289 = arith.muli %scan3A_287, %mul3A_288 : i32
        %add3A_290 = arith.constant 0 : i32
        %add3A_291 = arith.addi %add3A_290, %mul3A_289 : i32
        %get3A_292 = arith.index_cast %add3A_291 : i32 to index
        %get3A_293 = arith.constant 0 : index
        %get3A_294 = tpu.vector_load %arg9[%get3A_292, %get3A_293] {strides = array<i32>} : memref<80x16xf32, #tpu.memory_space<vmem>>, vector<1x16xf32>,
        %get3A_295 = vector.shape_cast %get3A_294 : vector<1x16xf32> to vector<16xf32>
        %get3A_296 = arith.index_cast %add3A_291 : i32 to index
        %get3A_297 = arith.constant 0 : index
        %get3A_298 = tpu.vector_load %arg13[%get3A_296, %get3A_297] {strides = array<i32>} : memref<80x16xf32, #tpu.memory_space<vmem>>, vector<1x16xf32>,
        %get3A_299 = vector.shape_cast %get3A_298 : vector<1x16xf32> to vector<16xf32>
        %add3A_300 = arith.addf %get3A_295, %get3A_299 : vector<16xf32>
        %swap3A_301 = arith.index_cast %add3A_291 : i32 to index
        %swap3A_302 = arith.constant 0 : index
        %swap3A_303 = tpu.vector_load %arg9[%swap3A_301, %swap3A_302] {strides = array<i32>} : memref<80x16xf32, #tpu.memory_space<vmem>>, vector<1x16xf32>,
        %swap3A_304 = vector.shape_cast %swap3A_303 : vector<1x16xf32> to vector<16xf32>
        %swap3A_305 = vector.shape_cast %add3A_300 : vector<16xf32> to vector<1x16xf32>
        tpu.vector_store %arg9[%swap3A_301, %swap3A_302], %swap3A_305 {strides = array<i32>} : memref<80x16xf32, #tpu.memory_space<vmem>>, vector<1x16xf32>,
        %scan3A_306 = arith.constant 3 : i32
        %scan3A_307 = arith.addi %scan3A_249, %scan3A_306 : i32
        %mul3A_308 = arith.constant 1 : i32
        %mul3A_309 = arith.muli %scan3A_307, %mul3A_308 : i32
        %add3A_310 = arith.constant 0 : i32
        %add3A_311 = arith.addi %add3A_310, %mul3A_309 : i32
        %get3A_312 = arith.index_cast %add3A_311 : i32 to index
        %get3A_313 = arith.constant 0 : index
        %get3A_314 = tpu.vector_load %arg9[%get3A_312, %get3A_313] {strides = array<i32>} : memref<80x16xf32, #tpu.memory_space<vmem>>, vector<1x16xf32>,
        %get3A_315 = vector.shape_cast %get3A_314 : vector<1x16xf32> to vector<16xf32>
        %get3A_316 = arith.index_cast %add3A_311 : i32 to index
        %get3A_317 = arith.constant 0 : index
        %get3A_318 = tpu.vector_load %arg13[%get3A_316, %get3A_317] {strides = array<i32>} : memref<80x16xf32, #tpu.memory_space<vmem>>, vector<1x16xf32>,
        %get3A_319 = vector.shape_cast %get3A_318 : vector<1x16xf32> to vector<16xf32>
        %add3A_320 = arith.addf %get3A_315, %get3A_319 : vector<16xf32>
        %swap3A_321 = arith.index_cast %add3A_311 : i32 to index
        %swap3A_322 = arith.constant 0 : index
        %swap3A_323 = tpu.vector_load %arg9[%swap3A_321, %swap3A_322] {strides = array<i32>} : memref<80x16xf32, #tpu.memory_space<vmem>>, vector<1x16xf32>,
        %swap3A_324 = vector.shape_cast %swap3A_323 : vector<1x16xf32> to vector<16xf32>
        %swap3A_325 = vector.shape_cast %add3A_320 : vector<16xf32> to vector<1x16xf32>
        tpu.vector_store %arg9[%swap3A_321, %swap3A_322], %swap3A_325 {strides = array<i32>} : memref<80x16xf32, #tpu.memory_space<vmem>>, vector<1x16xf32>,
        %scan3A_326 = arith.constant 4 : i32
        %scan3A_327 = arith.addi %scan3A_249, %scan3A_326 : i32
        %mul3A_328 = arith.constant 1 : i32
        %mul3A_329 = arith.muli %scan3A_327, %mul3A_328 : i32
        %add3A_330 = arith.constant 0 : i32
        %add3A_331 = arith.addi %add3A_330, %mul3A_329 : i32
        %get3A_332 = arith.index_cast %add3A_331 : i32 to index
        %get3A_333 = arith.constant 0 : index
        %get3A_334 = tpu.vector_load %arg9[%get3A_332, %get3A_333] {strides = array<i32>} : memref<80x16xf32, #tpu.memory_space<vmem>>, vector<1x16xf32>,
        %get3A_335 = vector.shape_cast %get3A_334 : vector<1x16xf32> to vector<16xf32>
        %get3A_336 = arith.index_cast %add3A_331 : i32 to index
        %get3A_337 = arith.constant 0 : index
        %get3A_338 = tpu.vector_load %arg13[%get3A_336, %get3A_337] {strides = array<i32>} : memref<80x16xf32, #tpu.memory_space<vmem>>, vector<1x16xf32>,
        %get3A_339 = vector.shape_cast %get3A_338 : vector<1x16xf32> to vector<16xf32>
        %add3A_340 = arith.addf %get3A_335, %get3A_339 : vector<16xf32>
        %swap3A_341 = arith.index_cast %add3A_331 : i32 to index
        %swap3A_342 = arith.constant 0 : index
        %swap3A_343 = tpu.vector_load %arg9[%swap3A_341, %swap3A_342] {strides = array<i32>} : memref<80x16xf32, #tpu.memory_space<vmem>>, vector<1x16xf32>,
        %swap3A_344 = vector.shape_cast %swap3A_343 : vector<1x16xf32> to vector<16xf32>
        %swap3A_345 = vector.shape_cast %add3A_340 : vector<16xf32> to vector<1x16xf32>
        tpu.vector_store %arg9[%swap3A_341, %swap3A_342], %swap3A_345 {strides = array<i32>} : memref<80x16xf32, #tpu.memory_space<vmem>>, vector<1x16xf32>,
        %scan3A_346 = arith.constant 5 : i32
        %scan3A_347 = arith.addi %scan3A_249, %scan3A_346 : i32
        %mul3A_348 = arith.constant 1 : i32
        %mul3A_349 = arith.muli %scan3A_347, %mul3A_348 : i32
        %add3A_350 = arith.constant 0 : i32
        %add3A_351 = arith.addi %add3A_350, %mul3A_349 : i32
        %get3A_352 = arith.index_cast %add3A_351 : i32 to index
        %get3A_353 = arith.constant 0 : index
        %get3A_354 = tpu.vector_load %arg9[%get3A_352, %get3A_353] {strides = array<i32>} : memref<80x16xf32, #tpu.memory_space<vmem>>, vector<1x16xf32>,
        %get3A_355 = vector.shape_cast %get3A_354 : vector<1x16xf32> to vector<16xf32>
        %get3A_356 = arith.index_cast %add3A_351 : i32 to index
        %get3A_357 = arith.constant 0 : index
        %get3A_358 = tpu.vector_load %arg13[%get3A_356, %get3A_357] {strides = array<i32>} : memref<80x16xf32, #tpu.memory_space<vmem>>, vector<1x16xf32>,
        %get3A_359 = vector.shape_cast %get3A_358 : vector<1x16xf32> to vector<16xf32>
        %add3A_360 = arith.addf %get3A_355, %get3A_359 : vector<16xf32>
        %swap3A_361 = arith.index_cast %add3A_351 : i32 to index
        %swap3A_362 = arith.constant 0 : index
        %swap3A_363 = tpu.vector_load %arg9[%swap3A_361, %swap3A_362] {strides = array<i32>} : memref<80x16xf32, #tpu.memory_space<vmem>>, vector<1x16xf32>,
        %swap3A_364 = vector.shape_cast %swap3A_363 : vector<1x16xf32> to vector<16xf32>
        %swap3A_365 = vector.shape_cast %add3A_360 : vector<16xf32> to vector<1x16xf32>
        tpu.vector_store %arg9[%swap3A_361, %swap3A_362], %swap3A_365 {strides = array<i32>} : memref<80x16xf32, #tpu.memory_space<vmem>>, vector<1x16xf32>,
        %scan3A_366 = arith.constant 6 : i32
        %scan3A_367 = arith.addi %scan3A_249, %scan3A_366 : i32
        %mul3A_368 = arith.constant 1 : i32
        %mul3A_369 = arith.muli %scan3A_367, %mul3A_368 : i32
        %add3A_370 = arith.constant 0 : i32
        %add3A_371 = arith.addi %add3A_370, %mul3A_369 : i32
        %get3A_372 = arith.index_cast %add3A_371 : i32 to index
        %get3A_373 = arith.constant 0 : index
        %get3A_374 = tpu.vector_load %arg9[%get3A_372, %get3A_373] {strides = array<i32>} : memref<80x16xf32, #tpu.memory_space<vmem>>, vector<1x16xf32>,
        %get3A_375 = vector.shape_cast %get3A_374 : vector<1x16xf32> to vector<16xf32>
        %get3A_376 = arith.index_cast %add3A_371 : i32 to index
        %get3A_377 = arith.constant 0 : index
        %get3A_378 = tpu.vector_load %arg13[%get3A_376, %get3A_377] {strides = array<i32>} : memref<80x16xf32, #tpu.memory_space<vmem>>, vector<1x16xf32>,
        %get3A_379 = vector.shape_cast %get3A_378 : vector<1x16xf32> to vector<16xf32>
        %add3A_380 = arith.addf %get3A_375, %get3A_379 : vector<16xf32>
        %swap3A_381 = arith.index_cast %add3A_371 : i32 to index
        %swap3A_382 = arith.constant 0 : index
        %swap3A_383 = tpu.vector_load %arg9[%swap3A_381, %swap3A_382] {strides = array<i32>} : memref<80x16xf32, #tpu.memory_space<vmem>>, vector<1x16xf32>,
        %swap3A_384 = vector.shape_cast %swap3A_383 : vector<1x16xf32> to vector<16xf32>
        %swap3A_385 = vector.shape_cast %add3A_380 : vector<16xf32> to vector<1x16xf32>
        tpu.vector_store %arg9[%swap3A_381, %swap3A_382], %swap3A_385 {strides = array<i32>} : memref<80x16xf32, #tpu.memory_space<vmem>>, vector<1x16xf32>,
        %scan3A_386 = arith.constant 7 : i32
        %scan3A_387 = arith.addi %scan3A_249, %scan3A_386 : i32
        %mul3A_388 = arith.constant 1 : i32
        %mul3A_389 = arith.muli %scan3A_387, %mul3A_388 : i32
        %add3A_390 = arith.constant 0 : i32
        %add3A_391 = arith.addi %add3A_390, %mul3A_389 : i32
        %get3A_392 = arith.index_cast %add3A_391 : i32 to index
        %get3A_393 = arith.constant 0 : index
        %get3A_394 = tpu.vector_load %arg9[%get3A_392, %get3A_393] {strides = array<i32>} : memref<80x16xf32, #tpu.memory_space<vmem>>, vector<1x16xf32>,
        %get3A_395 = vector.shape_cast %get3A_394 : vector<1x16xf32> to vector<16xf32>
        %get3A_396 = arith.index_cast %add3A_391 : i32 to index
        %get3A_397 = arith.constant 0 : index
        %get3A_398 = tpu.vector_load %arg13[%get3A_396, %get3A_397] {strides = array<i32>} : memref<80x16xf32, #tpu.memory_space<vmem>>, vector<1x16xf32>,
        %get3A_399 = vector.shape_cast %get3A_398 : vector<1x16xf32> to vector<16xf32>
        %add3A_400 = arith.addf %get3A_395, %get3A_399 : vector<16xf32>
        %swap3A_401 = arith.index_cast %add3A_391 : i32 to index
        %swap3A_402 = arith.constant 0 : index
        %swap3A_403 = tpu.vector_load %arg9[%swap3A_401, %swap3A_402] {strides = array<i32>} : memref<80x16xf32, #tpu.memory_space<vmem>>, vector<1x16xf32>,
        %swap3A_404 = vector.shape_cast %swap3A_403 : vector<1x16xf32> to vector<16xf32>
        %swap3A_405 = vector.shape_cast %add3A_400 : vector<16xf32> to vector<1x16xf32>
        tpu.vector_store %arg9[%swap3A_401, %swap3A_402], %swap3A_405 {strides = array<i32>} : memref<80x16xf32, #tpu.memory_space<vmem>>, vector<1x16xf32>,
      }
      %scan3A_105 = arith.constant 80 : i32
      %mul3A_106 = arith.constant 125 : i32
      %mul3A_107 = arith.muli %add3A, %mul3A_106 : i32
      %add3A_108 = arith.addi %mul3A_107, %add3A_78 : i32
      %mul3A_109 = arith.constant 80 : i32
      %mul3A_110 = arith.muli %add3A_108, %mul3A_109 : i32
      %dma_start3A_111 = arith.constant 0 : i32
      %dma_start3A_112 = tpu.memref_slice %arg6[%mul3A_110, %dma_start3A_111] : memref<320000x16xf32, #tpu.memory_space<hbm>> -> memref<80x16xf32, #tpu.memory_space<hbm>>
      %dma_start3A_113 = arith.constant 0 : i32
      %dma_start3A_114 = tpu.memref_slice %arg6[%mul3A_110, %dma_start3A_113] : memref<320000x16xf32, #tpu.memory_space<hbm>> -> memref<80x16xf32, #tpu.memory_space<hbm>>
      tpu.enqueue_dma source(%arg9 : memref<80x16xf32, #tpu.memory_space<vmem>>) target(%dma_start3A_114 : memref<80x16xf32, #tpu.memory_space<hbm>>) target_semaphore(%arg21 : memref<!tpu.dma_semaphore, #tpu.memory_space<semaphore_mem>>)
      %mul3A_115 = arith.constant 4 : i32
      %mul3A_116 = arith.muli %mul3A_115, %add3A_74 : i32
      %add3A_117 = arith.constant 1 : i32
      %add3A_118 = arith.addi %mul3A_116, %add3A_117 : i32
      %ge3A_119 = arith.constant 2 : i32
      %ge3A_120 = arith.cmpi sge, %add3A_118, %ge3A_119 : i32
      %convert_element_type3A_121 = arith.extui %ge3A_120 : i1 to i32
      %cond3A_122 = arith.constant 0 : i32
      %cond3A_123 = arith.cmpi ne, %convert_element_type3A_121, %cond3A_122 : i32
      scf.if %cond3A_123 {
        %dma_wait3A_249 = arith.constant 0 : i32
        %dma_wait3A_250 = arith.constant 0 : i32
        %dma_wait3A_251 = tpu.memref_slice %arg2[%dma_wait3A_249, %dma_wait3A_250] : memref<10000x16xf32, #tpu.memory_space<hbm>> -> memref<80x16xf32, #tpu.memory_space<hbm>>
        %dma_wait3A_252 = arith.constant 0 : i32
        %dma_wait3A_253 = arith.constant 0 : i32
        %dma_wait3A_254 = tpu.memref_slice %arg2[%dma_wait3A_252, %dma_wait3A_253] : memref<10000x16xf32, #tpu.memory_space<hbm>> -> memref<80x16xf32, #tpu.memory_space<hbm>>
        tpu.wait_dma2 semaphore(%arg24 : memref<!tpu.dma_semaphore, #tpu.memory_space<semaphore_mem>>) src(%dma_wait3A_254 : memref<80x16xf32, #tpu.memory_space<hbm>>) dst(%arg12 : memref<80x16xf32, #tpu.memory_space<vmem>>)
      } else {
      }
      %add3A_124 = arith.constant 2 : i32
      %add3A_125 = arith.addi %add3A_118, %add3A_124 : i32
      %lt3A_126 = arith.constant 125 : i32
      %lt3A_127 = arith.cmpi slt, %add3A_125, %lt3A_126 : i32
      %add3A_128 = arith.constant 2 : i32
      %add3A_129 = arith.addi %add3A_118, %add3A_128 : i32
      %convert_element_type3A_130 = arith.extui %lt3A_127 : i1 to i32
      %cond3A_131 = arith.constant 0 : i32
      %cond3A_132 = arith.cmpi ne, %convert_element_type3A_130, %cond3A_131 : i32
      scf.if %cond3A_132 {
        %mul3A_249 = arith.constant 80 : i32
        %mul3A_250 = arith.muli %add3A_129, %mul3A_249 : i32
        %dma_start3A_251 = tpu.memref_slice %arg7[%mul3A_250] : memref<10000xi32, #tpu.memory_space<vmem>> -> memref<80xi32, #tpu.memory_space<vmem>>
        %dma_start3A_252 = arith.constant 0 : i32
        %dma_start3A_253 = arith.constant 0 : i32
        %dma_start3A_254 = tpu.memref_slice %arg2[%dma_start3A_252, %dma_start3A_253] : memref<10000x16xf32, #tpu.memory_space<hbm>> -> memref<10000x16xf32, #tpu.memory_space<hbm>>
        tpu.enqueue_indirect_dma source(%dma_start3A_254 : memref<10000x16xf32, #tpu.memory_space<hbm>>) target(%arg12 : memref<80x16xf32, #tpu.memory_space<vmem>>) offsets(%dma_start3A_251 : memref<80xi32, #tpu.memory_space<vmem>>) semaphore(%arg20 : memref<!tpu.dma_semaphore, #tpu.memory_space<semaphore_mem>>)
        %dma_start3A_255 = tpu.memref_slice %arg8[%mul3A_250] : memref<10000xi32, #tpu.memory_space<vmem>> -> memref<80xi32, #tpu.memory_space<vmem>>
        %dma_start3A_256 = arith.constant 0 : i32
        %dma_start3A_257 = arith.constant 0 : i32
        %dma_start3A_258 = tpu.memref_slice %arg3[%dma_start3A_256, %dma_start3A_257] : memref<10000x16xf32, #tpu.memory_space<hbm>> -> memref<10000x16xf32, #tpu.memory_space<hbm>>
        tpu.enqueue_indirect_dma source(%dma_start3A_258 : memref<10000x16xf32, #tpu.memory_space<hbm>>) target(%arg16 : memref<80x16xf32, #tpu.memory_space<vmem>>) offsets(%dma_start3A_255 : memref<80xi32, #tpu.memory_space<vmem>>) semaphore(%arg20 : memref<!tpu.dma_semaphore, #tpu.memory_space<semaphore_mem>>)
      } else {
      }
      %dma_wait3A_133 = arith.constant 0 : i32
      %dma_wait3A_134 = arith.constant 0 : i32
      %dma_wait3A_135 = tpu.memref_slice %arg2[%dma_wait3A_133, %dma_wait3A_134] : memref<10000x16xf32, #tpu.memory_space<hbm>> -> memref<80x16xf32, #tpu.memory_space<hbm>>
      %dma_wait3A_136 = arith.constant 0 : i32
      %dma_wait3A_137 = arith.constant 0 : i32
      %dma_wait3A_138 = tpu.memref_slice %arg2[%dma_wait3A_136, %dma_wait3A_137] : memref<10000x16xf32, #tpu.memory_space<hbm>> -> memref<80x16xf32, #tpu.memory_space<hbm>>
      tpu.wait_dma2 semaphore(%arg18 : memref<!tpu.dma_semaphore, #tpu.memory_space<semaphore_mem>>) src(%dma_wait3A_138 : memref<80x16xf32, #tpu.memory_space<hbm>>) dst(%arg10 : memref<80x16xf32, #tpu.memory_space<vmem>>)
      %dma_wait3A_139 = arith.constant 0 : i32
      %dma_wait3A_140 = arith.constant 0 : i32
      %dma_wait3A_141 = tpu.memref_slice %arg3[%dma_wait3A_139, %dma_wait3A_140] : memref<10000x16xf32, #tpu.memory_space<hbm>> -> memref<80x16xf32, #tpu.memory_space<hbm>>
      %dma_wait3A_142 = arith.constant 0 : i32
      %dma_wait3A_143 = arith.constant 0 : i32
      %dma_wait3A_144 = tpu.memref_slice %arg3[%dma_wait3A_142, %dma_wait3A_143] : memref<10000x16xf32, #tpu.memory_space<hbm>> -> memref<80x16xf32, #tpu.memory_space<hbm>>
      tpu.wait_dma2 semaphore(%arg18 : memref<!tpu.dma_semaphore, #tpu.memory_space<semaphore_mem>>) src(%dma_wait3A_144 : memref<80x16xf32, #tpu.memory_space<hbm>>) dst(%arg14 : memref<80x16xf32, #tpu.memory_space<vmem>>)
      %scan3A_145 = arith.constant 0 : i32
      %scan3A_146 = arith.constant 80 : i32
      %scan3A_147 = arith.addi %scan3A_145, %scan3A_146 : i32
      %scan3A_148 = arith.constant 8 : i32
      scf.for %scan3A_249 = %scan3A_145 to %scan3A_147 step %scan3A_148  : i32 {
        %mul3A_250 = arith.constant 1 : i32
        %mul3A_251 = arith.muli %scan3A_249, %mul3A_250 : i32
        %add3A_252 = arith.constant 0 : i32
        %add3A_253 = arith.addi %add3A_252, %mul3A_251 : i32
        %get3A = arith.index_cast %add3A_253 : i32 to index
        %get3A_254 = arith.constant 0 : index
        %get3A_255 = tpu.vector_load %arg10[%get3A, %get3A_254] {strides = array<i32>} : memref<80x16xf32, #tpu.memory_space<vmem>>, vector<1x16xf32>,
        %get3A_256 = vector.shape_cast %get3A_255 : vector<1x16xf32> to vector<16xf32>
        %get3A_257 = arith.index_cast %add3A_253 : i32 to index
        %get3A_258 = arith.constant 0 : index
        %get3A_259 = tpu.vector_load %arg14[%get3A_257, %get3A_258] {strides = array<i32>} : memref<80x16xf32, #tpu.memory_space<vmem>>, vector<1x16xf32>,
        %get3A_260 = vector.shape_cast %get3A_259 : vector<1x16xf32> to vector<16xf32>
        %add3A_261 = arith.addf %get3A_256, %get3A_260 : vector<16xf32>
        %swap3A = arith.index_cast %add3A_253 : i32 to index
        %swap3A_262 = arith.constant 0 : index
        %swap3A_263 = tpu.vector_load %arg10[%swap3A, %swap3A_262] {strides = array<i32>} : memref<80x16xf32, #tpu.memory_space<vmem>>, vector<1x16xf32>,
        %swap3A_264 = vector.shape_cast %swap3A_263 : vector<1x16xf32> to vector<16xf32>
        %swap3A_265 = vector.shape_cast %add3A_261 : vector<16xf32> to vector<1x16xf32>
        tpu.vector_store %arg10[%swap3A, %swap3A_262], %swap3A_265 {strides = array<i32>} : memref<80x16xf32, #tpu.memory_space<vmem>>, vector<1x16xf32>,
        %scan3A_266 = arith.constant 1 : i32
        %scan3A_267 = arith.addi %scan3A_249, %scan3A_266 : i32
        %mul3A_268 = arith.constant 1 : i32
        %mul3A_269 = arith.muli %scan3A_267, %mul3A_268 : i32
        %add3A_270 = arith.constant 0 : i32
        %add3A_271 = arith.addi %add3A_270, %mul3A_269 : i32
        %get3A_272 = arith.index_cast %add3A_271 : i32 to index
        %get3A_273 = arith.constant 0 : index
        %get3A_274 = tpu.vector_load %arg10[%get3A_272, %get3A_273] {strides = array<i32>} : memref<80x16xf32, #tpu.memory_space<vmem>>, vector<1x16xf32>,
        %get3A_275 = vector.shape_cast %get3A_274 : vector<1x16xf32> to vector<16xf32>
        %get3A_276 = arith.index_cast %add3A_271 : i32 to index
        %get3A_277 = arith.constant 0 : index
        %get3A_278 = tpu.vector_load %arg14[%get3A_276, %get3A_277] {strides = array<i32>} : memref<80x16xf32, #tpu.memory_space<vmem>>, vector<1x16xf32>,
        %get3A_279 = vector.shape_cast %get3A_278 : vector<1x16xf32> to vector<16xf32>
        %add3A_280 = arith.addf %get3A_275, %get3A_279 : vector<16xf32>
        %swap3A_281 = arith.index_cast %add3A_271 : i32 to index
        %swap3A_282 = arith.constant 0 : index
        %swap3A_283 = tpu.vector_load %arg10[%swap3A_281, %swap3A_282] {strides = array<i32>} : memref<80x16xf32, #tpu.memory_space<vmem>>, vector<1x16xf32>,
        %swap3A_284 = vector.shape_cast %swap3A_283 : vector<1x16xf32> to vector<16xf32>
        %swap3A_285 = vector.shape_cast %add3A_280 : vector<16xf32> to vector<1x16xf32>
        tpu.vector_store %arg10[%swap3A_281, %swap3A_282], %swap3A_285 {strides = array<i32>} : memref<80x16xf32, #tpu.memory_space<vmem>>, vector<1x16xf32>,
        %scan3A_286 = arith.constant 2 : i32
        %scan3A_287 = arith.addi %scan3A_249, %scan3A_286 : i32
        %mul3A_288 = arith.constant 1 : i32
        %mul3A_289 = arith.muli %scan3A_287, %mul3A_288 : i32
        %add3A_290 = arith.constant 0 : i32
        %add3A_291 = arith.addi %add3A_290, %mul3A_289 : i32
        %get3A_292 = arith.index_cast %add3A_291 : i32 to index
        %get3A_293 = arith.constant 0 : index
        %get3A_294 = tpu.vector_load %arg10[%get3A_292, %get3A_293] {strides = array<i32>} : memref<80x16xf32, #tpu.memory_space<vmem>>, vector<1x16xf32>,
        %get3A_295 = vector.shape_cast %get3A_294 : vector<1x16xf32> to vector<16xf32>
        %get3A_296 = arith.index_cast %add3A_291 : i32 to index
        %get3A_297 = arith.constant 0 : index
        %get3A_298 = tpu.vector_load %arg14[%get3A_296, %get3A_297] {strides = array<i32>} : memref<80x16xf32, #tpu.memory_space<vmem>>, vector<1x16xf32>,
        %get3A_299 = vector.shape_cast %get3A_298 : vector<1x16xf32> to vector<16xf32>
        %add3A_300 = arith.addf %get3A_295, %get3A_299 : vector<16xf32>
        %swap3A_301 = arith.index_cast %add3A_291 : i32 to index
        %swap3A_302 = arith.constant 0 : index
        %swap3A_303 = tpu.vector_load %arg10[%swap3A_301, %swap3A_302] {strides = array<i32>} : memref<80x16xf32, #tpu.memory_space<vmem>>, vector<1x16xf32>,
        %swap3A_304 = vector.shape_cast %swap3A_303 : vector<1x16xf32> to vector<16xf32>
        %swap3A_305 = vector.shape_cast %add3A_300 : vector<16xf32> to vector<1x16xf32>
        tpu.vector_store %arg10[%swap3A_301, %swap3A_302], %swap3A_305 {strides = array<i32>} : memref<80x16xf32, #tpu.memory_space<vmem>>, vector<1x16xf32>,
        %scan3A_306 = arith.constant 3 : i32
        %scan3A_307 = arith.addi %scan3A_249, %scan3A_306 : i32
        %mul3A_308 = arith.constant 1 : i32
        %mul3A_309 = arith.muli %scan3A_307, %mul3A_308 : i32
        %add3A_310 = arith.constant 0 : i32
        %add3A_311 = arith.addi %add3A_310, %mul3A_309 : i32
        %get3A_312 = arith.index_cast %add3A_311 : i32 to index
        %get3A_313 = arith.constant 0 : index
        %get3A_314 = tpu.vector_load %arg10[%get3A_312, %get3A_313] {strides = array<i32>} : memref<80x16xf32, #tpu.memory_space<vmem>>, vector<1x16xf32>,
        %get3A_315 = vector.shape_cast %get3A_314 : vector<1x16xf32> to vector<16xf32>
        %get3A_316 = arith.index_cast %add3A_311 : i32 to index
        %get3A_317 = arith.constant 0 : index
        %get3A_318 = tpu.vector_load %arg14[%get3A_316, %get3A_317] {strides = array<i32>} : memref<80x16xf32, #tpu.memory_space<vmem>>, vector<1x16xf32>,
        %get3A_319 = vector.shape_cast %get3A_318 : vector<1x16xf32> to vector<16xf32>
        %add3A_320 = arith.addf %get3A_315, %get3A_319 : vector<16xf32>
        %swap3A_321 = arith.index_cast %add3A_311 : i32 to index
        %swap3A_322 = arith.constant 0 : index
        %swap3A_323 = tpu.vector_load %arg10[%swap3A_321, %swap3A_322] {strides = array<i32>} : memref<80x16xf32, #tpu.memory_space<vmem>>, vector<1x16xf32>,
        %swap3A_324 = vector.shape_cast %swap3A_323 : vector<1x16xf32> to vector<16xf32>
        %swap3A_325 = vector.shape_cast %add3A_320 : vector<16xf32> to vector<1x16xf32>
        tpu.vector_store %arg10[%swap3A_321, %swap3A_322], %swap3A_325 {strides = array<i32>} : memref<80x16xf32, #tpu.memory_space<vmem>>, vector<1x16xf32>,
        %scan3A_326 = arith.constant 4 : i32
        %scan3A_327 = arith.addi %scan3A_249, %scan3A_326 : i32
        %mul3A_328 = arith.constant 1 : i32
        %mul3A_329 = arith.muli %scan3A_327, %mul3A_328 : i32
        %add3A_330 = arith.constant 0 : i32
        %add3A_331 = arith.addi %add3A_330, %mul3A_329 : i32
        %get3A_332 = arith.index_cast %add3A_331 : i32 to index
        %get3A_333 = arith.constant 0 : index
        %get3A_334 = tpu.vector_load %arg10[%get3A_332, %get3A_333] {strides = array<i32>} : memref<80x16xf32, #tpu.memory_space<vmem>>, vector<1x16xf32>,
        %get3A_335 = vector.shape_cast %get3A_334 : vector<1x16xf32> to vector<16xf32>
        %get3A_336 = arith.index_cast %add3A_331 : i32 to index
        %get3A_337 = arith.constant 0 : index
        %get3A_338 = tpu.vector_load %arg14[%get3A_336, %get3A_337] {strides = array<i32>} : memref<80x16xf32, #tpu.memory_space<vmem>>, vector<1x16xf32>,
        %get3A_339 = vector.shape_cast %get3A_338 : vector<1x16xf32> to vector<16xf32>
        %add3A_340 = arith.addf %get3A_335, %get3A_339 : vector<16xf32>
        %swap3A_341 = arith.index_cast %add3A_331 : i32 to index
        %swap3A_342 = arith.constant 0 : index
        %swap3A_343 = tpu.vector_load %arg10[%swap3A_341, %swap3A_342] {strides = array<i32>} : memref<80x16xf32, #tpu.memory_space<vmem>>, vector<1x16xf32>,
        %swap3A_344 = vector.shape_cast %swap3A_343 : vector<1x16xf32> to vector<16xf32>
        %swap3A_345 = vector.shape_cast %add3A_340 : vector<16xf32> to vector<1x16xf32>
        tpu.vector_store %arg10[%swap3A_341, %swap3A_342], %swap3A_345 {strides = array<i32>} : memref<80x16xf32, #tpu.memory_space<vmem>>, vector<1x16xf32>,
        %scan3A_346 = arith.constant 5 : i32
        %scan3A_347 = arith.addi %scan3A_249, %scan3A_346 : i32
        %mul3A_348 = arith.constant 1 : i32
        %mul3A_349 = arith.muli %scan3A_347, %mul3A_348 : i32
        %add3A_350 = arith.constant 0 : i32
        %add3A_351 = arith.addi %add3A_350, %mul3A_349 : i32
        %get3A_352 = arith.index_cast %add3A_351 : i32 to index
        %get3A_353 = arith.constant 0 : index
        %get3A_354 = tpu.vector_load %arg10[%get3A_352, %get3A_353] {strides = array<i32>} : memref<80x16xf32, #tpu.memory_space<vmem>>, vector<1x16xf32>,
        %get3A_355 = vector.shape_cast %get3A_354 : vector<1x16xf32> to vector<16xf32>
        %get3A_356 = arith.index_cast %add3A_351 : i32 to index
        %get3A_357 = arith.constant 0 : index
        %get3A_358 = tpu.vector_load %arg14[%get3A_356, %get3A_357] {strides = array<i32>} : memref<80x16xf32, #tpu.memory_space<vmem>>, vector<1x16xf32>,
        %get3A_359 = vector.shape_cast %get3A_358 : vector<1x16xf32> to vector<16xf32>
        %add3A_360 = arith.addf %get3A_355, %get3A_359 : vector<16xf32>
        %swap3A_361 = arith.index_cast %add3A_351 : i32 to index
        %swap3A_362 = arith.constant 0 : index
        %swap3A_363 = tpu.vector_load %arg10[%swap3A_361, %swap3A_362] {strides = array<i32>} : memref<80x16xf32, #tpu.memory_space<vmem>>, vector<1x16xf32>,
        %swap3A_364 = vector.shape_cast %swap3A_363 : vector<1x16xf32> to vector<16xf32>
        %swap3A_365 = vector.shape_cast %add3A_360 : vector<16xf32> to vector<1x16xf32>
        tpu.vector_store %arg10[%swap3A_361, %swap3A_362], %swap3A_365 {strides = array<i32>} : memref<80x16xf32, #tpu.memory_space<vmem>>, vector<1x16xf32>,
        %scan3A_366 = arith.constant 6 : i32
        %scan3A_367 = arith.addi %scan3A_249, %scan3A_366 : i32
        %mul3A_368 = arith.constant 1 : i32
        %mul3A_369 = arith.muli %scan3A_367, %mul3A_368 : i32
        %add3A_370 = arith.constant 0 : i32
        %add3A_371 = arith.addi %add3A_370, %mul3A_369 : i32
        %get3A_372 = arith.index_cast %add3A_371 : i32 to index
        %get3A_373 = arith.constant 0 : index
        %get3A_374 = tpu.vector_load %arg10[%get3A_372, %get3A_373] {strides = array<i32>} : memref<80x16xf32, #tpu.memory_space<vmem>>, vector<1x16xf32>,
        %get3A_375 = vector.shape_cast %get3A_374 : vector<1x16xf32> to vector<16xf32>
        %get3A_376 = arith.index_cast %add3A_371 : i32 to index
        %get3A_377 = arith.constant 0 : index
        %get3A_378 = tpu.vector_load %arg14[%get3A_376, %get3A_377] {strides = array<i32>} : memref<80x16xf32, #tpu.memory_space<vmem>>, vector<1x16xf32>,
        %get3A_379 = vector.shape_cast %get3A_378 : vector<1x16xf32> to vector<16xf32>
        %add3A_380 = arith.addf %get3A_375, %get3A_379 : vector<16xf32>
        %swap3A_381 = arith.index_cast %add3A_371 : i32 to index
        %swap3A_382 = arith.constant 0 : index
        %swap3A_383 = tpu.vector_load %arg10[%swap3A_381, %swap3A_382] {strides = array<i32>} : memref<80x16xf32, #tpu.memory_space<vmem>>, vector<1x16xf32>,
        %swap3A_384 = vector.shape_cast %swap3A_383 : vector<1x16xf32> to vector<16xf32>
        %swap3A_385 = vector.shape_cast %add3A_380 : vector<16xf32> to vector<1x16xf32>
        tpu.vector_store %arg10[%swap3A_381, %swap3A_382], %swap3A_385 {strides = array<i32>} : memref<80x16xf32, #tpu.memory_space<vmem>>, vector<1x16xf32>,
        %scan3A_386 = arith.constant 7 : i32
        %scan3A_387 = arith.addi %scan3A_249, %scan3A_386 : i32
        %mul3A_388 = arith.constant 1 : i32
        %mul3A_389 = arith.muli %scan3A_387, %mul3A_388 : i32
        %add3A_390 = arith.constant 0 : i32
        %add3A_391 = arith.addi %add3A_390, %mul3A_389 : i32
        %get3A_392 = arith.index_cast %add3A_391 : i32 to index
        %get3A_393 = arith.constant 0 : index
        %get3A_394 = tpu.vector_load %arg10[%get3A_392, %get3A_393] {strides = array<i32>} : memref<80x16xf32, #tpu.memory_space<vmem>>, vector<1x16xf32>,
        %get3A_395 = vector.shape_cast %get3A_394 : vector<1x16xf32> to vector<16xf32>
        %get3A_396 = arith.index_cast %add3A_391 : i32 to index
        %get3A_397 = arith.constant 0 : index
        %get3A_398 = tpu.vector_load %arg14[%get3A_396, %get3A_397] {strides = array<i32>} : memref<80x16xf32, #tpu.memory_space<vmem>>, vector<1x16xf32>,
        %get3A_399 = vector.shape_cast %get3A_398 : vector<1x16xf32> to vector<16xf32>
        %add3A_400 = arith.addf %get3A_395, %get3A_399 : vector<16xf32>
        %swap3A_401 = arith.index_cast %add3A_391 : i32 to index
        %swap3A_402 = arith.constant 0 : index
        %swap3A_403 = tpu.vector_load %arg10[%swap3A_401, %swap3A_402] {strides = array<i32>} : memref<80x16xf32, #tpu.memory_space<vmem>>, vector<1x16xf32>,
        %swap3A_404 = vector.shape_cast %swap3A_403 : vector<1x16xf32> to vector<16xf32>
        %swap3A_405 = vector.shape_cast %add3A_400 : vector<16xf32> to vector<1x16xf32>
        tpu.vector_store %arg10[%swap3A_401, %swap3A_402], %swap3A_405 {strides = array<i32>} : memref<80x16xf32, #tpu.memory_space<vmem>>, vector<1x16xf32>,
      }
      %scan3A_149 = arith.constant 80 : i32
      %mul3A_150 = arith.constant 125 : i32
      %mul3A_151 = arith.muli %add3A, %mul3A_150 : i32
      %add3A_152 = arith.addi %mul3A_151, %add3A_118 : i32
      %mul3A_153 = arith.constant 80 : i32
      %mul3A_154 = arith.muli %add3A_152, %mul3A_153 : i32
      %dma_start3A_155 = arith.constant 0 : i32
      %dma_start3A_156 = tpu.memref_slice %arg6[%mul3A_154, %dma_start3A_155] : memref<320000x16xf32, #tpu.memory_space<hbm>> -> memref<80x16xf32, #tpu.memory_space<hbm>>
      %dma_start3A_157 = arith.constant 0 : i32
      %dma_start3A_158 = tpu.memref_slice %arg6[%mul3A_154, %dma_start3A_157] : memref<320000x16xf32, #tpu.memory_space<hbm>> -> memref<80x16xf32, #tpu.memory_space<hbm>>
      tpu.enqueue_dma source(%arg10 : memref<80x16xf32, #tpu.memory_space<vmem>>) target(%dma_start3A_158 : memref<80x16xf32, #tpu.memory_space<hbm>>) target_semaphore(%arg22 : memref<!tpu.dma_semaphore, #tpu.memory_space<semaphore_mem>>)
      %mul3A_159 = arith.constant 4 : i32
      %mul3A_160 = arith.muli %mul3A_159, %add3A_74 : i32
      %add3A_161 = arith.constant 2 : i32
      %add3A_162 = arith.addi %mul3A_160, %add3A_161 : i32
      %dma_wait3A_163 = arith.constant 0 : i32
      %dma_wait3A_164 = arith.constant 0 : i32
      %dma_wait3A_165 = tpu.memref_slice %arg2[%dma_wait3A_163, %dma_wait3A_164] : memref<10000x16xf32, #tpu.memory_space<hbm>> -> memref<80x16xf32, #tpu.memory_space<hbm>>
      %dma_wait3A_166 = arith.constant 0 : i32
      %dma_wait3A_167 = arith.constant 0 : i32
      %dma_wait3A_168 = tpu.memref_slice %arg2[%dma_wait3A_166, %dma_wait3A_167] : memref<10000x16xf32, #tpu.memory_space<hbm>> -> memref<80x16xf32, #tpu.memory_space<hbm>>
      tpu.wait_dma2 semaphore(%arg21 : memref<!tpu.dma_semaphore, #tpu.memory_space<semaphore_mem>>) src(%dma_wait3A_168 : memref<80x16xf32, #tpu.memory_space<hbm>>) dst(%arg9 : memref<80x16xf32, #tpu.memory_space<vmem>>)
      %add3A_169 = arith.constant 2 : i32
      %add3A_170 = arith.addi %add3A_162, %add3A_169 : i32
      %lt3A_171 = arith.constant 125 : i32
      %lt3A_172 = arith.cmpi slt, %add3A_170, %lt3A_171 : i32
      %add3A_173 = arith.constant 2 : i32
      %add3A_174 = arith.addi %add3A_162, %add3A_173 : i32
      %convert_element_type3A_175 = arith.extui %lt3A_172 : i1 to i32
      %cond3A_176 = arith.constant 0 : i32
      %cond3A_177 = arith.cmpi ne, %convert_element_type3A_175, %cond3A_176 : i32
      scf.if %cond3A_177 {
        %mul3A_249 = arith.constant 80 : i32
        %mul3A_250 = arith.muli %add3A_174, %mul3A_249 : i32
        %dma_start3A_251 = tpu.memref_slice %arg7[%mul3A_250] : memref<10000xi32, #tpu.memory_space<vmem>> -> memref<80xi32, #tpu.memory_space<vmem>>
        %dma_start3A_252 = arith.constant 0 : i32
        %dma_start3A_253 = arith.constant 0 : i32
        %dma_start3A_254 = tpu.memref_slice %arg2[%dma_start3A_252, %dma_start3A_253] : memref<10000x16xf32, #tpu.memory_space<hbm>> -> memref<10000x16xf32, #tpu.memory_space<hbm>>
        tpu.enqueue_indirect_dma source(%dma_start3A_254 : memref<10000x16xf32, #tpu.memory_space<hbm>>) target(%arg9 : memref<80x16xf32, #tpu.memory_space<vmem>>) offsets(%dma_start3A_251 : memref<80xi32, #tpu.memory_space<vmem>>) semaphore(%arg17 : memref<!tpu.dma_semaphore, #tpu.memory_space<semaphore_mem>>)
        %dma_start3A_255 = tpu.memref_slice %arg8[%mul3A_250] : memref<10000xi32, #tpu.memory_space<vmem>> -> memref<80xi32, #tpu.memory_space<vmem>>
        %dma_start3A_256 = arith.constant 0 : i32
        %dma_start3A_257 = arith.constant 0 : i32
        %dma_start3A_258 = tpu.memref_slice %arg3[%dma_start3A_256, %dma_start3A_257] : memref<10000x16xf32, #tpu.memory_space<hbm>> -> memref<10000x16xf32, #tpu.memory_space<hbm>>
        tpu.enqueue_indirect_dma source(%dma_start3A_258 : memref<10000x16xf32, #tpu.memory_space<hbm>>) target(%arg13 : memref<80x16xf32, #tpu.memory_space<vmem>>) offsets(%dma_start3A_255 : memref<80xi32, #tpu.memory_space<vmem>>) semaphore(%arg17 : memref<!tpu.dma_semaphore, #tpu.memory_space<semaphore_mem>>)
      } else {
      }
      %dma_wait3A_178 = arith.constant 0 : i32
      %dma_wait3A_179 = arith.constant 0 : i32
      %dma_wait3A_180 = tpu.memref_slice %arg2[%dma_wait3A_178, %dma_wait3A_179] : memref<10000x16xf32, #tpu.memory_space<hbm>> -> memref<80x16xf32, #tpu.memory_space<hbm>>
      %dma_wait3A_181 = arith.constant 0 : i32
      %dma_wait3A_182 = arith.constant 0 : i32
      %dma_wait3A_183 = tpu.memref_slice %arg2[%dma_wait3A_181, %dma_wait3A_182] : memref<10000x16xf32, #tpu.memory_space<hbm>> -> memref<80x16xf32, #tpu.memory_space<hbm>>
      tpu.wait_dma2 semaphore(%arg19 : memref<!tpu.dma_semaphore, #tpu.memory_space<semaphore_mem>>) src(%dma_wait3A_183 : memref<80x16xf32, #tpu.memory_space<hbm>>) dst(%arg11 : memref<80x16xf32, #tpu.memory_space<vmem>>)
      %dma_wait3A_184 = arith.constant 0 : i32
      %dma_wait3A_185 = arith.constant 0 : i32
      %dma_wait3A_186 = tpu.memref_slice %arg3[%dma_wait3A_184, %dma_wait3A_185] : memref<10000x16xf32, #tpu.memory_space<hbm>> -> memref<80x16xf32, #tpu.memory_space<hbm>>
      %dma_wait3A_187 = arith.constant 0 : i32
      %dma_wait3A_188 = arith.constant 0 : i32
      %dma_wait3A_189 = tpu.memref_slice %arg3[%dma_wait3A_187, %dma_wait3A_188] : memref<10000x16xf32, #tpu.memory_space<hbm>> -> memref<80x16xf32, #tpu.memory_space<hbm>>
      tpu.wait_dma2 semaphore(%arg19 : memref<!tpu.dma_semaphore, #tpu.memory_space<semaphore_mem>>) src(%dma_wait3A_189 : memref<80x16xf32, #tpu.memory_space<hbm>>) dst(%arg15 : memref<80x16xf32, #tpu.memory_space<vmem>>)
      %scan3A_190 = arith.constant 0 : i32
      %scan3A_191 = arith.constant 80 : i32
      %scan3A_192 = arith.addi %scan3A_190, %scan3A_191 : i32
      %scan3A_193 = arith.constant 8 : i32
      scf.for %scan3A_249 = %scan3A_190 to %scan3A_192 step %scan3A_193  : i32 {
        %mul3A_250 = arith.constant 1 : i32
        %mul3A_251 = arith.muli %scan3A_249, %mul3A_250 : i32
        %add3A_252 = arith.constant 0 : i32
        %add3A_253 = arith.addi %add3A_252, %mul3A_251 : i32
        %get3A = arith.index_cast %add3A_253 : i32 to index
        %get3A_254 = arith.constant 0 : index
        %get3A_255 = tpu.vector_load %arg11[%get3A, %get3A_254] {strides = array<i32>} : memref<80x16xf32, #tpu.memory_space<vmem>>, vector<1x16xf32>,
        %get3A_256 = vector.shape_cast %get3A_255 : vector<1x16xf32> to vector<16xf32>
        %get3A_257 = arith.index_cast %add3A_253 : i32 to index
        %get3A_258 = arith.constant 0 : index
        %get3A_259 = tpu.vector_load %arg15[%get3A_257, %get3A_258] {strides = array<i32>} : memref<80x16xf32, #tpu.memory_space<vmem>>, vector<1x16xf32>,
        %get3A_260 = vector.shape_cast %get3A_259 : vector<1x16xf32> to vector<16xf32>
        %add3A_261 = arith.addf %get3A_256, %get3A_260 : vector<16xf32>
        %swap3A = arith.index_cast %add3A_253 : i32 to index
        %swap3A_262 = arith.constant 0 : index
        %swap3A_263 = tpu.vector_load %arg11[%swap3A, %swap3A_262] {strides = array<i32>} : memref<80x16xf32, #tpu.memory_space<vmem>>, vector<1x16xf32>,
        %swap3A_264 = vector.shape_cast %swap3A_263 : vector<1x16xf32> to vector<16xf32>
        %swap3A_265 = vector.shape_cast %add3A_261 : vector<16xf32> to vector<1x16xf32>
        tpu.vector_store %arg11[%swap3A, %swap3A_262], %swap3A_265 {strides = array<i32>} : memref<80x16xf32, #tpu.memory_space<vmem>>, vector<1x16xf32>,
        %scan3A_266 = arith.constant 1 : i32
        %scan3A_267 = arith.addi %scan3A_249, %scan3A_266 : i32
        %mul3A_268 = arith.constant 1 : i32
        %mul3A_269 = arith.muli %scan3A_267, %mul3A_268 : i32
        %add3A_270 = arith.constant 0 : i32
        %add3A_271 = arith.addi %add3A_270, %mul3A_269 : i32
        %get3A_272 = arith.index_cast %add3A_271 : i32 to index
        %get3A_273 = arith.constant 0 : index
        %get3A_274 = tpu.vector_load %arg11[%get3A_272, %get3A_273] {strides = array<i32>} : memref<80x16xf32, #tpu.memory_space<vmem>>, vector<1x16xf32>,
        %get3A_275 = vector.shape_cast %get3A_274 : vector<1x16xf32> to vector<16xf32>
        %get3A_276 = arith.index_cast %add3A_271 : i32 to index
        %get3A_277 = arith.constant 0 : index
        %get3A_278 = tpu.vector_load %arg15[%get3A_276, %get3A_277] {strides = array<i32>} : memref<80x16xf32, #tpu.memory_space<vmem>>, vector<1x16xf32>,
        %get3A_279 = vector.shape_cast %get3A_278 : vector<1x16xf32> to vector<16xf32>
        %add3A_280 = arith.addf %get3A_275, %get3A_279 : vector<16xf32>
        %swap3A_281 = arith.index_cast %add3A_271 : i32 to index
        %swap3A_282 = arith.constant 0 : index
        %swap3A_283 = tpu.vector_load %arg11[%swap3A_281, %swap3A_282] {strides = array<i32>} : memref<80x16xf32, #tpu.memory_space<vmem>>, vector<1x16xf32>,
        %swap3A_284 = vector.shape_cast %swap3A_283 : vector<1x16xf32> to vector<16xf32>
        %swap3A_285 = vector.shape_cast %add3A_280 : vector<16xf32> to vector<1x16xf32>
        tpu.vector_store %arg11[%swap3A_281, %swap3A_282], %swap3A_285 {strides = array<i32>} : memref<80x16xf32, #tpu.memory_space<vmem>>, vector<1x16xf32>,
        %scan3A_286 = arith.constant 2 : i32
        %scan3A_287 = arith.addi %scan3A_249, %scan3A_286 : i32
        %mul3A_288 = arith.constant 1 : i32
        %mul3A_289 = arith.muli %scan3A_287, %mul3A_288 : i32
        %add3A_290 = arith.constant 0 : i32
        %add3A_291 = arith.addi %add3A_290, %mul3A_289 : i32
        %get3A_292 = arith.index_cast %add3A_291 : i32 to index
        %get3A_293 = arith.constant 0 : index
        %get3A_294 = tpu.vector_load %arg11[%get3A_292, %get3A_293] {strides = array<i32>} : memref<80x16xf32, #tpu.memory_space<vmem>>, vector<1x16xf32>,
        %get3A_295 = vector.shape_cast %get3A_294 : vector<1x16xf32> to vector<16xf32>
        %get3A_296 = arith.index_cast %add3A_291 : i32 to index
        %get3A_297 = arith.constant 0 : index
        %get3A_298 = tpu.vector_load %arg15[%get3A_296, %get3A_297] {strides = array<i32>} : memref<80x16xf32, #tpu.memory_space<vmem>>, vector<1x16xf32>,
        %get3A_299 = vector.shape_cast %get3A_298 : vector<1x16xf32> to vector<16xf32>
        %add3A_300 = arith.addf %get3A_295, %get3A_299 : vector<16xf32>
        %swap3A_301 = arith.index_cast %add3A_291 : i32 to index
        %swap3A_302 = arith.constant 0 : index
        %swap3A_303 = tpu.vector_load %arg11[%swap3A_301, %swap3A_302] {strides = array<i32>} : memref<80x16xf32, #tpu.memory_space<vmem>>, vector<1x16xf32>,
        %swap3A_304 = vector.shape_cast %swap3A_303 : vector<1x16xf32> to vector<16xf32>
        %swap3A_305 = vector.shape_cast %add3A_300 : vector<16xf32> to vector<1x16xf32>
        tpu.vector_store %arg11[%swap3A_301, %swap3A_302], %swap3A_305 {strides = array<i32>} : memref<80x16xf32, #tpu.memory_space<vmem>>, vector<1x16xf32>,
        %scan3A_306 = arith.constant 3 : i32
        %scan3A_307 = arith.addi %scan3A_249, %scan3A_306 : i32
        %mul3A_308 = arith.constant 1 : i32
        %mul3A_309 = arith.muli %scan3A_307, %mul3A_308 : i32
        %add3A_310 = arith.constant 0 : i32
        %add3A_311 = arith.addi %add3A_310, %mul3A_309 : i32
        %get3A_312 = arith.index_cast %add3A_311 : i32 to index
        %get3A_313 = arith.constant 0 : index
        %get3A_314 = tpu.vector_load %arg11[%get3A_312, %get3A_313] {strides = array<i32>} : memref<80x16xf32, #tpu.memory_space<vmem>>, vector<1x16xf32>,
        %get3A_315 = vector.shape_cast %get3A_314 : vector<1x16xf32> to vector<16xf32>
        %get3A_316 = arith.index_cast %add3A_311 : i32 to index
        %get3A_317 = arith.constant 0 : index
        %get3A_318 = tpu.vector_load %arg15[%get3A_316, %get3A_317] {strides = array<i32>} : memref<80x16xf32, #tpu.memory_space<vmem>>, vector<1x16xf32>,
        %get3A_319 = vector.shape_cast %get3A_318 : vector<1x16xf32> to vector<16xf32>
        %add3A_320 = arith.addf %get3A_315, %get3A_319 : vector<16xf32>
        %swap3A_321 = arith.index_cast %add3A_311 : i32 to index
        %swap3A_322 = arith.constant 0 : index
        %swap3A_323 = tpu.vector_load %arg11[%swap3A_321, %swap3A_322] {strides = array<i32>} : memref<80x16xf32, #tpu.memory_space<vmem>>, vector<1x16xf32>,
        %swap3A_324 = vector.shape_cast %swap3A_323 : vector<1x16xf32> to vector<16xf32>
        %swap3A_325 = vector.shape_cast %add3A_320 : vector<16xf32> to vector<1x16xf32>
        tpu.vector_store %arg11[%swap3A_321, %swap3A_322], %swap3A_325 {strides = array<i32>} : memref<80x16xf32, #tpu.memory_space<vmem>>, vector<1x16xf32>,
        %scan3A_326 = arith.constant 4 : i32
        %scan3A_327 = arith.addi %scan3A_249, %scan3A_326 : i32
        %mul3A_328 = arith.constant 1 : i32
        %mul3A_329 = arith.muli %scan3A_327, %mul3A_328 : i32
        %add3A_330 = arith.constant 0 : i32
        %add3A_331 = arith.addi %add3A_330, %mul3A_329 : i32
        %get3A_332 = arith.index_cast %add3A_331 : i32 to index
        %get3A_333 = arith.constant 0 : index
        %get3A_334 = tpu.vector_load %arg11[%get3A_332, %get3A_333] {strides = array<i32>} : memref<80x16xf32, #tpu.memory_space<vmem>>, vector<1x16xf32>,
        %get3A_335 = vector.shape_cast %get3A_334 : vector<1x16xf32> to vector<16xf32>
        %get3A_336 = arith.index_cast %add3A_331 : i32 to index
        %get3A_337 = arith.constant 0 : index
        %get3A_338 = tpu.vector_load %arg15[%get3A_336, %get3A_337] {strides = array<i32>} : memref<80x16xf32, #tpu.memory_space<vmem>>, vector<1x16xf32>,
        %get3A_339 = vector.shape_cast %get3A_338 : vector<1x16xf32> to vector<16xf32>
        %add3A_340 = arith.addf %get3A_335, %get3A_339 : vector<16xf32>
        %swap3A_341 = arith.index_cast %add3A_331 : i32 to index
        %swap3A_342 = arith.constant 0 : index
        %swap3A_343 = tpu.vector_load %arg11[%swap3A_341, %swap3A_342] {strides = array<i32>} : memref<80x16xf32, #tpu.memory_space<vmem>>, vector<1x16xf32>,
        %swap3A_344 = vector.shape_cast %swap3A_343 : vector<1x16xf32> to vector<16xf32>
        %swap3A_345 = vector.shape_cast %add3A_340 : vector<16xf32> to vector<1x16xf32>
        tpu.vector_store %arg11[%swap3A_341, %swap3A_342], %swap3A_345 {strides = array<i32>} : memref<80x16xf32, #tpu.memory_space<vmem>>, vector<1x16xf32>,
        %scan3A_346 = arith.constant 5 : i32
        %scan3A_347 = arith.addi %scan3A_249, %scan3A_346 : i32
        %mul3A_348 = arith.constant 1 : i32
        %mul3A_349 = arith.muli %scan3A_347, %mul3A_348 : i32
        %add3A_350 = arith.constant 0 : i32
        %add3A_351 = arith.addi %add3A_350, %mul3A_349 : i32
        %get3A_352 = arith.index_cast %add3A_351 : i32 to index
        %get3A_353 = arith.constant 0 : index
        %get3A_354 = tpu.vector_load %arg11[%get3A_352, %get3A_353] {strides = array<i32>} : memref<80x16xf32, #tpu.memory_space<vmem>>, vector<1x16xf32>,
        %get3A_355 = vector.shape_cast %get3A_354 : vector<1x16xf32> to vector<16xf32>
        %get3A_356 = arith.index_cast %add3A_351 : i32 to index
        %get3A_357 = arith.constant 0 : index
        %get3A_358 = tpu.vector_load %arg15[%get3A_356, %get3A_357] {strides = array<i32>} : memref<80x16xf32, #tpu.memory_space<vmem>>, vector<1x16xf32>,
        %get3A_359 = vector.shape_cast %get3A_358 : vector<1x16xf32> to vector<16xf32>
        %add3A_360 = arith.addf %get3A_355, %get3A_359 : vector<16xf32>
        %swap3A_361 = arith.index_cast %add3A_351 : i32 to index
        %swap3A_362 = arith.constant 0 : index
        %swap3A_363 = tpu.vector_load %arg11[%swap3A_361, %swap3A_362] {strides = array<i32>} : memref<80x16xf32, #tpu.memory_space<vmem>>, vector<1x16xf32>,
        %swap3A_364 = vector.shape_cast %swap3A_363 : vector<1x16xf32> to vector<16xf32>
        %swap3A_365 = vector.shape_cast %add3A_360 : vector<16xf32> to vector<1x16xf32>
        tpu.vector_store %arg11[%swap3A_361, %swap3A_362], %swap3A_365 {strides = array<i32>} : memref<80x16xf32, #tpu.memory_space<vmem>>, vector<1x16xf32>,
        %scan3A_366 = arith.constant 6 : i32
        %scan3A_367 = arith.addi %scan3A_249, %scan3A_366 : i32
        %mul3A_368 = arith.constant 1 : i32
        %mul3A_369 = arith.muli %scan3A_367, %mul3A_368 : i32
        %add3A_370 = arith.constant 0 : i32
        %add3A_371 = arith.addi %add3A_370, %mul3A_369 : i32
        %get3A_372 = arith.index_cast %add3A_371 : i32 to index
        %get3A_373 = arith.constant 0 : index
        %get3A_374 = tpu.vector_load %arg11[%get3A_372, %get3A_373] {strides = array<i32>} : memref<80x16xf32, #tpu.memory_space<vmem>>, vector<1x16xf32>,
        %get3A_375 = vector.shape_cast %get3A_374 : vector<1x16xf32> to vector<16xf32>
        %get3A_376 = arith.index_cast %add3A_371 : i32 to index
        %get3A_377 = arith.constant 0 : index
        %get3A_378 = tpu.vector_load %arg15[%get3A_376, %get3A_377] {strides = array<i32>} : memref<80x16xf32, #tpu.memory_space<vmem>>, vector<1x16xf32>,
        %get3A_379 = vector.shape_cast %get3A_378 : vector<1x16xf32> to vector<16xf32>
        %add3A_380 = arith.addf %get3A_375, %get3A_379 : vector<16xf32>
        %swap3A_381 = arith.index_cast %add3A_371 : i32 to index
        %swap3A_382 = arith.constant 0 : index
        %swap3A_383 = tpu.vector_load %arg11[%swap3A_381, %swap3A_382] {strides = array<i32>} : memref<80x16xf32, #tpu.memory_space<vmem>>, vector<1x16xf32>,
        %swap3A_384 = vector.shape_cast %swap3A_383 : vector<1x16xf32> to vector<16xf32>
        %swap3A_385 = vector.shape_cast %add3A_380 : vector<16xf32> to vector<1x16xf32>
        tpu.vector_store %arg11[%swap3A_381, %swap3A_382], %swap3A_385 {strides = array<i32>} : memref<80x16xf32, #tpu.memory_space<vmem>>, vector<1x16xf32>,
        %scan3A_386 = arith.constant 7 : i32
        %scan3A_387 = arith.addi %scan3A_249, %scan3A_386 : i32
        %mul3A_388 = arith.constant 1 : i32
        %mul3A_389 = arith.muli %scan3A_387, %mul3A_388 : i32
        %add3A_390 = arith.constant 0 : i32
        %add3A_391 = arith.addi %add3A_390, %mul3A_389 : i32
        %get3A_392 = arith.index_cast %add3A_391 : i32 to index
        %get3A_393 = arith.constant 0 : index
        %get3A_394 = tpu.vector_load %arg11[%get3A_392, %get3A_393] {strides = array<i32>} : memref<80x16xf32, #tpu.memory_space<vmem>>, vector<1x16xf32>,
        %get3A_395 = vector.shape_cast %get3A_394 : vector<1x16xf32> to vector<16xf32>
        %get3A_396 = arith.index_cast %add3A_391 : i32 to index
        %get3A_397 = arith.constant 0 : index
        %get3A_398 = tpu.vector_load %arg15[%get3A_396, %get3A_397] {strides = array<i32>} : memref<80x16xf32, #tpu.memory_space<vmem>>, vector<1x16xf32>,
        %get3A_399 = vector.shape_cast %get3A_398 : vector<1x16xf32> to vector<16xf32>
        %add3A_400 = arith.addf %get3A_395, %get3A_399 : vector<16xf32>
        %swap3A_401 = arith.index_cast %add3A_391 : i32 to index
        %swap3A_402 = arith.constant 0 : index
        %swap3A_403 = tpu.vector_load %arg11[%swap3A_401, %swap3A_402] {strides = array<i32>} : memref<80x16xf32, #tpu.memory_space<vmem>>, vector<1x16xf32>,
        %swap3A_404 = vector.shape_cast %swap3A_403 : vector<1x16xf32> to vector<16xf32>
        %swap3A_405 = vector.shape_cast %add3A_400 : vector<16xf32> to vector<1x16xf32>
        tpu.vector_store %arg11[%swap3A_401, %swap3A_402], %swap3A_405 {strides = array<i32>} : memref<80x16xf32, #tpu.memory_space<vmem>>, vector<1x16xf32>,
      }
      %scan3A_194 = arith.constant 80 : i32
      %mul3A_195 = arith.constant 125 : i32
      %mul3A_196 = arith.muli %add3A, %mul3A_195 : i32
      %add3A_197 = arith.addi %mul3A_196, %add3A_162 : i32
      %mul3A_198 = arith.constant 80 : i32
      %mul3A_199 = arith.muli %add3A_197, %mul3A_198 : i32
      %dma_start3A_200 = arith.constant 0 : i32
      %dma_start3A_201 = tpu.memref_slice %arg6[%mul3A_199, %dma_start3A_200] : memref<320000x16xf32, #tpu.memory_space<hbm>> -> memref<80x16xf32, #tpu.memory_space<hbm>>
      %dma_start3A_202 = arith.constant 0 : i32
      %dma_start3A_203 = tpu.memref_slice %arg6[%mul3A_199, %dma_start3A_202] : memref<320000x16xf32, #tpu.memory_space<hbm>> -> memref<80x16xf32, #tpu.memory_space<hbm>>
      tpu.enqueue_dma source(%arg11 : memref<80x16xf32, #tpu.memory_space<vmem>>) target(%dma_start3A_203 : memref<80x16xf32, #tpu.memory_space<hbm>>) target_semaphore(%arg23 : memref<!tpu.dma_semaphore, #tpu.memory_space<semaphore_mem>>)
      %mul3A_204 = arith.constant 4 : i32
      %mul3A_205 = arith.muli %mul3A_204, %add3A_74 : i32
      %add3A_206 = arith.constant 3 : i32
      %add3A_207 = arith.addi %mul3A_205, %add3A_206 : i32
      %dma_wait3A_208 = arith.constant 0 : i32
      %dma_wait3A_209 = arith.constant 0 : i32
      %dma_wait3A_210 = tpu.memref_slice %arg2[%dma_wait3A_208, %dma_wait3A_209] : memref<10000x16xf32, #tpu.memory_space<hbm>> -> memref<80x16xf32, #tpu.memory_space<hbm>>
      %dma_wait3A_211 = arith.constant 0 : i32
      %dma_wait3A_212 = arith.constant 0 : i32
      %dma_wait3A_213 = tpu.memref_slice %arg2[%dma_wait3A_211, %dma_wait3A_212] : memref<10000x16xf32, #tpu.memory_space<hbm>> -> memref<80x16xf32, #tpu.memory_space<hbm>>
      tpu.wait_dma2 semaphore(%arg22 : memref<!tpu.dma_semaphore, #tpu.memory_space<semaphore_mem>>) src(%dma_wait3A_213 : memref<80x16xf32, #tpu.memory_space<hbm>>) dst(%arg10 : memref<80x16xf32, #tpu.memory_space<vmem>>)
      %add3A_214 = arith.constant 2 : i32
      %add3A_215 = arith.addi %add3A_207, %add3A_214 : i32
      %lt3A_216 = arith.constant 125 : i32
      %lt3A_217 = arith.cmpi slt, %add3A_215, %lt3A_216 : i32
      %add3A_218 = arith.constant 2 : i32
      %add3A_219 = arith.addi %add3A_207, %add3A_218 : i32
      %convert_element_type3A_220 = arith.extui %lt3A_217 : i1 to i32
      %cond3A_221 = arith.constant 0 : i32
      %cond3A_222 = arith.cmpi ne, %convert_element_type3A_220, %cond3A_221 : i32
      scf.if %cond3A_222 {
        %mul3A_249 = arith.constant 80 : i32
        %mul3A_250 = arith.muli %add3A_219, %mul3A_249 : i32
        %dma_start3A_251 = tpu.memref_slice %arg7[%mul3A_250] : memref<10000xi32, #tpu.memory_space<vmem>> -> memref<80xi32, #tpu.memory_space<vmem>>
        %dma_start3A_252 = arith.constant 0 : i32
        %dma_start3A_253 = arith.constant 0 : i32
        %dma_start3A_254 = tpu.memref_slice %arg2[%dma_start3A_252, %dma_start3A_253] : memref<10000x16xf32, #tpu.memory_space<hbm>> -> memref<10000x16xf32, #tpu.memory_space<hbm>>
        tpu.enqueue_indirect_dma source(%dma_start3A_254 : memref<10000x16xf32, #tpu.memory_space<hbm>>) target(%arg10 : memref<80x16xf32, #tpu.memory_space<vmem>>) offsets(%dma_start3A_251 : memref<80xi32, #tpu.memory_space<vmem>>) semaphore(%arg18 : memref<!tpu.dma_semaphore, #tpu.memory_space<semaphore_mem>>)
        %dma_start3A_255 = tpu.memref_slice %arg8[%mul3A_250] : memref<10000xi32, #tpu.memory_space<vmem>> -> memref<80xi32, #tpu.memory_space<vmem>>
        %dma_start3A_256 = arith.constant 0 : i32
        %dma_start3A_257 = arith.constant 0 : i32
        %dma_start3A_258 = tpu.memref_slice %arg3[%dma_start3A_256, %dma_start3A_257] : memref<10000x16xf32, #tpu.memory_space<hbm>> -> memref<10000x16xf32, #tpu.memory_space<hbm>>
        tpu.enqueue_indirect_dma source(%dma_start3A_258 : memref<10000x16xf32, #tpu.memory_space<hbm>>) target(%arg14 : memref<80x16xf32, #tpu.memory_space<vmem>>) offsets(%dma_start3A_255 : memref<80xi32, #tpu.memory_space<vmem>>) semaphore(%arg18 : memref<!tpu.dma_semaphore, #tpu.memory_space<semaphore_mem>>)
      } else {
      }
      %dma_wait3A_223 = arith.constant 0 : i32
      %dma_wait3A_224 = arith.constant 0 : i32
      %dma_wait3A_225 = tpu.memref_slice %arg2[%dma_wait3A_223, %dma_wait3A_224] : memref<10000x16xf32, #tpu.memory_space<hbm>> -> memref<80x16xf32, #tpu.memory_space<hbm>>
      %dma_wait3A_226 = arith.constant 0 : i32
      %dma_wait3A_227 = arith.constant 0 : i32
      %dma_wait3A_228 = tpu.memref_slice %arg2[%dma_wait3A_226, %dma_wait3A_227] : memref<10000x16xf32, #tpu.memory_space<hbm>> -> memref<80x16xf32, #tpu.memory_space<hbm>>
      tpu.wait_dma2 semaphore(%arg20 : memref<!tpu.dma_semaphore, #tpu.memory_space<semaphore_mem>>) src(%dma_wait3A_228 : memref<80x16xf32, #tpu.memory_space<hbm>>) dst(%arg12 : memref<80x16xf32, #tpu.memory_space<vmem>>)
      %dma_wait3A_229 = arith.constant 0 : i32
      %dma_wait3A_230 = arith.constant 0 : i32
      %dma_wait3A_231 = tpu.memref_slice %arg3[%dma_wait3A_229, %dma_wait3A_230] : memref<10000x16xf32, #tpu.memory_space<hbm>> -> memref<80x16xf32, #tpu.memory_space<hbm>>
      %dma_wait3A_232 = arith.constant 0 : i32
      %dma_wait3A_233 = arith.constant 0 : i32
      %dma_wait3A_234 = tpu.memref_slice %arg3[%dma_wait3A_232, %dma_wait3A_233] : memref<10000x16xf32, #tpu.memory_space<hbm>> -> memref<80x16xf32, #tpu.memory_space<hbm>>
      tpu.wait_dma2 semaphore(%arg20 : memref<!tpu.dma_semaphore, #tpu.memory_space<semaphore_mem>>) src(%dma_wait3A_234 : memref<80x16xf32, #tpu.memory_space<hbm>>) dst(%arg16 : memref<80x16xf32, #tpu.memory_space<vmem>>)
      %scan3A_235 = arith.constant 0 : i32
      %scan3A_236 = arith.constant 80 : i32
      %scan3A_237 = arith.addi %scan3A_235, %scan3A_236 : i32
      %scan3A_238 = arith.constant 8 : i32
      scf.for %scan3A_249 = %scan3A_235 to %scan3A_237 step %scan3A_238  : i32 {
        %mul3A_250 = arith.constant 1 : i32
        %mul3A_251 = arith.muli %scan3A_249, %mul3A_250 : i32
        %add3A_252 = arith.constant 0 : i32
        %add3A_253 = arith.addi %add3A_252, %mul3A_251 : i32
        %get3A = arith.index_cast %add3A_253 : i32 to index
        %get3A_254 = arith.constant 0 : index
        %get3A_255 = tpu.vector_load %arg12[%get3A, %get3A_254] {strides = array<i32>} : memref<80x16xf32, #tpu.memory_space<vmem>>, vector<1x16xf32>,
        %get3A_256 = vector.shape_cast %get3A_255 : vector<1x16xf32> to vector<16xf32>
        %get3A_257 = arith.index_cast %add3A_253 : i32 to index
        %get3A_258 = arith.constant 0 : index
        %get3A_259 = tpu.vector_load %arg16[%get3A_257, %get3A_258] {strides = array<i32>} : memref<80x16xf32, #tpu.memory_space<vmem>>, vector<1x16xf32>,
        %get3A_260 = vector.shape_cast %get3A_259 : vector<1x16xf32> to vector<16xf32>
        %add3A_261 = arith.addf %get3A_256, %get3A_260 : vector<16xf32>
        %swap3A = arith.index_cast %add3A_253 : i32 to index
        %swap3A_262 = arith.constant 0 : index
        %swap3A_263 = tpu.vector_load %arg12[%swap3A, %swap3A_262] {strides = array<i32>} : memref<80x16xf32, #tpu.memory_space<vmem>>, vector<1x16xf32>,
        %swap3A_264 = vector.shape_cast %swap3A_263 : vector<1x16xf32> to vector<16xf32>
        %swap3A_265 = vector.shape_cast %add3A_261 : vector<16xf32> to vector<1x16xf32>
        tpu.vector_store %arg12[%swap3A, %swap3A_262], %swap3A_265 {strides = array<i32>} : memref<80x16xf32, #tpu.memory_space<vmem>>, vector<1x16xf32>,
        %scan3A_266 = arith.constant 1 : i32
        %scan3A_267 = arith.addi %scan3A_249, %scan3A_266 : i32
        %mul3A_268 = arith.constant 1 : i32
        %mul3A_269 = arith.muli %scan3A_267, %mul3A_268 : i32
        %add3A_270 = arith.constant 0 : i32
        %add3A_271 = arith.addi %add3A_270, %mul3A_269 : i32
        %get3A_272 = arith.index_cast %add3A_271 : i32 to index
        %get3A_273 = arith.constant 0 : index
        %get3A_274 = tpu.vector_load %arg12[%get3A_272, %get3A_273] {strides = array<i32>} : memref<80x16xf32, #tpu.memory_space<vmem>>, vector<1x16xf32>,
        %get3A_275 = vector.shape_cast %get3A_274 : vector<1x16xf32> to vector<16xf32>
        %get3A_276 = arith.index_cast %add3A_271 : i32 to index
        %get3A_277 = arith.constant 0 : index
        %get3A_278 = tpu.vector_load %arg16[%get3A_276, %get3A_277] {strides = array<i32>} : memref<80x16xf32, #tpu.memory_space<vmem>>, vector<1x16xf32>,
        %get3A_279 = vector.shape_cast %get3A_278 : vector<1x16xf32> to vector<16xf32>
        %add3A_280 = arith.addf %get3A_275, %get3A_279 : vector<16xf32>
        %swap3A_281 = arith.index_cast %add3A_271 : i32 to index
        %swap3A_282 = arith.constant 0 : index
        %swap3A_283 = tpu.vector_load %arg12[%swap3A_281, %swap3A_282] {strides = array<i32>} : memref<80x16xf32, #tpu.memory_space<vmem>>, vector<1x16xf32>,
        %swap3A_284 = vector.shape_cast %swap3A_283 : vector<1x16xf32> to vector<16xf32>
        %swap3A_285 = vector.shape_cast %add3A_280 : vector<16xf32> to vector<1x16xf32>
        tpu.vector_store %arg12[%swap3A_281, %swap3A_282], %swap3A_285 {strides = array<i32>} : memref<80x16xf32, #tpu.memory_space<vmem>>, vector<1x16xf32>,
        %scan3A_286 = arith.constant 2 : i32
        %scan3A_287 = arith.addi %scan3A_249, %scan3A_286 : i32
        %mul3A_288 = arith.constant 1 : i32
        %mul3A_289 = arith.muli %scan3A_287, %mul3A_288 : i32
        %add3A_290 = arith.constant 0 : i32
        %add3A_291 = arith.addi %add3A_290, %mul3A_289 : i32
        %get3A_292 = arith.index_cast %add3A_291 : i32 to index
        %get3A_293 = arith.constant 0 : index
        %get3A_294 = tpu.vector_load %arg12[%get3A_292, %get3A_293] {strides = array<i32>} : memref<80x16xf32, #tpu.memory_space<vmem>>, vector<1x16xf32>,
        %get3A_295 = vector.shape_cast %get3A_294 : vector<1x16xf32> to vector<16xf32>
        %get3A_296 = arith.index_cast %add3A_291 : i32 to index
        %get3A_297 = arith.constant 0 : index
        %get3A_298 = tpu.vector_load %arg16[%get3A_296, %get3A_297] {strides = array<i32>} : memref<80x16xf32, #tpu.memory_space<vmem>>, vector<1x16xf32>,
        %get3A_299 = vector.shape_cast %get3A_298 : vector<1x16xf32> to vector<16xf32>
        %add3A_300 = arith.addf %get3A_295, %get3A_299 : vector<16xf32>
        %swap3A_301 = arith.index_cast %add3A_291 : i32 to index
        %swap3A_302 = arith.constant 0 : index
        %swap3A_303 = tpu.vector_load %arg12[%swap3A_301, %swap3A_302] {strides = array<i32>} : memref<80x16xf32, #tpu.memory_space<vmem>>, vector<1x16xf32>,
        %swap3A_304 = vector.shape_cast %swap3A_303 : vector<1x16xf32> to vector<16xf32>
        %swap3A_305 = vector.shape_cast %add3A_300 : vector<16xf32> to vector<1x16xf32>
        tpu.vector_store %arg12[%swap3A_301, %swap3A_302], %swap3A_305 {strides = array<i32>} : memref<80x16xf32, #tpu.memory_space<vmem>>, vector<1x16xf32>,
        %scan3A_306 = arith.constant 3 : i32
        %scan3A_307 = arith.addi %scan3A_249, %scan3A_306 : i32
        %mul3A_308 = arith.constant 1 : i32
        %mul3A_309 = arith.muli %scan3A_307, %mul3A_308 : i32
        %add3A_310 = arith.constant 0 : i32
        %add3A_311 = arith.addi %add3A_310, %mul3A_309 : i32
        %get3A_312 = arith.index_cast %add3A_311 : i32 to index
        %get3A_313 = arith.constant 0 : index
        %get3A_314 = tpu.vector_load %arg12[%get3A_312, %get3A_313] {strides = array<i32>} : memref<80x16xf32, #tpu.memory_space<vmem>>, vector<1x16xf32>,
        %get3A_315 = vector.shape_cast %get3A_314 : vector<1x16xf32> to vector<16xf32>
        %get3A_316 = arith.index_cast %add3A_311 : i32 to index
        %get3A_317 = arith.constant 0 : index
        %get3A_318 = tpu.vector_load %arg16[%get3A_316, %get3A_317] {strides = array<i32>} : memref<80x16xf32, #tpu.memory_space<vmem>>, vector<1x16xf32>,
        %get3A_319 = vector.shape_cast %get3A_318 : vector<1x16xf32> to vector<16xf32>
        %add3A_320 = arith.addf %get3A_315, %get3A_319 : vector<16xf32>
        %swap3A_321 = arith.index_cast %add3A_311 : i32 to index
        %swap3A_322 = arith.constant 0 : index
        %swap3A_323 = tpu.vector_load %arg12[%swap3A_321, %swap3A_322] {strides = array<i32>} : memref<80x16xf32, #tpu.memory_space<vmem>>, vector<1x16xf32>,
        %swap3A_324 = vector.shape_cast %swap3A_323 : vector<1x16xf32> to vector<16xf32>
        %swap3A_325 = vector.shape_cast %add3A_320 : vector<16xf32> to vector<1x16xf32>
        tpu.vector_store %arg12[%swap3A_321, %swap3A_322], %swap3A_325 {strides = array<i32>} : memref<80x16xf32, #tpu.memory_space<vmem>>, vector<1x16xf32>,
        %scan3A_326 = arith.constant 4 : i32
        %scan3A_327 = arith.addi %scan3A_249, %scan3A_326 : i32
        %mul3A_328 = arith.constant 1 : i32
        %mul3A_329 = arith.muli %scan3A_327, %mul3A_328 : i32
        %add3A_330 = arith.constant 0 : i32
        %add3A_331 = arith.addi %add3A_330, %mul3A_329 : i32
        %get3A_332 = arith.index_cast %add3A_331 : i32 to index
        %get3A_333 = arith.constant 0 : index
        %get3A_334 = tpu.vector_load %arg12[%get3A_332, %get3A_333] {strides = array<i32>} : memref<80x16xf32, #tpu.memory_space<vmem>>, vector<1x16xf32>,
        %get3A_335 = vector.shape_cast %get3A_334 : vector<1x16xf32> to vector<16xf32>
        %get3A_336 = arith.index_cast %add3A_331 : i32 to index
        %get3A_337 = arith.constant 0 : index
        %get3A_338 = tpu.vector_load %arg16[%get3A_336, %get3A_337] {strides = array<i32>} : memref<80x16xf32, #tpu.memory_space<vmem>>, vector<1x16xf32>,
        %get3A_339 = vector.shape_cast %get3A_338 : vector<1x16xf32> to vector<16xf32>
        %add3A_340 = arith.addf %get3A_335, %get3A_339 : vector<16xf32>
        %swap3A_341 = arith.index_cast %add3A_331 : i32 to index
        %swap3A_342 = arith.constant 0 : index
        %swap3A_343 = tpu.vector_load %arg12[%swap3A_341, %swap3A_342] {strides = array<i32>} : memref<80x16xf32, #tpu.memory_space<vmem>>, vector<1x16xf32>,
        %swap3A_344 = vector.shape_cast %swap3A_343 : vector<1x16xf32> to vector<16xf32>
        %swap3A_345 = vector.shape_cast %add3A_340 : vector<16xf32> to vector<1x16xf32>
        tpu.vector_store %arg12[%swap3A_341, %swap3A_342], %swap3A_345 {strides = array<i32>} : memref<80x16xf32, #tpu.memory_space<vmem>>, vector<1x16xf32>,
        %scan3A_346 = arith.constant 5 : i32
        %scan3A_347 = arith.addi %scan3A_249, %scan3A_346 : i32
        %mul3A_348 = arith.constant 1 : i32
        %mul3A_349 = arith.muli %scan3A_347, %mul3A_348 : i32
        %add3A_350 = arith.constant 0 : i32
        %add3A_351 = arith.addi %add3A_350, %mul3A_349 : i32
        %get3A_352 = arith.index_cast %add3A_351 : i32 to index
        %get3A_353 = arith.constant 0 : index
        %get3A_354 = tpu.vector_load %arg12[%get3A_352, %get3A_353] {strides = array<i32>} : memref<80x16xf32, #tpu.memory_space<vmem>>, vector<1x16xf32>,
        %get3A_355 = vector.shape_cast %get3A_354 : vector<1x16xf32> to vector<16xf32>
        %get3A_356 = arith.index_cast %add3A_351 : i32 to index
        %get3A_357 = arith.constant 0 : index
        %get3A_358 = tpu.vector_load %arg16[%get3A_356, %get3A_357] {strides = array<i32>} : memref<80x16xf32, #tpu.memory_space<vmem>>, vector<1x16xf32>,
        %get3A_359 = vector.shape_cast %get3A_358 : vector<1x16xf32> to vector<16xf32>
        %add3A_360 = arith.addf %get3A_355, %get3A_359 : vector<16xf32>
        %swap3A_361 = arith.index_cast %add3A_351 : i32 to index
        %swap3A_362 = arith.constant 0 : index
        %swap3A_363 = tpu.vector_load %arg12[%swap3A_361, %swap3A_362] {strides = array<i32>} : memref<80x16xf32, #tpu.memory_space<vmem>>, vector<1x16xf32>,
        %swap3A_364 = vector.shape_cast %swap3A_363 : vector<1x16xf32> to vector<16xf32>
        %swap3A_365 = vector.shape_cast %add3A_360 : vector<16xf32> to vector<1x16xf32>
        tpu.vector_store %arg12[%swap3A_361, %swap3A_362], %swap3A_365 {strides = array<i32>} : memref<80x16xf32, #tpu.memory_space<vmem>>, vector<1x16xf32>,
        %scan3A_366 = arith.constant 6 : i32
        %scan3A_367 = arith.addi %scan3A_249, %scan3A_366 : i32
        %mul3A_368 = arith.constant 1 : i32
        %mul3A_369 = arith.muli %scan3A_367, %mul3A_368 : i32
        %add3A_370 = arith.constant 0 : i32
        %add3A_371 = arith.addi %add3A_370, %mul3A_369 : i32
        %get3A_372 = arith.index_cast %add3A_371 : i32 to index
        %get3A_373 = arith.constant 0 : index
        %get3A_374 = tpu.vector_load %arg12[%get3A_372, %get3A_373] {strides = array<i32>} : memref<80x16xf32, #tpu.memory_space<vmem>>, vector<1x16xf32>,
        %get3A_375 = vector.shape_cast %get3A_374 : vector<1x16xf32> to vector<16xf32>
        %get3A_376 = arith.index_cast %add3A_371 : i32 to index
        %get3A_377 = arith.constant 0 : index
        %get3A_378 = tpu.vector_load %arg16[%get3A_376, %get3A_377] {strides = array<i32>} : memref<80x16xf32, #tpu.memory_space<vmem>>, vector<1x16xf32>,
        %get3A_379 = vector.shape_cast %get3A_378 : vector<1x16xf32> to vector<16xf32>
        %add3A_380 = arith.addf %get3A_375, %get3A_379 : vector<16xf32>
        %swap3A_381 = arith.index_cast %add3A_371 : i32 to index
        %swap3A_382 = arith.constant 0 : index
        %swap3A_383 = tpu.vector_load %arg12[%swap3A_381, %swap3A_382] {strides = array<i32>} : memref<80x16xf32, #tpu.memory_space<vmem>>, vector<1x16xf32>,
        %swap3A_384 = vector.shape_cast %swap3A_383 : vector<1x16xf32> to vector<16xf32>
        %swap3A_385 = vector.shape_cast %add3A_380 : vector<16xf32> to vector<1x16xf32>
        tpu.vector_store %arg12[%swap3A_381, %swap3A_382], %swap3A_385 {strides = array<i32>} : memref<80x16xf32, #tpu.memory_space<vmem>>, vector<1x16xf32>,
        %scan3A_386 = arith.constant 7 : i32
        %scan3A_387 = arith.addi %scan3A_249, %scan3A_386 : i32
        %mul3A_388 = arith.constant 1 : i32
        %mul3A_389 = arith.muli %scan3A_387, %mul3A_388 : i32
        %add3A_390 = arith.constant 0 : i32
        %add3A_391 = arith.addi %add3A_390, %mul3A_389 : i32
        %get3A_392 = arith.index_cast %add3A_391 : i32 to index
        %get3A_393 = arith.constant 0 : index
        %get3A_394 = tpu.vector_load %arg12[%get3A_392, %get3A_393] {strides = array<i32>} : memref<80x16xf32, #tpu.memory_space<vmem>>, vector<1x16xf32>,
        %get3A_395 = vector.shape_cast %get3A_394 : vector<1x16xf32> to vector<16xf32>
        %get3A_396 = arith.index_cast %add3A_391 : i32 to index
        %get3A_397 = arith.constant 0 : index
        %get3A_398 = tpu.vector_load %arg16[%get3A_396, %get3A_397] {strides = array<i32>} : memref<80x16xf32, #tpu.memory_space<vmem>>, vector<1x16xf32>,
        %get3A_399 = vector.shape_cast %get3A_398 : vector<1x16xf32> to vector<16xf32>
        %add3A_400 = arith.addf %get3A_395, %get3A_399 : vector<16xf32>
        %swap3A_401 = arith.index_cast %add3A_391 : i32 to index
        %swap3A_402 = arith.constant 0 : index
        %swap3A_403 = tpu.vector_load %arg12[%swap3A_401, %swap3A_402] {strides = array<i32>} : memref<80x16xf32, #tpu.memory_space<vmem>>, vector<1x16xf32>,
        %swap3A_404 = vector.shape_cast %swap3A_403 : vector<1x16xf32> to vector<16xf32>
        %swap3A_405 = vector.shape_cast %add3A_400 : vector<16xf32> to vector<1x16xf32>
        tpu.vector_store %arg12[%swap3A_401, %swap3A_402], %swap3A_405 {strides = array<i32>} : memref<80x16xf32, #tpu.memory_space<vmem>>, vector<1x16xf32>,
      }
      %scan3A_239 = arith.constant 80 : i32
      %mul3A_240 = arith.constant 125 : i32
      %mul3A_241 = arith.muli %add3A, %mul3A_240 : i32
      %add3A_242 = arith.addi %mul3A_241, %add3A_207 : i32
      %mul3A_243 = arith.constant 80 : i32
      %mul3A_244 = arith.muli %add3A_242, %mul3A_243 : i32
      %dma_start3A_245 = arith.constant 0 : i32
      %dma_start3A_246 = tpu.memref_slice %arg6[%mul3A_244, %dma_start3A_245] : memref<320000x16xf32, #tpu.memory_space<hbm>> -> memref<80x16xf32, #tpu.memory_space<hbm>>
      %dma_start3A_247 = arith.constant 0 : i32
      %dma_start3A_248 = tpu.memref_slice %arg6[%mul3A_244, %dma_start3A_247] : memref<320000x16xf32, #tpu.memory_space<hbm>> -> memref<80x16xf32, #tpu.memory_space<hbm>>
      tpu.enqueue_dma source(%arg12 : memref<80x16xf32, #tpu.memory_space<vmem>>) target(%dma_start3A_248 : memref<80x16xf32, #tpu.memory_space<hbm>>) target_semaphore(%arg24 : memref<!tpu.dma_semaphore, #tpu.memory_space<semaphore_mem>>)
    }
    %scan3A_25 = arith.constant 31 : i32
    %dma_wait3A = arith.constant 0 : i32
    %dma_wait3A_26 = arith.constant 0 : i32
    %dma_wait3A_27 = tpu.memref_slice %arg2[%dma_wait3A, %dma_wait3A_26] : memref<10000x16xf32, #tpu.memory_space<hbm>> -> memref<80x16xf32, #tpu.memory_space<hbm>>
    %dma_wait3A_28 = arith.constant 0 : i32
    %dma_wait3A_29 = arith.constant 0 : i32
    %dma_wait3A_30 = tpu.memref_slice %arg2[%dma_wait3A_28, %dma_wait3A_29] : memref<10000x16xf32, #tpu.memory_space<hbm>> -> memref<80x16xf32, #tpu.memory_space<hbm>>
    tpu.wait_dma2 semaphore(%arg17 : memref<!tpu.dma_semaphore, #tpu.memory_space<semaphore_mem>>) src(%dma_wait3A_30 : memref<80x16xf32, #tpu.memory_space<hbm>>) dst(%arg9 : memref<80x16xf32, #tpu.memory_space<vmem>>)
    %dma_wait3A_31 = arith.constant 0 : i32
    %dma_wait3A_32 = arith.constant 0 : i32
    %dma_wait3A_33 = tpu.memref_slice %arg3[%dma_wait3A_31, %dma_wait3A_32] : memref<10000x16xf32, #tpu.memory_space<hbm>> -> memref<80x16xf32, #tpu.memory_space<hbm>>
    %dma_wait3A_34 = arith.constant 0 : i32
    %dma_wait3A_35 = arith.constant 0 : i32
    %dma_wait3A_36 = tpu.memref_slice %arg3[%dma_wait3A_34, %dma_wait3A_35] : memref<10000x16xf32, #tpu.memory_space<hbm>> -> memref<80x16xf32, #tpu.memory_space<hbm>>
    tpu.wait_dma2 semaphore(%arg17 : memref<!tpu.dma_semaphore, #tpu.memory_space<semaphore_mem>>) src(%dma_wait3A_36 : memref<80x16xf32, #tpu.memory_space<hbm>>) dst(%arg13 : memref<80x16xf32, #tpu.memory_space<vmem>>)
    %scan3A_37 = arith.constant 0 : i32
    %scan3A_38 = arith.constant 80 : i32
    %scan3A_39 = arith.addi %scan3A_37, %scan3A_38 : i32
    %scan3A_40 = arith.constant 8 : i32
    scf.for %scan3A_70 = %scan3A_37 to %scan3A_39 step %scan3A_40  : i32 {
      %mul3A_71 = arith.constant 1 : i32
      %mul3A_72 = arith.muli %scan3A_70, %mul3A_71 : i32
      %add3A_73 = arith.constant 0 : i32
      %add3A_74 = arith.addi %add3A_73, %mul3A_72 : i32
      %get3A = arith.index_cast %add3A_74 : i32 to index
      %get3A_75 = arith.constant 0 : index
      %get3A_76 = tpu.vector_load %arg9[%get3A, %get3A_75] {strides = array<i32>} : memref<80x16xf32, #tpu.memory_space<vmem>>, vector<1x16xf32>,
      %get3A_77 = vector.shape_cast %get3A_76 : vector<1x16xf32> to vector<16xf32>
      %get3A_78 = arith.index_cast %add3A_74 : i32 to index
      %get3A_79 = arith.constant 0 : index
      %get3A_80 = tpu.vector_load %arg13[%get3A_78, %get3A_79] {strides = array<i32>} : memref<80x16xf32, #tpu.memory_space<vmem>>, vector<1x16xf32>,
      %get3A_81 = vector.shape_cast %get3A_80 : vector<1x16xf32> to vector<16xf32>
      %add3A_82 = arith.addf %get3A_77, %get3A_81 : vector<16xf32>
      %swap3A = arith.index_cast %add3A_74 : i32 to index
      %swap3A_83 = arith.constant 0 : index
      %swap3A_84 = tpu.vector_load %arg9[%swap3A, %swap3A_83] {strides = array<i32>} : memref<80x16xf32, #tpu.memory_space<vmem>>, vector<1x16xf32>,
      %swap3A_85 = vector.shape_cast %swap3A_84 : vector<1x16xf32> to vector<16xf32>
      %swap3A_86 = vector.shape_cast %add3A_82 : vector<16xf32> to vector<1x16xf32>
      tpu.vector_store %arg9[%swap3A, %swap3A_83], %swap3A_86 {strides = array<i32>} : memref<80x16xf32, #tpu.memory_space<vmem>>, vector<1x16xf32>,
      %scan3A_87 = arith.constant 1 : i32
      %scan3A_88 = arith.addi %scan3A_70, %scan3A_87 : i32
      %mul3A_89 = arith.constant 1 : i32
      %mul3A_90 = arith.muli %scan3A_88, %mul3A_89 : i32
      %add3A_91 = arith.constant 0 : i32
      %add3A_92 = arith.addi %add3A_91, %mul3A_90 : i32
      %get3A_93 = arith.index_cast %add3A_92 : i32 to index
      %get3A_94 = arith.constant 0 : index
      %get3A_95 = tpu.vector_load %arg9[%get3A_93, %get3A_94] {strides = array<i32>} : memref<80x16xf32, #tpu.memory_space<vmem>>, vector<1x16xf32>,
      %get3A_96 = vector.shape_cast %get3A_95 : vector<1x16xf32> to vector<16xf32>
      %get3A_97 = arith.index_cast %add3A_92 : i32 to index
      %get3A_98 = arith.constant 0 : index
      %get3A_99 = tpu.vector_load %arg13[%get3A_97, %get3A_98] {strides = array<i32>} : memref<80x16xf32, #tpu.memory_space<vmem>>, vector<1x16xf32>,
      %get3A_100 = vector.shape_cast %get3A_99 : vector<1x16xf32> to vector<16xf32>
      %add3A_101 = arith.addf %get3A_96, %get3A_100 : vector<16xf32>
      %swap3A_102 = arith.index_cast %add3A_92 : i32 to index
      %swap3A_103 = arith.constant 0 : index
      %swap3A_104 = tpu.vector_load %arg9[%swap3A_102, %swap3A_103] {strides = array<i32>} : memref<80x16xf32, #tpu.memory_space<vmem>>, vector<1x16xf32>,
      %swap3A_105 = vector.shape_cast %swap3A_104 : vector<1x16xf32> to vector<16xf32>
      %swap3A_106 = vector.shape_cast %add3A_101 : vector<16xf32> to vector<1x16xf32>
      tpu.vector_store %arg9[%swap3A_102, %swap3A_103], %swap3A_106 {strides = array<i32>} : memref<80x16xf32, #tpu.memory_space<vmem>>, vector<1x16xf32>,
      %scan3A_107 = arith.constant 2 : i32
      %scan3A_108 = arith.addi %scan3A_70, %scan3A_107 : i32
      %mul3A_109 = arith.constant 1 : i32
      %mul3A_110 = arith.muli %scan3A_108, %mul3A_109 : i32
      %add3A_111 = arith.constant 0 : i32
      %add3A_112 = arith.addi %add3A_111, %mul3A_110 : i32
      %get3A_113 = arith.index_cast %add3A_112 : i32 to index
      %get3A_114 = arith.constant 0 : index
      %get3A_115 = tpu.vector_load %arg9[%get3A_113, %get3A_114] {strides = array<i32>} : memref<80x16xf32, #tpu.memory_space<vmem>>, vector<1x16xf32>,
      %get3A_116 = vector.shape_cast %get3A_115 : vector<1x16xf32> to vector<16xf32>
      %get3A_117 = arith.index_cast %add3A_112 : i32 to index
      %get3A_118 = arith.constant 0 : index
      %get3A_119 = tpu.vector_load %arg13[%get3A_117, %get3A_118] {strides = array<i32>} : memref<80x16xf32, #tpu.memory_space<vmem>>, vector<1x16xf32>,
      %get3A_120 = vector.shape_cast %get3A_119 : vector<1x16xf32> to vector<16xf32>
      %add3A_121 = arith.addf %get3A_116, %get3A_120 : vector<16xf32>
      %swap3A_122 = arith.index_cast %add3A_112 : i32 to index
      %swap3A_123 = arith.constant 0 : index
      %swap3A_124 = tpu.vector_load %arg9[%swap3A_122, %swap3A_123] {strides = array<i32>} : memref<80x16xf32, #tpu.memory_space<vmem>>, vector<1x16xf32>,
      %swap3A_125 = vector.shape_cast %swap3A_124 : vector<1x16xf32> to vector<16xf32>
      %swap3A_126 = vector.shape_cast %add3A_121 : vector<16xf32> to vector<1x16xf32>
      tpu.vector_store %arg9[%swap3A_122, %swap3A_123], %swap3A_126 {strides = array<i32>} : memref<80x16xf32, #tpu.memory_space<vmem>>, vector<1x16xf32>,
      %scan3A_127 = arith.constant 3 : i32
      %scan3A_128 = arith.addi %scan3A_70, %scan3A_127 : i32
      %mul3A_129 = arith.constant 1 : i32
      %mul3A_130 = arith.muli %scan3A_128, %mul3A_129 : i32
      %add3A_131 = arith.constant 0 : i32
      %add3A_132 = arith.addi %add3A_131, %mul3A_130 : i32
      %get3A_133 = arith.index_cast %add3A_132 : i32 to index
      %get3A_134 = arith.constant 0 : index
      %get3A_135 = tpu.vector_load %arg9[%get3A_133, %get3A_134] {strides = array<i32>} : memref<80x16xf32, #tpu.memory_space<vmem>>, vector<1x16xf32>,
      %get3A_136 = vector.shape_cast %get3A_135 : vector<1x16xf32> to vector<16xf32>
      %get3A_137 = arith.index_cast %add3A_132 : i32 to index
      %get3A_138 = arith.constant 0 : index
      %get3A_139 = tpu.vector_load %arg13[%get3A_137, %get3A_138] {strides = array<i32>} : memref<80x16xf32, #tpu.memory_space<vmem>>, vector<1x16xf32>,
      %get3A_140 = vector.shape_cast %get3A_139 : vector<1x16xf32> to vector<16xf32>
      %add3A_141 = arith.addf %get3A_136, %get3A_140 : vector<16xf32>
      %swap3A_142 = arith.index_cast %add3A_132 : i32 to index
      %swap3A_143 = arith.constant 0 : index
      %swap3A_144 = tpu.vector_load %arg9[%swap3A_142, %swap3A_143] {strides = array<i32>} : memref<80x16xf32, #tpu.memory_space<vmem>>, vector<1x16xf32>,
      %swap3A_145 = vector.shape_cast %swap3A_144 : vector<1x16xf32> to vector<16xf32>
      %swap3A_146 = vector.shape_cast %add3A_141 : vector<16xf32> to vector<1x16xf32>
      tpu.vector_store %arg9[%swap3A_142, %swap3A_143], %swap3A_146 {strides = array<i32>} : memref<80x16xf32, #tpu.memory_space<vmem>>, vector<1x16xf32>,
      %scan3A_147 = arith.constant 4 : i32
      %scan3A_148 = arith.addi %scan3A_70, %scan3A_147 : i32
      %mul3A_149 = arith.constant 1 : i32
      %mul3A_150 = arith.muli %scan3A_148, %mul3A_149 : i32
      %add3A_151 = arith.constant 0 : i32
      %add3A_152 = arith.addi %add3A_151, %mul3A_150 : i32
      %get3A_153 = arith.index_cast %add3A_152 : i32 to index
      %get3A_154 = arith.constant 0 : index
      %get3A_155 = tpu.vector_load %arg9[%get3A_153, %get3A_154] {strides = array<i32>} : memref<80x16xf32, #tpu.memory_space<vmem>>, vector<1x16xf32>,
      %get3A_156 = vector.shape_cast %get3A_155 : vector<1x16xf32> to vector<16xf32>
      %get3A_157 = arith.index_cast %add3A_152 : i32 to index
      %get3A_158 = arith.constant 0 : index
      %get3A_159 = tpu.vector_load %arg13[%get3A_157, %get3A_158] {strides = array<i32>} : memref<80x16xf32, #tpu.memory_space<vmem>>, vector<1x16xf32>,
      %get3A_160 = vector.shape_cast %get3A_159 : vector<1x16xf32> to vector<16xf32>
      %add3A_161 = arith.addf %get3A_156, %get3A_160 : vector<16xf32>
      %swap3A_162 = arith.index_cast %add3A_152 : i32 to index
      %swap3A_163 = arith.constant 0 : index
      %swap3A_164 = tpu.vector_load %arg9[%swap3A_162, %swap3A_163] {strides = array<i32>} : memref<80x16xf32, #tpu.memory_space<vmem>>, vector<1x16xf32>,
      %swap3A_165 = vector.shape_cast %swap3A_164 : vector<1x16xf32> to vector<16xf32>
      %swap3A_166 = vector.shape_cast %add3A_161 : vector<16xf32> to vector<1x16xf32>
      tpu.vector_store %arg9[%swap3A_162, %swap3A_163], %swap3A_166 {strides = array<i32>} : memref<80x16xf32, #tpu.memory_space<vmem>>, vector<1x16xf32>,
      %scan3A_167 = arith.constant 5 : i32
      %scan3A_168 = arith.addi %scan3A_70, %scan3A_167 : i32
      %mul3A_169 = arith.constant 1 : i32
      %mul3A_170 = arith.muli %scan3A_168, %mul3A_169 : i32
      %add3A_171 = arith.constant 0 : i32
      %add3A_172 = arith.addi %add3A_171, %mul3A_170 : i32
      %get3A_173 = arith.index_cast %add3A_172 : i32 to index
      %get3A_174 = arith.constant 0 : index
      %get3A_175 = tpu.vector_load %arg9[%get3A_173, %get3A_174] {strides = array<i32>} : memref<80x16xf32, #tpu.memory_space<vmem>>, vector<1x16xf32>,
      %get3A_176 = vector.shape_cast %get3A_175 : vector<1x16xf32> to vector<16xf32>
      %get3A_177 = arith.index_cast %add3A_172 : i32 to index
      %get3A_178 = arith.constant 0 : index
      %get3A_179 = tpu.vector_load %arg13[%get3A_177, %get3A_178] {strides = array<i32>} : memref<80x16xf32, #tpu.memory_space<vmem>>, vector<1x16xf32>,
      %get3A_180 = vector.shape_cast %get3A_179 : vector<1x16xf32> to vector<16xf32>
      %add3A_181 = arith.addf %get3A_176, %get3A_180 : vector<16xf32>
      %swap3A_182 = arith.index_cast %add3A_172 : i32 to index
      %swap3A_183 = arith.constant 0 : index
      %swap3A_184 = tpu.vector_load %arg9[%swap3A_182, %swap3A_183] {strides = array<i32>} : memref<80x16xf32, #tpu.memory_space<vmem>>, vector<1x16xf32>,
      %swap3A_185 = vector.shape_cast %swap3A_184 : vector<1x16xf32> to vector<16xf32>
      %swap3A_186 = vector.shape_cast %add3A_181 : vector<16xf32> to vector<1x16xf32>
      tpu.vector_store %arg9[%swap3A_182, %swap3A_183], %swap3A_186 {strides = array<i32>} : memref<80x16xf32, #tpu.memory_space<vmem>>, vector<1x16xf32>,
      %scan3A_187 = arith.constant 6 : i32
      %scan3A_188 = arith.addi %scan3A_70, %scan3A_187 : i32
      %mul3A_189 = arith.constant 1 : i32
      %mul3A_190 = arith.muli %scan3A_188, %mul3A_189 : i32
      %add3A_191 = arith.constant 0 : i32
      %add3A_192 = arith.addi %add3A_191, %mul3A_190 : i32
      %get3A_193 = arith.index_cast %add3A_192 : i32 to index
      %get3A_194 = arith.constant 0 : index
      %get3A_195 = tpu.vector_load %arg9[%get3A_193, %get3A_194] {strides = array<i32>} : memref<80x16xf32, #tpu.memory_space<vmem>>, vector<1x16xf32>,
      %get3A_196 = vector.shape_cast %get3A_195 : vector<1x16xf32> to vector<16xf32>
      %get3A_197 = arith.index_cast %add3A_192 : i32 to index
      %get3A_198 = arith.constant 0 : index
      %get3A_199 = tpu.vector_load %arg13[%get3A_197, %get3A_198] {strides = array<i32>} : memref<80x16xf32, #tpu.memory_space<vmem>>, vector<1x16xf32>,
      %get3A_200 = vector.shape_cast %get3A_199 : vector<1x16xf32> to vector<16xf32>
      %add3A_201 = arith.addf %get3A_196, %get3A_200 : vector<16xf32>
      %swap3A_202 = arith.index_cast %add3A_192 : i32 to index
      %swap3A_203 = arith.constant 0 : index
      %swap3A_204 = tpu.vector_load %arg9[%swap3A_202, %swap3A_203] {strides = array<i32>} : memref<80x16xf32, #tpu.memory_space<vmem>>, vector<1x16xf32>,
      %swap3A_205 = vector.shape_cast %swap3A_204 : vector<1x16xf32> to vector<16xf32>
      %swap3A_206 = vector.shape_cast %add3A_201 : vector<16xf32> to vector<1x16xf32>
      tpu.vector_store %arg9[%swap3A_202, %swap3A_203], %swap3A_206 {strides = array<i32>} : memref<80x16xf32, #tpu.memory_space<vmem>>, vector<1x16xf32>,
      %scan3A_207 = arith.constant 7 : i32
      %scan3A_208 = arith.addi %scan3A_70, %scan3A_207 : i32
      %mul3A_209 = arith.constant 1 : i32
      %mul3A_210 = arith.muli %scan3A_208, %mul3A_209 : i32
      %add3A_211 = arith.constant 0 : i32
      %add3A_212 = arith.addi %add3A_211, %mul3A_210 : i32
      %get3A_213 = arith.index_cast %add3A_212 : i32 to index
      %get3A_214 = arith.constant 0 : index
      %get3A_215 = tpu.vector_load %arg9[%get3A_213, %get3A_214] {strides = array<i32>} : memref<80x16xf32, #tpu.memory_space<vmem>>, vector<1x16xf32>,
      %get3A_216 = vector.shape_cast %get3A_215 : vector<1x16xf32> to vector<16xf32>
      %get3A_217 = arith.index_cast %add3A_212 : i32 to index
      %get3A_218 = arith.constant 0 : index
      %get3A_219 = tpu.vector_load %arg13[%get3A_217, %get3A_218] {strides = array<i32>} : memref<80x16xf32, #tpu.memory_space<vmem>>, vector<1x16xf32>,
      %get3A_220 = vector.shape_cast %get3A_219 : vector<1x16xf32> to vector<16xf32>
      %add3A_221 = arith.addf %get3A_216, %get3A_220 : vector<16xf32>
      %swap3A_222 = arith.index_cast %add3A_212 : i32 to index
      %swap3A_223 = arith.constant 0 : index
      %swap3A_224 = tpu.vector_load %arg9[%swap3A_222, %swap3A_223] {strides = array<i32>} : memref<80x16xf32, #tpu.memory_space<vmem>>, vector<1x16xf32>,
      %swap3A_225 = vector.shape_cast %swap3A_224 : vector<1x16xf32> to vector<16xf32>
      %swap3A_226 = vector.shape_cast %add3A_221 : vector<16xf32> to vector<1x16xf32>
      tpu.vector_store %arg9[%swap3A_222, %swap3A_223], %swap3A_226 {strides = array<i32>} : memref<80x16xf32, #tpu.memory_space<vmem>>, vector<1x16xf32>,
    }
    %scan3A_41 = arith.constant 80 : i32
    %mul3A_42 = arith.constant 125 : i32
    %mul3A_43 = arith.muli %add3A, %mul3A_42 : i32
    %add3A_44 = arith.constant 124 : i32
    %add3A_45 = arith.addi %mul3A_43, %add3A_44 : i32
    %mul3A_46 = arith.constant 80 : i32
    %mul3A_47 = arith.muli %add3A_45, %mul3A_46 : i32
    %dma_start3A_48 = arith.constant 0 : i32
    %dma_start3A_49 = tpu.memref_slice %arg6[%mul3A_47, %dma_start3A_48] : memref<320000x16xf32, #tpu.memory_space<hbm>> -> memref<80x16xf32, #tpu.memory_space<hbm>>
    %dma_start3A_50 = arith.constant 0 : i32
    %dma_start3A_51 = tpu.memref_slice %arg6[%mul3A_47, %dma_start3A_50] : memref<320000x16xf32, #tpu.memory_space<hbm>> -> memref<80x16xf32, #tpu.memory_space<hbm>>
    tpu.enqueue_dma source(%arg9 : memref<80x16xf32, #tpu.memory_space<vmem>>) target(%dma_start3A_51 : memref<80x16xf32, #tpu.memory_space<hbm>>) target_semaphore(%arg21 : memref<!tpu.dma_semaphore, #tpu.memory_space<semaphore_mem>>)
    %dma_wait3A_52 = arith.constant 0 : i32
    %dma_wait3A_53 = arith.constant 0 : i32
    %dma_wait3A_54 = tpu.memref_slice %arg2[%dma_wait3A_52, %dma_wait3A_53] : memref<10000x16xf32, #tpu.memory_space<hbm>> -> memref<80x16xf32, #tpu.memory_space<hbm>>
    %dma_wait3A_55 = arith.constant 0 : i32
    %dma_wait3A_56 = arith.constant 0 : i32
    %dma_wait3A_57 = tpu.memref_slice %arg2[%dma_wait3A_55, %dma_wait3A_56] : memref<10000x16xf32, #tpu.memory_space<hbm>> -> memref<80x16xf32, #tpu.memory_space<hbm>>
    tpu.wait_dma2 semaphore(%arg23 : memref<!tpu.dma_semaphore, #tpu.memory_space<semaphore_mem>>) src(%dma_wait3A_57 : memref<80x16xf32, #tpu.memory_space<hbm>>) dst(%arg11 : memref<80x16xf32, #tpu.memory_space<vmem>>)
    %dma_wait3A_58 = arith.constant 0 : i32
    %dma_wait3A_59 = arith.constant 0 : i32
    %dma_wait3A_60 = tpu.memref_slice %arg2[%dma_wait3A_58, %dma_wait3A_59] : memref<10000x16xf32, #tpu.memory_space<hbm>> -> memref<80x16xf32, #tpu.memory_space<hbm>>
    %dma_wait3A_61 = arith.constant 0 : i32
    %dma_wait3A_62 = arith.constant 0 : i32
    %dma_wait3A_63 = tpu.memref_slice %arg2[%dma_wait3A_61, %dma_wait3A_62] : memref<10000x16xf32, #tpu.memory_space<hbm>> -> memref<80x16xf32, #tpu.memory_space<hbm>>
    tpu.wait_dma2 semaphore(%arg24 : memref<!tpu.dma_semaphore, #tpu.memory_space<semaphore_mem>>) src(%dma_wait3A_63 : memref<80x16xf32, #tpu.memory_space<hbm>>) dst(%arg12 : memref<80x16xf32, #tpu.memory_space<vmem>>)
    %dma_wait3A_64 = arith.constant 0 : i32
    %dma_wait3A_65 = arith.constant 0 : i32
    %dma_wait3A_66 = tpu.memref_slice %arg2[%dma_wait3A_64, %dma_wait3A_65] : memref<10000x16xf32, #tpu.memory_space<hbm>> -> memref<80x16xf32, #tpu.memory_space<hbm>>
    %dma_wait3A_67 = arith.constant 0 : i32
    %dma_wait3A_68 = arith.constant 0 : i32
    %dma_wait3A_69 = tpu.memref_slice %arg2[%dma_wait3A_67, %dma_wait3A_68] : memref<10000x16xf32, #tpu.memory_space<hbm>> -> memref<80x16xf32, #tpu.memory_space<hbm>>
    tpu.wait_dma2 semaphore(%arg21 : memref<!tpu.dma_semaphore, #tpu.memory_space<semaphore_mem>>) src(%dma_wait3A_69 : memref<80x16xf32, #tpu.memory_space<hbm>>) dst(%arg9 : memref<80x16xf32, #tpu.memory_space<vmem>>)
    return
  }
}

#map = affine_map<(d0, d1) -> (0, 0)>
#map1 = affine_map<(d0, d1) -> (0)>
module attributes {stable_mosaic.version = 14 : i64} {
  func.func @_e_body(%arg0: i32, %arg1: i32, %arg2: memref<10000x64xf32, #tpu.memory_space<hbm>>, %arg3: memref<320000xi32, #tpu.memory_space<hbm>>, %arg4: memref<320000xi32, #tpu.memory_space<hbm>>, %arg5: memref<320000x128xf32, #tpu.memory_space<hbm>>, %arg6: memref<10000xi32, #tpu.memory_space<vmem>>, %arg7: memref<10000xi32, #tpu.memory_space<vmem>>, %arg8: memref<80x64xf32, #tpu.memory_space<vmem>>, %arg9: memref<80x64xf32, #tpu.memory_space<vmem>>, %arg10: memref<80x64xf32, #tpu.memory_space<vmem>>, %arg11: memref<80x64xf32, #tpu.memory_space<vmem>>, %arg12: memref<80x64xf32, #tpu.memory_space<vmem>>, %arg13: memref<80x64xf32, #tpu.memory_space<vmem>>, %arg14: memref<80x64xf32, #tpu.memory_space<vmem>>, %arg15: memref<80x64xf32, #tpu.memory_space<vmem>>, %arg16: memref<!tpu.dma_semaphore, #tpu.memory_space<semaphore_mem>>, %arg17: memref<!tpu.dma_semaphore, #tpu.memory_space<semaphore_mem>>, %arg18: memref<!tpu.dma_semaphore, #tpu.memory_space<semaphore_mem>>, %arg19: memref<!tpu.dma_semaphore, #tpu.memory_space<semaphore_mem>>, %arg20: memref<!tpu.dma_semaphore, #tpu.memory_space<semaphore_mem>>, %arg21: memref<!tpu.dma_semaphore, #tpu.memory_space<semaphore_mem>>, %arg22: memref<!tpu.dma_semaphore, #tpu.memory_space<semaphore_mem>>, %arg23: memref<!tpu.dma_semaphore, #tpu.memory_space<semaphore_mem>>) attributes {dimension_semantics = [#tpu.dimension_semantics<core_parallel>, #tpu.dimension_semantics<subcore_parallel>], iteration_bounds = array<i64: 2, 16>, scalar_prefetch = 0 : i64, scratch_operands = 18 : i64, tpu.core_type = #tpu.core_type<sc_vector_subcore>, window_params = [{transform_indices = #map}, {transform_indices = #map1}, {transform_indices = #map1}, {transform_indices = #map}]} {
    %mul3A = arith.constant 2 : i32
    %mul3A_0 = arith.muli %arg1, %mul3A : i32
    %add3A = arith.addi %mul3A_0, %arg0 : i32
    %mul3A_1 = arith.constant 10000 : i32
    %mul3A_2 = arith.muli %add3A, %mul3A_1 : i32
    "tpu.region"() ({
      %run_scoped3A = tpu.sem_alloc : memref<!tpu.dma_semaphore, #tpu.memory_space<semaphore_mem>>
      %dma_start3A_87 = tpu.memref_slice %arg3[%mul3A_2] : memref<320000xi32, #tpu.memory_space<hbm>> -> memref<10000xi32, #tpu.memory_space<hbm>>
      %dma_start3A_88 = tpu.memref_slice %arg3[%mul3A_2] : memref<320000xi32, #tpu.memory_space<hbm>> -> memref<10000xi32, #tpu.memory_space<hbm>>
      tpu.enqueue_dma source(%dma_start3A_88 : memref<10000xi32, #tpu.memory_space<hbm>>) target(%arg6 : memref<10000xi32, #tpu.memory_space<vmem>>) target_semaphore(%run_scoped3A : memref<!tpu.dma_semaphore, #tpu.memory_space<semaphore_mem>>)
      %dma_wait3A_89 = tpu.memref_slice %arg3[%mul3A_2] : memref<320000xi32, #tpu.memory_space<hbm>> -> memref<10000xi32, #tpu.memory_space<hbm>>
      %dma_wait3A_90 = tpu.memref_slice %arg3[%mul3A_2] : memref<320000xi32, #tpu.memory_space<hbm>> -> memref<10000xi32, #tpu.memory_space<hbm>>
      tpu.wait_dma2 semaphore(%run_scoped3A : memref<!tpu.dma_semaphore, #tpu.memory_space<semaphore_mem>>) src(%dma_wait3A_90 : memref<10000xi32, #tpu.memory_space<hbm>>) dst(%arg6 : memref<10000xi32, #tpu.memory_space<vmem>>)
      tpu.yield
    }) : () -> ()
    "tpu.region"() ({
      %run_scoped3A = tpu.sem_alloc : memref<!tpu.dma_semaphore, #tpu.memory_space<semaphore_mem>>
      %dma_start3A_87 = tpu.memref_slice %arg4[%mul3A_2] : memref<320000xi32, #tpu.memory_space<hbm>> -> memref<10000xi32, #tpu.memory_space<hbm>>
      %dma_start3A_88 = tpu.memref_slice %arg4[%mul3A_2] : memref<320000xi32, #tpu.memory_space<hbm>> -> memref<10000xi32, #tpu.memory_space<hbm>>
      tpu.enqueue_dma source(%dma_start3A_88 : memref<10000xi32, #tpu.memory_space<hbm>>) target(%arg7 : memref<10000xi32, #tpu.memory_space<vmem>>) target_semaphore(%run_scoped3A : memref<!tpu.dma_semaphore, #tpu.memory_space<semaphore_mem>>)
      %dma_wait3A_89 = tpu.memref_slice %arg4[%mul3A_2] : memref<320000xi32, #tpu.memory_space<hbm>> -> memref<10000xi32, #tpu.memory_space<hbm>>
      %dma_wait3A_90 = tpu.memref_slice %arg4[%mul3A_2] : memref<320000xi32, #tpu.memory_space<hbm>> -> memref<10000xi32, #tpu.memory_space<hbm>>
      tpu.wait_dma2 semaphore(%run_scoped3A : memref<!tpu.dma_semaphore, #tpu.memory_space<semaphore_mem>>) src(%dma_wait3A_90 : memref<10000xi32, #tpu.memory_space<hbm>>) dst(%arg7 : memref<10000xi32, #tpu.memory_space<vmem>>)
      tpu.yield
    }) : () -> ()
    %dma_start3A = arith.constant 0 : i32
    %dma_start3A_3 = tpu.memref_slice %arg6[%dma_start3A] : memref<10000xi32, #tpu.memory_space<vmem>> -> memref<80xi32, #tpu.memory_space<vmem>>
    %dma_start3A_4 = arith.constant 0 : i32
    %dma_start3A_5 = arith.constant 0 : i32
    %dma_start3A_6 = tpu.memref_slice %arg2[%dma_start3A_4, %dma_start3A_5] : memref<10000x64xf32, #tpu.memory_space<hbm>> -> memref<10000x64xf32, #tpu.memory_space<hbm>>
    tpu.enqueue_indirect_dma source(%dma_start3A_6 : memref<10000x64xf32, #tpu.memory_space<hbm>>) target(%arg8 : memref<80x64xf32, #tpu.memory_space<vmem>>) offsets(%dma_start3A_3 : memref<80xi32, #tpu.memory_space<vmem>>) semaphore(%arg16 : memref<!tpu.dma_semaphore, #tpu.memory_space<semaphore_mem>>)
    %dma_start3A_7 = arith.constant 0 : i32
    %dma_start3A_8 = tpu.memref_slice %arg7[%dma_start3A_7] : memref<10000xi32, #tpu.memory_space<vmem>> -> memref<80xi32, #tpu.memory_space<vmem>>
    %dma_start3A_9 = arith.constant 0 : i32
    %dma_start3A_10 = arith.constant 0 : i32
    %dma_start3A_11 = tpu.memref_slice %arg2[%dma_start3A_9, %dma_start3A_10] : memref<10000x64xf32, #tpu.memory_space<hbm>> -> memref<10000x64xf32, #tpu.memory_space<hbm>>
    tpu.enqueue_indirect_dma source(%dma_start3A_11 : memref<10000x64xf32, #tpu.memory_space<hbm>>) target(%arg12 : memref<80x64xf32, #tpu.memory_space<vmem>>) offsets(%dma_start3A_8 : memref<80xi32, #tpu.memory_space<vmem>>) semaphore(%arg16 : memref<!tpu.dma_semaphore, #tpu.memory_space<semaphore_mem>>)
    %dma_start3A_12 = arith.constant 80 : i32
    %dma_start3A_13 = tpu.memref_slice %arg6[%dma_start3A_12] : memref<10000xi32, #tpu.memory_space<vmem>> -> memref<80xi32, #tpu.memory_space<vmem>>
    %dma_start3A_14 = arith.constant 0 : i32
    %dma_start3A_15 = arith.constant 0 : i32
    %dma_start3A_16 = tpu.memref_slice %arg2[%dma_start3A_14, %dma_start3A_15] : memref<10000x64xf32, #tpu.memory_space<hbm>> -> memref<10000x64xf32, #tpu.memory_space<hbm>>
    tpu.enqueue_indirect_dma source(%dma_start3A_16 : memref<10000x64xf32, #tpu.memory_space<hbm>>) target(%arg9 : memref<80x64xf32, #tpu.memory_space<vmem>>) offsets(%dma_start3A_13 : memref<80xi32, #tpu.memory_space<vmem>>) semaphore(%arg17 : memref<!tpu.dma_semaphore, #tpu.memory_space<semaphore_mem>>)
    %dma_start3A_17 = arith.constant 80 : i32
    %dma_start3A_18 = tpu.memref_slice %arg7[%dma_start3A_17] : memref<10000xi32, #tpu.memory_space<vmem>> -> memref<80xi32, #tpu.memory_space<vmem>>
    %dma_start3A_19 = arith.constant 0 : i32
    %dma_start3A_20 = arith.constant 0 : i32
    %dma_start3A_21 = tpu.memref_slice %arg2[%dma_start3A_19, %dma_start3A_20] : memref<10000x64xf32, #tpu.memory_space<hbm>> -> memref<10000x64xf32, #tpu.memory_space<hbm>>
    tpu.enqueue_indirect_dma source(%dma_start3A_21 : memref<10000x64xf32, #tpu.memory_space<hbm>>) target(%arg13 : memref<80x64xf32, #tpu.memory_space<vmem>>) offsets(%dma_start3A_18 : memref<80xi32, #tpu.memory_space<vmem>>) semaphore(%arg17 : memref<!tpu.dma_semaphore, #tpu.memory_space<semaphore_mem>>)
    %scan3A = arith.constant 0 : i32
    %scan3A_22 = arith.constant 31 : i32
    %scan3A_23 = arith.addi %scan3A, %scan3A_22 : i32
    %scan3A_24 = arith.constant 1 : i32
    scf.for %scan3A_87 = %scan3A to %scan3A_23 step %scan3A_24  : i32 {
      %mul3A_88 = arith.constant 1 : i32
      %mul3A_89 = arith.muli %scan3A_87, %mul3A_88 : i32
      %add3A_90 = arith.constant 0 : i32
      %add3A_91 = arith.addi %add3A_90, %mul3A_89 : i32
      %mul3A_92 = arith.constant 4 : i32
      %mul3A_93 = arith.muli %mul3A_92, %add3A_91 : i32
      %add3A_94 = arith.constant 0 : i32
      %add3A_95 = arith.addi %mul3A_93, %add3A_94 : i32
      %ge3A = arith.constant 2 : i32
      %ge3A_96 = arith.cmpi sge, %add3A_95, %ge3A : i32
      %convert_element_type3A = arith.extui %ge3A_96 : i1 to i32
      %cond3A = arith.constant 0 : i32
      %cond3A_97 = arith.cmpi ne, %convert_element_type3A, %cond3A : i32
      scf.if %cond3A_97 {
        %dma_wait3A_274 = arith.constant 0 : i32
        %dma_wait3A_275 = arith.constant 0 : i32
        %dma_wait3A_276 = tpu.memref_slice %arg2[%dma_wait3A_274, %dma_wait3A_275] : memref<10000x64xf32, #tpu.memory_space<hbm>> -> memref<80x64xf32, #tpu.memory_space<hbm>>
        %dma_wait3A_277 = arith.constant 0 : i32
        %dma_wait3A_278 = arith.constant 0 : i32
        %dma_wait3A_279 = tpu.memref_slice %arg2[%dma_wait3A_277, %dma_wait3A_278] : memref<10000x64xf32, #tpu.memory_space<hbm>> -> memref<80x64xf32, #tpu.memory_space<hbm>>
        tpu.wait_dma2 semaphore(%arg22 : memref<!tpu.dma_semaphore, #tpu.memory_space<semaphore_mem>>) src(%dma_wait3A_279 : memref<80x64xf32, #tpu.memory_space<hbm>>) dst(%arg10 : memref<80x64xf32, #tpu.memory_space<vmem>>)
        %dma_wait3A_280 = arith.constant 0 : i32
        %dma_wait3A_281 = arith.constant 0 : i32
        %dma_wait3A_282 = tpu.memref_slice %arg2[%dma_wait3A_280, %dma_wait3A_281] : memref<10000x64xf32, #tpu.memory_space<hbm>> -> memref<80x64xf32, #tpu.memory_space<hbm>>
        %dma_wait3A_283 = arith.constant 0 : i32
        %dma_wait3A_284 = arith.constant 0 : i32
        %dma_wait3A_285 = tpu.memref_slice %arg2[%dma_wait3A_283, %dma_wait3A_284] : memref<10000x64xf32, #tpu.memory_space<hbm>> -> memref<80x64xf32, #tpu.memory_space<hbm>>
        tpu.wait_dma2 semaphore(%arg22 : memref<!tpu.dma_semaphore, #tpu.memory_space<semaphore_mem>>) src(%dma_wait3A_285 : memref<80x64xf32, #tpu.memory_space<hbm>>) dst(%arg14 : memref<80x64xf32, #tpu.memory_space<vmem>>)
      } else {
      }
      %add3A_98 = arith.constant 2 : i32
      %add3A_99 = arith.addi %add3A_95, %add3A_98 : i32
      %lt3A = arith.constant 125 : i32
      %lt3A_100 = arith.cmpi slt, %add3A_99, %lt3A : i32
      %add3A_101 = arith.constant 2 : i32
      %add3A_102 = arith.addi %add3A_95, %add3A_101 : i32
      %convert_element_type3A_103 = arith.extui %lt3A_100 : i1 to i32
      %cond3A_104 = arith.constant 0 : i32
      %cond3A_105 = arith.cmpi ne, %convert_element_type3A_103, %cond3A_104 : i32
      scf.if %cond3A_105 {
        %mul3A_274 = arith.constant 80 : i32
        %mul3A_275 = arith.muli %add3A_102, %mul3A_274 : i32
        %dma_start3A_276 = tpu.memref_slice %arg6[%mul3A_275] : memref<10000xi32, #tpu.memory_space<vmem>> -> memref<80xi32, #tpu.memory_space<vmem>>
        %dma_start3A_277 = arith.constant 0 : i32
        %dma_start3A_278 = arith.constant 0 : i32
        %dma_start3A_279 = tpu.memref_slice %arg2[%dma_start3A_277, %dma_start3A_278] : memref<10000x64xf32, #tpu.memory_space<hbm>> -> memref<10000x64xf32, #tpu.memory_space<hbm>>
        tpu.enqueue_indirect_dma source(%dma_start3A_279 : memref<10000x64xf32, #tpu.memory_space<hbm>>) target(%arg10 : memref<80x64xf32, #tpu.memory_space<vmem>>) offsets(%dma_start3A_276 : memref<80xi32, #tpu.memory_space<vmem>>) semaphore(%arg18 : memref<!tpu.dma_semaphore, #tpu.memory_space<semaphore_mem>>)
        %dma_start3A_280 = tpu.memref_slice %arg7[%mul3A_275] : memref<10000xi32, #tpu.memory_space<vmem>> -> memref<80xi32, #tpu.memory_space<vmem>>
        %dma_start3A_281 = arith.constant 0 : i32
        %dma_start3A_282 = arith.constant 0 : i32
        %dma_start3A_283 = tpu.memref_slice %arg2[%dma_start3A_281, %dma_start3A_282] : memref<10000x64xf32, #tpu.memory_space<hbm>> -> memref<10000x64xf32, #tpu.memory_space<hbm>>
        tpu.enqueue_indirect_dma source(%dma_start3A_283 : memref<10000x64xf32, #tpu.memory_space<hbm>>) target(%arg14 : memref<80x64xf32, #tpu.memory_space<vmem>>) offsets(%dma_start3A_280 : memref<80xi32, #tpu.memory_space<vmem>>) semaphore(%arg18 : memref<!tpu.dma_semaphore, #tpu.memory_space<semaphore_mem>>)
      } else {
      }
      %dma_wait3A_106 = arith.constant 0 : i32
      %dma_wait3A_107 = arith.constant 0 : i32
      %dma_wait3A_108 = tpu.memref_slice %arg2[%dma_wait3A_106, %dma_wait3A_107] : memref<10000x64xf32, #tpu.memory_space<hbm>> -> memref<80x64xf32, #tpu.memory_space<hbm>>
      %dma_wait3A_109 = arith.constant 0 : i32
      %dma_wait3A_110 = arith.constant 0 : i32
      %dma_wait3A_111 = tpu.memref_slice %arg2[%dma_wait3A_109, %dma_wait3A_110] : memref<10000x64xf32, #tpu.memory_space<hbm>> -> memref<80x64xf32, #tpu.memory_space<hbm>>
      tpu.wait_dma2 semaphore(%arg16 : memref<!tpu.dma_semaphore, #tpu.memory_space<semaphore_mem>>) src(%dma_wait3A_111 : memref<80x64xf32, #tpu.memory_space<hbm>>) dst(%arg8 : memref<80x64xf32, #tpu.memory_space<vmem>>)
      %dma_wait3A_112 = arith.constant 0 : i32
      %dma_wait3A_113 = arith.constant 0 : i32
      %dma_wait3A_114 = tpu.memref_slice %arg2[%dma_wait3A_112, %dma_wait3A_113] : memref<10000x64xf32, #tpu.memory_space<hbm>> -> memref<80x64xf32, #tpu.memory_space<hbm>>
      %dma_wait3A_115 = arith.constant 0 : i32
      %dma_wait3A_116 = arith.constant 0 : i32
      %dma_wait3A_117 = tpu.memref_slice %arg2[%dma_wait3A_115, %dma_wait3A_116] : memref<10000x64xf32, #tpu.memory_space<hbm>> -> memref<80x64xf32, #tpu.memory_space<hbm>>
      tpu.wait_dma2 semaphore(%arg16 : memref<!tpu.dma_semaphore, #tpu.memory_space<semaphore_mem>>) src(%dma_wait3A_117 : memref<80x64xf32, #tpu.memory_space<hbm>>) dst(%arg12 : memref<80x64xf32, #tpu.memory_space<vmem>>)
      %mul3A_118 = arith.constant 125 : i32
      %mul3A_119 = arith.muli %add3A, %mul3A_118 : i32
      %add3A_120 = arith.addi %mul3A_119, %add3A_95 : i32
      %mul3A_121 = arith.constant 80 : i32
      %mul3A_122 = arith.muli %add3A_120, %mul3A_121 : i32
      %dma_start3A_123 = arith.constant 0 : i32
      %dma_start3A_124 = tpu.memref_slice %arg5[%mul3A_122, %dma_start3A_123] : memref<320000x128xf32, #tpu.memory_space<hbm>> -> memref<80x64xf32, #tpu.memory_space<hbm>>
      %dma_start3A_125 = arith.constant 0 : i32
      %dma_start3A_126 = tpu.memref_slice %arg5[%mul3A_122, %dma_start3A_125] : memref<320000x128xf32, #tpu.memory_space<hbm>> -> memref<80x64xf32, #tpu.memory_space<hbm>>
      tpu.enqueue_dma source(%arg8 : memref<80x64xf32, #tpu.memory_space<vmem>>) target(%dma_start3A_126 : memref<80x64xf32, #tpu.memory_space<hbm>>) target_semaphore(%arg20 : memref<!tpu.dma_semaphore, #tpu.memory_space<semaphore_mem>>)
      %dma_start3A_127 = arith.constant 64 : i32
      %dma_start3A_128 = tpu.memref_slice %arg5[%mul3A_122, %dma_start3A_127] : memref<320000x128xf32, #tpu.memory_space<hbm>> -> memref<80x64xf32, #tpu.memory_space<hbm>>
      %dma_start3A_129 = arith.constant 64 : i32
      %dma_start3A_130 = tpu.memref_slice %arg5[%mul3A_122, %dma_start3A_129] : memref<320000x128xf32, #tpu.memory_space<hbm>> -> memref<80x64xf32, #tpu.memory_space<hbm>>
      tpu.enqueue_dma source(%arg12 : memref<80x64xf32, #tpu.memory_space<vmem>>) target(%dma_start3A_130 : memref<80x64xf32, #tpu.memory_space<hbm>>) target_semaphore(%arg20 : memref<!tpu.dma_semaphore, #tpu.memory_space<semaphore_mem>>)
      %mul3A_131 = arith.constant 4 : i32
      %mul3A_132 = arith.muli %mul3A_131, %add3A_91 : i32
      %add3A_133 = arith.constant 1 : i32
      %add3A_134 = arith.addi %mul3A_132, %add3A_133 : i32
      %ge3A_135 = arith.constant 2 : i32
      %ge3A_136 = arith.cmpi sge, %add3A_134, %ge3A_135 : i32
      %convert_element_type3A_137 = arith.extui %ge3A_136 : i1 to i32
      %cond3A_138 = arith.constant 0 : i32
      %cond3A_139 = arith.cmpi ne, %convert_element_type3A_137, %cond3A_138 : i32
      scf.if %cond3A_139 {
        %dma_wait3A_274 = arith.constant 0 : i32
        %dma_wait3A_275 = arith.constant 0 : i32
        %dma_wait3A_276 = tpu.memref_slice %arg2[%dma_wait3A_274, %dma_wait3A_275] : memref<10000x64xf32, #tpu.memory_space<hbm>> -> memref<80x64xf32, #tpu.memory_space<hbm>>
        %dma_wait3A_277 = arith.constant 0 : i32
        %dma_wait3A_278 = arith.constant 0 : i32
        %dma_wait3A_279 = tpu.memref_slice %arg2[%dma_wait3A_277, %dma_wait3A_278] : memref<10000x64xf32, #tpu.memory_space<hbm>> -> memref<80x64xf32, #tpu.memory_space<hbm>>
        tpu.wait_dma2 semaphore(%arg23 : memref<!tpu.dma_semaphore, #tpu.memory_space<semaphore_mem>>) src(%dma_wait3A_279 : memref<80x64xf32, #tpu.memory_space<hbm>>) dst(%arg11 : memref<80x64xf32, #tpu.memory_space<vmem>>)
        %dma_wait3A_280 = arith.constant 0 : i32
        %dma_wait3A_281 = arith.constant 0 : i32
        %dma_wait3A_282 = tpu.memref_slice %arg2[%dma_wait3A_280, %dma_wait3A_281] : memref<10000x64xf32, #tpu.memory_space<hbm>> -> memref<80x64xf32, #tpu.memory_space<hbm>>
        %dma_wait3A_283 = arith.constant 0 : i32
        %dma_wait3A_284 = arith.constant 0 : i32
        %dma_wait3A_285 = tpu.memref_slice %arg2[%dma_wait3A_283, %dma_wait3A_284] : memref<10000x64xf32, #tpu.memory_space<hbm>> -> memref<80x64xf32, #tpu.memory_space<hbm>>
        tpu.wait_dma2 semaphore(%arg23 : memref<!tpu.dma_semaphore, #tpu.memory_space<semaphore_mem>>) src(%dma_wait3A_285 : memref<80x64xf32, #tpu.memory_space<hbm>>) dst(%arg15 : memref<80x64xf32, #tpu.memory_space<vmem>>)
      } else {
      }
      %add3A_140 = arith.constant 2 : i32
      %add3A_141 = arith.addi %add3A_134, %add3A_140 : i32
      %lt3A_142 = arith.constant 125 : i32
      %lt3A_143 = arith.cmpi slt, %add3A_141, %lt3A_142 : i32
      %add3A_144 = arith.constant 2 : i32
      %add3A_145 = arith.addi %add3A_134, %add3A_144 : i32
      %convert_element_type3A_146 = arith.extui %lt3A_143 : i1 to i32
      %cond3A_147 = arith.constant 0 : i32
      %cond3A_148 = arith.cmpi ne, %convert_element_type3A_146, %cond3A_147 : i32
      scf.if %cond3A_148 {
        %mul3A_274 = arith.constant 80 : i32
        %mul3A_275 = arith.muli %add3A_145, %mul3A_274 : i32
        %dma_start3A_276 = tpu.memref_slice %arg6[%mul3A_275] : memref<10000xi32, #tpu.memory_space<vmem>> -> memref<80xi32, #tpu.memory_space<vmem>>
        %dma_start3A_277 = arith.constant 0 : i32
        %dma_start3A_278 = arith.constant 0 : i32
        %dma_start3A_279 = tpu.memref_slice %arg2[%dma_start3A_277, %dma_start3A_278] : memref<10000x64xf32, #tpu.memory_space<hbm>> -> memref<10000x64xf32, #tpu.memory_space<hbm>>
        tpu.enqueue_indirect_dma source(%dma_start3A_279 : memref<10000x64xf32, #tpu.memory_space<hbm>>) target(%arg11 : memref<80x64xf32, #tpu.memory_space<vmem>>) offsets(%dma_start3A_276 : memref<80xi32, #tpu.memory_space<vmem>>) semaphore(%arg19 : memref<!tpu.dma_semaphore, #tpu.memory_space<semaphore_mem>>)
        %dma_start3A_280 = tpu.memref_slice %arg7[%mul3A_275] : memref<10000xi32, #tpu.memory_space<vmem>> -> memref<80xi32, #tpu.memory_space<vmem>>
        %dma_start3A_281 = arith.constant 0 : i32
        %dma_start3A_282 = arith.constant 0 : i32
        %dma_start3A_283 = tpu.memref_slice %arg2[%dma_start3A_281, %dma_start3A_282] : memref<10000x64xf32, #tpu.memory_space<hbm>> -> memref<10000x64xf32, #tpu.memory_space<hbm>>
        tpu.enqueue_indirect_dma source(%dma_start3A_283 : memref<10000x64xf32, #tpu.memory_space<hbm>>) target(%arg15 : memref<80x64xf32, #tpu.memory_space<vmem>>) offsets(%dma_start3A_280 : memref<80xi32, #tpu.memory_space<vmem>>) semaphore(%arg19 : memref<!tpu.dma_semaphore, #tpu.memory_space<semaphore_mem>>)
      } else {
      }
      %dma_wait3A_149 = arith.constant 0 : i32
      %dma_wait3A_150 = arith.constant 0 : i32
      %dma_wait3A_151 = tpu.memref_slice %arg2[%dma_wait3A_149, %dma_wait3A_150] : memref<10000x64xf32, #tpu.memory_space<hbm>> -> memref<80x64xf32, #tpu.memory_space<hbm>>
      %dma_wait3A_152 = arith.constant 0 : i32
      %dma_wait3A_153 = arith.constant 0 : i32
      %dma_wait3A_154 = tpu.memref_slice %arg2[%dma_wait3A_152, %dma_wait3A_153] : memref<10000x64xf32, #tpu.memory_space<hbm>> -> memref<80x64xf32, #tpu.memory_space<hbm>>
      tpu.wait_dma2 semaphore(%arg17 : memref<!tpu.dma_semaphore, #tpu.memory_space<semaphore_mem>>) src(%dma_wait3A_154 : memref<80x64xf32, #tpu.memory_space<hbm>>) dst(%arg9 : memref<80x64xf32, #tpu.memory_space<vmem>>)
      %dma_wait3A_155 = arith.constant 0 : i32
      %dma_wait3A_156 = arith.constant 0 : i32
      %dma_wait3A_157 = tpu.memref_slice %arg2[%dma_wait3A_155, %dma_wait3A_156] : memref<10000x64xf32, #tpu.memory_space<hbm>> -> memref<80x64xf32, #tpu.memory_space<hbm>>
      %dma_wait3A_158 = arith.constant 0 : i32
      %dma_wait3A_159 = arith.constant 0 : i32
      %dma_wait3A_160 = tpu.memref_slice %arg2[%dma_wait3A_158, %dma_wait3A_159] : memref<10000x64xf32, #tpu.memory_space<hbm>> -> memref<80x64xf32, #tpu.memory_space<hbm>>
      tpu.wait_dma2 semaphore(%arg17 : memref<!tpu.dma_semaphore, #tpu.memory_space<semaphore_mem>>) src(%dma_wait3A_160 : memref<80x64xf32, #tpu.memory_space<hbm>>) dst(%arg13 : memref<80x64xf32, #tpu.memory_space<vmem>>)
      %mul3A_161 = arith.constant 125 : i32
      %mul3A_162 = arith.muli %add3A, %mul3A_161 : i32
      %add3A_163 = arith.addi %mul3A_162, %add3A_134 : i32
      %mul3A_164 = arith.constant 80 : i32
      %mul3A_165 = arith.muli %add3A_163, %mul3A_164 : i32
      %dma_start3A_166 = arith.constant 0 : i32
      %dma_start3A_167 = tpu.memref_slice %arg5[%mul3A_165, %dma_start3A_166] : memref<320000x128xf32, #tpu.memory_space<hbm>> -> memref<80x64xf32, #tpu.memory_space<hbm>>
      %dma_start3A_168 = arith.constant 0 : i32
      %dma_start3A_169 = tpu.memref_slice %arg5[%mul3A_165, %dma_start3A_168] : memref<320000x128xf32, #tpu.memory_space<hbm>> -> memref<80x64xf32, #tpu.memory_space<hbm>>
      tpu.enqueue_dma source(%arg9 : memref<80x64xf32, #tpu.memory_space<vmem>>) target(%dma_start3A_169 : memref<80x64xf32, #tpu.memory_space<hbm>>) target_semaphore(%arg21 : memref<!tpu.dma_semaphore, #tpu.memory_space<semaphore_mem>>)
      %dma_start3A_170 = arith.constant 64 : i32
      %dma_start3A_171 = tpu.memref_slice %arg5[%mul3A_165, %dma_start3A_170] : memref<320000x128xf32, #tpu.memory_space<hbm>> -> memref<80x64xf32, #tpu.memory_space<hbm>>
      %dma_start3A_172 = arith.constant 64 : i32
      %dma_start3A_173 = tpu.memref_slice %arg5[%mul3A_165, %dma_start3A_172] : memref<320000x128xf32, #tpu.memory_space<hbm>> -> memref<80x64xf32, #tpu.memory_space<hbm>>
      tpu.enqueue_dma source(%arg13 : memref<80x64xf32, #tpu.memory_space<vmem>>) target(%dma_start3A_173 : memref<80x64xf32, #tpu.memory_space<hbm>>) target_semaphore(%arg21 : memref<!tpu.dma_semaphore, #tpu.memory_space<semaphore_mem>>)
      %mul3A_174 = arith.constant 4 : i32
      %mul3A_175 = arith.muli %mul3A_174, %add3A_91 : i32
      %add3A_176 = arith.constant 2 : i32
      %add3A_177 = arith.addi %mul3A_175, %add3A_176 : i32
      %dma_wait3A_178 = arith.constant 0 : i32
      %dma_wait3A_179 = arith.constant 0 : i32
      %dma_wait3A_180 = tpu.memref_slice %arg2[%dma_wait3A_178, %dma_wait3A_179] : memref<10000x64xf32, #tpu.memory_space<hbm>> -> memref<80x64xf32, #tpu.memory_space<hbm>>
      %dma_wait3A_181 = arith.constant 0 : i32
      %dma_wait3A_182 = arith.constant 0 : i32
      %dma_wait3A_183 = tpu.memref_slice %arg2[%dma_wait3A_181, %dma_wait3A_182] : memref<10000x64xf32, #tpu.memory_space<hbm>> -> memref<80x64xf32, #tpu.memory_space<hbm>>
      tpu.wait_dma2 semaphore(%arg20 : memref<!tpu.dma_semaphore, #tpu.memory_space<semaphore_mem>>) src(%dma_wait3A_183 : memref<80x64xf32, #tpu.memory_space<hbm>>) dst(%arg8 : memref<80x64xf32, #tpu.memory_space<vmem>>)
      %dma_wait3A_184 = arith.constant 0 : i32
      %dma_wait3A_185 = arith.constant 0 : i32
      %dma_wait3A_186 = tpu.memref_slice %arg2[%dma_wait3A_184, %dma_wait3A_185] : memref<10000x64xf32, #tpu.memory_space<hbm>> -> memref<80x64xf32, #tpu.memory_space<hbm>>
      %dma_wait3A_187 = arith.constant 0 : i32
      %dma_wait3A_188 = arith.constant 0 : i32
      %dma_wait3A_189 = tpu.memref_slice %arg2[%dma_wait3A_187, %dma_wait3A_188] : memref<10000x64xf32, #tpu.memory_space<hbm>> -> memref<80x64xf32, #tpu.memory_space<hbm>>
      tpu.wait_dma2 semaphore(%arg20 : memref<!tpu.dma_semaphore, #tpu.memory_space<semaphore_mem>>) src(%dma_wait3A_189 : memref<80x64xf32, #tpu.memory_space<hbm>>) dst(%arg12 : memref<80x64xf32, #tpu.memory_space<vmem>>)
      %add3A_190 = arith.constant 2 : i32
      %add3A_191 = arith.addi %add3A_177, %add3A_190 : i32
      %lt3A_192 = arith.constant 125 : i32
      %lt3A_193 = arith.cmpi slt, %add3A_191, %lt3A_192 : i32
      %add3A_194 = arith.constant 2 : i32
      %add3A_195 = arith.addi %add3A_177, %add3A_194 : i32
      %convert_element_type3A_196 = arith.extui %lt3A_193 : i1 to i32
      %cond3A_197 = arith.constant 0 : i32
      %cond3A_198 = arith.cmpi ne, %convert_element_type3A_196, %cond3A_197 : i32
      scf.if %cond3A_198 {
        %mul3A_274 = arith.constant 80 : i32
        %mul3A_275 = arith.muli %add3A_195, %mul3A_274 : i32
        %dma_start3A_276 = tpu.memref_slice %arg6[%mul3A_275] : memref<10000xi32, #tpu.memory_space<vmem>> -> memref<80xi32, #tpu.memory_space<vmem>>
        %dma_start3A_277 = arith.constant 0 : i32
        %dma_start3A_278 = arith.constant 0 : i32
        %dma_start3A_279 = tpu.memref_slice %arg2[%dma_start3A_277, %dma_start3A_278] : memref<10000x64xf32, #tpu.memory_space<hbm>> -> memref<10000x64xf32, #tpu.memory_space<hbm>>
        tpu.enqueue_indirect_dma source(%dma_start3A_279 : memref<10000x64xf32, #tpu.memory_space<hbm>>) target(%arg8 : memref<80x64xf32, #tpu.memory_space<vmem>>) offsets(%dma_start3A_276 : memref<80xi32, #tpu.memory_space<vmem>>) semaphore(%arg16 : memref<!tpu.dma_semaphore, #tpu.memory_space<semaphore_mem>>)
        %dma_start3A_280 = tpu.memref_slice %arg7[%mul3A_275] : memref<10000xi32, #tpu.memory_space<vmem>> -> memref<80xi32, #tpu.memory_space<vmem>>
        %dma_start3A_281 = arith.constant 0 : i32
        %dma_start3A_282 = arith.constant 0 : i32
        %dma_start3A_283 = tpu.memref_slice %arg2[%dma_start3A_281, %dma_start3A_282] : memref<10000x64xf32, #tpu.memory_space<hbm>> -> memref<10000x64xf32, #tpu.memory_space<hbm>>
        tpu.enqueue_indirect_dma source(%dma_start3A_283 : memref<10000x64xf32, #tpu.memory_space<hbm>>) target(%arg12 : memref<80x64xf32, #tpu.memory_space<vmem>>) offsets(%dma_start3A_280 : memref<80xi32, #tpu.memory_space<vmem>>) semaphore(%arg16 : memref<!tpu.dma_semaphore, #tpu.memory_space<semaphore_mem>>)
      } else {
      }
      %dma_wait3A_199 = arith.constant 0 : i32
      %dma_wait3A_200 = arith.constant 0 : i32
      %dma_wait3A_201 = tpu.memref_slice %arg2[%dma_wait3A_199, %dma_wait3A_200] : memref<10000x64xf32, #tpu.memory_space<hbm>> -> memref<80x64xf32, #tpu.memory_space<hbm>>
      %dma_wait3A_202 = arith.constant 0 : i32
      %dma_wait3A_203 = arith.constant 0 : i32
      %dma_wait3A_204 = tpu.memref_slice %arg2[%dma_wait3A_202, %dma_wait3A_203] : memref<10000x64xf32, #tpu.memory_space<hbm>> -> memref<80x64xf32, #tpu.memory_space<hbm>>
      tpu.wait_dma2 semaphore(%arg18 : memref<!tpu.dma_semaphore, #tpu.memory_space<semaphore_mem>>) src(%dma_wait3A_204 : memref<80x64xf32, #tpu.memory_space<hbm>>) dst(%arg10 : memref<80x64xf32, #tpu.memory_space<vmem>>)
      %dma_wait3A_205 = arith.constant 0 : i32
      %dma_wait3A_206 = arith.constant 0 : i32
      %dma_wait3A_207 = tpu.memref_slice %arg2[%dma_wait3A_205, %dma_wait3A_206] : memref<10000x64xf32, #tpu.memory_space<hbm>> -> memref<80x64xf32, #tpu.memory_space<hbm>>
      %dma_wait3A_208 = arith.constant 0 : i32
      %dma_wait3A_209 = arith.constant 0 : i32
      %dma_wait3A_210 = tpu.memref_slice %arg2[%dma_wait3A_208, %dma_wait3A_209] : memref<10000x64xf32, #tpu.memory_space<hbm>> -> memref<80x64xf32, #tpu.memory_space<hbm>>
      tpu.wait_dma2 semaphore(%arg18 : memref<!tpu.dma_semaphore, #tpu.memory_space<semaphore_mem>>) src(%dma_wait3A_210 : memref<80x64xf32, #tpu.memory_space<hbm>>) dst(%arg14 : memref<80x64xf32, #tpu.memory_space<vmem>>)
      %mul3A_211 = arith.constant 125 : i32
      %mul3A_212 = arith.muli %add3A, %mul3A_211 : i32
      %add3A_213 = arith.addi %mul3A_212, %add3A_177 : i32
      %mul3A_214 = arith.constant 80 : i32
      %mul3A_215 = arith.muli %add3A_213, %mul3A_214 : i32
      %dma_start3A_216 = arith.constant 0 : i32
      %dma_start3A_217 = tpu.memref_slice %arg5[%mul3A_215, %dma_start3A_216] : memref<320000x128xf32, #tpu.memory_space<hbm>> -> memref<80x64xf32, #tpu.memory_space<hbm>>
      %dma_start3A_218 = arith.constant 0 : i32
      %dma_start3A_219 = tpu.memref_slice %arg5[%mul3A_215, %dma_start3A_218] : memref<320000x128xf32, #tpu.memory_space<hbm>> -> memref<80x64xf32, #tpu.memory_space<hbm>>
      tpu.enqueue_dma source(%arg10 : memref<80x64xf32, #tpu.memory_space<vmem>>) target(%dma_start3A_219 : memref<80x64xf32, #tpu.memory_space<hbm>>) target_semaphore(%arg22 : memref<!tpu.dma_semaphore, #tpu.memory_space<semaphore_mem>>)
      %dma_start3A_220 = arith.constant 64 : i32
      %dma_start3A_221 = tpu.memref_slice %arg5[%mul3A_215, %dma_start3A_220] : memref<320000x128xf32, #tpu.memory_space<hbm>> -> memref<80x64xf32, #tpu.memory_space<hbm>>
      %dma_start3A_222 = arith.constant 64 : i32
      %dma_start3A_223 = tpu.memref_slice %arg5[%mul3A_215, %dma_start3A_222] : memref<320000x128xf32, #tpu.memory_space<hbm>> -> memref<80x64xf32, #tpu.memory_space<hbm>>
      tpu.enqueue_dma source(%arg14 : memref<80x64xf32, #tpu.memory_space<vmem>>) target(%dma_start3A_223 : memref<80x64xf32, #tpu.memory_space<hbm>>) target_semaphore(%arg22 : memref<!tpu.dma_semaphore, #tpu.memory_space<semaphore_mem>>)
      %mul3A_224 = arith.constant 4 : i32
      %mul3A_225 = arith.muli %mul3A_224, %add3A_91 : i32
      %add3A_226 = arith.constant 3 : i32
      %add3A_227 = arith.addi %mul3A_225, %add3A_226 : i32
      %dma_wait3A_228 = arith.constant 0 : i32
      %dma_wait3A_229 = arith.constant 0 : i32
      %dma_wait3A_230 = tpu.memref_slice %arg2[%dma_wait3A_228, %dma_wait3A_229] : memref<10000x64xf32, #tpu.memory_space<hbm>> -> memref<80x64xf32, #tpu.memory_space<hbm>>
      %dma_wait3A_231 = arith.constant 0 : i32
      %dma_wait3A_232 = arith.constant 0 : i32
      %dma_wait3A_233 = tpu.memref_slice %arg2[%dma_wait3A_231, %dma_wait3A_232] : memref<10000x64xf32, #tpu.memory_space<hbm>> -> memref<80x64xf32, #tpu.memory_space<hbm>>
      tpu.wait_dma2 semaphore(%arg21 : memref<!tpu.dma_semaphore, #tpu.memory_space<semaphore_mem>>) src(%dma_wait3A_233 : memref<80x64xf32, #tpu.memory_space<hbm>>) dst(%arg9 : memref<80x64xf32, #tpu.memory_space<vmem>>)
      %dma_wait3A_234 = arith.constant 0 : i32
      %dma_wait3A_235 = arith.constant 0 : i32
      %dma_wait3A_236 = tpu.memref_slice %arg2[%dma_wait3A_234, %dma_wait3A_235] : memref<10000x64xf32, #tpu.memory_space<hbm>> -> memref<80x64xf32, #tpu.memory_space<hbm>>
      %dma_wait3A_237 = arith.constant 0 : i32
      %dma_wait3A_238 = arith.constant 0 : i32
      %dma_wait3A_239 = tpu.memref_slice %arg2[%dma_wait3A_237, %dma_wait3A_238] : memref<10000x64xf32, #tpu.memory_space<hbm>> -> memref<80x64xf32, #tpu.memory_space<hbm>>
      tpu.wait_dma2 semaphore(%arg21 : memref<!tpu.dma_semaphore, #tpu.memory_space<semaphore_mem>>) src(%dma_wait3A_239 : memref<80x64xf32, #tpu.memory_space<hbm>>) dst(%arg13 : memref<80x64xf32, #tpu.memory_space<vmem>>)
      %add3A_240 = arith.constant 2 : i32
      %add3A_241 = arith.addi %add3A_227, %add3A_240 : i32
      %lt3A_242 = arith.constant 125 : i32
      %lt3A_243 = arith.cmpi slt, %add3A_241, %lt3A_242 : i32
      %add3A_244 = arith.constant 2 : i32
      %add3A_245 = arith.addi %add3A_227, %add3A_244 : i32
      %convert_element_type3A_246 = arith.extui %lt3A_243 : i1 to i32
      %cond3A_247 = arith.constant 0 : i32
      %cond3A_248 = arith.cmpi ne, %convert_element_type3A_246, %cond3A_247 : i32
      scf.if %cond3A_248 {
        %mul3A_274 = arith.constant 80 : i32
        %mul3A_275 = arith.muli %add3A_245, %mul3A_274 : i32
        %dma_start3A_276 = tpu.memref_slice %arg6[%mul3A_275] : memref<10000xi32, #tpu.memory_space<vmem>> -> memref<80xi32, #tpu.memory_space<vmem>>
        %dma_start3A_277 = arith.constant 0 : i32
        %dma_start3A_278 = arith.constant 0 : i32
        %dma_start3A_279 = tpu.memref_slice %arg2[%dma_start3A_277, %dma_start3A_278] : memref<10000x64xf32, #tpu.memory_space<hbm>> -> memref<10000x64xf32, #tpu.memory_space<hbm>>
        tpu.enqueue_indirect_dma source(%dma_start3A_279 : memref<10000x64xf32, #tpu.memory_space<hbm>>) target(%arg9 : memref<80x64xf32, #tpu.memory_space<vmem>>) offsets(%dma_start3A_276 : memref<80xi32, #tpu.memory_space<vmem>>) semaphore(%arg17 : memref<!tpu.dma_semaphore, #tpu.memory_space<semaphore_mem>>)
        %dma_start3A_280 = tpu.memref_slice %arg7[%mul3A_275] : memref<10000xi32, #tpu.memory_space<vmem>> -> memref<80xi32, #tpu.memory_space<vmem>>
        %dma_start3A_281 = arith.constant 0 : i32
        %dma_start3A_282 = arith.constant 0 : i32
        %dma_start3A_283 = tpu.memref_slice %arg2[%dma_start3A_281, %dma_start3A_282] : memref<10000x64xf32, #tpu.memory_space<hbm>> -> memref<10000x64xf32, #tpu.memory_space<hbm>>
        tpu.enqueue_indirect_dma source(%dma_start3A_283 : memref<10000x64xf32, #tpu.memory_space<hbm>>) target(%arg13 : memref<80x64xf32, #tpu.memory_space<vmem>>) offsets(%dma_start3A_280 : memref<80xi32, #tpu.memory_space<vmem>>) semaphore(%arg17 : memref<!tpu.dma_semaphore, #tpu.memory_space<semaphore_mem>>)
      } else {
      }
      %dma_wait3A_249 = arith.constant 0 : i32
      %dma_wait3A_250 = arith.constant 0 : i32
      %dma_wait3A_251 = tpu.memref_slice %arg2[%dma_wait3A_249, %dma_wait3A_250] : memref<10000x64xf32, #tpu.memory_space<hbm>> -> memref<80x64xf32, #tpu.memory_space<hbm>>
      %dma_wait3A_252 = arith.constant 0 : i32
      %dma_wait3A_253 = arith.constant 0 : i32
      %dma_wait3A_254 = tpu.memref_slice %arg2[%dma_wait3A_252, %dma_wait3A_253] : memref<10000x64xf32, #tpu.memory_space<hbm>> -> memref<80x64xf32, #tpu.memory_space<hbm>>
      tpu.wait_dma2 semaphore(%arg19 : memref<!tpu.dma_semaphore, #tpu.memory_space<semaphore_mem>>) src(%dma_wait3A_254 : memref<80x64xf32, #tpu.memory_space<hbm>>) dst(%arg11 : memref<80x64xf32, #tpu.memory_space<vmem>>)
      %dma_wait3A_255 = arith.constant 0 : i32
      %dma_wait3A_256 = arith.constant 0 : i32
      %dma_wait3A_257 = tpu.memref_slice %arg2[%dma_wait3A_255, %dma_wait3A_256] : memref<10000x64xf32, #tpu.memory_space<hbm>> -> memref<80x64xf32, #tpu.memory_space<hbm>>
      %dma_wait3A_258 = arith.constant 0 : i32
      %dma_wait3A_259 = arith.constant 0 : i32
      %dma_wait3A_260 = tpu.memref_slice %arg2[%dma_wait3A_258, %dma_wait3A_259] : memref<10000x64xf32, #tpu.memory_space<hbm>> -> memref<80x64xf32, #tpu.memory_space<hbm>>
      tpu.wait_dma2 semaphore(%arg19 : memref<!tpu.dma_semaphore, #tpu.memory_space<semaphore_mem>>) src(%dma_wait3A_260 : memref<80x64xf32, #tpu.memory_space<hbm>>) dst(%arg15 : memref<80x64xf32, #tpu.memory_space<vmem>>)
      %mul3A_261 = arith.constant 125 : i32
      %mul3A_262 = arith.muli %add3A, %mul3A_261 : i32
      %add3A_263 = arith.addi %mul3A_262, %add3A_227 : i32
      %mul3A_264 = arith.constant 80 : i32
      %mul3A_265 = arith.muli %add3A_263, %mul3A_264 : i32
      %dma_start3A_266 = arith.constant 0 : i32
      %dma_start3A_267 = tpu.memref_slice %arg5[%mul3A_265, %dma_start3A_266] : memref<320000x128xf32, #tpu.memory_space<hbm>> -> memref<80x64xf32, #tpu.memory_space<hbm>>
      %dma_start3A_268 = arith.constant 0 : i32
      %dma_start3A_269 = tpu.memref_slice %arg5[%mul3A_265, %dma_start3A_268] : memref<320000x128xf32, #tpu.memory_space<hbm>> -> memref<80x64xf32, #tpu.memory_space<hbm>>
      tpu.enqueue_dma source(%arg11 : memref<80x64xf32, #tpu.memory_space<vmem>>) target(%dma_start3A_269 : memref<80x64xf32, #tpu.memory_space<hbm>>) target_semaphore(%arg23 : memref<!tpu.dma_semaphore, #tpu.memory_space<semaphore_mem>>)
      %dma_start3A_270 = arith.constant 64 : i32
      %dma_start3A_271 = tpu.memref_slice %arg5[%mul3A_265, %dma_start3A_270] : memref<320000x128xf32, #tpu.memory_space<hbm>> -> memref<80x64xf32, #tpu.memory_space<hbm>>
      %dma_start3A_272 = arith.constant 64 : i32
      %dma_start3A_273 = tpu.memref_slice %arg5[%mul3A_265, %dma_start3A_272] : memref<320000x128xf32, #tpu.memory_space<hbm>> -> memref<80x64xf32, #tpu.memory_space<hbm>>
      tpu.enqueue_dma source(%arg15 : memref<80x64xf32, #tpu.memory_space<vmem>>) target(%dma_start3A_273 : memref<80x64xf32, #tpu.memory_space<hbm>>) target_semaphore(%arg23 : memref<!tpu.dma_semaphore, #tpu.memory_space<semaphore_mem>>)
    }
    %scan3A_25 = arith.constant 31 : i32
    %dma_wait3A = arith.constant 0 : i32
    %dma_wait3A_26 = arith.constant 0 : i32
    %dma_wait3A_27 = tpu.memref_slice %arg2[%dma_wait3A, %dma_wait3A_26] : memref<10000x64xf32, #tpu.memory_space<hbm>> -> memref<80x64xf32, #tpu.memory_space<hbm>>
    %dma_wait3A_28 = arith.constant 0 : i32
    %dma_wait3A_29 = arith.constant 0 : i32
    %dma_wait3A_30 = tpu.memref_slice %arg2[%dma_wait3A_28, %dma_wait3A_29] : memref<10000x64xf32, #tpu.memory_space<hbm>> -> memref<80x64xf32, #tpu.memory_space<hbm>>
    tpu.wait_dma2 semaphore(%arg16 : memref<!tpu.dma_semaphore, #tpu.memory_space<semaphore_mem>>) src(%dma_wait3A_30 : memref<80x64xf32, #tpu.memory_space<hbm>>) dst(%arg8 : memref<80x64xf32, #tpu.memory_space<vmem>>)
    %dma_wait3A_31 = arith.constant 0 : i32
    %dma_wait3A_32 = arith.constant 0 : i32
    %dma_wait3A_33 = tpu.memref_slice %arg2[%dma_wait3A_31, %dma_wait3A_32] : memref<10000x64xf32, #tpu.memory_space<hbm>> -> memref<80x64xf32, #tpu.memory_space<hbm>>
    %dma_wait3A_34 = arith.constant 0 : i32
    %dma_wait3A_35 = arith.constant 0 : i32
    %dma_wait3A_36 = tpu.memref_slice %arg2[%dma_wait3A_34, %dma_wait3A_35] : memref<10000x64xf32, #tpu.memory_space<hbm>> -> memref<80x64xf32, #tpu.memory_space<hbm>>
    tpu.wait_dma2 semaphore(%arg16 : memref<!tpu.dma_semaphore, #tpu.memory_space<semaphore_mem>>) src(%dma_wait3A_36 : memref<80x64xf32, #tpu.memory_space<hbm>>) dst(%arg12 : memref<80x64xf32, #tpu.memory_space<vmem>>)
    %mul3A_37 = arith.constant 125 : i32
    %mul3A_38 = arith.muli %add3A, %mul3A_37 : i32
    %add3A_39 = arith.constant 124 : i32
    %add3A_40 = arith.addi %mul3A_38, %add3A_39 : i32
    %mul3A_41 = arith.constant 80 : i32
    %mul3A_42 = arith.muli %add3A_40, %mul3A_41 : i32
    %dma_start3A_43 = arith.constant 0 : i32
    %dma_start3A_44 = tpu.memref_slice %arg5[%mul3A_42, %dma_start3A_43] : memref<320000x128xf32, #tpu.memory_space<hbm>> -> memref<80x64xf32, #tpu.memory_space<hbm>>
    %dma_start3A_45 = arith.constant 0 : i32
    %dma_start3A_46 = tpu.memref_slice %arg5[%mul3A_42, %dma_start3A_45] : memref<320000x128xf32, #tpu.memory_space<hbm>> -> memref<80x64xf32, #tpu.memory_space<hbm>>
    tpu.enqueue_dma source(%arg8 : memref<80x64xf32, #tpu.memory_space<vmem>>) target(%dma_start3A_46 : memref<80x64xf32, #tpu.memory_space<hbm>>) target_semaphore(%arg20 : memref<!tpu.dma_semaphore, #tpu.memory_space<semaphore_mem>>)
    %dma_start3A_47 = arith.constant 64 : i32
    %dma_start3A_48 = tpu.memref_slice %arg5[%mul3A_42, %dma_start3A_47] : memref<320000x128xf32, #tpu.memory_space<hbm>> -> memref<80x64xf32, #tpu.memory_space<hbm>>
    %dma_start3A_49 = arith.constant 64 : i32
    %dma_start3A_50 = tpu.memref_slice %arg5[%mul3A_42, %dma_start3A_49] : memref<320000x128xf32, #tpu.memory_space<hbm>> -> memref<80x64xf32, #tpu.memory_space<hbm>>
    tpu.enqueue_dma source(%arg12 : memref<80x64xf32, #tpu.memory_space<vmem>>) target(%dma_start3A_50 : memref<80x64xf32, #tpu.memory_space<hbm>>) target_semaphore(%arg20 : memref<!tpu.dma_semaphore, #tpu.memory_space<semaphore_mem>>)
    %dma_wait3A_51 = arith.constant 0 : i32
    %dma_wait3A_52 = arith.constant 0 : i32
    %dma_wait3A_53 = tpu.memref_slice %arg2[%dma_wait3A_51, %dma_wait3A_52] : memref<10000x64xf32, #tpu.memory_space<hbm>> -> memref<80x64xf32, #tpu.memory_space<hbm>>
    %dma_wait3A_54 = arith.constant 0 : i32
    %dma_wait3A_55 = arith.constant 0 : i32
    %dma_wait3A_56 = tpu.memref_slice %arg2[%dma_wait3A_54, %dma_wait3A_55] : memref<10000x64xf32, #tpu.memory_space<hbm>> -> memref<80x64xf32, #tpu.memory_space<hbm>>
    tpu.wait_dma2 semaphore(%arg22 : memref<!tpu.dma_semaphore, #tpu.memory_space<semaphore_mem>>) src(%dma_wait3A_56 : memref<80x64xf32, #tpu.memory_space<hbm>>) dst(%arg10 : memref<80x64xf32, #tpu.memory_space<vmem>>)
    %dma_wait3A_57 = arith.constant 0 : i32
    %dma_wait3A_58 = arith.constant 0 : i32
    %dma_wait3A_59 = tpu.memref_slice %arg2[%dma_wait3A_57, %dma_wait3A_58] : memref<10000x64xf32, #tpu.memory_space<hbm>> -> memref<80x64xf32, #tpu.memory_space<hbm>>
    %dma_wait3A_60 = arith.constant 0 : i32
    %dma_wait3A_61 = arith.constant 0 : i32
    %dma_wait3A_62 = tpu.memref_slice %arg2[%dma_wait3A_60, %dma_wait3A_61] : memref<10000x64xf32, #tpu.memory_space<hbm>> -> memref<80x64xf32, #tpu.memory_space<hbm>>
    tpu.wait_dma2 semaphore(%arg22 : memref<!tpu.dma_semaphore, #tpu.memory_space<semaphore_mem>>) src(%dma_wait3A_62 : memref<80x64xf32, #tpu.memory_space<hbm>>) dst(%arg14 : memref<80x64xf32, #tpu.memory_space<vmem>>)
    %dma_wait3A_63 = arith.constant 0 : i32
    %dma_wait3A_64 = arith.constant 0 : i32
    %dma_wait3A_65 = tpu.memref_slice %arg2[%dma_wait3A_63, %dma_wait3A_64] : memref<10000x64xf32, #tpu.memory_space<hbm>> -> memref<80x64xf32, #tpu.memory_space<hbm>>
    %dma_wait3A_66 = arith.constant 0 : i32
    %dma_wait3A_67 = arith.constant 0 : i32
    %dma_wait3A_68 = tpu.memref_slice %arg2[%dma_wait3A_66, %dma_wait3A_67] : memref<10000x64xf32, #tpu.memory_space<hbm>> -> memref<80x64xf32, #tpu.memory_space<hbm>>
    tpu.wait_dma2 semaphore(%arg23 : memref<!tpu.dma_semaphore, #tpu.memory_space<semaphore_mem>>) src(%dma_wait3A_68 : memref<80x64xf32, #tpu.memory_space<hbm>>) dst(%arg11 : memref<80x64xf32, #tpu.memory_space<vmem>>)
    %dma_wait3A_69 = arith.constant 0 : i32
    %dma_wait3A_70 = arith.constant 0 : i32
    %dma_wait3A_71 = tpu.memref_slice %arg2[%dma_wait3A_69, %dma_wait3A_70] : memref<10000x64xf32, #tpu.memory_space<hbm>> -> memref<80x64xf32, #tpu.memory_space<hbm>>
    %dma_wait3A_72 = arith.constant 0 : i32
    %dma_wait3A_73 = arith.constant 0 : i32
    %dma_wait3A_74 = tpu.memref_slice %arg2[%dma_wait3A_72, %dma_wait3A_73] : memref<10000x64xf32, #tpu.memory_space<hbm>> -> memref<80x64xf32, #tpu.memory_space<hbm>>
    tpu.wait_dma2 semaphore(%arg23 : memref<!tpu.dma_semaphore, #tpu.memory_space<semaphore_mem>>) src(%dma_wait3A_74 : memref<80x64xf32, #tpu.memory_space<hbm>>) dst(%arg15 : memref<80x64xf32, #tpu.memory_space<vmem>>)
    %dma_wait3A_75 = arith.constant 0 : i32
    %dma_wait3A_76 = arith.constant 0 : i32
    %dma_wait3A_77 = tpu.memref_slice %arg2[%dma_wait3A_75, %dma_wait3A_76] : memref<10000x64xf32, #tpu.memory_space<hbm>> -> memref<80x64xf32, #tpu.memory_space<hbm>>
    %dma_wait3A_78 = arith.constant 0 : i32
    %dma_wait3A_79 = arith.constant 0 : i32
    %dma_wait3A_80 = tpu.memref_slice %arg2[%dma_wait3A_78, %dma_wait3A_79] : memref<10000x64xf32, #tpu.memory_space<hbm>> -> memref<80x64xf32, #tpu.memory_space<hbm>>
    tpu.wait_dma2 semaphore(%arg20 : memref<!tpu.dma_semaphore, #tpu.memory_space<semaphore_mem>>) src(%dma_wait3A_80 : memref<80x64xf32, #tpu.memory_space<hbm>>) dst(%arg8 : memref<80x64xf32, #tpu.memory_space<vmem>>)
    %dma_wait3A_81 = arith.constant 0 : i32
    %dma_wait3A_82 = arith.constant 0 : i32
    %dma_wait3A_83 = tpu.memref_slice %arg2[%dma_wait3A_81, %dma_wait3A_82] : memref<10000x64xf32, #tpu.memory_space<hbm>> -> memref<80x64xf32, #tpu.memory_space<hbm>>
    %dma_wait3A_84 = arith.constant 0 : i32
    %dma_wait3A_85 = arith.constant 0 : i32
    %dma_wait3A_86 = tpu.memref_slice %arg2[%dma_wait3A_84, %dma_wait3A_85] : memref<10000x64xf32, #tpu.memory_space<hbm>> -> memref<80x64xf32, #tpu.memory_space<hbm>>
    tpu.wait_dma2 semaphore(%arg20 : memref<!tpu.dma_semaphore, #tpu.memory_space<semaphore_mem>>) src(%dma_wait3A_86 : memref<80x64xf32, #tpu.memory_space<hbm>>) dst(%arg12 : memref<80x64xf32, #tpu.memory_space<vmem>>)
    return
  }
}

module attributes {stable_mosaic.version = 14 : i64} {
  func.func @_mlp_body(%arg0: i32, %arg1: memref<1000x128xf32, #tpu.memory_space<vmem>>, %arg2: memref<1000x128xf32, #tpu.memory_space<vmem>>, %arg3: memref<128x128xf32, #tpu.memory_space<vmem>>, %arg4: memref<1x128xf32, #tpu.memory_space<vmem>>, %arg5: memref<1x128xf32, #tpu.memory_space<vmem>>, %arg6: memref<128x128xf32, #tpu.memory_space<vmem>>, %arg7: memref<1x128xf32, #tpu.memory_space<vmem>>, %arg8: memref<1000x128xf32, #tpu.memory_space<vmem>>) attributes {dimension_semantics = [#tpu.dimension_semantics<arbitrary>], iteration_bounds = array<i64: 10>, scalar_prefetch = 0 : i64, scratch_operands = 0 : i64, tpu.core_type = #tpu.core_type<tc>, window_params = [{transform_indices = @transform_0, window_bounds = array<i64: 1000, 128>}, {transform_indices = @transform_1, window_bounds = array<i64: 1000, 128>}, {pipeline_mode = #tpu.pipeline_mode<synchronous>, transform_indices = @transform_2, window_bounds = array<i64: 128, 128>}, {pipeline_mode = #tpu.pipeline_mode<synchronous>, transform_indices = @transform_3, window_bounds = array<i64: 1, 128>}, {pipeline_mode = #tpu.pipeline_mode<synchronous>, transform_indices = @transform_4, window_bounds = array<i64: 1, 128>}, {pipeline_mode = #tpu.pipeline_mode<synchronous>, transform_indices = @transform_5, window_bounds = array<i64: 128, 128>}, {pipeline_mode = #tpu.pipeline_mode<synchronous>, transform_indices = @transform_6, window_bounds = array<i64: 1, 128>}, {transform_indices = @transform_7, window_bounds = array<i64: 1000, 128>}]} {
    %get3A = arith.constant 0 : index
    %get3A_0 = arith.constant 0 : index
    %get3A_1 = vector.load %arg1[%get3A, %get3A_0] : memref<1000x128xf32, #tpu.memory_space<vmem>>, vector<1000x128xf32>
    %get3A_2 = arith.constant 0 : index
    %get3A_3 = arith.constant 0 : index
    %get3A_4 = vector.load %arg2[%get3A_2, %get3A_3] : memref<1000x128xf32, #tpu.memory_space<vmem>>, vector<1000x128xf32>
    %add3A = arith.addf %get3A_1, %get3A_4 : vector<1000x128xf32>
    %get3A_5 = arith.constant 0 : index
    %get3A_6 = arith.constant 0 : index
    %get3A_7 = vector.load %arg3[%get3A_5, %get3A_6] : memref<128x128xf32, #tpu.memory_space<vmem>>, vector<128x128xf32>
    %dot_general3A = arith.constant dense<0.000000e+00> : vector<1000x128xf32>
    %dot_general3A_8 = tpu.matmul %add3A, %get3A_7, %dot_general3A {dimension_numbers = #tpu.dot_dimension_numbers<[1], [0], [0], [1], [0, 0, 1, 1], [], []>, transpose_lhs_hint = false} : vector<1000x128xf32>, vector<128x128xf32>, vector<1000x128xf32> -> vector<1000x128xf32>
    %get3A_9 = arith.constant 0 : index
    %get3A_10 = arith.constant 0 : index
    %get3A_11 = vector.load %arg4[%get3A_9, %get3A_10] : memref<1x128xf32, #tpu.memory_space<vmem>>, vector<1x128xf32>
    %mul3A = vector.broadcast %get3A_11 : vector<1x128xf32> to vector<1000x128xf32>
    %mul3A_12 = arith.mulf %dot_general3A_8, %mul3A : vector<1000x128xf32>
    %get3A_13 = arith.constant 0 : index
    %get3A_14 = arith.constant 0 : index
    %get3A_15 = vector.load %arg5[%get3A_13, %get3A_14] : memref<1x128xf32, #tpu.memory_space<vmem>>, vector<1x128xf32>
    %add3A_16 = vector.broadcast %get3A_15 : vector<1x128xf32> to vector<1000x128xf32>
    %add3A_17 = arith.addf %mul3A_12, %add3A_16 : vector<1000x128xf32>
    %max3A = arith.constant 0.000000e+00 : f32
    %max3A_18 = vector.broadcast %max3A : f32 to vector<1000x128xf32>
    %max3A_19 = arith.maximumf %add3A_17, %max3A_18 : vector<1000x128xf32>
    %get3A_20 = arith.constant 0 : index
    %get3A_21 = arith.constant 0 : index
    %get3A_22 = vector.load %arg6[%get3A_20, %get3A_21] : memref<128x128xf32, #tpu.memory_space<vmem>>, vector<128x128xf32>
    %dot_general3A_23 = arith.constant dense<0.000000e+00> : vector<1000x128xf32>
    %dot_general3A_24 = tpu.matmul %max3A_19, %get3A_22, %dot_general3A_23 {dimension_numbers = #tpu.dot_dimension_numbers<[1], [0], [0], [1], [0, 0, 1, 1], [], []>, transpose_lhs_hint = false} : vector<1000x128xf32>, vector<128x128xf32>, vector<1000x128xf32> -> vector<1000x128xf32>
    %get3A_25 = arith.constant 0 : index
    %get3A_26 = arith.constant 0 : index
    %get3A_27 = vector.load %arg7[%get3A_25, %get3A_26] : memref<1x128xf32, #tpu.memory_space<vmem>>, vector<1x128xf32>
    %add3A_28 = vector.broadcast %get3A_27 : vector<1x128xf32> to vector<1000x128xf32>
    %add3A_29 = arith.addf %dot_general3A_24, %add3A_28 : vector<1000x128xf32>
    %max3A_30 = arith.constant 0.000000e+00 : f32
    %max3A_31 = vector.broadcast %max3A_30 : f32 to vector<1000x128xf32>
    %max3A_32 = arith.maximumf %add3A_29, %max3A_31 : vector<1000x128xf32>
    %swap3A = arith.constant 0 : index
    %swap3A_33 = arith.constant 0 : index
    %swap3A_34 = vector.load %arg8[%swap3A, %swap3A_33] : memref<1000x128xf32, #tpu.memory_space<vmem>>, vector<1000x128xf32>
    tpu.vector_store %arg8[%swap3A, %swap3A_33], %max3A_32 {strides = array<i32>} : memref<1000x128xf32, #tpu.memory_space<vmem>>, vector<1000x128xf32>,
    return
  }
  func.func @transform_0(%arg0: i32) -> (i32, i32) {
    %c0_i32 = arith.constant 0 : i32
    %c0_i32_0 = arith.constant 0 : i32
    return %arg0, %c0_i32 : i32, i32
  }
  func.func @transform_1(%arg0: i32) -> (i32, i32) {
    %c0_i32 = arith.constant 0 : i32
    %c0_i32_0 = arith.constant 0 : i32
    return %arg0, %c0_i32 : i32, i32
  }
  func.func @transform_2(%arg0: i32) -> (i32, i32) {
    %c0_i32 = arith.constant 0 : i32
    %c0_i32_0 = arith.constant 0 : i32
    %c0_i32_1 = arith.constant 0 : i32
    return %c0_i32, %c0_i32_0 : i32, i32
  }
  func.func @transform_3(%arg0: i32) -> (i32, i32) {
    %c0_i32 = arith.constant 0 : i32
    %c0_i32_0 = arith.constant 0 : i32
    %c0_i32_1 = arith.constant 0 : i32
    return %c0_i32, %c0_i32_0 : i32, i32
  }
  func.func @transform_4(%arg0: i32) -> (i32, i32) {
    %c0_i32 = arith.constant 0 : i32
    %c0_i32_0 = arith.constant 0 : i32
    %c0_i32_1 = arith.constant 0 : i32
    return %c0_i32, %c0_i32_0 : i32, i32
  }
  func.func @transform_5(%arg0: i32) -> (i32, i32) {
    %c0_i32 = arith.constant 0 : i32
    %c0_i32_0 = arith.constant 0 : i32
    %c0_i32_1 = arith.constant 0 : i32
    return %c0_i32, %c0_i32_0 : i32, i32
  }
  func.func @transform_6(%arg0: i32) -> (i32, i32) {
    %c0_i32 = arith.constant 0 : i32
    %c0_i32_0 = arith.constant 0 : i32
    %c0_i32_1 = arith.constant 0 : i32
    return %c0_i32, %c0_i32_0 : i32, i32
  }
  func.func @transform_7(%arg0: i32) -> (i32, i32) {
    %c0_i32 = arith.constant 0 : i32
    %c0_i32_0 = arith.constant 0 : i32
    return %arg0, %c0_i32 : i32, i32
  }
}

module attributes {stable_mosaic.version = 14 : i64} {
  func.func @_head_body(%arg0: i32, %arg1: memref<1000x128xf32, #tpu.memory_space<vmem>>, %arg2: memref<128x64xf32, #tpu.memory_space<vmem>>, %arg3: memref<1x64xf32, #tpu.memory_space<vmem>>, %arg4: memref<64x16xf32, #tpu.memory_space<vmem>>, %arg5: memref<64x16xf32, #tpu.memory_space<vmem>>, %arg6: memref<1x16xf32, #tpu.memory_space<vmem>>, %arg7: memref<1000x64xf32, #tpu.memory_space<vmem>>, %arg8: memref<1000x16xf32, #tpu.memory_space<vmem>>, %arg9: memref<1000x16xf32, #tpu.memory_space<vmem>>) attributes {dimension_semantics = [#tpu.dimension_semantics<arbitrary>], iteration_bounds = array<i64: 10>, scalar_prefetch = 0 : i64, scratch_operands = 0 : i64, tpu.core_type = #tpu.core_type<tc>, window_params = [{transform_indices = @transform_0, window_bounds = array<i64: 1000, 128>}, {pipeline_mode = #tpu.pipeline_mode<synchronous>, transform_indices = @transform_1, window_bounds = array<i64: 128, 64>}, {pipeline_mode = #tpu.pipeline_mode<synchronous>, transform_indices = @transform_2, window_bounds = array<i64: 1, 64>}, {pipeline_mode = #tpu.pipeline_mode<synchronous>, transform_indices = @transform_3, window_bounds = array<i64: 64, 16>}, {pipeline_mode = #tpu.pipeline_mode<synchronous>, transform_indices = @transform_4, window_bounds = array<i64: 64, 16>}, {pipeline_mode = #tpu.pipeline_mode<synchronous>, transform_indices = @transform_5, window_bounds = array<i64: 1, 16>}, {transform_indices = @transform_6, window_bounds = array<i64: 1000, 64>}, {transform_indices = @transform_7, window_bounds = array<i64: 1000, 16>}, {transform_indices = @transform_8, window_bounds = array<i64: 1000, 16>}]} {
    %get3A = arith.constant 0 : index
    %get3A_0 = arith.constant 0 : index
    %get3A_1 = vector.load %arg1[%get3A, %get3A_0] : memref<1000x128xf32, #tpu.memory_space<vmem>>, vector<1000x128xf32>
    %get3A_2 = arith.constant 0 : index
    %get3A_3 = arith.constant 0 : index
    %get3A_4 = vector.load %arg2[%get3A_2, %get3A_3] : memref<128x64xf32, #tpu.memory_space<vmem>>, vector<128x64xf32>
    %dot_general3A = arith.constant dense<0.000000e+00> : vector<1000x64xf32>
    %dot_general3A_5 = tpu.matmul %get3A_1, %get3A_4, %dot_general3A {dimension_numbers = #tpu.dot_dimension_numbers<[1], [0], [0], [1], [0, 0, 1, 1], [], []>, transpose_lhs_hint = false} : vector<1000x128xf32>, vector<128x64xf32>, vector<1000x64xf32> -> vector<1000x64xf32>
    %get3A_6 = arith.constant 0 : index
    %get3A_7 = arith.constant 0 : index
    %get3A_8 = vector.load %arg3[%get3A_6, %get3A_7] : memref<1x64xf32, #tpu.memory_space<vmem>>, vector<1x64xf32>
    %add3A = vector.broadcast %get3A_8 : vector<1x64xf32> to vector<1000x64xf32>
    %add3A_9 = arith.addf %dot_general3A_5, %add3A : vector<1000x64xf32>
    %max3A = arith.constant 0.000000e+00 : f32
    %max3A_10 = vector.broadcast %max3A : f32 to vector<1000x64xf32>
    %max3A_11 = arith.maximumf %add3A_9, %max3A_10 : vector<1000x64xf32>
    %swap3A = arith.constant 0 : index
    %swap3A_12 = arith.constant 0 : index
    %swap3A_13 = vector.load %arg7[%swap3A, %swap3A_12] : memref<1000x64xf32, #tpu.memory_space<vmem>>, vector<1000x64xf32>
    tpu.vector_store %arg7[%swap3A, %swap3A_12], %max3A_11 {strides = array<i32>} : memref<1000x64xf32, #tpu.memory_space<vmem>>, vector<1000x64xf32>,
    %get3A_14 = arith.constant 0 : index
    %get3A_15 = arith.constant 0 : index
    %get3A_16 = vector.load %arg4[%get3A_14, %get3A_15] : memref<64x16xf32, #tpu.memory_space<vmem>>, vector<64x16xf32>
    %dot_general3A_17 = arith.constant dense<0.000000e+00> : vector<1000x16xf32>
    %dot_general3A_18 = tpu.matmul %max3A_11, %get3A_16, %dot_general3A_17 {dimension_numbers = #tpu.dot_dimension_numbers<[1], [0], [0], [1], [0, 0, 1, 1], [], []>, transpose_lhs_hint = false} : vector<1000x64xf32>, vector<64x16xf32>, vector<1000x16xf32> -> vector<1000x16xf32>
    %get3A_19 = arith.constant 0 : index
    %get3A_20 = arith.constant 0 : index
    %get3A_21 = vector.load %arg6[%get3A_19, %get3A_20] : memref<1x16xf32, #tpu.memory_space<vmem>>, vector<1x16xf32>
    %add3A_22 = vector.broadcast %get3A_21 : vector<1x16xf32> to vector<1000x16xf32>
    %add3A_23 = arith.addf %dot_general3A_18, %add3A_22 : vector<1000x16xf32>
    %swap3A_24 = arith.constant 0 : index
    %swap3A_25 = arith.constant 0 : index
    %swap3A_26 = vector.load %arg8[%swap3A_24, %swap3A_25] : memref<1000x16xf32, #tpu.memory_space<vmem>>, vector<1000x16xf32>
    tpu.vector_store %arg8[%swap3A_24, %swap3A_25], %add3A_23 {strides = array<i32>} : memref<1000x16xf32, #tpu.memory_space<vmem>>, vector<1000x16xf32>,
    %get3A_27 = arith.constant 0 : index
    %get3A_28 = arith.constant 0 : index
    %get3A_29 = vector.load %arg5[%get3A_27, %get3A_28] : memref<64x16xf32, #tpu.memory_space<vmem>>, vector<64x16xf32>
    %dot_general3A_30 = arith.constant dense<0.000000e+00> : vector<1000x16xf32>
    %dot_general3A_31 = tpu.matmul %max3A_11, %get3A_29, %dot_general3A_30 {dimension_numbers = #tpu.dot_dimension_numbers<[1], [0], [0], [1], [0, 0, 1, 1], [], []>, transpose_lhs_hint = false} : vector<1000x64xf32>, vector<64x16xf32>, vector<1000x16xf32> -> vector<1000x16xf32>
    %swap3A_32 = arith.constant 0 : index
    %swap3A_33 = arith.constant 0 : index
    %swap3A_34 = vector.load %arg9[%swap3A_32, %swap3A_33] : memref<1000x16xf32, #tpu.memory_space<vmem>>, vector<1000x16xf32>
    tpu.vector_store %arg9[%swap3A_32, %swap3A_33], %dot_general3A_31 {strides = array<i32>} : memref<1000x16xf32, #tpu.memory_space<vmem>>, vector<1000x16xf32>,
    return
  }
  func.func @transform_0(%arg0: i32) -> (i32, i32) {
    %c0_i32 = arith.constant 0 : i32
    %c0_i32_0 = arith.constant 0 : i32
    return %arg0, %c0_i32 : i32, i32
  }
  func.func @transform_1(%arg0: i32) -> (i32, i32) {
    %c0_i32 = arith.constant 0 : i32
    %c0_i32_0 = arith.constant 0 : i32
    %c0_i32_1 = arith.constant 0 : i32
    return %c0_i32, %c0_i32_0 : i32, i32
  }
  func.func @transform_2(%arg0: i32) -> (i32, i32) {
    %c0_i32 = arith.constant 0 : i32
    %c0_i32_0 = arith.constant 0 : i32
    %c0_i32_1 = arith.constant 0 : i32
    return %c0_i32, %c0_i32_0 : i32, i32
  }
  func.func @transform_3(%arg0: i32) -> (i32, i32) {
    %c0_i32 = arith.constant 0 : i32
    %c0_i32_0 = arith.constant 0 : i32
    %c0_i32_1 = arith.constant 0 : i32
    return %c0_i32, %c0_i32_0 : i32, i32
  }
  func.func @transform_4(%arg0: i32) -> (i32, i32) {
    %c0_i32 = arith.constant 0 : i32
    %c0_i32_0 = arith.constant 0 : i32
    %c0_i32_1 = arith.constant 0 : i32
    return %c0_i32, %c0_i32_0 : i32, i32
  }
  func.func @transform_5(%arg0: i32) -> (i32, i32) {
    %c0_i32 = arith.constant 0 : i32
    %c0_i32_0 = arith.constant 0 : i32
    %c0_i32_1 = arith.constant 0 : i32
    return %c0_i32, %c0_i32_0 : i32, i32
  }
  func.func @transform_6(%arg0: i32) -> (i32, i32) {
    %c0_i32 = arith.constant 0 : i32
    %c0_i32_0 = arith.constant 0 : i32
    return %arg0, %c0_i32 : i32, i32
  }
  func.func @transform_7(%arg0: i32) -> (i32, i32) {
    %c0_i32 = arith.constant 0 : i32
    %c0_i32_0 = arith.constant 0 : i32
    return %arg0, %c0_i32 : i32, i32
  }
  func.func @transform_8(%arg0: i32) -> (i32, i32) {
    %c0_i32 = arith.constant 0 : i32
    %c0_i32_0 = arith.constant 0 : i32
    return %arg0, %c0_i32 : i32, i32
  }
}

</mosaic_0001>

<sc_bundles>
// kernel: kernel.13.cloned.1.call-start
scs
__scs_entry_jumppad:
0x0: {  	(pc) =	sbr.rel $0x88, $3  }
0x1: {  	(tag) =	ssettag $0x0;
	lr =	simm.s32 $0x1  }
0x2: {  	[smem:$0x3F95] =	sst lr;
	_ =	strace $0xD0000000  }
0x3: {  	_ = 	snop  }
0x4: {  	_ = 	snop  }
0x5: {  	_ = 	snop  }
0x6: {  	_ = 	snop  }
0x7: {  	_ = 	snop  }
__scs_overlays_trampoline_lowered:
0x8: {  	[smem:$0x3FA4] =	sst s0  }
0x9: {  	[smem:$0x3FA5] =	sst s1  }
0xa: {  	[smem:$0x3FA6] =	sst s2  }
0xb: {  	[smem:$0x3FA7] =	sst s3  }
0xc: {  	[smem:$0x3FA8] =	sst s4  }
0xd: {  	[smem:$0x3FA9] =	sst s5  }
0xe: {  	[smem:$0x3FAA] =	sst s6  }
0xf: {  	[smem:$0x3FAB] =	sst s7  }
0x10: {  	[smem:$0x3FAC] =	sst s8  }
0x11: {  	[smem:$0x3FAD] =	sst s9;
	s0 =	simm.s32 @!p0 $0x0  }
0x12: {  	s1 =	sld [smem:$0x3F93];
	s0 =	simm.s32 @p0 $0x1  }
0x13: {  	[smem:$0x3FAE] =	sst s0;
	s0 =	simm.s32 @!p1 $0x0  }
0x14: {  	s2 =	sld [smem:$0x3F92];
	s0 =	simm.s32 @p1 $0x1  }
0x15: {  	[smem:$0x3FAF] =	sst s0;
	s0 =	simm.s32 @!p2 $0x0  }
0x16: {  	s3 =	sld [smem:$0x3FDB];
	s0 =	simm.s32 @p2 $0x1  }
0x17: {  	s4 =	simm.s32 $0x1BF5;
	[smem:$0x3FB1] =	sst s0  }
0x18: {  	s0 =	sld [smem:$0x3F94];
	_ =	swait.ge [sflag:s4], $0x0  }
0x19: {  	s7 =	sld [smem:$0x3F95]  }
0x1a: {  	s8 =	sadd.s32 $0xFFFFE003, lr  }
0x1b: {  	s9 =	sadd.s32 $0xFFFFFEF7, lr;
	s5 =	simm.s32 $0xFFFFFFFF;
	p2 =	slt.u32 s8, $0xFFFFF086  }
0x1c: {  	p1 =	slt.u32 s9, $0xF7A;
	s5 =	simm.s32 @!p2 $0x0  }
0x1d: {  	s5 =	simm.s32 @p1 $0x1;
	p0 =	seq.s32 s7, s2  }
0x1e: {  	s7 =	smul.u32 @!p0 $0xF7A, s2;
	p2 =	seq.s32 @!p0 s5, $0x0  }
0x1f: {  	s9 =	smul.u32 $0xF7A, s1;
	s8 =	simm.s32 @!p0 $0x1BF5;
	p2 =	por !p2, p0  }
0x20: {  	[sflag:s8] =	ssyncset.s32 @!p0 $0xFFFFF086;
	s6 =	sadd.s32 @!p0 s3, s7;
	s7 =	simm.s32 @!p0 $0x108  }
0x21: {  	s3 =	sadd.s32 s3, s9;
	s6 =	sadd.s32 @!p0 $0x88, s6;
	s7 =	simm.s32 @p2 $0x1082  }
0x22: {  	[simem:s7], [sflag:s8] =	dma.local @!p0 [hbm:s6], $0xF7A  }
0x23: {  	s9 =	sor.u32 $0xD0000000, s2;
	s6 =	simm.s32 $0x108;
	_ =	swait.ge @!p0 [sflag:s8], $0x0  }
0x24: {  	s3 =	sadd.s32 $0x88, s3;
	s6 =	simm.s32 @!p1 $0x1082;
	[sflag:s4] =	ssyncset.s32 $0xFFFFF086  }
0x25: {  	[simem:s6], [sflag:s4] =	dma.local [hbm:s3], $0xF7A  }
0x26: {  	[smem:$0x3F95] =	sst s1;
	(tag) =	ssettag s2;
	_ =	strace s9  }
0x27: {  	s1 =	sld [smem:$0x3FA5]  }
0x28: {  	s2 =	sld [smem:$0x3FA6]  }
0x29: {  	s4 =	sld [smem:$0x3FA8]  }
0x2a: {  	p0 =	seq.s32 s5, $0x0;
	s5 =	sld [smem:$0x3FA9]  }
0x2b: {  	s6 =	sld [smem:$0x3FAA]  }
0x2c: {  	s7 =	sld [smem:$0x3FAB]  }
0x2d: {  	s3 =	simm.s32 $0x108;
	s8 =	sld [smem:$0x3FAC]  }
0x2e: {  	s3 =	simm.s32 @!p0 $0x1082;
	s9 =	sld [smem:$0x3FAD]  }
0x2f: {  	lr =	sadd.s32 s0, s3;
	s0 =	sld [smem:$0x3FA4]  }
0x30: {  	s3 =	sld [smem:$0x3FA7]  }
0x31: {  	[smem:$0x3FB0] =	sst s10  }
0x32: {  	s10 =	sld [smem:$0x3FAE];
	_ =	sdelay $0x3  }
0x33: {  	p0 =	seq.s32 s10, $0x1;
	s10 =	sld [smem:$0x3FB0];
	_ =	sdelay $0x3  }
0x34: {  	[smem:$0x3FB0] =	sst s10  }
0x35: {  	s10 =	sld [smem:$0x3FAF];
	_ =	sdelay $0x3  }
0x36: {  	p1 =	seq.s32 s10, $0x1;
	s10 =	sld [smem:$0x3FB0];
	_ =	sdelay $0x3  }
0x37: {  	[smem:$0x3FB0] =	sst s10  }
0x38: {  	s10 =	sld [smem:$0x3FB1]  }
0x39: {  	_ = 	snop;
	(pc) =	sbr.ind lr, $3  }
0x3a: {  	_ = 	snop  }
0x3b: {  	_ = 	snop  }
0x3c: {  	p2 =	seq.s32 s10, $0x1;
	s10 =	sld [smem:$0x3FB0]  }
0x3d: {  	_ =	shalt  }
0x3e: {  	_ =	shalt  }
0x3f: {  	_ =	shalt  }
0x40: {  	_ =	shalt  }
0x41: {  	_ =	shalt  }
0x42: {  	_ =	shalt  }
0x43: {  	_ =	shalt  }
0x44: {  	_ =	shalt  }
0x45: {  	_ =	shalt  }
0x46: {  	_ =	shalt  }
0x47: {  	_ =	shalt  }
0x48: {  	_ =	shalt  }
0x49: {  	_ =	shalt  }
0x4a: {  	_ =	shalt  }
0x4b: {  	_ =	shalt  }
0x4c: {  	_ =	shalt  }
0x4d: {  	_ =	shalt  }
0x4e: {  	_ =	shalt  }
0x4f: {  	_ =	shalt  }
0x50: {  	_ =	shalt  }
0x51: {  	_ =	shalt  }
0x52: {  	_ =	shalt  }
0x53: {  	_ =	shalt  }
0x54: {  	_ =	shalt  }
0x55: {  	_ =	shalt  }
0x56: {  	_ =	shalt  }
0x57: {  	_ =	shalt  }
0x58: {  	_ =	shalt  }
0x59: {  	_ =	shalt  }
0x5a: {  	_ =	shalt  }
0x5b: {  	_ =	shalt  }
0x5c: {  	_ =	shalt  }
0x5d: {  	_ =	shalt  }
0x5e: {  	_ =	shalt  }
0x5f: {  	_ =	shalt  }
0x60: {  	_ =	shalt  }
0x61: {  	_ =	shalt  }
0x62: {  	_ =	shalt  }
0x63: {  	_ =	shalt  }
0x64: {  	_ =	shalt  }
0x65: {  	_ =	shalt  }
0x66: {  	_ =	shalt  }
0x67: {  	_ =	shalt  }
0x68: {  	_ =	shalt  }
0x69: {  	_ =	shalt  }
0x6a: {  	_ =	shalt  }
0x6b: {  	_ =	shalt  }
0x6c: {  	_ =	shalt  }
0x6d: {  	_ =	shalt  }
0x6e: {  	_ =	shalt  }
0x6f: {  	_ =	shalt  }
0x70: {  	_ =	shalt  }
0x71: {  	_ =	shalt  }
0x72: {  	_ =	shalt  }
0x73: {  	_ =	shalt  }
0x74: {  	_ =	shalt  }
0x75: {  	_ =	shalt  }
0x76: {  	_ =	shalt  }
0x77: {  	_ =	shalt  }
0x78: {  	_ =	shalt  }
0x79: {  	_ =	shalt  }
0x7a: {  	_ =	shalt  }
0x7b: {  	_ =	shalt  }
0x7c: {  	_ =	shalt  }
0x7d: {  	_ =	shalt  }
0x7e: {  	_ =	shalt  }
0x7f: {  	_ =	shalt  }
0x80: {  	_ =	shalt  }
0x81: {  	_ =	shalt  }
0x82: {  	_ =	shalt  }
0x83: {  	_ =	shalt  }
0x84: {  	_ =	shalt  }
0x85: {  	_ =	shalt  }
0x86: {  	_ =	shalt  }
0x87: {  	_ =	shalt  }
.Lfunc_end0:
.L_simem_size_0:
called_computation_lowered:
.L_overlay_start_0:
0x88: {  	s2 =	sld [smem:$0x3FD9]  }
0x89: {  	s3 =	sld [smem:$0x3FFE];
	_ =	sdelay $0x1  }
0x8a: {  	s1 =	srdreg.scid  }
0x8b: {  	s0 =	sand.u32 $0x1, s1  }
0x8c: {  	s14 =	sshll.u32 s0, $0xA;
	s2 =	sadd.s32 s3, s2  }
0x8d: {  	s2 =	sadd.s32 s2, s14  }
0x8e: {  	[smem:$0x3FBC] =	sst s2  }
0x8f: {  	_ = 	snop  }
0x90: {  	s2 =	sld [smem:$0x3FD0];
	_ =	sdelay $0x2  }
0x91: {  	s4 =	simm.s32 $0xB;
	s5 =	simm.s32 $0x10;
	s15 =	sld [smem:$0x3FC9]  }
0x92: {  	[smem:s5], [sflag:s4] =	dma.local [hbm:s2], $0x1  }
0x93: {  	_ =	swait.eq [sflag:s4], $0x1  }
0x94: {  	[sflag:s4] =	ssyncset.done $0x0  }
0x95: {  	s16 =	sld [smem:$0x10];
	[sflag:s4] =	ssyncadd.s32 $0xFFFFFFFF  }
0x96: {  	s17 =	sld [smem:$0x11];
	(tm) =	ssettm $0x1  }
0x97: {  	s18 =	sld [smem:$0x3FFB];
	_ =	sdelay $0x3  }
0x98: {  	_ =	strace s18  }
0x99: {  	s5 =	sld [smem:$0x3FFC];
	_ =	sdelay $0x3  }
0x9a: {  	_ =	strace s5  }
0x9b: {  	s5 =	sld [smem:$0x3FFD];
	_ =	sdelay $0x3  }
0x9c: {  	_ =	strace s5  }
0x9d: {  	_ =	strace $0x8FFFFFFF  }
0x9e: {  	s19 =	sld [smem:$0x3FDB];
	_ =	sdelay $0x1  }
0x9f: {  	s6 =	simm.s32 $_scs_section_size  }
0xa0: {  	s7 =	simm.s32 $_size__tile_overlayer_lowered;
	s8 =	simm.s32 $_tile_overlayer_lowered  }
0xa1: {  	s22 =	simm.s32 $0x1BFF;
	s21 =	sshll.u32 s8, $0x1;
	s5 =	sadd.s32 s6, s19  }
0xa2: {  	s9 =	simm.s32 $0x0;
	s20 =	sshll.u32 s7, $0x1;
	s7 =	sadd.s32 s21, s5  }
0xa3: {  	[timem:s9], [sflag:s22] =	dma.local [hbm:s7], s20  }
0xa4: {  	_ =	swait.ge [sflag:s22], s20  }
0xa5: {  	s6 =	ssub.s32 $0x0, s20;
	[sflag:s22] =	ssyncset.done $0x0  }
0xa6: {  	[sflag:s22] =	ssyncadd.s32 s6;
	_ =	sdelay $0x1  }
0xa7: {  	s23 =	simm.s32 $0x1B8B  }
0xa8: {  	_ =	swait.ge [sflag:s23], $0x1  }
0xa9: {  	[sflag:s23] =	ssyncset.done $0x0  }
0xaa: {  	s25 =	simm.s32 $0x1B8E;
	s24 =	sld [smem:$0x3FFE];
	[sflag:s23] =	ssyncadd.s32 $0xFFFFFFFF  }
0xab: {  	s26 =	simm.s32 $execute0_lowered;
	[smem:$0x3FD2] =	sst s25  }
0xac: {  	s7 =	sshll.u32 s26, $0x1;
	_ =	strace $0x80000046;
	[dreg:$0x1] =	wrdreg $0xFFFFFFFF  }
0xad: {  	s28 =	simm.s32 $_size_execute0_lowered;
	s5 =	sadd.s32 s5, s7;
	[dreg:$0x0] =	wrdreg $0x0  }
0xae: {  	s7 =	sshll.u32 s28, $0x1;
	[dreg:$0x2] =	wrdreg s5  }
0xaf: {  	[dreg:$0x3] =	wrdreg s7  }
0xb0: {  	[dreg:$0x4] =	wrdreg $0xC0  }
0xb1: {  	_ =	task [dreg:s9], $0x5FFFF  }
0xb2: {  	[dreg:$0x1] =	wrdreg $0xFFFFFFFF  }
0xb3: {  	[dreg:$0x0] =	wrdreg $0x60  }
0xb4: {  	[dreg:$0x2] =	wrdreg s15  }
0xb5: {  	[dreg:$0x3] =	wrdreg s16  }
0xb6: {  	[dreg:$0x4] =	wrdreg s24  }
0xb7: {  	[dreg:$0x5] =	wrdreg s17  }
0xb8: {  	[dreg:$0x6] =	wrdreg $0x9E200  }
0xb9: {  	[dreg:$0x7] =	wrdreg $0x9  }
0xba: {  	_ =	task.clear_ibuf [dreg:s9], $0x8FFFF;
	_ =	strace $0x90000046  }
0xbb: {  	s29 =	simm.s32 $0x9;
	_ =	strace $0x80000048  }
0xbc: {  	_ =	swait.ge [sflag:s29], $0x1  }
0xbd: {  	[sflag:s29] =	ssyncadd.s32 $0xFFFFFFFF  }
0xbe: {  	_ =	strace $0x90000048  }
0xbf: {  	_ =	sfence  }
0xc0: {  	s30 =	sld [smem:$0x0];
	_ =	sdelay $0x2  }
0xc1: {  	s31 =	sshll.u32 s1, $0xD;
	s1 =	sshrl.u32 s1, $0x2  }
0xc2: {  	s3 =	sand.u32 $0x4000, s31;
	s1 =	sadd.s32 s1, s30  }
0xc3: {  	s0 =	sor.u32 s3, s0;
	s1 =	sshll.u32 s1, $0x11  }
0xc4: {  	s0 =	sor.u32 s1, s0  }
0xc5: {  	s0 =	sadd.s32 $0x8F2B, s0  }
0xc6: {  	[sflag:s0] =	ssyncadd.remote.s32 $0x1  }
0xc7: {  	_ =	sfence.sel $0xFFFF  }
0xc8: {  	[dreg:$0x0] =	wrdreg $0xFFFFFFFF;
	(pc) =	sbr.abs _section_cstart, $3  }
0xc9: {  	[dreg:$0x1] =	wrdreg $0xFFFFFFFF  }
0xca: {  	_ =	task.clear_ibuf [dreg:s9], $0x2FFFF;
	_ =	strace $0x9FFFFFFF  }
0xcb: {  	(tm) =	ssettm $0x7FFFFFFF  }
tec
execute0_lowered:
.L_overlay_start_1:
0x0: {  	(tag) =	ssettag $0x1  }
0x1: {  	s0 =	rddreg [dreg:$0x0]  }
0x2: {  	s1 =	rddreg [dreg:$0x1]  }
0x3: {  	s2 =	rddreg [dreg:$0x2]  }
0x4: {  	s10 =	rddreg [dreg:$0x3]  }
0x5: {  	s4 =	srdreg.scid;
	s13 =	stileid.u32  }
0x6: {  	s3 =	rddreg [dreg:$0x4];
	s14 =	simm.s32 $0x28;
	s15 =	simm.s32 $0x4E20  }
0x7: {  	s16 =	simm.s32 $0x6220;
	s18 =	simm.s32 $0x7620;
	s19 =	simm.s32 $0x1  }
0x8: {  	s21 =	simm.s32 $0x8A20;
	s22 =	simm.s32 $0x2;
	s24 =	simm.s32 $0x5  }
0x9: {  	s26 =	simm.s32 $0x3;
	s29 =	simm.s32 $0x6;
	s31 =	simm.s32 $0x4  }
0xa: {  	s17 =	simm.s32 $0x8;
	s20 =	simm.s32 $0x4DD0;
	s23 =	simm.s32 $0x4DF8  }
0xb: {  	s25 =	simm.s32 $0x0;
	s5 =	sand.u32 $0x1, s4;
	s6 =	sshll.u32 s13, $0x1  }
0xc: {  	s4 =	simm.s32 $0x0;
	s8 =	smul.u32 $0x13880, s13;
	s30 =	sshll.u32 s13, $0x6  }
0xd: {  	s13 =	simm.s32 $0x2710;
	s6 =	sor.u32 s5, s6;
	[smem:$0x7FF] =	sst s4  }
0xe: {  	s7 =	ssub.s32 $0x2, s5;
	p0 =	seq.s32 s5, $0x0;
	s6 =	smul.u32 $0x4E2, s6  }
0xf: {  	_ =	strace $0x80000047;
	s9 =	sshrl.u32 s7, $0x1;
	s11 =	sadd.s32 s8, s3  }
0x10: {  	s12 =	sshrl.u32 s8, $0x3;
	s1 =	smov.u32 @p0 s0;
	s7 =	ssub.s32 s7, s9  }
0x11: {  	s8 =	sadd.s32 s1, s12;
	s9 =	sor.u32 $0x1C09, s30;
	s11 =	sshrl.u32 s11, $0x3  }
0x12: {  	s1 =	simm.s32 $0x7;
	s6 =	sadd.s32 s6, s2;
	s2 =	sadd.s32 $0x19200, s2  }
0x13: {  	s7 =	smax.u32 s7, $0x1;
	s5 =	sadd.s32 $0xF400, s6;
	s2 =	smov.u32 @p0 s10  }
0x14: {  	s6 =	sadd.s32 $0x5600, s6;
	s10 =	sadd.s32 s2, s12;
	s12 =	simm.s32 $0x9  }
.LBB2_1:
0x15: {  	[spmem:s11], [sflag:s9] =	dma.local [hbm:s8], $0x2710  }
0x16: {  	_ =	swait.ge [sflag:s12], $0x2710  }
0x17: {  	[sflag:s12] =	ssyncset.done $0x0  }
0x18: {  	[sflag:s12] =	ssyncadd.s32 $0xFFFFD8F0  }
0x19: {  	[tilespmem:s4], [sflag:$0x9] =	stream.linear.gather [hbm4b:s5+s4], $0x2710, $0x38;
	[tilespmem:$0x1D6A0] =	vst v63  }
0x1a: {  	_ =	swait.ge [sflag:s12], $0x2710  }
0x1b: {  	[sflag:s12] =	ssyncset.done $0x0  }
0x1c: {  	[sflag:s12] =	ssyncadd.s32 $0xFFFFD8F0  }
0x1d: {  	[tilespmem:s13], [sflag:$0x9] =	stream.linear.gather [hbm4b:s6+s4], $0x2710, $0x38;
	[tilespmem:$0x1D6A0] =	vst v63  }
0x1e: {  	_ =	swait.ge [sflag:s12], $0x2710  }
0x1f: {  	[sflag:s12] =	ssyncset.done $0x0  }
0x20: {  	[sflag:s12] =	ssyncadd.s32 $0xFFFFD8F0  }
0x21: {  	[bflag:$0x0] =	sbarrier.arrive $0xFFFF  }
0x22: {  	[tilespmem:s15], [sflag:$0x1] =	stream.indirect.gather [hbm4b:s0+s14], $0x80, s4, s14, $0xb8;
	[tilespmem:$0x1D6A0] =	vst v63  }
0x23: {  	_ = 	snop  }
0x24: {  	[tilespmem:s16], [sflag:$0x2] =	stream.indirect.gather [hbm4b:s0+s14], $0x80, s14, s14, $0xb8;
	[tilespmem:$0x1D6A0] =	vst v63  }
0x25: {  	s2 =	simm.s32 $0x50  }
0x26: {  	[tilespmem:s18], [sflag:$0x3] =	stream.indirect.gather [hbm4b:s0+s14], $0x80, s2, s14, $0xb8;
	[tilespmem:$0x1D6A0] =	vst v63  }
0x27: {  	_ =	swait.ge [sflag:s19], $0x1400  }
0x28: {  	[sflag:s19] =	ssyncset.done $0x0  }
0x29: {  	[sflag:s19] =	ssyncadd.s32 $0xFFFFEC00  }
0x2a: {  	[spmem:s3] =	stream.indirect.scatter.add.f32 [tilespmem:s15], [sflag:$0x5], $0x80, s13, s14, $0xb8;
	[tilespmem:$0x1D6A0] =	vst v63  }
0x2b: {  	s2 =	simm.s32 $0x78  }
0x2c: {  	[tilespmem:s21], [sflag:$0x4] =	stream.indirect.gather [hbm4b:s0+s14], $0x80, s2, s14, $0xb8;
	[tilespmem:$0x1D6A0] =	vst v63  }
0x2d: {  	_ =	swait.ge [sflag:s22], $0x1400  }
0x2e: {  	[sflag:s22] =	ssyncset.done $0x0  }
0x2f: {  	s2 =	simm.s32 $0x2738;
	[sflag:s22] =	ssyncadd.s32 $0xFFFFEC00  }
0x30: {  	[spmem:s3] =	stream.indirect.scatter.add.f32 [tilespmem:s16], [sflag:$0x6], $0x80, s2, s14, $0xb8;
	[tilespmem:$0x1D6A0] =	vst v63  }
0x31: {  	_ =	swait.ge [sflag:s24], $0x1400  }
0x32: {  	[sflag:s24] =	ssyncset.done $0x0  }
0x33: {  	s2 =	simm.s32 $0xA0;
	[sflag:s24] =	ssyncadd.s32 $0xFFFFEC00  }
0x34: {  	[tilespmem:s15], [sflag:$0x1] =	stream.indirect.gather [hbm4b:s0+s14], $0x80, s2, s14, $0xb8;
	[tilespmem:$0x1D6A0] =	vst v63  }
0x35: {  	_ =	swait.ge [sflag:s26], $0x1400  }
0x36: {  	[sflag:s26] =	ssyncset.done $0x0  }
0x37: {  	s2 =	simm.s32 $0x2760;
	[sflag:s26] =	ssyncadd.s32 $0xFFFFEC00  }
0x38: {  	[spmem:s3] =	stream.indirect.scatter.add.f32 [tilespmem:s18], [sflag:$0x7], $0x80, s2, s14, $0xb8;
	[tilespmem:$0x1D6A0] =	vst v63  }
0x39: {  	_ =	swait.ge [sflag:s29], $0x1400  }
0x3a: {  	[sflag:s29] =	ssyncset.done $0x0  }
0x3b: {  	s2 =	simm.s32 $0xC8;
	[sflag:s29] =	ssyncadd.s32 $0xFFFFEC00  }
0x3c: {  	[tilespmem:s16], [sflag:$0x2] =	stream.indirect.gather [hbm4b:s0+s14], $0x80, s2, s14, $0xb8;
	[tilespmem:$0x1D6A0] =	vst v63  }
0x3d: {  	_ =	swait.ge [sflag:s31], $0x1400  }
0x3e: {  	[sflag:s31] =	ssyncset.done $0x0  }
0x3f: {  	s2 =	simm.s32 $0x2788;
	[sflag:s31] =	ssyncadd.s32 $0xFFFFEC00  }
0x40: {  	[spmem:s3] =	stream.indirect.scatter.add.f32 [tilespmem:s21], [sflag:$0x8], $0x80, s2, s14, $0xb8;
	[tilespmem:$0x1D6A0] =	vst v63  }
0x41: {  	_ =	swait.ge [sflag:s1], $0x1400  }
0x42: {  	[sflag:s1] =	ssyncset.done $0x0  }
0x43: {  	s28 =	simm.s32 $0xF0;
	[sflag:s1] =	ssyncadd.s32 $0xFFFFEC00  }
0x44: {  	[tilespmem:s18], [sflag:$0x3] =	stream.indirect.gather [hbm4b:s0+s14], $0x80, s28, s14, $0xb8;
	[tilespmem:$0x1D6A0] =	vst v63  }
0x45: {  	_ =	swait.ge [sflag:s19], $0x1400  }
0x46: {  	[sflag:s19] =	ssyncset.done $0x0  }
0x47: {  	s28 =	simm.s32 $0x27B0;
	[sflag:s19] =	ssyncadd.s32 $0xFFFFEC00  }
0x48: {  	[spmem:s3] =	stream.indirect.scatter.add.f32 [tilespmem:s15], [sflag:$0x5], $0x80, s28, s14, $0xb8;
	[tilespmem:$0x1D6A0] =	vst v63  }
0x49: {  	_ =	swait.ge [sflag:s17], $0x1400  }
0x4a: {  	[sflag:s17] =	ssyncset.done $0x0  }
0x4b: {  	s28 =	simm.s32 $0x118;
	[sflag:s17] =	ssyncadd.s32 $0xFFFFEC00  }
0x4c: {  	[tilespmem:s21], [sflag:$0x4] =	stream.indirect.gather [hbm4b:s0+s14], $0x80, s28, s14, $0xb8;
	[tilespmem:$0x1D6A0] =	vst v63  }
0x4d: {  	_ =	swait.ge [sflag:s22], $0x1400  }
0x4e: {  	[sflag:s22] =	ssyncset.done $0x0  }
0x4f: {  	s28 =	simm.s32 $0x27D8;
	[sflag:s22] =	ssyncadd.s32 $0xFFFFEC00  }
0x50: {  	[spmem:s3] =	stream.indirect.scatter.add.f32 [tilespmem:s16], [sflag:$0x6], $0x80, s28, s14, $0xb8;
	[tilespmem:$0x1D6A0] =	vst v63  }
0x51: {  	_ =	swait.ge [sflag:s24], $0x1400  }
0x52: {  	[sflag:s24] =	ssyncset.done $0x0  }
0x53: {  	s28 =	simm.s32 $0x140;
	[sflag:s24] =	ssyncadd.s32 $0xFFFFEC00  }
0x54: {  	[tilespmem:s15], [sflag:$0x1] =	stream.indirect.gather [hbm4b:s0+s14], $0x80, s28, s14, $0xb8;
	[tilespmem:$0x1D6A0] =	vst v63  }
0x55: {  	_ =	swait.ge [sflag:s26], $0x1400  }
0x56: {  	[sflag:s26] =	ssyncset.done $0x0  }
0x57: {  	s28 =	simm.s32 $0x2800;
	[sflag:s26] =	ssyncadd.s32 $0xFFFFEC00  }
0x58: {  	[spmem:s3] =	stream.indirect.scatter.add.f32 [tilespmem:s18], [sflag:$0x7], $0x80, s28, s14, $0xb8;
	[tilespmem:$0x1D6A0] =	vst v63  }
0x59: {  	_ =	swait.ge [sflag:s29], $0x1400  }
0x5a: {  	[sflag:s29] =	ssyncset.done $0x0  }
0x5b: {  	s28 =	simm.s32 $0x168;
	[sflag:s29] =	ssyncadd.s32 $0xFFFFEC00  }
0x5c: {  	[tilespmem:s16], [sflag:$0x2] =	stream.indirect.gather [hbm4b:s0+s14], $0x80, s28, s14, $0xb8;
	[tilespmem:$0x1D6A0] =	vst v63  }
0x5d: {  	_ =	swait.ge [sflag:s31], $0x1400  }
0x5e: {  	[sflag:s31] =	ssyncset.done $0x0  }
0x5f: {  	s30 =	simm.s32 $0x2828;
	s28 =	simm.s32 $0x280;
	[sflag:s31] =	ssyncadd.s32 $0xFFFFEC00  }
.LBB2_2:
0x60: {  	[spmem:s3] =	stream.indirect.scatter.add.f32 [tilespmem:s21], [sflag:$0x8], $0x80, s30, s14, $0xb8;
	[tilespmem:$0x1D6A0] =	vst v63  }
0x61: {  	s30 =	smov.u32 s28  }
0x62: {  	p0 =	sne.s32 s28, $0x9600;
	s28 =	sadd.s32 $0x280, s28;
	_ =	swait.ge [sflag:s1], $0x1400  }
0x63: {  	s30 =	sshra.s32 s30, $0x2;
	[sflag:s1] =	ssyncset.done $0x0  }
0x64: {  	s2 =	sadd.s32 $0xF0, s30;
	[sflag:s1] =	ssyncadd.s32 $0xFFFFEC00  }
0x65: {  	[tilespmem:s18], [sflag:$0x3] =	stream.indirect.gather [hbm4b:s0+s14], $0x80, s2, s14, $0xb8;
	[tilespmem:$0x1D6A0] =	vst v63  }
0x66: {  	_ =	swait.ge [sflag:s19], $0x1400  }
0x67: {  	[sflag:s19] =	ssyncset.done $0x0  }
0x68: {  	s2 =	sadd.s32 $0x27B0, s30;
	[sflag:s19] =	ssyncadd.s32 $0xFFFFEC00  }
0x69: {  	[spmem:s3] =	stream.indirect.scatter.add.f32 [tilespmem:s15], [sflag:$0x5], $0x80, s2, s14, $0xb8;
	[tilespmem:$0x1D6A0] =	vst v63  }
0x6a: {  	_ =	swait.ge [sflag:s17], $0x1400  }
0x6b: {  	[sflag:s17] =	ssyncset.done $0x0  }
0x6c: {  	s2 =	sadd.s32 $0x118, s30;
	[sflag:s17] =	ssyncadd.s32 $0xFFFFEC00  }
0x6d: {  	[tilespmem:s21], [sflag:$0x4] =	stream.indirect.gather [hbm4b:s0+s14], $0x80, s2, s14, $0xb8;
	[tilespmem:$0x1D6A0] =	vst v63  }
0x6e: {  	_ =	swait.ge [sflag:s22], $0x1400  }
0x6f: {  	[sflag:s22] =	ssyncset.done $0x0  }
0x70: {  	s2 =	sadd.s32 $0x27D8, s30;
	[sflag:s22] =	ssyncadd.s32 $0xFFFFEC00  }
0x71: {  	[spmem:s3] =	stream.indirect.scatter.add.f32 [tilespmem:s16], [sflag:$0x6], $0x80, s2, s14, $0xb8;
	[tilespmem:$0x1D6A0] =	vst v63  }
0x72: {  	_ =	swait.ge [sflag:s24], $0x1400  }
0x73: {  	[sflag:s24] =	ssyncset.done $0x0  }
0x74: {  	s2 =	sadd.s32 $0x140, s30;
	[sflag:s24] =	ssyncadd.s32 $0xFFFFEC00  }
0x75: {  	[tilespmem:s15], [sflag:$0x1] =	stream.indirect.gather [hbm4b:s0+s14], $0x80, s2, s14, $0xb8;
	[tilespmem:$0x1D6A0] =	vst v63  }
0x76: {  	_ =	swait.ge [sflag:s26], $0x1400  }
0x77: {  	[sflag:s26] =	ssyncset.done $0x0  }
0x78: {  	s2 =	sadd.s32 $0x2800, s30;
	[sflag:s26] =	ssyncadd.s32 $0xFFFFEC00  }
0x79: {  	[spmem:s3] =	stream.indirect.scatter.add.f32 [tilespmem:s18], [sflag:$0x7], $0x80, s2, s14, $0xb8;
	[tilespmem:$0x1D6A0] =	vst v63  }
0x7a: {  	_ =	swait.ge [sflag:s29], $0x1400  }
0x7b: {  	[sflag:s29] =	ssyncset.done $0x0  }
.Ltmp0:
0x7c: {  	s2 =	sadd.s32 $0x168, s30;
	[sflag:s29] =	ssyncadd.s32 $0xFFFFEC00;
	(pc) =	sbr.rel @p0 .LBB2_2-.Ltmp0, $4  }
0x7d: {  	[tilespmem:s16], [sflag:$0x2] =	stream.indirect.gather [hbm4b:s0+s14], $0x80, s2, s14, $0xb8;
	[tilespmem:$0x1D6A0] =	vst v63  }
0x7e: {  	_ =	swait.ge [sflag:s31], $0x1400  }
0x7f: {  	[sflag:s31] =	ssyncset.done $0x0  }
0x80: {  	s30 =	sadd.s32 $0x2828, s30;
	[sflag:s31] =	ssyncadd.s32 $0xFFFFEC00  }
0x81: {  	[spmem:s3] =	stream.indirect.scatter.add.f32 [tilespmem:s21], [sflag:$0x8], $0x80, s30, s14, $0xb8;
	[tilespmem:$0x1D6A0] =	vst v63  }
0x82: {  	_ =	swait.ge [sflag:s19], $0x1400  }
0x83: {  	[sflag:s19] =	ssyncset.done $0x0  }
0x84: {  	[sflag:s19] =	ssyncadd.s32 $0xFFFFEC00  }
0x85: {  	[spmem:s3] =	stream.indirect.scatter.add.f32 [tilespmem:s15], [sflag:$0x5], $0x80, s20, s14, $0xb8;
	[tilespmem:$0x1D6A0] =	vst v63  }
0x86: {  	_ =	swait.ge [sflag:s22], $0x1400  }
0x87: {  	[sflag:s22] =	ssyncset.done $0x0  }
0x88: {  	[sflag:s22] =	ssyncadd.s32 $0xFFFFEC00  }
0x89: {  	[spmem:s3] =	stream.indirect.scatter.add.f32 [tilespmem:s16], [sflag:$0x6], $0x80, s23, s14, $0xb8;
	[tilespmem:$0x1D6A0] =	vst v63  }
0x8a: {  	_ =	swait.ge [sflag:s1], $0x1400  }
0x8b: {  	[sflag:s1] =	ssyncset.done $0x0  }
0x8c: {  	[sflag:s1] =	ssyncadd.s32 $0xFFFFEC00  }
0x8d: {  	_ =	swait.ge [sflag:s17], $0x1400  }
0x8e: {  	[sflag:s17] =	ssyncset.done $0x0  }
0x8f: {  	[sflag:s17] =	ssyncadd.s32 $0xFFFFEC00  }
0x90: {  	_ =	swait.ge [sflag:s24], $0x1400  }
0x91: {  	[sflag:s24] =	ssyncset.done $0x0  }
0x92: {  	[sflag:s24] =	ssyncadd.s32 $0xFFFFEC00  }
0x93: {  	_ =	swait.ge [sflag:s29], $0x1400  }
0x94: {  	s25 =	sadd.s32 $0x1, s25;
	[sflag:s29] =	ssyncset.done $0x0  }
0x95: {  	p0 =	sne.s32 s25, s7;
	[sflag:s29] =	ssyncadd.s32 $0xFFFFEC00  }
.Ltmp1:
0x96: {  	[bflag:$0x0] =	sbarrier.arrive $0xFFFF;
	(pc) =	sbr.rel @p0 .LBB2_1-.Ltmp1, $4  }
0x97: {  	[hbm:s10], [sflag:s9] =	dma.local [spmem:s11], $0x2710  }
0x98: {  	_ =	swait.ge [sflag:s12], $0x2710  }
0x99: {  	[sflag:s12] =	ssyncset.done $0x0  }
0x9a: {  	[sflag:s12] =	ssyncadd.s32 $0xFFFFD8F0  }
0x9b: {  	_ =	sfence.sel $0x180000  }
0x9c: {  	[bflag:$0x0] =	sbarrier.arrive $0xFFFF  }
0x9d: {  	_ =	strace $0x90000047  }
0x9e: {  	s0 =	stileid.u32;
	[bflag:$0x2] =	sbarrier.arrive $0xFFFF  }
0x9f: {  	p0 =	sne.s32 s0, $0x0;
	s0 =	rddreg [dreg:$0x5]  }
0xa0: {  	s0 =	sadd.s32 @!p0 $0x100000, s0  }
0xa1: {  	[sflag:s0] =	ssyncadd.tile.s32 @!p0 $0x1;
	_ =	shalt  }
.Lfunc_end2:
_tile_overlayer_lowered:
.L_overlay_start_2:
0xa2: {  	(tag) =	ssettag $0x2  }
0xa3: {  	s0 =	rddreg [dreg:$0x0];
	s2 =	stileid.u32  }
0xa4: {  	s1 =	rddreg [dreg:$0x1];
	p0 =	sne.s32 s2, $0x0  }
0xa5: {  	s3 =	rddreg [dreg:$0x2];
	[bflag:$0x3] =	sbarrier.arrive $0xFFFF;
	s2 =	simm.s32 @!p0 $0x1C09  }
0xa6: {  	[timem:s3], [sflag:s2] =	dma.local @!p0 [hbm:s0], s1  }
0xa7: {  	s0 =	simm.s32 @!p0 $0x9  }
0xa8: {  	_ =	swait.ge @!p0 [sflag:s0], s1  }
0xa9: {  	s1 =	ssub.s32 @!p0 $0x0, s1;
	[sflag:s0] =	ssyncset.done @!p0 $0x0  }
0xaa: {  	[sflag:s0] =	ssyncadd.s32 @!p0 s1  }
0xab: {  	[bflag:$0x3] =	sbarrier.arrive $0xFFFF  }
0xac: {  	_ =	shalt  }

// kernel: kernel.16.cloned.1.call-start
scs
__scs_entry_jumppad:
0x0: {  	(pc) =	sbr.rel $0x88, $3  }
0x1: {  	(tag) =	ssettag $0x0;
	lr =	simm.s32 $0x1  }
0x2: {  	[smem:$0x3F95] =	sst lr;
	_ =	strace $0xD0000000  }
0x3: {  	_ = 	snop  }
0x4: {  	_ = 	snop  }
0x5: {  	_ = 	snop  }
0x6: {  	_ = 	snop  }
0x7: {  	_ = 	snop  }
__scs_overlays_trampoline_lowered:
0x8: {  	[smem:$0x3FA4] =	sst s0  }
0x9: {  	[smem:$0x3FA5] =	sst s1  }
0xa: {  	[smem:$0x3FA6] =	sst s2  }
0xb: {  	[smem:$0x3FA7] =	sst s3  }
0xc: {  	[smem:$0x3FA8] =	sst s4  }
0xd: {  	[smem:$0x3FA9] =	sst s5  }
0xe: {  	[smem:$0x3FAA] =	sst s6  }
0xf: {  	[smem:$0x3FAB] =	sst s7  }
0x10: {  	[smem:$0x3FAC] =	sst s8  }
0x11: {  	[smem:$0x3FAD] =	sst s9;
	s0 =	simm.s32 @!p0 $0x0  }
0x12: {  	s1 =	sld [smem:$0x3F93];
	s0 =	simm.s32 @p0 $0x1  }
0x13: {  	[smem:$0x3FAE] =	sst s0;
	s0 =	simm.s32 @!p1 $0x0  }
0x14: {  	s2 =	sld [smem:$0x3F92];
	s0 =	simm.s32 @p1 $0x1  }
0x15: {  	[smem:$0x3FAF] =	sst s0;
	s0 =	simm.s32 @!p2 $0x0  }
0x16: {  	s3 =	sld [smem:$0x3FDB];
	s0 =	simm.s32 @p2 $0x1  }
0x17: {  	s4 =	simm.s32 $0x1BF5;
	[smem:$0x3FB1] =	sst s0  }
0x18: {  	s0 =	sld [smem:$0x3F94];
	_ =	swait.ge [sflag:s4], $0x0  }
0x19: {  	s7 =	sld [smem:$0x3F95]  }
0x1a: {  	s8 =	sadd.s32 $0xFFFFE003, lr  }
0x1b: {  	s9 =	sadd.s32 $0xFFFFFEF7, lr;
	s5 =	simm.s32 $0xFFFFFFFF;
	p2 =	slt.u32 s8, $0xFFFFF086  }
0x1c: {  	p1 =	slt.u32 s9, $0xF7A;
	s5 =	simm.s32 @!p2 $0x0  }
0x1d: {  	s5 =	simm.s32 @p1 $0x1;
	p0 =	seq.s32 s7, s2  }
0x1e: {  	s7 =	smul.u32 @!p0 $0xF7A, s2;
	p2 =	seq.s32 @!p0 s5, $0x0  }
0x1f: {  	s9 =	smul.u32 $0xF7A, s1;
	s8 =	simm.s32 @!p0 $0x1BF5;
	p2 =	por !p2, p0  }
0x20: {  	[sflag:s8] =	ssyncset.s32 @!p0 $0xFFFFF086;
	s6 =	sadd.s32 @!p0 s3, s7;
	s7 =	simm.s32 @!p0 $0x108  }
0x21: {  	s3 =	sadd.s32 s3, s9;
	s6 =	sadd.s32 @!p0 $0x88, s6;
	s7 =	simm.s32 @p2 $0x1082  }
0x22: {  	[simem:s7], [sflag:s8] =	dma.local @!p0 [hbm:s6], $0xF7A  }
0x23: {  	s9 =	sor.u32 $0xD0000000, s2;
	s6 =	simm.s32 $0x108;
	_ =	swait.ge @!p0 [sflag:s8], $0x0  }
0x24: {  	s3 =	sadd.s32 $0x88, s3;
	s6 =	simm.s32 @!p1 $0x1082;
	[sflag:s4] =	ssyncset.s32 $0xFFFFF086  }
0x25: {  	[simem:s6], [sflag:s4] =	dma.local [hbm:s3], $0xF7A  }
0x26: {  	[smem:$0x3F95] =	sst s1;
	(tag) =	ssettag s2;
	_ =	strace s9  }
0x27: {  	s1 =	sld [smem:$0x3FA5]  }
0x28: {  	s2 =	sld [smem:$0x3FA6]  }
0x29: {  	s4 =	sld [smem:$0x3FA8]  }
0x2a: {  	p0 =	seq.s32 s5, $0x0;
	s5 =	sld [smem:$0x3FA9]  }
0x2b: {  	s6 =	sld [smem:$0x3FAA]  }
0x2c: {  	s7 =	sld [smem:$0x3FAB]  }
0x2d: {  	s3 =	simm.s32 $0x108;
	s8 =	sld [smem:$0x3FAC]  }
0x2e: {  	s3 =	simm.s32 @!p0 $0x1082;
	s9 =	sld [smem:$0x3FAD]  }
0x2f: {  	lr =	sadd.s32 s0, s3;
	s0 =	sld [smem:$0x3FA4]  }
0x30: {  	s3 =	sld [smem:$0x3FA7]  }
0x31: {  	[smem:$0x3FB0] =	sst s10  }
0x32: {  	s10 =	sld [smem:$0x3FAE];
	_ =	sdelay $0x3  }
0x33: {  	p0 =	seq.s32 s10, $0x1;
	s10 =	sld [smem:$0x3FB0];
	_ =	sdelay $0x3  }
0x34: {  	[smem:$0x3FB0] =	sst s10  }
0x35: {  	s10 =	sld [smem:$0x3FAF];
	_ =	sdelay $0x3  }
0x36: {  	p1 =	seq.s32 s10, $0x1;
	s10 =	sld [smem:$0x3FB0];
	_ =	sdelay $0x3  }
0x37: {  	[smem:$0x3FB0] =	sst s10  }
0x38: {  	s10 =	sld [smem:$0x3FB1]  }
0x39: {  	_ = 	snop;
	(pc) =	sbr.ind lr, $3  }
0x3a: {  	_ = 	snop  }
0x3b: {  	_ = 	snop  }
0x3c: {  	p2 =	seq.s32 s10, $0x1;
	s10 =	sld [smem:$0x3FB0]  }
0x3d: {  	_ =	shalt  }
0x3e: {  	_ =	shalt  }
0x3f: {  	_ =	shalt  }
0x40: {  	_ =	shalt  }
0x41: {  	_ =	shalt  }
0x42: {  	_ =	shalt  }
0x43: {  	_ =	shalt  }
0x44: {  	_ =	shalt  }
0x45: {  	_ =	shalt  }
0x46: {  	_ =	shalt  }
0x47: {  	_ =	shalt  }
0x48: {  	_ =	shalt  }
0x49: {  	_ =	shalt  }
0x4a: {  	_ =	shalt  }
0x4b: {  	_ =	shalt  }
0x4c: {  	_ =	shalt  }
0x4d: {  	_ =	shalt  }
0x4e: {  	_ =	shalt  }
0x4f: {  	_ =	shalt  }
0x50: {  	_ =	shalt  }
0x51: {  	_ =	shalt  }
0x52: {  	_ =	shalt  }
0x53: {  	_ =	shalt  }
0x54: {  	_ =	shalt  }
0x55: {  	_ =	shalt  }
0x56: {  	_ =	shalt  }
0x57: {  	_ =	shalt  }
0x58: {  	_ =	shalt  }
0x59: {  	_ =	shalt  }
0x5a: {  	_ =	shalt  }
0x5b: {  	_ =	shalt  }
0x5c: {  	_ =	shalt  }
0x5d: {  	_ =	shalt  }
0x5e: {  	_ =	shalt  }
0x5f: {  	_ =	shalt  }
0x60: {  	_ =	shalt  }
0x61: {  	_ =	shalt  }
0x62: {  	_ =	shalt  }
0x63: {  	_ =	shalt  }
0x64: {  	_ =	shalt  }
0x65: {  	_ =	shalt  }
0x66: {  	_ =	shalt  }
0x67: {  	_ =	shalt  }
0x68: {  	_ =	shalt  }
0x69: {  	_ =	shalt  }
0x6a: {  	_ =	shalt  }
0x6b: {  	_ =	shalt  }
0x6c: {  	_ =	shalt  }
0x6d: {  	_ =	shalt  }
0x6e: {  	_ =	shalt  }
0x6f: {  	_ =	shalt  }
0x70: {  	_ =	shalt  }
0x71: {  	_ =	shalt  }
0x72: {  	_ =	shalt  }
0x73: {  	_ =	shalt  }
0x74: {  	_ =	shalt  }
0x75: {  	_ =	shalt  }
0x76: {  	_ =	shalt  }
0x77: {  	_ =	shalt  }
0x78: {  	_ =	shalt  }
0x79: {  	_ =	shalt  }
0x7a: {  	_ =	shalt  }
0x7b: {  	_ =	shalt  }
0x7c: {  	_ =	shalt  }
0x7d: {  	_ =	shalt  }
0x7e: {  	_ =	shalt  }
0x7f: {  	_ =	shalt  }
0x80: {  	_ =	shalt  }
0x81: {  	_ =	shalt  }
0x82: {  	_ =	shalt  }
0x83: {  	_ =	shalt  }
0x84: {  	_ =	shalt  }
0x85: {  	_ =	shalt  }
0x86: {  	_ =	shalt  }
0x87: {  	_ =	shalt  }
.Lfunc_end0:
.L_simem_size_0:
called_computation.1_lowered:
.L_overlay_start_0:
0x88: {  	s2 =	sld [smem:$0x3FD9]  }
0x89: {  	s3 =	sld [smem:$0x3FFE];
	_ =	sdelay $0x1  }
0x8a: {  	s1 =	srdreg.scid  }
0x8b: {  	s0 =	sand.u32 $0x1, s1  }
0x8c: {  	s14 =	sshll.u32 s0, $0xA;
	s2 =	sadd.s32 s3, s2  }
0x8d: {  	s2 =	sadd.s32 s2, s14  }
0x8e: {  	[smem:$0x3FBC] =	sst s2  }
0x8f: {  	_ = 	snop  }
0x90: {  	s2 =	sld [smem:$0x3FD0];
	_ =	sdelay $0x2  }
0x91: {  	s15 =	simm.s32 $0xB;
	s4 =	simm.s32 $0x10  }
0x92: {  	[smem:s4], [sflag:s15] =	dma.local [hbm:s2], $0x1  }
0x93: {  	_ =	swait.eq [sflag:s15], $0x1  }
0x94: {  	[sflag:s15] =	ssyncset.done $0x0  }
0x95: {  	s16 =	sld [smem:$0x10];
	[sflag:s15] =	ssyncadd.s32 $0xFFFFFFFF  }
0x96: {  	s17 =	sld [smem:$0x11];
	(tm) =	ssettm $0x1  }
0x97: {  	s18 =	sld [smem:$0x3FFB];
	_ =	sdelay $0x3  }
0x98: {  	_ =	strace s18  }
0x99: {  	s4 =	sld [smem:$0x3FFC];
	_ =	sdelay $0x3  }
0x9a: {  	_ =	strace s4  }
0x9b: {  	s4 =	sld [smem:$0x3FFD];
	_ =	sdelay $0x3  }
0x9c: {  	_ =	strace s4  }
0x9d: {  	_ =	strace $0x8FFFFFFF  }
0x9e: {  	s19 =	sld [smem:$0x3FDB];
	_ =	sdelay $0x1  }
0x9f: {  	s5 =	simm.s32 $_scs_section_size  }
0xa0: {  	s6 =	simm.s32 $_size__tile_overlayer_lowered;
	s7 =	simm.s32 $_tile_overlayer_lowered  }
0xa1: {  	s22 =	simm.s32 $0x1BFF;
	s21 =	sshll.u32 s7, $0x1;
	s4 =	sadd.s32 s5, s19  }
0xa2: {  	s8 =	simm.s32 $0x0;
	s20 =	sshll.u32 s6, $0x1;
	s6 =	sadd.s32 s21, s4  }
0xa3: {  	[timem:s8], [sflag:s22] =	dma.local [hbm:s6], s20  }
0xa4: {  	_ =	swait.ge [sflag:s22], s20  }
0xa5: {  	s5 =	ssub.s32 $0x0, s20;
	[sflag:s22] =	ssyncset.done $0x0  }
0xa6: {  	[sflag:s22] =	ssyncadd.s32 s5;
	_ =	sdelay $0x1  }
0xa7: {  	s23 =	simm.s32 $0x1B8B  }
0xa8: {  	_ =	swait.ge [sflag:s23], $0x1  }
0xa9: {  	[sflag:s23] =	ssyncset.done $0x0  }
0xaa: {  	s25 =	simm.s32 $0x1B8E;
	s24 =	sld [smem:$0x3FFE];
	[sflag:s23] =	ssyncadd.s32 $0xFFFFFFFF  }
0xab: {  	s26 =	simm.s32 $execute0_lowered;
	[smem:$0x3FD2] =	sst s25  }
0xac: {  	s6 =	sshll.u32 s26, $0x1;
	_ =	strace $0x80000049;
	[dreg:$0x1] =	wrdreg $0xFFFFFFFF  }
0xad: {  	s28 =	simm.s32 $_size_execute0_lowered;
	s4 =	sadd.s32 s4, s6;
	[dreg:$0x0] =	wrdreg $0x0  }
0xae: {  	s6 =	sshll.u32 s28, $0x1;
	[dreg:$0x2] =	wrdreg s4  }
0xaf: {  	[dreg:$0x3] =	wrdreg s6  }
0xb0: {  	[dreg:$0x4] =	wrdreg $0xC0  }
0xb1: {  	_ =	task [dreg:s8], $0x5FFFF  }
0xb2: {  	[dreg:$0x1] =	wrdreg $0xFFFFFFFF  }
0xb3: {  	[dreg:$0x0] =	wrdreg $0x60  }
0xb4: {  	[dreg:$0x2] =	wrdreg s17  }
0xb5: {  	[dreg:$0x3] =	wrdreg s16  }
0xb6: {  	[dreg:$0x4] =	wrdreg s24  }
0xb7: {  	[dreg:$0x5] =	wrdreg $0x9E200  }
0xb8: {  	[dreg:$0x6] =	wrdreg $0x9  }
0xb9: {  	_ =	task.clear_ibuf [dreg:s8], $0x7FFFF;
	_ =	strace $0x90000049  }
0xba: {  	s29 =	simm.s32 $0x9;
	_ =	strace $0x8000004B  }
0xbb: {  	_ =	swait.ge [sflag:s29], $0x1  }
0xbc: {  	[sflag:s29] =	ssyncadd.s32 $0xFFFFFFFF  }
0xbd: {  	_ =	strace $0x9000004B  }
0xbe: {  	_ =	sfence  }
0xbf: {  	s30 =	sld [smem:$0x0];
	_ =	sdelay $0x2  }
0xc0: {  	s31 =	sshll.u32 s1, $0xD;
	s1 =	sshrl.u32 s1, $0x2  }
0xc1: {  	s3 =	sand.u32 $0x4000, s31;
	s1 =	sadd.s32 s1, s30  }
0xc2: {  	s0 =	sor.u32 s3, s0;
	s1 =	sshll.u32 s1, $0x11  }
0xc3: {  	s0 =	sor.u32 s1, s0  }
0xc4: {  	s0 =	sadd.s32 $0x8F2B, s0  }
0xc5: {  	[sflag:s0] =	ssyncadd.remote.s32 $0x1  }
0xc6: {  	_ =	sfence.sel $0xFFFF  }
0xc7: {  	[dreg:$0x0] =	wrdreg $0xFFFFFFFF;
	(pc) =	sbr.abs _section_cstart, $3  }
0xc8: {  	[dreg:$0x1] =	wrdreg $0xFFFFFFFF  }
0xc9: {  	_ =	task.clear_ibuf [dreg:s8], $0x2FFFF;
	_ =	strace $0x9FFFFFFF  }
0xca: {  	(tm) =	ssettm $0x7FFFFFFF  }
0xcb: {  	_ =	shalt  }
tec
execute0_lowered:
.L_overlay_start_1:
0x0: {  	(tag) =	ssettag $0x1  }
0x1: {  	s1 =	rddreg [dreg:$0x0]  }
0x2: {  	s0 =	rddreg [dreg:$0x1]  }
0x3: {  	s2 =	rddreg [dreg:$0x2];
	s4 =	srdreg.scid  }
0x4: {  	s13 =	stileid.u32;
	s3 =	rddreg [dreg:$0x3]  }
0x5: {  	s14 =	simm.s32 $0x28;
	s15 =	simm.s32 $0x4E20;
	s16 =	simm.s32 $0x6220  }
0x6: {  	s18 =	simm.s32 $0x7620;
	s19 =	simm.s32 $0x1;
	s21 =	simm.s32 $0x8A20  }
0x7: {  	s22 =	simm.s32 $0x2;
	s24 =	simm.s32 $0x5;
	s26 =	simm.s32 $0x3  }
0x8: {  	s29 =	simm.s32 $0x6;
	s31 =	simm.s32 $0x4;
	s17 =	simm.s32 $0x8  }
0x9: {  	s20 =	simm.s32 $0x4DD0;
	s23 =	simm.s32 $0x4DF8;
	s25 =	simm.s32 $0x0  }
0xa: {  	s5 =	sand.u32 $0x1, s4;
	s6 =	sshll.u32 s13, $0x1;
	s4 =	simm.s32 $0x0  }
0xb: {  	s8 =	smul.u32 $0x13880, s13;
	s10 =	sadd.s32 $0x19200, s2;
	s30 =	sshll.u32 s13, $0x6  }
0xc: {  	s13 =	simm.s32 $0x2710;
	s6 =	sor.u32 s5, s6;
	[smem:$0x7FF] =	sst s4  }
0xd: {  	s7 =	ssub.s32 $0x2, s5;
	p0 =	seq.s32 s5, $0x0;
	s6 =	smul.u32 $0x4E2, s6  }
0xe: {  	_ =	strace $0x8000004A;
	s9 =	sshrl.u32 s7, $0x1;
	s11 =	sadd.s32 s8, s3  }
0xf: {  	s12 =	sshrl.u32 s8, $0x3;
	s0 =	smov.u32 @p0 s1;
	s7 =	ssub.s32 s7, s9  }
0x10: {  	s8 =	sadd.s32 s0, s12;
	s9 =	sor.u32 $0x1C09, s30;
	s11 =	sshrl.u32 s11, $0x3  }
0x11: {  	s0 =	simm.s32 $0x7;
	s6 =	sadd.s32 s6, s2;
	s2 =	sadd.s32 $0x40400, s2  }
0x12: {  	s7 =	smax.u32 s7, $0x1;
	s5 =	sadd.s32 $0xF400, s6;
	s2 =	smov.u32 @p0 s10  }
0x13: {  	s6 =	sadd.s32 $0x5600, s6;
	s10 =	sadd.s32 s2, s12;
	s12 =	simm.s32 $0x9  }
.LBB2_1:
0x14: {  	[spmem:s11], [sflag:s9] =	dma.local [hbm:s8], $0x2710  }
0x15: {  	_ =	swait.ge [sflag:s12], $0x2710  }
0x16: {  	[sflag:s12] =	ssyncset.done $0x0  }
0x17: {  	[sflag:s12] =	ssyncadd.s32 $0xFFFFD8F0  }
0x18: {  	[tilespmem:s4], [sflag:$0x9] =	stream.linear.gather [hbm4b:s5+s4], $0x2710, $0x38;
	[tilespmem:$0x1D6A0] =	vst v63  }
0x19: {  	_ =	swait.ge [sflag:s12], $0x2710  }
0x1a: {  	[sflag:s12] =	ssyncset.done $0x0  }
0x1b: {  	[sflag:s12] =	ssyncadd.s32 $0xFFFFD8F0  }
0x1c: {  	[tilespmem:s13], [sflag:$0x9] =	stream.linear.gather [hbm4b:s6+s4], $0x2710, $0x38;
	[tilespmem:$0x1D6A0] =	vst v63  }
0x1d: {  	_ =	swait.ge [sflag:s12], $0x2710  }
0x1e: {  	[sflag:s12] =	ssyncset.done $0x0  }
0x1f: {  	[sflag:s12] =	ssyncadd.s32 $0xFFFFD8F0  }
0x20: {  	[bflag:$0x0] =	sbarrier.arrive $0xFFFF  }
0x21: {  	[tilespmem:s15], [sflag:$0x1] =	stream.indirect.gather [hbm4b:s1+s14], $0x80, s4, s14, $0xb8;
	[tilespmem:$0x1D6A0] =	vst v63  }
0x22: {  	_ = 	snop  }
0x23: {  	[tilespmem:s16], [sflag:$0x2] =	stream.indirect.gather [hbm4b:s1+s14], $0x80, s14, s14, $0xb8;
	[tilespmem:$0x1D6A0] =	vst v63  }
0x24: {  	s2 =	simm.s32 $0x50  }
0x25: {  	[tilespmem:s18], [sflag:$0x3] =	stream.indirect.gather [hbm4b:s1+s14], $0x80, s2, s14, $0xb8;
	[tilespmem:$0x1D6A0] =	vst v63  }
0x26: {  	_ =	swait.ge [sflag:s19], $0x1400  }
0x27: {  	[sflag:s19] =	ssyncset.done $0x0  }
0x28: {  	[sflag:s19] =	ssyncadd.s32 $0xFFFFEC00  }
0x29: {  	[spmem:s3] =	stream.indirect.scatter.add.f32 [tilespmem:s15], [sflag:$0x5], $0x80, s13, s14, $0xb8;
	[tilespmem:$0x1D6A0] =	vst v63  }
0x2a: {  	s2 =	simm.s32 $0x78  }
0x2b: {  	[tilespmem:s21], [sflag:$0x4] =	stream.indirect.gather [hbm4b:s1+s14], $0x80, s2, s14, $0xb8;
	[tilespmem:$0x1D6A0] =	vst v63  }
0x2c: {  	_ =	swait.ge [sflag:s22], $0x1400  }
0x2d: {  	[sflag:s22] =	ssyncset.done $0x0  }
0x2e: {  	s2 =	simm.s32 $0x2738;
	[sflag:s22] =	ssyncadd.s32 $0xFFFFEC00  }
0x2f: {  	[spmem:s3] =	stream.indirect.scatter.add.f32 [tilespmem:s16], [sflag:$0x6], $0x80, s2, s14, $0xb8;
	[tilespmem:$0x1D6A0] =	vst v63  }
0x30: {  	_ =	swait.ge [sflag:s24], $0x1400  }
0x31: {  	[sflag:s24] =	ssyncset.done $0x0  }
0x32: {  	s2 =	simm.s32 $0xA0;
	[sflag:s24] =	ssyncadd.s32 $0xFFFFEC00  }
0x33: {  	[tilespmem:s15], [sflag:$0x1] =	stream.indirect.gather [hbm4b:s1+s14], $0x80, s2, s14, $0xb8;
	[tilespmem:$0x1D6A0] =	vst v63  }
0x34: {  	_ =	swait.ge [sflag:s26], $0x1400  }
0x35: {  	[sflag:s26] =	ssyncset.done $0x0  }
0x36: {  	s2 =	simm.s32 $0x2760;
	[sflag:s26] =	ssyncadd.s32 $0xFFFFEC00  }
0x37: {  	[spmem:s3] =	stream.indirect.scatter.add.f32 [tilespmem:s18], [sflag:$0x7], $0x80, s2, s14, $0xb8;
	[tilespmem:$0x1D6A0] =	vst v63  }
0x38: {  	_ =	swait.ge [sflag:s29], $0x1400  }
0x39: {  	[sflag:s29] =	ssyncset.done $0x0  }
0x3a: {  	s2 =	simm.s32 $0xC8;
	[sflag:s29] =	ssyncadd.s32 $0xFFFFEC00  }
0x3b: {  	[tilespmem:s16], [sflag:$0x2] =	stream.indirect.gather [hbm4b:s1+s14], $0x80, s2, s14, $0xb8;
	[tilespmem:$0x1D6A0] =	vst v63  }
0x3c: {  	_ =	swait.ge [sflag:s31], $0x1400  }
0x3d: {  	[sflag:s31] =	ssyncset.done $0x0  }
0x3e: {  	s2 =	simm.s32 $0x2788;
	[sflag:s31] =	ssyncadd.s32 $0xFFFFEC00  }
0x3f: {  	[spmem:s3] =	stream.indirect.scatter.add.f32 [tilespmem:s21], [sflag:$0x8], $0x80, s2, s14, $0xb8;
	[tilespmem:$0x1D6A0] =	vst v63  }
0x40: {  	_ =	swait.ge [sflag:s0], $0x1400  }
0x41: {  	[sflag:s0] =	ssyncset.done $0x0  }
0x42: {  	s28 =	simm.s32 $0xF0;
	[sflag:s0] =	ssyncadd.s32 $0xFFFFEC00  }
0x43: {  	[tilespmem:s18], [sflag:$0x3] =	stream.indirect.gather [hbm4b:s1+s14], $0x80, s28, s14, $0xb8;
	[tilespmem:$0x1D6A0] =	vst v63  }
0x44: {  	_ =	swait.ge [sflag:s19], $0x1400  }
0x45: {  	[sflag:s19] =	ssyncset.done $0x0  }
0x46: {  	s28 =	simm.s32 $0x27B0;
	[sflag:s19] =	ssyncadd.s32 $0xFFFFEC00  }
0x47: {  	[spmem:s3] =	stream.indirect.scatter.add.f32 [tilespmem:s15], [sflag:$0x5], $0x80, s28, s14, $0xb8;
	[tilespmem:$0x1D6A0] =	vst v63  }
0x48: {  	_ =	swait.ge [sflag:s17], $0x1400  }
0x49: {  	[sflag:s17] =	ssyncset.done $0x0  }
0x4a: {  	s28 =	simm.s32 $0x118;
	[sflag:s17] =	ssyncadd.s32 $0xFFFFEC00  }
0x4b: {  	[tilespmem:s21], [sflag:$0x4] =	stream.indirect.gather [hbm4b:s1+s14], $0x80, s28, s14, $0xb8;
	[tilespmem:$0x1D6A0] =	vst v63  }
0x4c: {  	_ =	swait.ge [sflag:s22], $0x1400  }
0x4d: {  	[sflag:s22] =	ssyncset.done $0x0  }
0x4e: {  	s28 =	simm.s32 $0x27D8;
	[sflag:s22] =	ssyncadd.s32 $0xFFFFEC00  }
0x4f: {  	[spmem:s3] =	stream.indirect.scatter.add.f32 [tilespmem:s16], [sflag:$0x6], $0x80, s28, s14, $0xb8;
	[tilespmem:$0x1D6A0] =	vst v63  }
0x50: {  	_ =	swait.ge [sflag:s24], $0x1400  }
0x51: {  	[sflag:s24] =	ssyncset.done $0x0  }
0x52: {  	s28 =	simm.s32 $0x140;
	[sflag:s24] =	ssyncadd.s32 $0xFFFFEC00  }
0x53: {  	[tilespmem:s15], [sflag:$0x1] =	stream.indirect.gather [hbm4b:s1+s14], $0x80, s28, s14, $0xb8;
	[tilespmem:$0x1D6A0] =	vst v63  }
0x54: {  	_ =	swait.ge [sflag:s26], $0x1400  }
0x55: {  	[sflag:s26] =	ssyncset.done $0x0  }
0x56: {  	s28 =	simm.s32 $0x2800;
	[sflag:s26] =	ssyncadd.s32 $0xFFFFEC00  }
0x57: {  	[spmem:s3] =	stream.indirect.scatter.add.f32 [tilespmem:s18], [sflag:$0x7], $0x80, s28, s14, $0xb8;
	[tilespmem:$0x1D6A0] =	vst v63  }
0x58: {  	_ =	swait.ge [sflag:s29], $0x1400  }
0x59: {  	[sflag:s29] =	ssyncset.done $0x0  }
0x5a: {  	s28 =	simm.s32 $0x168;
	[sflag:s29] =	ssyncadd.s32 $0xFFFFEC00  }
0x5b: {  	[tilespmem:s16], [sflag:$0x2] =	stream.indirect.gather [hbm4b:s1+s14], $0x80, s28, s14, $0xb8;
	[tilespmem:$0x1D6A0] =	vst v63  }
0x5c: {  	_ =	swait.ge [sflag:s31], $0x1400  }
0x5d: {  	[sflag:s31] =	ssyncset.done $0x0  }
0x5e: {  	s30 =	simm.s32 $0x2828;
	s28 =	simm.s32 $0x280;
	[sflag:s31] =	ssyncadd.s32 $0xFFFFEC00  }
.LBB2_2:
0x5f: {  	[spmem:s3] =	stream.indirect.scatter.add.f32 [tilespmem:s21], [sflag:$0x8], $0x80, s30, s14, $0xb8;
	[tilespmem:$0x1D6A0] =	vst v63  }
0x60: {  	s30 =	smov.u32 s28  }
0x61: {  	p0 =	sne.s32 s28, $0x9600;
	s28 =	sadd.s32 $0x280, s28;
	_ =	swait.ge [sflag:s0], $0x1400  }
0x62: {  	s30 =	sshra.s32 s30, $0x2;
	[sflag:s0] =	ssyncset.done $0x0  }
0x63: {  	s2 =	sadd.s32 $0xF0, s30;
	[sflag:s0] =	ssyncadd.s32 $0xFFFFEC00  }
0x64: {  	[tilespmem:s18], [sflag:$0x3] =	stream.indirect.gather [hbm4b:s1+s14], $0x80, s2, s14, $0xb8;
	[tilespmem:$0x1D6A0] =	vst v63  }
0x65: {  	_ =	swait.ge [sflag:s19], $0x1400  }
0x66: {  	[sflag:s19] =	ssyncset.done $0x0  }
0x67: {  	s2 =	sadd.s32 $0x27B0, s30;
	[sflag:s19] =	ssyncadd.s32 $0xFFFFEC00  }
0x68: {  	[spmem:s3] =	stream.indirect.scatter.add.f32 [tilespmem:s15], [sflag:$0x5], $0x80, s2, s14, $0xb8;
	[tilespmem:$0x1D6A0] =	vst v63  }
0x69: {  	_ =	swait.ge [sflag:s17], $0x1400  }
0x6a: {  	[sflag:s17] =	ssyncset.done $0x0  }
0x6b: {  	s2 =	sadd.s32 $0x118, s30;
	[sflag:s17] =	ssyncadd.s32 $0xFFFFEC00  }
0x6c: {  	[tilespmem:s21], [sflag:$0x4] =	stream.indirect.gather [hbm4b:s1+s14], $0x80, s2, s14, $0xb8;
	[tilespmem:$0x1D6A0] =	vst v63  }
0x6d: {  	_ =	swait.ge [sflag:s22], $0x1400  }
0x6e: {  	[sflag:s22] =	ssyncset.done $0x0  }
0x6f: {  	s2 =	sadd.s32 $0x27D8, s30;
	[sflag:s22] =	ssyncadd.s32 $0xFFFFEC00  }
0x70: {  	[spmem:s3] =	stream.indirect.scatter.add.f32 [tilespmem:s16], [sflag:$0x6], $0x80, s2, s14, $0xb8;
	[tilespmem:$0x1D6A0] =	vst v63  }
0x71: {  	_ =	swait.ge [sflag:s24], $0x1400  }
0x72: {  	[sflag:s24] =	ssyncset.done $0x0  }
0x73: {  	s2 =	sadd.s32 $0x140, s30;
	[sflag:s24] =	ssyncadd.s32 $0xFFFFEC00  }
0x74: {  	[tilespmem:s15], [sflag:$0x1] =	stream.indirect.gather [hbm4b:s1+s14], $0x80, s2, s14, $0xb8;
	[tilespmem:$0x1D6A0] =	vst v63  }
0x75: {  	_ =	swait.ge [sflag:s26], $0x1400  }
0x76: {  	[sflag:s26] =	ssyncset.done $0x0  }
0x77: {  	s2 =	sadd.s32 $0x2800, s30;
	[sflag:s26] =	ssyncadd.s32 $0xFFFFEC00  }
0x78: {  	[spmem:s3] =	stream.indirect.scatter.add.f32 [tilespmem:s18], [sflag:$0x7], $0x80, s2, s14, $0xb8;
	[tilespmem:$0x1D6A0] =	vst v63  }
0x79: {  	_ =	swait.ge [sflag:s29], $0x1400  }
0x7a: {  	[sflag:s29] =	ssyncset.done $0x0  }
.Ltmp0:
0x7b: {  	s2 =	sadd.s32 $0x168, s30;
	[sflag:s29] =	ssyncadd.s32 $0xFFFFEC00;
	(pc) =	sbr.rel @p0 .LBB2_2-.Ltmp0, $4  }
0x7c: {  	[tilespmem:s16], [sflag:$0x2] =	stream.indirect.gather [hbm4b:s1+s14], $0x80, s2, s14, $0xb8;
	[tilespmem:$0x1D6A0] =	vst v63  }
0x7d: {  	_ =	swait.ge [sflag:s31], $0x1400  }
0x7e: {  	[sflag:s31] =	ssyncset.done $0x0  }
0x7f: {  	s30 =	sadd.s32 $0x2828, s30;
	[sflag:s31] =	ssyncadd.s32 $0xFFFFEC00  }
0x80: {  	[spmem:s3] =	stream.indirect.scatter.add.f32 [tilespmem:s21], [sflag:$0x8], $0x80, s30, s14, $0xb8;
	[tilespmem:$0x1D6A0] =	vst v63  }
0x81: {  	_ =	swait.ge [sflag:s19], $0x1400  }
0x82: {  	[sflag:s19] =	ssyncset.done $0x0  }
0x83: {  	[sflag:s19] =	ssyncadd.s32 $0xFFFFEC00  }
0x84: {  	[spmem:s3] =	stream.indirect.scatter.add.f32 [tilespmem:s15], [sflag:$0x5], $0x80, s20, s14, $0xb8;
	[tilespmem:$0x1D6A0] =	vst v63  }
0x85: {  	_ =	swait.ge [sflag:s22], $0x1400  }
0x86: {  	[sflag:s22] =	ssyncset.done $0x0  }
0x87: {  	[sflag:s22] =	ssyncadd.s32 $0xFFFFEC00  }
0x88: {  	[spmem:s3] =	stream.indirect.scatter.add.f32 [tilespmem:s16], [sflag:$0x6], $0x80, s23, s14, $0xb8;
	[tilespmem:$0x1D6A0] =	vst v63  }
0x89: {  	_ =	swait.ge [sflag:s0], $0x1400  }
0x8a: {  	[sflag:s0] =	ssyncset.done $0x0  }
0x8b: {  	[sflag:s0] =	ssyncadd.s32 $0xFFFFEC00  }
0x8c: {  	_ =	swait.ge [sflag:s17], $0x1400  }
0x8d: {  	[sflag:s17] =	ssyncset.done $0x0  }
0x8e: {  	[sflag:s17] =	ssyncadd.s32 $0xFFFFEC00  }
0x8f: {  	_ =	swait.ge [sflag:s24], $0x1400  }
0x90: {  	[sflag:s24] =	ssyncset.done $0x0  }
0x91: {  	[sflag:s24] =	ssyncadd.s32 $0xFFFFEC00  }
0x92: {  	_ =	swait.ge [sflag:s29], $0x1400  }
0x93: {  	s25 =	sadd.s32 $0x1, s25;
	[sflag:s29] =	ssyncset.done $0x0  }
0x94: {  	p0 =	sne.s32 s25, s7;
	[sflag:s29] =	ssyncadd.s32 $0xFFFFEC00  }
.Ltmp1:
0x95: {  	[bflag:$0x0] =	sbarrier.arrive $0xFFFF;
	(pc) =	sbr.rel @p0 .LBB2_1-.Ltmp1, $4  }
0x96: {  	[hbm:s10], [sflag:s9] =	dma.local [spmem:s11], $0x2710  }
0x97: {  	_ =	swait.ge [sflag:s12], $0x2710  }
0x98: {  	[sflag:s12] =	ssyncset.done $0x0  }
0x99: {  	[sflag:s12] =	ssyncadd.s32 $0xFFFFD8F0  }
0x9a: {  	_ =	sfence.sel $0x180000  }
0x9b: {  	[bflag:$0x0] =	sbarrier.arrive $0xFFFF  }
0x9c: {  	_ =	strace $0x9000004A  }
0x9d: {  	s0 =	stileid.u32;
	[bflag:$0x2] =	sbarrier.arrive $0xFFFF  }
0x9e: {  	p0 =	sne.s32 s0, $0x0;
	s0 =	rddreg [dreg:$0x4]  }
0x9f: {  	s0 =	sadd.s32 @!p0 $0x100000, s0  }
0xa0: {  	[sflag:s0] =	ssyncadd.tile.s32 @!p0 $0x1;
	_ =	shalt  }
.Lfunc_end2:
_tile_overlayer_lowered:
.L_overlay_start_2:
0xa1: {  	(tag) =	ssettag $0x2  }
0xa2: {  	s0 =	rddreg [dreg:$0x0];
	s2 =	stileid.u32  }
0xa3: {  	s1 =	rddreg [dreg:$0x1];
	p0 =	sne.s32 s2, $0x0  }
0xa4: {  	s3 =	rddreg [dreg:$0x2];
	[bflag:$0x3] =	sbarrier.arrive $0xFFFF;
	s2 =	simm.s32 @!p0 $0x1C09  }
0xa5: {  	[timem:s3], [sflag:s2] =	dma.local @!p0 [hbm:s0], s1  }
0xa6: {  	s0 =	simm.s32 @!p0 $0x9  }
0xa7: {  	_ =	swait.ge @!p0 [sflag:s0], s1  }
0xa8: {  	s1 =	ssub.s32 @!p0 $0x0, s1;
	[sflag:s0] =	ssyncset.done @!p0 $0x0  }
0xa9: {  	[sflag:s0] =	ssyncadd.s32 @!p0 s1  }
0xaa: {  	[bflag:$0x3] =	sbarrier.arrive $0xFFFF  }
0xab: {  	_ =	shalt  }

// kernel: kernel.19.cloned.1.call-start
scs
__scs_entry_jumppad:
0x0: {  	(pc) =	sbr.rel $0x88, $3  }
0x1: {  	(tag) =	ssettag $0x0;
	lr =	simm.s32 $0x1  }
0x2: {  	[smem:$0x3F95] =	sst lr;
	_ =	strace $0xD0000000  }
0x3: {  	_ = 	snop  }
0x4: {  	_ = 	snop  }
0x5: {  	_ = 	snop  }
0x6: {  	_ = 	snop  }
0x7: {  	_ = 	snop  }
__scs_overlays_trampoline_lowered:
0x8: {  	[smem:$0x3FA4] =	sst s0  }
0x9: {  	[smem:$0x3FA5] =	sst s1  }
0xa: {  	[smem:$0x3FA6] =	sst s2  }
0xb: {  	[smem:$0x3FA7] =	sst s3  }
0xc: {  	[smem:$0x3FA8] =	sst s4  }
0xd: {  	[smem:$0x3FA9] =	sst s5  }
0xe: {  	[smem:$0x3FAA] =	sst s6  }
0xf: {  	[smem:$0x3FAB] =	sst s7  }
0x10: {  	[smem:$0x3FAC] =	sst s8  }
0x11: {  	[smem:$0x3FAD] =	sst s9;
	s0 =	simm.s32 @!p0 $0x0  }
0x12: {  	s1 =	sld [smem:$0x3F93];
	s0 =	simm.s32 @p0 $0x1  }
0x13: {  	[smem:$0x3FAE] =	sst s0;
	s0 =	simm.s32 @!p1 $0x0  }
0x14: {  	s2 =	sld [smem:$0x3F92];
	s0 =	simm.s32 @p1 $0x1  }
0x15: {  	[smem:$0x3FAF] =	sst s0;
	s0 =	simm.s32 @!p2 $0x0  }
0x16: {  	s3 =	sld [smem:$0x3FDB];
	s0 =	simm.s32 @p2 $0x1  }
0x17: {  	s4 =	simm.s32 $0x1BF5;
	[smem:$0x3FB1] =	sst s0  }
0x18: {  	s0 =	sld [smem:$0x3F94];
	_ =	swait.ge [sflag:s4], $0x0  }
0x19: {  	s7 =	sld [smem:$0x3F95]  }
0x1a: {  	s8 =	sadd.s32 $0xFFFFE003, lr  }
0x1b: {  	s9 =	sadd.s32 $0xFFFFFEF7, lr;
	s5 =	simm.s32 $0xFFFFFFFF;
	p2 =	slt.u32 s8, $0xFFFFF086  }
0x1c: {  	p1 =	slt.u32 s9, $0xF7A;
	s5 =	simm.s32 @!p2 $0x0  }
0x1d: {  	s5 =	simm.s32 @p1 $0x1;
	p0 =	seq.s32 s7, s2  }
0x1e: {  	s7 =	smul.u32 @!p0 $0xF7A, s2;
	p2 =	seq.s32 @!p0 s5, $0x0  }
0x1f: {  	s9 =	smul.u32 $0xF7A, s1;
	s8 =	simm.s32 @!p0 $0x1BF5;
	p2 =	por !p2, p0  }
0x20: {  	[sflag:s8] =	ssyncset.s32 @!p0 $0xFFFFF086;
	s6 =	sadd.s32 @!p0 s3, s7;
	s7 =	simm.s32 @!p0 $0x108  }
0x21: {  	s3 =	sadd.s32 s3, s9;
	s6 =	sadd.s32 @!p0 $0x88, s6;
	s7 =	simm.s32 @p2 $0x1082  }
0x22: {  	[simem:s7], [sflag:s8] =	dma.local @!p0 [hbm:s6], $0xF7A  }
0x23: {  	s9 =	sor.u32 $0xD0000000, s2;
	s6 =	simm.s32 $0x108;
	_ =	swait.ge @!p0 [sflag:s8], $0x0  }
0x24: {  	s3 =	sadd.s32 $0x88, s3;
	s6 =	simm.s32 @!p1 $0x1082;
	[sflag:s4] =	ssyncset.s32 $0xFFFFF086  }
0x25: {  	[simem:s6], [sflag:s4] =	dma.local [hbm:s3], $0xF7A  }
0x26: {  	[smem:$0x3F95] =	sst s1;
	(tag) =	ssettag s2;
	_ =	strace s9  }
0x27: {  	s1 =	sld [smem:$0x3FA5]  }
0x28: {  	s2 =	sld [smem:$0x3FA6]  }
0x29: {  	s4 =	sld [smem:$0x3FA8]  }
0x2a: {  	p0 =	seq.s32 s5, $0x0;
	s5 =	sld [smem:$0x3FA9]  }
0x2b: {  	s6 =	sld [smem:$0x3FAA]  }
0x2c: {  	s7 =	sld [smem:$0x3FAB]  }
0x2d: {  	s3 =	simm.s32 $0x108;
	s8 =	sld [smem:$0x3FAC]  }
0x2e: {  	s3 =	simm.s32 @!p0 $0x1082;
	s9 =	sld [smem:$0x3FAD]  }
0x2f: {  	lr =	sadd.s32 s0, s3;
	s0 =	sld [smem:$0x3FA4]  }
0x30: {  	s3 =	sld [smem:$0x3FA7]  }
0x31: {  	[smem:$0x3FB0] =	sst s10  }
0x32: {  	s10 =	sld [smem:$0x3FAE];
	_ =	sdelay $0x3  }
0x33: {  	p0 =	seq.s32 s10, $0x1;
	s10 =	sld [smem:$0x3FB0];
	_ =	sdelay $0x3  }
0x34: {  	[smem:$0x3FB0] =	sst s10  }
0x35: {  	s10 =	sld [smem:$0x3FAF];
	_ =	sdelay $0x3  }
0x36: {  	p1 =	seq.s32 s10, $0x1;
	s10 =	sld [smem:$0x3FB0];
	_ =	sdelay $0x3  }
0x37: {  	[smem:$0x3FB0] =	sst s10  }
0x38: {  	s10 =	sld [smem:$0x3FB1]  }
0x39: {  	_ = 	snop;
	(pc) =	sbr.ind lr, $3  }
0x3a: {  	_ = 	snop  }
0x3b: {  	_ = 	snop  }
0x3c: {  	p2 =	seq.s32 s10, $0x1;
	s10 =	sld [smem:$0x3FB0]  }
0x3d: {  	_ =	shalt  }
0x3e: {  	_ =	shalt  }
0x3f: {  	_ =	shalt  }
0x40: {  	_ =	shalt  }
0x41: {  	_ =	shalt  }
0x42: {  	_ =	shalt  }
0x43: {  	_ =	shalt  }
0x44: {  	_ =	shalt  }
0x45: {  	_ =	shalt  }
0x46: {  	_ =	shalt  }
0x47: {  	_ =	shalt  }
0x48: {  	_ =	shalt  }
0x49: {  	_ =	shalt  }
0x4a: {  	_ =	shalt  }
0x4b: {  	_ =	shalt  }
0x4c: {  	_ =	shalt  }
0x4d: {  	_ =	shalt  }
0x4e: {  	_ =	shalt  }
0x4f: {  	_ =	shalt  }
0x50: {  	_ =	shalt  }
0x51: {  	_ =	shalt  }
0x52: {  	_ =	shalt  }
0x53: {  	_ =	shalt  }
0x54: {  	_ =	shalt  }
0x55: {  	_ =	shalt  }
0x56: {  	_ =	shalt  }
0x57: {  	_ =	shalt  }
0x58: {  	_ =	shalt  }
0x59: {  	_ =	shalt  }
0x5a: {  	_ =	shalt  }
0x5b: {  	_ =	shalt  }
0x5c: {  	_ =	shalt  }
0x5d: {  	_ =	shalt  }
0x5e: {  	_ =	shalt  }
0x5f: {  	_ =	shalt  }
0x60: {  	_ =	shalt  }
0x61: {  	_ =	shalt  }
0x62: {  	_ =	shalt  }
0x63: {  	_ =	shalt  }
0x64: {  	_ =	shalt  }
0x65: {  	_ =	shalt  }
0x66: {  	_ =	shalt  }
0x67: {  	_ =	shalt  }
0x68: {  	_ =	shalt  }
0x69: {  	_ =	shalt  }
0x6a: {  	_ =	shalt  }
0x6b: {  	_ =	shalt  }
0x6c: {  	_ =	shalt  }
0x6d: {  	_ =	shalt  }
0x6e: {  	_ =	shalt  }
0x6f: {  	_ =	shalt  }
0x70: {  	_ =	shalt  }
0x71: {  	_ =	shalt  }
0x72: {  	_ =	shalt  }
0x73: {  	_ =	shalt  }
0x74: {  	_ =	shalt  }
0x75: {  	_ =	shalt  }
0x76: {  	_ =	shalt  }
0x77: {  	_ =	shalt  }
0x78: {  	_ =	shalt  }
0x79: {  	_ =	shalt  }
0x7a: {  	_ =	shalt  }
0x7b: {  	_ =	shalt  }
0x7c: {  	_ =	shalt  }
0x7d: {  	_ =	shalt  }
0x7e: {  	_ =	shalt  }
0x7f: {  	_ =	shalt  }
0x80: {  	_ =	shalt  }
0x81: {  	_ =	shalt  }
0x82: {  	_ =	shalt  }
0x83: {  	_ =	shalt  }
0x84: {  	_ =	shalt  }
0x85: {  	_ =	shalt  }
0x86: {  	_ =	shalt  }
0x87: {  	_ =	shalt  }
.Lfunc_end0:
.L_simem_size_0:
called_computation.2_lowered:
.L_overlay_start_0:
0x88: {  	s2 =	sld [smem:$0x3FD9]  }
0x89: {  	s3 =	sld [smem:$0x3FFE];
	_ =	sdelay $0x1  }
0x8a: {  	s1 =	srdreg.scid  }
0x8b: {  	s0 =	sand.u32 $0x1, s1  }
0x8c: {  	s14 =	sshll.u32 s0, $0xA;
	s2 =	sadd.s32 s3, s2  }
0x8d: {  	s2 =	sadd.s32 s2, s14  }
0x8e: {  	[smem:$0x3FBC] =	sst s2  }
0x8f: {  	_ = 	snop  }
0x90: {  	s2 =	sld [smem:$0x3FD0];
	_ =	sdelay $0x2  }
0x91: {  	s15 =	simm.s32 $0xB;
	s4 =	simm.s32 $0x10  }
0x92: {  	[smem:s4], [sflag:s15] =	dma.local [hbm:s2], $0x1  }
0x93: {  	_ =	swait.eq [sflag:s15], $0x1  }
0x94: {  	[sflag:s15] =	ssyncset.done $0x0  }
0x95: {  	s16 =	sld [smem:$0x10];
	[sflag:s15] =	ssyncadd.s32 $0xFFFFFFFF  }
0x96: {  	s17 =	sld [smem:$0x11];
	(tm) =	ssettm $0x1  }
0x97: {  	s18 =	sld [smem:$0x3FFB];
	_ =	sdelay $0x3  }
0x98: {  	_ =	strace s18  }
0x99: {  	s4 =	sld [smem:$0x3FFC];
	_ =	sdelay $0x3  }
0x9a: {  	_ =	strace s4  }
0x9b: {  	s4 =	sld [smem:$0x3FFD];
	_ =	sdelay $0x3  }
0x9c: {  	_ =	strace s4  }
0x9d: {  	_ =	strace $0x8FFFFFFF  }
0x9e: {  	s19 =	sld [smem:$0x3FDB];
	_ =	sdelay $0x1  }
0x9f: {  	s5 =	simm.s32 $_scs_section_size  }
0xa0: {  	s6 =	simm.s32 $_size__tile_overlayer_lowered;
	s7 =	simm.s32 $_tile_overlayer_lowered  }
0xa1: {  	s22 =	simm.s32 $0x1BFF;
	s21 =	sshll.u32 s7, $0x1;
	s4 =	sadd.s32 s5, s19  }
0xa2: {  	s8 =	simm.s32 $0x0;
	s20 =	sshll.u32 s6, $0x1;
	s6 =	sadd.s32 s21, s4  }
0xa3: {  	[timem:s8], [sflag:s22] =	dma.local [hbm:s6], s20  }
0xa4: {  	_ =	swait.ge [sflag:s22], s20  }
0xa5: {  	s5 =	ssub.s32 $0x0, s20;
	[sflag:s22] =	ssyncset.done $0x0  }
0xa6: {  	[sflag:s22] =	ssyncadd.s32 s5;
	_ =	sdelay $0x1  }
0xa7: {  	s23 =	simm.s32 $0x1B8B  }
0xa8: {  	_ =	swait.ge [sflag:s23], $0x1  }
0xa9: {  	[sflag:s23] =	ssyncset.done $0x0  }
0xaa: {  	s25 =	simm.s32 $0x1B8E;
	s24 =	sld [smem:$0x3FFE];
	[sflag:s23] =	ssyncadd.s32 $0xFFFFFFFF  }
0xab: {  	s26 =	simm.s32 $execute0_lowered;
	[smem:$0x3FD2] =	sst s25  }
0xac: {  	s6 =	sshll.u32 s26, $0x1;
	_ =	strace $0x8000004C;
	[dreg:$0x1] =	wrdreg $0xFFFFFFFF  }
0xad: {  	s28 =	simm.s32 $_size_execute0_lowered;
	s4 =	sadd.s32 s4, s6;
	[dreg:$0x0] =	wrdreg $0x0  }
0xae: {  	s6 =	sshll.u32 s28, $0x1;
	[dreg:$0x2] =	wrdreg s4  }
0xaf: {  	[dreg:$0x3] =	wrdreg s6  }
0xb0: {  	[dreg:$0x4] =	wrdreg $0xC0  }
0xb1: {  	_ =	task [dreg:s8], $0x5FFFF  }
0xb2: {  	[dreg:$0x1] =	wrdreg $0xFFFFFFFF  }
0xb3: {  	[dreg:$0x0] =	wrdreg $0x60  }
0xb4: {  	[dreg:$0x2] =	wrdreg s17  }
0xb5: {  	[dreg:$0x3] =	wrdreg s16  }
0xb6: {  	[dreg:$0x4] =	wrdreg s24  }
0xb7: {  	[dreg:$0x5] =	wrdreg $0x9E200  }
0xb8: {  	[dreg:$0x6] =	wrdreg $0x9  }
0xb9: {  	_ =	task.clear_ibuf [dreg:s8], $0x7FFFF;
	_ =	strace $0x9000004C  }
0xba: {  	s29 =	simm.s32 $0x9;
	_ =	strace $0x8000004E  }
0xbb: {  	_ =	swait.ge [sflag:s29], $0x1  }
0xbc: {  	[sflag:s29] =	ssyncadd.s32 $0xFFFFFFFF  }
0xbd: {  	_ =	strace $0x9000004E  }
0xbe: {  	_ =	sfence  }
0xbf: {  	s30 =	sld [smem:$0x0];
	_ =	sdelay $0x2  }
0xc0: {  	s31 =	sshll.u32 s1, $0xD;
	s1 =	sshrl.u32 s1, $0x2  }
0xc1: {  	s3 =	sand.u32 $0x4000, s31;
	s1 =	sadd.s32 s1, s30  }
0xc2: {  	s0 =	sor.u32 s3, s0;
	s1 =	sshll.u32 s1, $0x11  }
0xc3: {  	s0 =	sor.u32 s1, s0  }
0xc4: {  	s0 =	sadd.s32 $0x8F2B, s0  }
0xc5: {  	[sflag:s0] =	ssyncadd.remote.s32 $0x1  }
0xc6: {  	_ =	sfence.sel $0xFFFF  }
0xc7: {  	[dreg:$0x0] =	wrdreg $0xFFFFFFFF;
	(pc) =	sbr.abs _section_cstart, $3  }
0xc8: {  	[dreg:$0x1] =	wrdreg $0xFFFFFFFF  }
0xc9: {  	_ =	task.clear_ibuf [dreg:s8], $0x2FFFF;
	_ =	strace $0x9FFFFFFF  }
0xca: {  	(tm) =	ssettm $0x7FFFFFFF  }
0xcb: {  	_ =	shalt  }
tec
execute0_lowered:
.L_overlay_start_1:
0x0: {  	(tag) =	ssettag $0x1  }
0x1: {  	s1 =	rddreg [dreg:$0x0]  }
0x2: {  	s0 =	rddreg [dreg:$0x1]  }
0x3: {  	s2 =	rddreg [dreg:$0x2];
	s4 =	srdreg.scid  }
0x4: {  	s13 =	stileid.u32;
	s3 =	rddreg [dreg:$0x3]  }
0x5: {  	s14 =	simm.s32 $0x28;
	s15 =	simm.s32 $0x4E20;
	s16 =	simm.s32 $0x6220  }
0x6: {  	s18 =	simm.s32 $0x7620;
	s19 =	simm.s32 $0x1;
	s21 =	simm.s32 $0x8A20  }
0x7: {  	s22 =	simm.s32 $0x2;
	s24 =	simm.s32 $0x5;
	s26 =	simm.s32 $0x3  }
0x8: {  	s29 =	simm.s32 $0x6;
	s31 =	simm.s32 $0x4;
	s17 =	simm.s32 $0x8  }
0x9: {  	s20 =	simm.s32 $0x4DD0;
	s23 =	simm.s32 $0x4DF8;
	s25 =	simm.s32 $0x0  }
0xa: {  	s5 =	sand.u32 $0x1, s4;
	s6 =	sshll.u32 s13, $0x1;
	s4 =	simm.s32 $0x0  }
0xb: {  	s8 =	smul.u32 $0x13880, s13;
	s10 =	sadd.s32 $0x19200, s2;
	s30 =	sshll.u32 s13, $0x6  }
0xc: {  	s13 =	simm.s32 $0x2710;
	s6 =	sor.u32 s5, s6;
	[smem:$0x7FF] =	sst s4  }
0xd: {  	s7 =	ssub.s32 $0x2, s5;
	p0 =	seq.s32 s5, $0x0;
	s6 =	smul.u32 $0x4E2, s6  }
0xe: {  	_ =	strace $0x8000004D;
	s9 =	sshrl.u32 s7, $0x1;
	s11 =	sadd.s32 s8, s3  }
0xf: {  	s12 =	sshrl.u32 s8, $0x3;
	s0 =	smov.u32 @p0 s1;
	s7 =	ssub.s32 s7, s9  }
0x10: {  	s8 =	sadd.s32 s0, s12;
	s9 =	sor.u32 $0x1C09, s30;
	s11 =	sshrl.u32 s11, $0x3  }
0x11: {  	s0 =	simm.s32 $0x7;
	s6 =	sadd.s32 s6, s2;
	s2 =	sadd.s32 $0x40400, s2  }
0x12: {  	s7 =	smax.u32 s7, $0x1;
	s5 =	sadd.s32 $0xF400, s6;
	s2 =	smov.u32 @p0 s10  }
0x13: {  	s6 =	sadd.s32 $0x5600, s6;
	s10 =	sadd.s32 s2, s12;
	s12 =	simm.s32 $0x9  }
.LBB2_1:
0x14: {  	[spmem:s11], [sflag:s9] =	dma.local [hbm:s8], $0x2710  }
0x15: {  	_ =	swait.ge [sflag:s12], $0x2710  }
0x16: {  	[sflag:s12] =	ssyncset.done $0x0  }
0x17: {  	[sflag:s12] =	ssyncadd.s32 $0xFFFFD8F0  }
0x18: {  	[tilespmem:s4], [sflag:$0x9] =	stream.linear.gather [hbm4b:s5+s4], $0x2710, $0x38;
	[tilespmem:$0x1D6A0] =	vst v63  }
0x19: {  	_ =	swait.ge [sflag:s12], $0x2710  }
0x1a: {  	[sflag:s12] =	ssyncset.done $0x0  }
0x1b: {  	[sflag:s12] =	ssyncadd.s32 $0xFFFFD8F0  }
0x1c: {  	[tilespmem:s13], [sflag:$0x9] =	stream.linear.gather [hbm4b:s6+s4], $0x2710, $0x38;
	[tilespmem:$0x1D6A0] =	vst v63  }
0x1d: {  	_ =	swait.ge [sflag:s12], $0x2710  }
0x1e: {  	[sflag:s12] =	ssyncset.done $0x0  }
0x1f: {  	[sflag:s12] =	ssyncadd.s32 $0xFFFFD8F0  }
0x20: {  	[bflag:$0x0] =	sbarrier.arrive $0xFFFF  }
0x21: {  	[tilespmem:s15], [sflag:$0x1] =	stream.indirect.gather [hbm4b:s1+s14], $0x80, s4, s14, $0xb8;
	[tilespmem:$0x1D6A0] =	vst v63  }
0x22: {  	_ = 	snop  }
0x23: {  	[tilespmem:s16], [sflag:$0x2] =	stream.indirect.gather [hbm4b:s1+s14], $0x80, s14, s14, $0xb8;
	[tilespmem:$0x1D6A0] =	vst v63  }
0x24: {  	s2 =	simm.s32 $0x50  }
0x25: {  	[tilespmem:s18], [sflag:$0x3] =	stream.indirect.gather [hbm4b:s1+s14], $0x80, s2, s14, $0xb8;
	[tilespmem:$0x1D6A0] =	vst v63  }
0x26: {  	_ =	swait.ge [sflag:s19], $0x1400  }
0x27: {  	[sflag:s19] =	ssyncset.done $0x0  }
0x28: {  	[sflag:s19] =	ssyncadd.s32 $0xFFFFEC00  }
0x29: {  	[spmem:s3] =	stream.indirect.scatter.add.f32 [tilespmem:s15], [sflag:$0x5], $0x80, s13, s14, $0xb8;
	[tilespmem:$0x1D6A0] =	vst v63  }
0x2a: {  	s2 =	simm.s32 $0x78  }
0x2b: {  	[tilespmem:s21], [sflag:$0x4] =	stream.indirect.gather [hbm4b:s1+s14], $0x80, s2, s14, $0xb8;
	[tilespmem:$0x1D6A0] =	vst v63  }
0x2c: {  	_ =	swait.ge [sflag:s22], $0x1400  }
0x2d: {  	[sflag:s22] =	ssyncset.done $0x0  }
0x2e: {  	s2 =	simm.s32 $0x2738;
	[sflag:s22] =	ssyncadd.s32 $0xFFFFEC00  }
0x2f: {  	[spmem:s3] =	stream.indirect.scatter.add.f32 [tilespmem:s16], [sflag:$0x6], $0x80, s2, s14, $0xb8;
	[tilespmem:$0x1D6A0] =	vst v63  }
0x30: {  	_ =	swait.ge [sflag:s24], $0x1400  }
0x31: {  	[sflag:s24] =	ssyncset.done $0x0  }
0x32: {  	s2 =	simm.s32 $0xA0;
	[sflag:s24] =	ssyncadd.s32 $0xFFFFEC00  }
0x33: {  	[tilespmem:s15], [sflag:$0x1] =	stream.indirect.gather [hbm4b:s1+s14], $0x80, s2, s14, $0xb8;
	[tilespmem:$0x1D6A0] =	vst v63  }
0x34: {  	_ =	swait.ge [sflag:s26], $0x1400  }
0x35: {  	[sflag:s26] =	ssyncset.done $0x0  }
0x36: {  	s2 =	simm.s32 $0x2760;
	[sflag:s26] =	ssyncadd.s32 $0xFFFFEC00  }
0x37: {  	[spmem:s3] =	stream.indirect.scatter.add.f32 [tilespmem:s18], [sflag:$0x7], $0x80, s2, s14, $0xb8;
	[tilespmem:$0x1D6A0] =	vst v63  }
0x38: {  	_ =	swait.ge [sflag:s29], $0x1400  }
0x39: {  	[sflag:s29] =	ssyncset.done $0x0  }
0x3a: {  	s2 =	simm.s32 $0xC8;
	[sflag:s29] =	ssyncadd.s32 $0xFFFFEC00  }
0x3b: {  	[tilespmem:s16], [sflag:$0x2] =	stream.indirect.gather [hbm4b:s1+s14], $0x80, s2, s14, $0xb8;
	[tilespmem:$0x1D6A0] =	vst v63  }
0x3c: {  	_ =	swait.ge [sflag:s31], $0x1400  }
0x3d: {  	[sflag:s31] =	ssyncset.done $0x0  }
0x3e: {  	s2 =	simm.s32 $0x2788;
	[sflag:s31] =	ssyncadd.s32 $0xFFFFEC00  }
0x3f: {  	[spmem:s3] =	stream.indirect.scatter.add.f32 [tilespmem:s21], [sflag:$0x8], $0x80, s2, s14, $0xb8;
	[tilespmem:$0x1D6A0] =	vst v63  }
0x40: {  	_ =	swait.ge [sflag:s0], $0x1400  }
0x41: {  	[sflag:s0] =	ssyncset.done $0x0  }
0x42: {  	s28 =	simm.s32 $0xF0;
	[sflag:s0] =	ssyncadd.s32 $0xFFFFEC00  }
0x43: {  	[tilespmem:s18], [sflag:$0x3] =	stream.indirect.gather [hbm4b:s1+s14], $0x80, s28, s14, $0xb8;
	[tilespmem:$0x1D6A0] =	vst v63  }
0x44: {  	_ =	swait.ge [sflag:s19], $0x1400  }
0x45: {  	[sflag:s19] =	ssyncset.done $0x0  }
0x46: {  	s28 =	simm.s32 $0x27B0;
	[sflag:s19] =	ssyncadd.s32 $0xFFFFEC00  }
0x47: {  	[spmem:s3] =	stream.indirect.scatter.add.f32 [tilespmem:s15], [sflag:$0x5], $0x80, s28, s14, $0xb8;
	[tilespmem:$0x1D6A0] =	vst v63  }
0x48: {  	_ =	swait.ge [sflag:s17], $0x1400  }
0x49: {  	[sflag:s17] =	ssyncset.done $0x0  }
0x4a: {  	s28 =	simm.s32 $0x118;
	[sflag:s17] =	ssyncadd.s32 $0xFFFFEC00  }
0x4b: {  	[tilespmem:s21], [sflag:$0x4] =	stream.indirect.gather [hbm4b:s1+s14], $0x80, s28, s14, $0xb8;
	[tilespmem:$0x1D6A0] =	vst v63  }
0x4c: {  	_ =	swait.ge [sflag:s22], $0x1400  }
0x4d: {  	[sflag:s22] =	ssyncset.done $0x0  }
0x4e: {  	s28 =	simm.s32 $0x27D8;
	[sflag:s22] =	ssyncadd.s32 $0xFFFFEC00  }
0x4f: {  	[spmem:s3] =	stream.indirect.scatter.add.f32 [tilespmem:s16], [sflag:$0x6], $0x80, s28, s14, $0xb8;
	[tilespmem:$0x1D6A0] =	vst v63  }
0x50: {  	_ =	swait.ge [sflag:s24], $0x1400  }
0x51: {  	[sflag:s24] =	ssyncset.done $0x0  }
0x52: {  	s28 =	simm.s32 $0x140;
	[sflag:s24] =	ssyncadd.s32 $0xFFFFEC00  }
0x53: {  	[tilespmem:s15], [sflag:$0x1] =	stream.indirect.gather [hbm4b:s1+s14], $0x80, s28, s14, $0xb8;
	[tilespmem:$0x1D6A0] =	vst v63  }
0x54: {  	_ =	swait.ge [sflag:s26], $0x1400  }
0x55: {  	[sflag:s26] =	ssyncset.done $0x0  }
0x56: {  	s28 =	simm.s32 $0x2800;
	[sflag:s26] =	ssyncadd.s32 $0xFFFFEC00  }
0x57: {  	[spmem:s3] =	stream.indirect.scatter.add.f32 [tilespmem:s18], [sflag:$0x7], $0x80, s28, s14, $0xb8;
	[tilespmem:$0x1D6A0] =	vst v63  }
0x58: {  	_ =	swait.ge [sflag:s29], $0x1400  }
0x59: {  	[sflag:s29] =	ssyncset.done $0x0  }
0x5a: {  	s28 =	simm.s32 $0x168;
	[sflag:s29] =	ssyncadd.s32 $0xFFFFEC00  }
0x5b: {  	[tilespmem:s16], [sflag:$0x2] =	stream.indirect.gather [hbm4b:s1+s14], $0x80, s28, s14, $0xb8;
	[tilespmem:$0x1D6A0] =	vst v63  }
0x5c: {  	_ =	swait.ge [sflag:s31], $0x1400  }
0x5d: {  	[sflag:s31] =	ssyncset.done $0x0  }
0x5e: {  	s30 =	simm.s32 $0x2828;
	s28 =	simm.s32 $0x280;
	[sflag:s31] =	ssyncadd.s32 $0xFFFFEC00  }
.LBB2_2:
0x5f: {  	[spmem:s3] =	stream.indirect.scatter.add.f32 [tilespmem:s21], [sflag:$0x8], $0x80, s30, s14, $0xb8;
	[tilespmem:$0x1D6A0] =	vst v63  }
0x60: {  	s30 =	smov.u32 s28  }
0x61: {  	p0 =	sne.s32 s28, $0x9600;
	s28 =	sadd.s32 $0x280, s28;
	_ =	swait.ge [sflag:s0], $0x1400  }
0x62: {  	s30 =	sshra.s32 s30, $0x2;
	[sflag:s0] =	ssyncset.done $0x0  }
0x63: {  	s2 =	sadd.s32 $0xF0, s30;
	[sflag:s0] =	ssyncadd.s32 $0xFFFFEC00  }
0x64: {  	[tilespmem:s18], [sflag:$0x3] =	stream.indirect.gather [hbm4b:s1+s14], $0x80, s2, s14, $0xb8;
	[tilespmem:$0x1D6A0] =	vst v63  }
0x65: {  	_ =	swait.ge [sflag:s19], $0x1400  }
0x66: {  	[sflag:s19] =	ssyncset.done $0x0  }
0x67: {  	s2 =	sadd.s32 $0x27B0, s30;
	[sflag:s19] =	ssyncadd.s32 $0xFFFFEC00  }
0x68: {  	[spmem:s3] =	stream.indirect.scatter.add.f32 [tilespmem:s15], [sflag:$0x5], $0x80, s2, s14, $0xb8;
	[tilespmem:$0x1D6A0] =	vst v63  }
0x69: {  	_ =	swait.ge [sflag:s17], $0x1400  }
0x6a: {  	[sflag:s17] =	ssyncset.done $0x0  }
0x6b: {  	s2 =	sadd.s32 $0x118, s30;
	[sflag:s17] =	ssyncadd.s32 $0xFFFFEC00  }
0x6c: {  	[tilespmem:s21], [sflag:$0x4] =	stream.indirect.gather [hbm4b:s1+s14], $0x80, s2, s14, $0xb8;
	[tilespmem:$0x1D6A0] =	vst v63  }
0x6d: {  	_ =	swait.ge [sflag:s22], $0x1400  }
0x6e: {  	[sflag:s22] =	ssyncset.done $0x0  }
0x6f: {  	s2 =	sadd.s32 $0x27D8, s30;
	[sflag:s22] =	ssyncadd.s32 $0xFFFFEC00  }
0x70: {  	[spmem:s3] =	stream.indirect.scatter.add.f32 [tilespmem:s16], [sflag:$0x6], $0x80, s2, s14, $0xb8;
	[tilespmem:$0x1D6A0] =	vst v63  }
0x71: {  	_ =	swait.ge [sflag:s24], $0x1400  }
0x72: {  	[sflag:s24] =	ssyncset.done $0x0  }
0x73: {  	s2 =	sadd.s32 $0x140, s30;
	[sflag:s24] =	ssyncadd.s32 $0xFFFFEC00  }
0x74: {  	[tilespmem:s15], [sflag:$0x1] =	stream.indirect.gather [hbm4b:s1+s14], $0x80, s2, s14, $0xb8;
	[tilespmem:$0x1D6A0] =	vst v63  }
0x75: {  	_ =	swait.ge [sflag:s26], $0x1400  }
0x76: {  	[sflag:s26] =	ssyncset.done $0x0  }
0x77: {  	s2 =	sadd.s32 $0x2800, s30;
	[sflag:s26] =	ssyncadd.s32 $0xFFFFEC00  }
0x78: {  	[spmem:s3] =	stream.indirect.scatter.add.f32 [tilespmem:s18], [sflag:$0x7], $0x80, s2, s14, $0xb8;
	[tilespmem:$0x1D6A0] =	vst v63  }
0x79: {  	_ =	swait.ge [sflag:s29], $0x1400  }
0x7a: {  	[sflag:s29] =	ssyncset.done $0x0  }
.Ltmp0:
0x7b: {  	s2 =	sadd.s32 $0x168, s30;
	[sflag:s29] =	ssyncadd.s32 $0xFFFFEC00;
	(pc) =	sbr.rel @p0 .LBB2_2-.Ltmp0, $4  }
0x7c: {  	[tilespmem:s16], [sflag:$0x2] =	stream.indirect.gather [hbm4b:s1+s14], $0x80, s2, s14, $0xb8;
	[tilespmem:$0x1D6A0] =	vst v63  }
0x7d: {  	_ =	swait.ge [sflag:s31], $0x1400  }
0x7e: {  	[sflag:s31] =	ssyncset.done $0x0  }
0x7f: {  	s30 =	sadd.s32 $0x2828, s30;
	[sflag:s31] =	ssyncadd.s32 $0xFFFFEC00  }
0x80: {  	[spmem:s3] =	stream.indirect.scatter.add.f32 [tilespmem:s21], [sflag:$0x8], $0x80, s30, s14, $0xb8;
	[tilespmem:$0x1D6A0] =	vst v63  }
0x81: {  	_ =	swait.ge [sflag:s19], $0x1400  }
0x82: {  	[sflag:s19] =	ssyncset.done $0x0  }
0x83: {  	[sflag:s19] =	ssyncadd.s32 $0xFFFFEC00  }
0x84: {  	[spmem:s3] =	stream.indirect.scatter.add.f32 [tilespmem:s15], [sflag:$0x5], $0x80, s20, s14, $0xb8;
	[tilespmem:$0x1D6A0] =	vst v63  }
0x85: {  	_ =	swait.ge [sflag:s22], $0x1400  }
0x86: {  	[sflag:s22] =	ssyncset.done $0x0  }
0x87: {  	[sflag:s22] =	ssyncadd.s32 $0xFFFFEC00  }
0x88: {  	[spmem:s3] =	stream.indirect.scatter.add.f32 [tilespmem:s16], [sflag:$0x6], $0x80, s23, s14, $0xb8;
	[tilespmem:$0x1D6A0] =	vst v63  }
0x89: {  	_ =	swait.ge [sflag:s0], $0x1400  }
0x8a: {  	[sflag:s0] =	ssyncset.done $0x0  }
0x8b: {  	[sflag:s0] =	ssyncadd.s32 $0xFFFFEC00  }
0x8c: {  	_ =	swait.ge [sflag:s17], $0x1400  }
0x8d: {  	[sflag:s17] =	ssyncset.done $0x0  }
0x8e: {  	[sflag:s17] =	ssyncadd.s32 $0xFFFFEC00  }
0x8f: {  	_ =	swait.ge [sflag:s24], $0x1400  }
0x90: {  	[sflag:s24] =	ssyncset.done $0x0  }
0x91: {  	[sflag:s24] =	ssyncadd.s32 $0xFFFFEC00  }
0x92: {  	_ =	swait.ge [sflag:s29], $0x1400  }
0x93: {  	s25 =	sadd.s32 $0x1, s25;
	[sflag:s29] =	ssyncset.done $0x0  }
0x94: {  	p0 =	sne.s32 s25, s7;
	[sflag:s29] =	ssyncadd.s32 $0xFFFFEC00  }
.Ltmp1:
0x95: {  	[bflag:$0x0] =	sbarrier.arrive $0xFFFF;
	(pc) =	sbr.rel @p0 .LBB2_1-.Ltmp1, $4  }
0x96: {  	[hbm:s10], [sflag:s9] =	dma.local [spmem:s11], $0x2710  }
0x97: {  	_ =	swait.ge [sflag:s12], $0x2710  }
0x98: {  	[sflag:s12] =	ssyncset.done $0x0  }
0x99: {  	[sflag:s12] =	ssyncadd.s32 $0xFFFFD8F0  }
0x9a: {  	_ =	sfence.sel $0x180000  }
0x9b: {  	[bflag:$0x0] =	sbarrier.arrive $0xFFFF  }
0x9c: {  	_ =	strace $0x9000004D  }
0x9d: {  	s0 =	stileid.u32;
	[bflag:$0x2] =	sbarrier.arrive $0xFFFF  }
0x9e: {  	p0 =	sne.s32 s0, $0x0;
	s0 =	rddreg [dreg:$0x4]  }
0x9f: {  	s0 =	sadd.s32 @!p0 $0x100000, s0  }
0xa0: {  	[sflag:s0] =	ssyncadd.tile.s32 @!p0 $0x1;
	_ =	shalt  }
.Lfunc_end2:
_tile_overlayer_lowered:
.L_overlay_start_2:
0xa1: {  	(tag) =	ssettag $0x2  }
0xa2: {  	s0 =	rddreg [dreg:$0x0];
	s2 =	stileid.u32  }
0xa3: {  	s1 =	rddreg [dreg:$0x1];
	p0 =	sne.s32 s2, $0x0  }
0xa4: {  	s3 =	rddreg [dreg:$0x2];
	[bflag:$0x3] =	sbarrier.arrive $0xFFFF;
	s2 =	simm.s32 @!p0 $0x1C09  }
0xa5: {  	[timem:s3], [sflag:s2] =	dma.local @!p0 [hbm:s0], s1  }
0xa6: {  	s0 =	simm.s32 @!p0 $0x9  }
0xa7: {  	_ =	swait.ge @!p0 [sflag:s0], s1  }
0xa8: {  	s1 =	ssub.s32 @!p0 $0x0, s1;
	[sflag:s0] =	ssyncset.done @!p0 $0x0  }
0xa9: {  	[sflag:s0] =	ssyncadd.s32 @!p0 s1  }
0xaa: {  	[bflag:$0x3] =	sbarrier.arrive $0xFFFF  }
0xab: {  	_ =	shalt  }

// kernel: kernel.22.cloned.1.call-start
scs
__scs_entry_jumppad:
0x0: {  	(pc) =	sbr.rel $0x88, $3  }
0x1: {  	(tag) =	ssettag $0x0;
	lr =	simm.s32 $0x1  }
0x2: {  	[smem:$0x3F95] =	sst lr;
	_ =	strace $0xD0000000  }
0x3: {  	_ = 	snop  }
0x4: {  	_ = 	snop  }
0x5: {  	_ = 	snop  }
0x6: {  	_ = 	snop  }
0x7: {  	_ = 	snop  }
__scs_overlays_trampoline_lowered:
0x8: {  	[smem:$0x3FA4] =	sst s0  }
0x9: {  	[smem:$0x3FA5] =	sst s1  }
0xa: {  	[smem:$0x3FA6] =	sst s2  }
0xb: {  	[smem:$0x3FA7] =	sst s3  }
0xc: {  	[smem:$0x3FA8] =	sst s4  }
0xd: {  	[smem:$0x3FA9] =	sst s5  }
0xe: {  	[smem:$0x3FAA] =	sst s6  }
0xf: {  	[smem:$0x3FAB] =	sst s7  }
0x10: {  	[smem:$0x3FAC] =	sst s8  }
0x11: {  	[smem:$0x3FAD] =	sst s9;
	s0 =	simm.s32 @!p0 $0x0  }
0x12: {  	s1 =	sld [smem:$0x3F93];
	s0 =	simm.s32 @p0 $0x1  }
0x13: {  	[smem:$0x3FAE] =	sst s0;
	s0 =	simm.s32 @!p1 $0x0  }
0x14: {  	s2 =	sld [smem:$0x3F92];
	s0 =	simm.s32 @p1 $0x1  }
0x15: {  	[smem:$0x3FAF] =	sst s0;
	s0 =	simm.s32 @!p2 $0x0  }
0x16: {  	s3 =	sld [smem:$0x3FDB];
	s0 =	simm.s32 @p2 $0x1  }
0x17: {  	s4 =	simm.s32 $0x1BF5;
	[smem:$0x3FB1] =	sst s0  }
0x18: {  	s0 =	sld [smem:$0x3F94];
	_ =	swait.ge [sflag:s4], $0x0  }
0x19: {  	s7 =	sld [smem:$0x3F95]  }
0x1a: {  	s8 =	sadd.s32 $0xFFFFE003, lr  }
0x1b: {  	s9 =	sadd.s32 $0xFFFFFEF7, lr;
	s5 =	simm.s32 $0xFFFFFFFF;
	p2 =	slt.u32 s8, $0xFFFFF086  }
0x1c: {  	p1 =	slt.u32 s9, $0xF7A;
	s5 =	simm.s32 @!p2 $0x0  }
0x1d: {  	s5 =	simm.s32 @p1 $0x1;
	p0 =	seq.s32 s7, s2  }
0x1e: {  	s7 =	smul.u32 @!p0 $0xF7A, s2;
	p2 =	seq.s32 @!p0 s5, $0x0  }
0x1f: {  	s9 =	smul.u32 $0xF7A, s1;
	s8 =	simm.s32 @!p0 $0x1BF5;
	p2 =	por !p2, p0  }
0x20: {  	[sflag:s8] =	ssyncset.s32 @!p0 $0xFFFFF086;
	s6 =	sadd.s32 @!p0 s3, s7;
	s7 =	simm.s32 @!p0 $0x108  }
0x21: {  	s3 =	sadd.s32 s3, s9;
	s6 =	sadd.s32 @!p0 $0x88, s6;
	s7 =	simm.s32 @p2 $0x1082  }
0x22: {  	[simem:s7], [sflag:s8] =	dma.local @!p0 [hbm:s6], $0xF7A  }
0x23: {  	s9 =	sor.u32 $0xD0000000, s2;
	s6 =	simm.s32 $0x108;
	_ =	swait.ge @!p0 [sflag:s8], $0x0  }
0x24: {  	s3 =	sadd.s32 $0x88, s3;
	s6 =	simm.s32 @!p1 $0x1082;
	[sflag:s4] =	ssyncset.s32 $0xFFFFF086  }
0x25: {  	[simem:s6], [sflag:s4] =	dma.local [hbm:s3], $0xF7A  }
0x26: {  	[smem:$0x3F95] =	sst s1;
	(tag) =	ssettag s2;
	_ =	strace s9  }
0x27: {  	s1 =	sld [smem:$0x3FA5]  }
0x28: {  	s2 =	sld [smem:$0x3FA6]  }
0x29: {  	s4 =	sld [smem:$0x3FA8]  }
0x2a: {  	p0 =	seq.s32 s5, $0x0;
	s5 =	sld [smem:$0x3FA9]  }
0x2b: {  	s6 =	sld [smem:$0x3FAA]  }
0x2c: {  	s7 =	sld [smem:$0x3FAB]  }
0x2d: {  	s3 =	simm.s32 $0x108;
	s8 =	sld [smem:$0x3FAC]  }
0x2e: {  	s3 =	simm.s32 @!p0 $0x1082;
	s9 =	sld [smem:$0x3FAD]  }
0x2f: {  	lr =	sadd.s32 s0, s3;
	s0 =	sld [smem:$0x3FA4]  }
0x30: {  	s3 =	sld [smem:$0x3FA7]  }
0x31: {  	[smem:$0x3FB0] =	sst s10  }
0x32: {  	s10 =	sld [smem:$0x3FAE];
	_ =	sdelay $0x3  }
0x33: {  	p0 =	seq.s32 s10, $0x1;
	s10 =	sld [smem:$0x3FB0];
	_ =	sdelay $0x3  }
0x34: {  	[smem:$0x3FB0] =	sst s10  }
0x35: {  	s10 =	sld [smem:$0x3FAF];
	_ =	sdelay $0x3  }
0x36: {  	p1 =	seq.s32 s10, $0x1;
	s10 =	sld [smem:$0x3FB0];
	_ =	sdelay $0x3  }
0x37: {  	[smem:$0x3FB0] =	sst s10  }
0x38: {  	s10 =	sld [smem:$0x3FB1]  }
0x39: {  	_ = 	snop;
	(pc) =	sbr.ind lr, $3  }
0x3a: {  	_ = 	snop  }
0x3b: {  	_ = 	snop  }
0x3c: {  	p2 =	seq.s32 s10, $0x1;
	s10 =	sld [smem:$0x3FB0]  }
0x3d: {  	_ =	shalt  }
0x3e: {  	_ =	shalt  }
0x3f: {  	_ =	shalt  }
0x40: {  	_ =	shalt  }
0x41: {  	_ =	shalt  }
0x42: {  	_ =	shalt  }
0x43: {  	_ =	shalt  }
0x44: {  	_ =	shalt  }
0x45: {  	_ =	shalt  }
0x46: {  	_ =	shalt  }
0x47: {  	_ =	shalt  }
0x48: {  	_ =	shalt  }
0x49: {  	_ =	shalt  }
0x4a: {  	_ =	shalt  }
0x4b: {  	_ =	shalt  }
0x4c: {  	_ =	shalt  }
0x4d: {  	_ =	shalt  }
0x4e: {  	_ =	shalt  }
0x4f: {  	_ =	shalt  }
0x50: {  	_ =	shalt  }
0x51: {  	_ =	shalt  }
0x52: {  	_ =	shalt  }
0x53: {  	_ =	shalt  }
0x54: {  	_ =	shalt  }
0x55: {  	_ =	shalt  }
0x56: {  	_ =	shalt  }
0x57: {  	_ =	shalt  }
0x58: {  	_ =	shalt  }
0x59: {  	_ =	shalt  }
0x5a: {  	_ =	shalt  }
0x5b: {  	_ =	shalt  }
0x5c: {  	_ =	shalt  }
0x5d: {  	_ =	shalt  }
0x5e: {  	_ =	shalt  }
0x5f: {  	_ =	shalt  }
0x60: {  	_ =	shalt  }
0x61: {  	_ =	shalt  }
0x62: {  	_ =	shalt  }
0x63: {  	_ =	shalt  }
0x64: {  	_ =	shalt  }
0x65: {  	_ =	shalt  }
0x66: {  	_ =	shalt  }
0x67: {  	_ =	shalt  }
0x68: {  	_ =	shalt  }
0x69: {  	_ =	shalt  }
0x6a: {  	_ =	shalt  }
0x6b: {  	_ =	shalt  }
0x6c: {  	_ =	shalt  }
0x6d: {  	_ =	shalt  }
0x6e: {  	_ =	shalt  }
0x6f: {  	_ =	shalt  }
0x70: {  	_ =	shalt  }
0x71: {  	_ =	shalt  }
0x72: {  	_ =	shalt  }
0x73: {  	_ =	shalt  }
0x74: {  	_ =	shalt  }
0x75: {  	_ =	shalt  }
0x76: {  	_ =	shalt  }
0x77: {  	_ =	shalt  }
0x78: {  	_ =	shalt  }
0x79: {  	_ =	shalt  }
0x7a: {  	_ =	shalt  }
0x7b: {  	_ =	shalt  }
0x7c: {  	_ =	shalt  }
0x7d: {  	_ =	shalt  }
0x7e: {  	_ =	shalt  }
0x7f: {  	_ =	shalt  }
0x80: {  	_ =	shalt  }
0x81: {  	_ =	shalt  }
0x82: {  	_ =	shalt  }
0x83: {  	_ =	shalt  }
0x84: {  	_ =	shalt  }
0x85: {  	_ =	shalt  }
0x86: {  	_ =	shalt  }
0x87: {  	_ =	shalt  }
.Lfunc_end0:
.L_simem_size_0:
called_computation.3_lowered:
.L_overlay_start_0:
0x88: {  	s2 =	sld [smem:$0x3FD9]  }
0x89: {  	s3 =	sld [smem:$0x3FFE];
	_ =	sdelay $0x1  }
0x8a: {  	s1 =	srdreg.scid  }
0x8b: {  	s0 =	sand.u32 $0x1, s1  }
0x8c: {  	s14 =	sshll.u32 s0, $0xA;
	s2 =	sadd.s32 s3, s2  }
0x8d: {  	s2 =	sadd.s32 s2, s14  }
0x8e: {  	[smem:$0x3FBC] =	sst s2  }
0x8f: {  	_ = 	snop  }
0x90: {  	s2 =	sld [smem:$0x3FD0];
	_ =	sdelay $0x2  }
0x91: {  	s15 =	simm.s32 $0xB;
	s4 =	simm.s32 $0x10  }
0x92: {  	[smem:s4], [sflag:s15] =	dma.local [hbm:s2], $0x1  }
0x93: {  	_ =	swait.eq [sflag:s15], $0x1  }
0x94: {  	[sflag:s15] =	ssyncset.done $0x0  }
0x95: {  	s16 =	sld [smem:$0x10];
	[sflag:s15] =	ssyncadd.s32 $0xFFFFFFFF  }
0x96: {  	s17 =	sld [smem:$0x11];
	(tm) =	ssettm $0x1  }
0x97: {  	s18 =	sld [smem:$0x3FFB];
	_ =	sdelay $0x3  }
0x98: {  	_ =	strace s18  }
0x99: {  	s4 =	sld [smem:$0x3FFC];
	_ =	sdelay $0x3  }
0x9a: {  	_ =	strace s4  }
0x9b: {  	s4 =	sld [smem:$0x3FFD];
	_ =	sdelay $0x3  }
0x9c: {  	_ =	strace s4  }
0x9d: {  	_ =	strace $0x8FFFFFFF  }
0x9e: {  	s19 =	sld [smem:$0x3FDB];
	_ =	sdelay $0x1  }
0x9f: {  	s5 =	simm.s32 $_scs_section_size  }
0xa0: {  	s6 =	simm.s32 $_size__tile_overlayer_lowered;
	s7 =	simm.s32 $_tile_overlayer_lowered  }
0xa1: {  	s22 =	simm.s32 $0x1BFF;
	s21 =	sshll.u32 s7, $0x1;
	s4 =	sadd.s32 s5, s19  }
0xa2: {  	s8 =	simm.s32 $0x0;
	s20 =	sshll.u32 s6, $0x1;
	s6 =	sadd.s32 s21, s4  }
0xa3: {  	[timem:s8], [sflag:s22] =	dma.local [hbm:s6], s20  }
0xa4: {  	_ =	swait.ge [sflag:s22], s20  }
0xa5: {  	s5 =	ssub.s32 $0x0, s20;
	[sflag:s22] =	ssyncset.done $0x0  }
0xa6: {  	[sflag:s22] =	ssyncadd.s32 s5;
	_ =	sdelay $0x1  }
0xa7: {  	s23 =	simm.s32 $0x1B8B  }
0xa8: {  	_ =	swait.ge [sflag:s23], $0x1  }
0xa9: {  	[sflag:s23] =	ssyncset.done $0x0  }
0xaa: {  	s25 =	simm.s32 $0x1B8E;
	s24 =	sld [smem:$0x3FFE];
	[sflag:s23] =	ssyncadd.s32 $0xFFFFFFFF  }
0xab: {  	s26 =	simm.s32 $execute0_lowered;
	[smem:$0x3FD2] =	sst s25  }
0xac: {  	s6 =	sshll.u32 s26, $0x1;
	_ =	strace $0x8000004F;
	[dreg:$0x1] =	wrdreg $0xFFFFFFFF  }
0xad: {  	s28 =	simm.s32 $_size_execute0_lowered;
	s4 =	sadd.s32 s4, s6;
	[dreg:$0x0] =	wrdreg $0x0  }
0xae: {  	s6 =	sshll.u32 s28, $0x1;
	[dreg:$0x2] =	wrdreg s4  }
0xaf: {  	[dreg:$0x3] =	wrdreg s6  }
0xb0: {  	[dreg:$0x4] =	wrdreg $0xC0  }
0xb1: {  	_ =	task [dreg:s8], $0x5FFFF  }
0xb2: {  	[dreg:$0x1] =	wrdreg $0xFFFFFFFF  }
0xb3: {  	[dreg:$0x0] =	wrdreg $0x60  }
0xb4: {  	[dreg:$0x2] =	wrdreg s17  }
0xb5: {  	[dreg:$0x3] =	wrdreg s16  }
0xb6: {  	[dreg:$0x4] =	wrdreg s24  }
0xb7: {  	[dreg:$0x5] =	wrdreg $0x9E200  }
0xb8: {  	[dreg:$0x6] =	wrdreg $0x9  }
0xb9: {  	_ =	task.clear_ibuf [dreg:s8], $0x7FFFF;
	_ =	strace $0x9000004F  }
0xba: {  	s29 =	simm.s32 $0x9;
	_ =	strace $0x80000051  }
0xbb: {  	_ =	swait.ge [sflag:s29], $0x1  }
0xbc: {  	[sflag:s29] =	ssyncadd.s32 $0xFFFFFFFF  }
0xbd: {  	_ =	strace $0x90000051  }
0xbe: {  	_ =	sfence  }
0xbf: {  	s30 =	sld [smem:$0x0];
	_ =	sdelay $0x2  }
0xc0: {  	s31 =	sshll.u32 s1, $0xD;
	s1 =	sshrl.u32 s1, $0x2  }
0xc1: {  	s3 =	sand.u32 $0x4000, s31;
	s1 =	sadd.s32 s1, s30  }
0xc2: {  	s0 =	sor.u32 s3, s0;
	s1 =	sshll.u32 s1, $0x11  }
0xc3: {  	s0 =	sor.u32 s1, s0  }
0xc4: {  	s0 =	sadd.s32 $0x8F2B, s0  }
0xc5: {  	[sflag:s0] =	ssyncadd.remote.s32 $0x1  }
0xc6: {  	_ =	sfence.sel $0xFFFF  }
0xc7: {  	[dreg:$0x0] =	wrdreg $0xFFFFFFFF;
	(pc) =	sbr.abs _section_cstart, $3  }
0xc8: {  	[dreg:$0x1] =	wrdreg $0xFFFFFFFF  }
0xc9: {  	_ =	task.clear_ibuf [dreg:s8], $0x2FFFF;
	_ =	strace $0x9FFFFFFF  }
0xca: {  	(tm) =	ssettm $0x7FFFFFFF  }
0xcb: {  	_ =	shalt  }
tec
execute0_lowered:
.L_overlay_start_1:
0x0: {  	(tag) =	ssettag $0x1  }
0x1: {  	s1 =	rddreg [dreg:$0x0]  }
0x2: {  	s0 =	rddreg [dreg:$0x1]  }
0x3: {  	s2 =	rddreg [dreg:$0x2];
	s4 =	srdreg.scid  }
0x4: {  	s13 =	stileid.u32;
	s3 =	rddreg [dreg:$0x3]  }
0x5: {  	s14 =	simm.s32 $0x28;
	s15 =	simm.s32 $0x4E20;
	s16 =	simm.s32 $0x6220  }
0x6: {  	s18 =	simm.s32 $0x7620;
	s19 =	simm.s32 $0x1;
	s21 =	simm.s32 $0x8A20  }
0x7: {  	s22 =	simm.s32 $0x2;
	s24 =	simm.s32 $0x5;
	s26 =	simm.s32 $0x3  }
0x8: {  	s29 =	simm.s32 $0x6;
	s31 =	simm.s32 $0x4;
	s17 =	simm.s32 $0x8  }
0x9: {  	s20 =	simm.s32 $0x4DD0;
	s23 =	simm.s32 $0x4DF8;
	s25 =	simm.s32 $0x0  }
0xa: {  	s5 =	sand.u32 $0x1, s4;
	s6 =	sshll.u32 s13, $0x1;
	s4 =	simm.s32 $0x0  }
0xb: {  	s8 =	smul.u32 $0x13880, s13;
	s10 =	sadd.s32 $0x19200, s2;
	s30 =	sshll.u32 s13, $0x6  }
0xc: {  	s13 =	simm.s32 $0x2710;
	s6 =	sor.u32 s5, s6;
	[smem:$0x7FF] =	sst s4  }
0xd: {  	s7 =	ssub.s32 $0x2, s5;
	p0 =	seq.s32 s5, $0x0;
	s6 =	smul.u32 $0x4E2, s6  }
0xe: {  	_ =	strace $0x80000050;
	s9 =	sshrl.u32 s7, $0x1;
	s11 =	sadd.s32 s8, s3  }
0xf: {  	s12 =	sshrl.u32 s8, $0x3;
	s0 =	smov.u32 @p0 s1;
	s7 =	ssub.s32 s7, s9  }
0x10: {  	s8 =	sadd.s32 s0, s12;
	s9 =	sor.u32 $0x1C09, s30;
	s11 =	sshrl.u32 s11, $0x3  }
0x11: {  	s0 =	simm.s32 $0x7;
	s6 =	sadd.s32 s6, s2;
	s2 =	sadd.s32 $0x40400, s2  }
0x12: {  	s7 =	smax.u32 s7, $0x1;
	s5 =	sadd.s32 $0xF400, s6;
	s2 =	smov.u32 @p0 s10  }
0x13: {  	s6 =	sadd.s32 $0x5600, s6;
	s10 =	sadd.s32 s2, s12;
	s12 =	simm.s32 $0x9  }
.LBB2_1:
0x14: {  	[spmem:s11], [sflag:s9] =	dma.local [hbm:s8], $0x2710  }
0x15: {  	_ =	swait.ge [sflag:s12], $0x2710  }
0x16: {  	[sflag:s12] =	ssyncset.done $0x0  }
0x17: {  	[sflag:s12] =	ssyncadd.s32 $0xFFFFD8F0  }
0x18: {  	[tilespmem:s4], [sflag:$0x9] =	stream.linear.gather [hbm4b:s5+s4], $0x2710, $0x38;
	[tilespmem:$0x1D6A0] =	vst v63  }
0x19: {  	_ =	swait.ge [sflag:s12], $0x2710  }
0x1a: {  	[sflag:s12] =	ssyncset.done $0x0  }
0x1b: {  	[sflag:s12] =	ssyncadd.s32 $0xFFFFD8F0  }
0x1c: {  	[tilespmem:s13], [sflag:$0x9] =	stream.linear.gather [hbm4b:s6+s4], $0x2710, $0x38;
	[tilespmem:$0x1D6A0] =	vst v63  }
0x1d: {  	_ =	swait.ge [sflag:s12], $0x2710  }
0x1e: {  	[sflag:s12] =	ssyncset.done $0x0  }
0x1f: {  	[sflag:s12] =	ssyncadd.s32 $0xFFFFD8F0  }
0x20: {  	[bflag:$0x0] =	sbarrier.arrive $0xFFFF  }
0x21: {  	[tilespmem:s15], [sflag:$0x1] =	stream.indirect.gather [hbm4b:s1+s14], $0x80, s4, s14, $0xb8;
	[tilespmem:$0x1D6A0] =	vst v63  }
0x22: {  	_ = 	snop  }
0x23: {  	[tilespmem:s16], [sflag:$0x2] =	stream.indirect.gather [hbm4b:s1+s14], $0x80, s14, s14, $0xb8;
	[tilespmem:$0x1D6A0] =	vst v63  }
0x24: {  	s2 =	simm.s32 $0x50  }
0x25: {  	[tilespmem:s18], [sflag:$0x3] =	stream.indirect.gather [hbm4b:s1+s14], $0x80, s2, s14, $0xb8;
	[tilespmem:$0x1D6A0] =	vst v63  }
0x26: {  	_ =	swait.ge [sflag:s19], $0x1400  }
0x27: {  	[sflag:s19] =	ssyncset.done $0x0  }
0x28: {  	[sflag:s19] =	ssyncadd.s32 $0xFFFFEC00  }
0x29: {  	[spmem:s3] =	stream.indirect.scatter.add.f32 [tilespmem:s15], [sflag:$0x5], $0x80, s13, s14, $0xb8;
	[tilespmem:$0x1D6A0] =	vst v63  }
0x2a: {  	s2 =	simm.s32 $0x78  }
0x2b: {  	[tilespmem:s21], [sflag:$0x4] =	stream.indirect.gather [hbm4b:s1+s14], $0x80, s2, s14, $0xb8;
	[tilespmem:$0x1D6A0] =	vst v63  }
0x2c: {  	_ =	swait.ge [sflag:s22], $0x1400  }
0x2d: {  	[sflag:s22] =	ssyncset.done $0x0  }
0x2e: {  	s2 =	simm.s32 $0x2738;
	[sflag:s22] =	ssyncadd.s32 $0xFFFFEC00  }
0x2f: {  	[spmem:s3] =	stream.indirect.scatter.add.f32 [tilespmem:s16], [sflag:$0x6], $0x80, s2, s14, $0xb8;
	[tilespmem:$0x1D6A0] =	vst v63  }
0x30: {  	_ =	swait.ge [sflag:s24], $0x1400  }
0x31: {  	[sflag:s24] =	ssyncset.done $0x0  }
0x32: {  	s2 =	simm.s32 $0xA0;
	[sflag:s24] =	ssyncadd.s32 $0xFFFFEC00  }
0x33: {  	[tilespmem:s15], [sflag:$0x1] =	stream.indirect.gather [hbm4b:s1+s14], $0x80, s2, s14, $0xb8;
	[tilespmem:$0x1D6A0] =	vst v63  }
0x34: {  	_ =	swait.ge [sflag:s26], $0x1400  }
0x35: {  	[sflag:s26] =	ssyncset.done $0x0  }
0x36: {  	s2 =	simm.s32 $0x2760;
	[sflag:s26] =	ssyncadd.s32 $0xFFFFEC00  }
0x37: {  	[spmem:s3] =	stream.indirect.scatter.add.f32 [tilespmem:s18], [sflag:$0x7], $0x80, s2, s14, $0xb8;
	[tilespmem:$0x1D6A0] =	vst v63  }
0x38: {  	_ =	swait.ge [sflag:s29], $0x1400  }
0x39: {  	[sflag:s29] =	ssyncset.done $0x0  }
0x3a: {  	s2 =	simm.s32 $0xC8;
	[sflag:s29] =	ssyncadd.s32 $0xFFFFEC00  }
0x3b: {  	[tilespmem:s16], [sflag:$0x2] =	stream.indirect.gather [hbm4b:s1+s14], $0x80, s2, s14, $0xb8;
	[tilespmem:$0x1D6A0] =	vst v63  }
0x3c: {  	_ =	swait.ge [sflag:s31], $0x1400  }
0x3d: {  	[sflag:s31] =	ssyncset.done $0x0  }
0x3e: {  	s2 =	simm.s32 $0x2788;
	[sflag:s31] =	ssyncadd.s32 $0xFFFFEC00  }
0x3f: {  	[spmem:s3] =	stream.indirect.scatter.add.f32 [tilespmem:s21], [sflag:$0x8], $0x80, s2, s14, $0xb8;
	[tilespmem:$0x1D6A0] =	vst v63  }
0x40: {  	_ =	swait.ge [sflag:s0], $0x1400  }
0x41: {  	[sflag:s0] =	ssyncset.done $0x0  }
0x42: {  	s28 =	simm.s32 $0xF0;
	[sflag:s0] =	ssyncadd.s32 $0xFFFFEC00  }
0x43: {  	[tilespmem:s18], [sflag:$0x3] =	stream.indirect.gather [hbm4b:s1+s14], $0x80, s28, s14, $0xb8;
	[tilespmem:$0x1D6A0] =	vst v63  }
0x44: {  	_ =	swait.ge [sflag:s19], $0x1400  }
0x45: {  	[sflag:s19] =	ssyncset.done $0x0  }
0x46: {  	s28 =	simm.s32 $0x27B0;
	[sflag:s19] =	ssyncadd.s32 $0xFFFFEC00  }
0x47: {  	[spmem:s3] =	stream.indirect.scatter.add.f32 [tilespmem:s15], [sflag:$0x5], $0x80, s28, s14, $0xb8;
	[tilespmem:$0x1D6A0] =	vst v63  }
0x48: {  	_ =	swait.ge [sflag:s17], $0x1400  }
0x49: {  	[sflag:s17] =	ssyncset.done $0x0  }
0x4a: {  	s28 =	simm.s32 $0x118;
	[sflag:s17] =	ssyncadd.s32 $0xFFFFEC00  }
0x4b: {  	[tilespmem:s21], [sflag:$0x4] =	stream.indirect.gather [hbm4b:s1+s14], $0x80, s28, s14, $0xb8;
	[tilespmem:$0x1D6A0] =	vst v63  }
0x4c: {  	_ =	swait.ge [sflag:s22], $0x1400  }
0x4d: {  	[sflag:s22] =	ssyncset.done $0x0  }
0x4e: {  	s28 =	simm.s32 $0x27D8;
	[sflag:s22] =	ssyncadd.s32 $0xFFFFEC00  }
0x4f: {  	[spmem:s3] =	stream.indirect.scatter.add.f32 [tilespmem:s16], [sflag:$0x6], $0x80, s28, s14, $0xb8;
	[tilespmem:$0x1D6A0] =	vst v63  }
0x50: {  	_ =	swait.ge [sflag:s24], $0x1400  }
0x51: {  	[sflag:s24] =	ssyncset.done $0x0  }
0x52: {  	s28 =	simm.s32 $0x140;
	[sflag:s24] =	ssyncadd.s32 $0xFFFFEC00  }
0x53: {  	[tilespmem:s15], [sflag:$0x1] =	stream.indirect.gather [hbm4b:s1+s14], $0x80, s28, s14, $0xb8;
	[tilespmem:$0x1D6A0] =	vst v63  }
0x54: {  	_ =	swait.ge [sflag:s26], $0x1400  }
0x55: {  	[sflag:s26] =	ssyncset.done $0x0  }
0x56: {  	s28 =	simm.s32 $0x2800;
	[sflag:s26] =	ssyncadd.s32 $0xFFFFEC00  }
0x57: {  	[spmem:s3] =	stream.indirect.scatter.add.f32 [tilespmem:s18], [sflag:$0x7], $0x80, s28, s14, $0xb8;
	[tilespmem:$0x1D6A0] =	vst v63  }
0x58: {  	_ =	swait.ge [sflag:s29], $0x1400  }
0x59: {  	[sflag:s29] =	ssyncset.done $0x0  }
0x5a: {  	s28 =	simm.s32 $0x168;
	[sflag:s29] =	ssyncadd.s32 $0xFFFFEC00  }
0x5b: {  	[tilespmem:s16], [sflag:$0x2] =	stream.indirect.gather [hbm4b:s1+s14], $0x80, s28, s14, $0xb8;
	[tilespmem:$0x1D6A0] =	vst v63  }
0x5c: {  	_ =	swait.ge [sflag:s31], $0x1400  }
0x5d: {  	[sflag:s31] =	ssyncset.done $0x0  }
0x5e: {  	s30 =	simm.s32 $0x2828;
	s28 =	simm.s32 $0x280;
	[sflag:s31] =	ssyncadd.s32 $0xFFFFEC00  }
.LBB2_2:
0x5f: {  	[spmem:s3] =	stream.indirect.scatter.add.f32 [tilespmem:s21], [sflag:$0x8], $0x80, s30, s14, $0xb8;
	[tilespmem:$0x1D6A0] =	vst v63  }
0x60: {  	s30 =	smov.u32 s28  }
0x61: {  	p0 =	sne.s32 s28, $0x9600;
	s28 =	sadd.s32 $0x280, s28;
	_ =	swait.ge [sflag:s0], $0x1400  }
0x62: {  	s30 =	sshra.s32 s30, $0x2;
	[sflag:s0] =	ssyncset.done $0x0  }
0x63: {  	s2 =	sadd.s32 $0xF0, s30;
	[sflag:s0] =	ssyncadd.s32 $0xFFFFEC00  }
0x64: {  	[tilespmem:s18], [sflag:$0x3] =	stream.indirect.gather [hbm4b:s1+s14], $0x80, s2, s14, $0xb8;
	[tilespmem:$0x1D6A0] =	vst v63  }
0x65: {  	_ =	swait.ge [sflag:s19], $0x1400  }
0x66: {  	[sflag:s19] =	ssyncset.done $0x0  }
0x67: {  	s2 =	sadd.s32 $0x27B0, s30;
	[sflag:s19] =	ssyncadd.s32 $0xFFFFEC00  }
0x68: {  	[spmem:s3] =	stream.indirect.scatter.add.f32 [tilespmem:s15], [sflag:$0x5], $0x80, s2, s14, $0xb8;
	[tilespmem:$0x1D6A0] =	vst v63  }
0x69: {  	_ =	swait.ge [sflag:s17], $0x1400  }
0x6a: {  	[sflag:s17] =	ssyncset.done $0x0  }
0x6b: {  	s2 =	sadd.s32 $0x118, s30;
	[sflag:s17] =	ssyncadd.s32 $0xFFFFEC00  }
0x6c: {  	[tilespmem:s21], [sflag:$0x4] =	stream.indirect.gather [hbm4b:s1+s14], $0x80, s2, s14, $0xb8;
	[tilespmem:$0x1D6A0] =	vst v63  }
0x6d: {  	_ =	swait.ge [sflag:s22], $0x1400  }
0x6e: {  	[sflag:s22] =	ssyncset.done $0x0  }
0x6f: {  	s2 =	sadd.s32 $0x27D8, s30;
	[sflag:s22] =	ssyncadd.s32 $0xFFFFEC00  }
0x70: {  	[spmem:s3] =	stream.indirect.scatter.add.f32 [tilespmem:s16], [sflag:$0x6], $0x80, s2, s14, $0xb8;
	[tilespmem:$0x1D6A0] =	vst v63  }
0x71: {  	_ =	swait.ge [sflag:s24], $0x1400  }
0x72: {  	[sflag:s24] =	ssyncset.done $0x0  }
0x73: {  	s2 =	sadd.s32 $0x140, s30;
	[sflag:s24] =	ssyncadd.s32 $0xFFFFEC00  }
0x74: {  	[tilespmem:s15], [sflag:$0x1] =	stream.indirect.gather [hbm4b:s1+s14], $0x80, s2, s14, $0xb8;
	[tilespmem:$0x1D6A0] =	vst v63  }
0x75: {  	_ =	swait.ge [sflag:s26], $0x1400  }
0x76: {  	[sflag:s26] =	ssyncset.done $0x0  }
0x77: {  	s2 =	sadd.s32 $0x2800, s30;
	[sflag:s26] =	ssyncadd.s32 $0xFFFFEC00  }
0x78: {  	[spmem:s3] =	stream.indirect.scatter.add.f32 [tilespmem:s18], [sflag:$0x7], $0x80, s2, s14, $0xb8;
	[tilespmem:$0x1D6A0] =	vst v63  }
0x79: {  	_ =	swait.ge [sflag:s29], $0x1400  }
0x7a: {  	[sflag:s29] =	ssyncset.done $0x0  }
.Ltmp0:
0x7b: {  	s2 =	sadd.s32 $0x168, s30;
	[sflag:s29] =	ssyncadd.s32 $0xFFFFEC00;
	(pc) =	sbr.rel @p0 .LBB2_2-.Ltmp0, $4  }
0x7c: {  	[tilespmem:s16], [sflag:$0x2] =	stream.indirect.gather [hbm4b:s1+s14], $0x80, s2, s14, $0xb8;
	[tilespmem:$0x1D6A0] =	vst v63  }
0x7d: {  	_ =	swait.ge [sflag:s31], $0x1400  }
0x7e: {  	[sflag:s31] =	ssyncset.done $0x0  }
0x7f: {  	s30 =	sadd.s32 $0x2828, s30;
	[sflag:s31] =	ssyncadd.s32 $0xFFFFEC00  }
0x80: {  	[spmem:s3] =	stream.indirect.scatter.add.f32 [tilespmem:s21], [sflag:$0x8], $0x80, s30, s14, $0xb8;
	[tilespmem:$0x1D6A0] =	vst v63  }
0x81: {  	_ =	swait.ge [sflag:s19], $0x1400  }
0x82: {  	[sflag:s19] =	ssyncset.done $0x0  }
0x83: {  	[sflag:s19] =	ssyncadd.s32 $0xFFFFEC00  }
0x84: {  	[spmem:s3] =	stream.indirect.scatter.add.f32 [tilespmem:s15], [sflag:$0x5], $0x80, s20, s14, $0xb8;
	[tilespmem:$0x1D6A0] =	vst v63  }
0x85: {  	_ =	swait.ge [sflag:s22], $0x1400  }
0x86: {  	[sflag:s22] =	ssyncset.done $0x0  }
0x87: {  	[sflag:s22] =	ssyncadd.s32 $0xFFFFEC00  }
0x88: {  	[spmem:s3] =	stream.indirect.scatter.add.f32 [tilespmem:s16], [sflag:$0x6], $0x80, s23, s14, $0xb8;
	[tilespmem:$0x1D6A0] =	vst v63  }
0x89: {  	_ =	swait.ge [sflag:s0], $0x1400  }
0x8a: {  	[sflag:s0] =	ssyncset.done $0x0  }
0x8b: {  	[sflag:s0] =	ssyncadd.s32 $0xFFFFEC00  }
0x8c: {  	_ =	swait.ge [sflag:s17], $0x1400  }
0x8d: {  	[sflag:s17] =	ssyncset.done $0x0  }
0x8e: {  	[sflag:s17] =	ssyncadd.s32 $0xFFFFEC00  }
0x8f: {  	_ =	swait.ge [sflag:s24], $0x1400  }
0x90: {  	[sflag:s24] =	ssyncset.done $0x0  }
0x91: {  	[sflag:s24] =	ssyncadd.s32 $0xFFFFEC00  }
0x92: {  	_ =	swait.ge [sflag:s29], $0x1400  }
0x93: {  	s25 =	sadd.s32 $0x1, s25;
	[sflag:s29] =	ssyncset.done $0x0  }
0x94: {  	p0 =	sne.s32 s25, s7;
	[sflag:s29] =	ssyncadd.s32 $0xFFFFEC00  }
.Ltmp1:
0x95: {  	[bflag:$0x0] =	sbarrier.arrive $0xFFFF;
	(pc) =	sbr.rel @p0 .LBB2_1-.Ltmp1, $4  }
0x96: {  	[hbm:s10], [sflag:s9] =	dma.local [spmem:s11], $0x2710  }
0x97: {  	_ =	swait.ge [sflag:s12], $0x2710  }
0x98: {  	[sflag:s12] =	ssyncset.done $0x0  }
0x99: {  	[sflag:s12] =	ssyncadd.s32 $0xFFFFD8F0  }
0x9a: {  	_ =	sfence.sel $0x180000  }
0x9b: {  	[bflag:$0x0] =	sbarrier.arrive $0xFFFF  }
0x9c: {  	_ =	strace $0x90000050  }
0x9d: {  	s0 =	stileid.u32;
	[bflag:$0x2] =	sbarrier.arrive $0xFFFF  }
0x9e: {  	p0 =	sne.s32 s0, $0x0;
	s0 =	rddreg [dreg:$0x4]  }
0x9f: {  	s0 =	sadd.s32 @!p0 $0x100000, s0  }
0xa0: {  	[sflag:s0] =	ssyncadd.tile.s32 @!p0 $0x1;
	_ =	shalt  }
.Lfunc_end2:
_tile_overlayer_lowered:
.L_overlay_start_2:
0xa1: {  	(tag) =	ssettag $0x2  }
0xa2: {  	s0 =	rddreg [dreg:$0x0];
	s2 =	stileid.u32  }
0xa3: {  	s1 =	rddreg [dreg:$0x1];
	p0 =	sne.s32 s2, $0x0  }
0xa4: {  	s3 =	rddreg [dreg:$0x2];
	[bflag:$0x3] =	sbarrier.arrive $0xFFFF;
	s2 =	simm.s32 @!p0 $0x1C09  }
0xa5: {  	[timem:s3], [sflag:s2] =	dma.local @!p0 [hbm:s0], s1  }
0xa6: {  	s0 =	simm.s32 @!p0 $0x9  }
0xa7: {  	_ =	swait.ge @!p0 [sflag:s0], s1  }
0xa8: {  	s1 =	ssub.s32 @!p0 $0x0, s1;
	[sflag:s0] =	ssyncset.done @!p0 $0x0  }
0xa9: {  	[sflag:s0] =	ssyncadd.s32 @!p0 s1  }
0xaa: {  	[bflag:$0x3] =	sbarrier.arrive $0xFFFF  }
0xab: {  	_ =	shalt  }

// kernel: kernel.25.cloned.1.call-start
scs
__scs_entry_jumppad:
0x0: {  	(pc) =	sbr.rel $0x88, $3  }
0x1: {  	(tag) =	ssettag $0x0;
	lr =	simm.s32 $0x1  }
0x2: {  	[smem:$0x3F95] =	sst lr;
	_ =	strace $0xD0000000  }
0x3: {  	_ = 	snop  }
0x4: {  	_ = 	snop  }
0x5: {  	_ = 	snop  }
0x6: {  	_ = 	snop  }
0x7: {  	_ = 	snop  }
__scs_overlays_trampoline_lowered:
0x8: {  	[smem:$0x3FA4] =	sst s0  }
0x9: {  	[smem:$0x3FA5] =	sst s1  }
0xa: {  	[smem:$0x3FA6] =	sst s2  }
0xb: {  	[smem:$0x3FA7] =	sst s3  }
0xc: {  	[smem:$0x3FA8] =	sst s4  }
0xd: {  	[smem:$0x3FA9] =	sst s5  }
0xe: {  	[smem:$0x3FAA] =	sst s6  }
0xf: {  	[smem:$0x3FAB] =	sst s7  }
0x10: {  	[smem:$0x3FAC] =	sst s8  }
0x11: {  	[smem:$0x3FAD] =	sst s9;
	s0 =	simm.s32 @!p0 $0x0  }
0x12: {  	s1 =	sld [smem:$0x3F93];
	s0 =	simm.s32 @p0 $0x1  }
0x13: {  	[smem:$0x3FAE] =	sst s0;
	s0 =	simm.s32 @!p1 $0x0  }
0x14: {  	s2 =	sld [smem:$0x3F92];
	s0 =	simm.s32 @p1 $0x1  }
0x15: {  	[smem:$0x3FAF] =	sst s0;
	s0 =	simm.s32 @!p2 $0x0  }
0x16: {  	s3 =	sld [smem:$0x3FDB];
	s0 =	simm.s32 @p2 $0x1  }
0x17: {  	s4 =	simm.s32 $0x1BF5;
	[smem:$0x3FB1] =	sst s0  }
0x18: {  	s0 =	sld [smem:$0x3F94];
	_ =	swait.ge [sflag:s4], $0x0  }
0x19: {  	s7 =	sld [smem:$0x3F95]  }
0x1a: {  	s8 =	sadd.s32 $0xFFFFE003, lr  }
0x1b: {  	s9 =	sadd.s32 $0xFFFFFEF7, lr;
	s5 =	simm.s32 $0xFFFFFFFF;
	p2 =	slt.u32 s8, $0xFFFFF086  }
0x1c: {  	p1 =	slt.u32 s9, $0xF7A;
	s5 =	simm.s32 @!p2 $0x0  }
0x1d: {  	s5 =	simm.s32 @p1 $0x1;
	p0 =	seq.s32 s7, s2  }
0x1e: {  	s7 =	smul.u32 @!p0 $0xF7A, s2;
	p2 =	seq.s32 @!p0 s5, $0x0  }
0x1f: {  	s9 =	smul.u32 $0xF7A, s1;
	s8 =	simm.s32 @!p0 $0x1BF5;
	p2 =	por !p2, p0  }
0x20: {  	[sflag:s8] =	ssyncset.s32 @!p0 $0xFFFFF086;
	s6 =	sadd.s32 @!p0 s3, s7;
	s7 =	simm.s32 @!p0 $0x108  }
0x21: {  	s3 =	sadd.s32 s3, s9;
	s6 =	sadd.s32 @!p0 $0x88, s6;
	s7 =	simm.s32 @p2 $0x1082  }
0x22: {  	[simem:s7], [sflag:s8] =	dma.local @!p0 [hbm:s6], $0xF7A  }
0x23: {  	s9 =	sor.u32 $0xD0000000, s2;
	s6 =	simm.s32 $0x108;
	_ =	swait.ge @!p0 [sflag:s8], $0x0  }
0x24: {  	s3 =	sadd.s32 $0x88, s3;
	s6 =	simm.s32 @!p1 $0x1082;
	[sflag:s4] =	ssyncset.s32 $0xFFFFF086  }
0x25: {  	[simem:s6], [sflag:s4] =	dma.local [hbm:s3], $0xF7A  }
0x26: {  	[smem:$0x3F95] =	sst s1;
	(tag) =	ssettag s2;
	_ =	strace s9  }
0x27: {  	s1 =	sld [smem:$0x3FA5]  }
0x28: {  	s2 =	sld [smem:$0x3FA6]  }
0x29: {  	s4 =	sld [smem:$0x3FA8]  }
0x2a: {  	p0 =	seq.s32 s5, $0x0;
	s5 =	sld [smem:$0x3FA9]  }
0x2b: {  	s6 =	sld [smem:$0x3FAA]  }
0x2c: {  	s7 =	sld [smem:$0x3FAB]  }
0x2d: {  	s3 =	simm.s32 $0x108;
	s8 =	sld [smem:$0x3FAC]  }
0x2e: {  	s3 =	simm.s32 @!p0 $0x1082;
	s9 =	sld [smem:$0x3FAD]  }
0x2f: {  	lr =	sadd.s32 s0, s3;
	s0 =	sld [smem:$0x3FA4]  }
0x30: {  	s3 =	sld [smem:$0x3FA7]  }
0x31: {  	[smem:$0x3FB0] =	sst s10  }
0x32: {  	s10 =	sld [smem:$0x3FAE];
	_ =	sdelay $0x3  }
0x33: {  	p0 =	seq.s32 s10, $0x1;
	s10 =	sld [smem:$0x3FB0];
	_ =	sdelay $0x3  }
0x34: {  	[smem:$0x3FB0] =	sst s10  }
0x35: {  	s10 =	sld [smem:$0x3FAF];
	_ =	sdelay $0x3  }
0x36: {  	p1 =	seq.s32 s10, $0x1;
	s10 =	sld [smem:$0x3FB0];
	_ =	sdelay $0x3  }
0x37: {  	[smem:$0x3FB0] =	sst s10  }
0x38: {  	s10 =	sld [smem:$0x3FB1]  }
0x39: {  	_ = 	snop;
	(pc) =	sbr.ind lr, $3  }
0x3a: {  	_ = 	snop  }
0x3b: {  	_ = 	snop  }
0x3c: {  	p2 =	seq.s32 s10, $0x1;
	s10 =	sld [smem:$0x3FB0]  }
0x3d: {  	_ =	shalt  }
0x3e: {  	_ =	shalt  }
0x3f: {  	_ =	shalt  }
0x40: {  	_ =	shalt  }
0x41: {  	_ =	shalt  }
0x42: {  	_ =	shalt  }
0x43: {  	_ =	shalt  }
0x44: {  	_ =	shalt  }
0x45: {  	_ =	shalt  }
0x46: {  	_ =	shalt  }
0x47: {  	_ =	shalt  }
0x48: {  	_ =	shalt  }
0x49: {  	_ =	shalt  }
0x4a: {  	_ =	shalt  }
0x4b: {  	_ =	shalt  }
0x4c: {  	_ =	shalt  }
0x4d: {  	_ =	shalt  }
0x4e: {  	_ =	shalt  }
0x4f: {  	_ =	shalt  }
0x50: {  	_ =	shalt  }
0x51: {  	_ =	shalt  }
0x52: {  	_ =	shalt  }
0x53: {  	_ =	shalt  }
0x54: {  	_ =	shalt  }
0x55: {  	_ =	shalt  }
0x56: {  	_ =	shalt  }
0x57: {  	_ =	shalt  }
0x58: {  	_ =	shalt  }
0x59: {  	_ =	shalt  }
0x5a: {  	_ =	shalt  }
0x5b: {  	_ =	shalt  }
0x5c: {  	_ =	shalt  }
0x5d: {  	_ =	shalt  }
0x5e: {  	_ =	shalt  }
0x5f: {  	_ =	shalt  }
0x60: {  	_ =	shalt  }
0x61: {  	_ =	shalt  }
0x62: {  	_ =	shalt  }
0x63: {  	_ =	shalt  }
0x64: {  	_ =	shalt  }
0x65: {  	_ =	shalt  }
0x66: {  	_ =	shalt  }
0x67: {  	_ =	shalt  }
0x68: {  	_ =	shalt  }
0x69: {  	_ =	shalt  }
0x6a: {  	_ =	shalt  }
0x6b: {  	_ =	shalt  }
0x6c: {  	_ =	shalt  }
0x6d: {  	_ =	shalt  }
0x6e: {  	_ =	shalt  }
0x6f: {  	_ =	shalt  }
0x70: {  	_ =	shalt  }
0x71: {  	_ =	shalt  }
0x72: {  	_ =	shalt  }
0x73: {  	_ =	shalt  }
0x74: {  	_ =	shalt  }
0x75: {  	_ =	shalt  }
0x76: {  	_ =	shalt  }
0x77: {  	_ =	shalt  }
0x78: {  	_ =	shalt  }
0x79: {  	_ =	shalt  }
0x7a: {  	_ =	shalt  }
0x7b: {  	_ =	shalt  }
0x7c: {  	_ =	shalt  }
0x7d: {  	_ =	shalt  }
0x7e: {  	_ =	shalt  }
0x7f: {  	_ =	shalt  }
0x80: {  	_ =	shalt  }
0x81: {  	_ =	shalt  }
0x82: {  	_ =	shalt  }
0x83: {  	_ =	shalt  }
0x84: {  	_ =	shalt  }
0x85: {  	_ =	shalt  }
0x86: {  	_ =	shalt  }
0x87: {  	_ =	shalt  }
.Lfunc_end0:
.L_simem_size_0:
called_computation.4_lowered:
.L_overlay_start_0:
0x88: {  	s2 =	sld [smem:$0x3FD9]  }
0x89: {  	s3 =	sld [smem:$0x3FFE];
	_ =	sdelay $0x1  }
0x8a: {  	s1 =	srdreg.scid  }
0x8b: {  	s0 =	sand.u32 $0x1, s1  }
0x8c: {  	s14 =	sshll.u32 s0, $0xA;
	s2 =	sadd.s32 s3, s2  }
0x8d: {  	s2 =	sadd.s32 s2, s14  }
0x8e: {  	[smem:$0x3FBC] =	sst s2  }
0x8f: {  	_ = 	snop  }
0x90: {  	s2 =	sld [smem:$0x3FD0];
	_ =	sdelay $0x2  }
0x91: {  	s15 =	simm.s32 $0xB;
	s4 =	simm.s32 $0x10  }
0x92: {  	[smem:s4], [sflag:s15] =	dma.local [hbm:s2], $0x1  }
0x93: {  	_ =	swait.eq [sflag:s15], $0x1  }
0x94: {  	[sflag:s15] =	ssyncset.done $0x0  }
0x95: {  	[sflag:s15] =	ssyncadd.s32 $0xFFFFFFFF  }
0x96: {  	s16 =	sld [smem:$0x10];
	(tm) =	ssettm $0x1  }
0x97: {  	s17 =	sld [smem:$0x3FFB];
	_ =	sdelay $0x3  }
0x98: {  	_ =	strace s17  }
0x99: {  	s3 =	sld [smem:$0x3FFC];
	_ =	sdelay $0x3  }
0x9a: {  	_ =	strace s3  }
0x9b: {  	s3 =	sld [smem:$0x3FFD];
	_ =	sdelay $0x3  }
0x9c: {  	_ =	strace s3  }
0x9d: {  	_ =	strace $0x8FFFFFFF  }
0x9e: {  	s18 =	sld [smem:$0x3FDB];
	_ =	sdelay $0x1  }
0x9f: {  	s19 =	simm.s32 $_scs_section_size  }
0xa0: {  	s5 =	simm.s32 $_size__tile_overlayer_lowered;
	s6 =	simm.s32 $_tile_overlayer_lowered  }
0xa1: {  	s22 =	simm.s32 $0x1BFF;
	s21 =	sshll.u32 s6, $0x1;
	s3 =	sadd.s32 s19, s18  }
0xa2: {  	s7 =	simm.s32 $0x0;
	s20 =	sshll.u32 s5, $0x1;
	s5 =	sadd.s32 s21, s3  }
0xa3: {  	[timem:s7], [sflag:s22] =	dma.local [hbm:s5], s20  }
0xa4: {  	_ =	swait.ge [sflag:s22], s20  }
0xa5: {  	s4 =	ssub.s32 $0x0, s20;
	[sflag:s22] =	ssyncset.done $0x0  }
0xa6: {  	[sflag:s22] =	ssyncadd.s32 s4;
	_ =	sdelay $0x1  }
0xa7: {  	s23 =	simm.s32 $0x1B8B  }
0xa8: {  	_ =	swait.ge [sflag:s23], $0x1  }
0xa9: {  	[sflag:s23] =	ssyncset.done $0x0  }
0xaa: {  	s25 =	simm.s32 $0x1B8E;
	s24 =	sld [smem:$0x3FFE];
	[sflag:s23] =	ssyncadd.s32 $0xFFFFFFFF  }
0xab: {  	s26 =	simm.s32 $execute0_lowered;
	[smem:$0x3FD2] =	sst s25  }
0xac: {  	s5 =	sshll.u32 s26, $0x1;
	_ =	strace $0x80000052;
	[dreg:$0x1] =	wrdreg $0xFFFFFFFF  }
0xad: {  	s28 =	simm.s32 $_size_execute0_lowered;
	s3 =	sadd.s32 s3, s5;
	[dreg:$0x0] =	wrdreg $0x0  }
0xae: {  	s5 =	sshll.u32 s28, $0x1;
	[dreg:$0x2] =	wrdreg s3  }
0xaf: {  	[dreg:$0x3] =	wrdreg s5  }
0xb0: {  	[dreg:$0x4] =	wrdreg $0xC0  }
0xb1: {  	_ =	task [dreg:s7], $0x5FFFF  }
0xb2: {  	[dreg:$0x1] =	wrdreg $0xFFFFFFFF  }
0xb3: {  	[dreg:$0x0] =	wrdreg $0x60  }
0xb4: {  	[dreg:$0x2] =	wrdreg s24  }
0xb5: {  	[dreg:$0x3] =	wrdreg s16  }
0xb6: {  	[dreg:$0x4] =	wrdreg $0x9  }
0xb7: {  	_ =	task.clear_ibuf [dreg:s7], $0x5FFFF;
	_ =	strace $0x90000052  }
0xb8: {  	s29 =	simm.s32 $0x9;
	_ =	strace $0x80000054  }
0xb9: {  	_ =	swait.ge [sflag:s29], $0x1  }
0xba: {  	[sflag:s29] =	ssyncadd.s32 $0xFFFFFFFF  }
0xbb: {  	_ =	strace $0x90000054  }
0xbc: {  	_ =	sfence  }
0xbd: {  	s30 =	sld [smem:$0x0];
	_ =	sdelay $0x2  }
0xbe: {  	s31 =	sshll.u32 s1, $0xD;
	s1 =	sshrl.u32 s1, $0x2  }
0xbf: {  	s3 =	sand.u32 $0x4000, s31;
	s1 =	sadd.s32 s1, s30  }
0xc0: {  	s0 =	sor.u32 s3, s0;
	s1 =	sshll.u32 s1, $0x11  }
0xc1: {  	s0 =	sor.u32 s1, s0  }
0xc2: {  	s0 =	sadd.s32 $0x8F2B, s0  }
0xc3: {  	[sflag:s0] =	ssyncadd.remote.s32 $0x1  }
0xc4: {  	_ =	sfence.sel $0xFFFF  }
0xc5: {  	[dreg:$0x0] =	wrdreg $0xFFFFFFFF;
	(pc) =	sbr.abs _section_cstart, $3  }
0xc6: {  	[dreg:$0x1] =	wrdreg $0xFFFFFFFF  }
0xc7: {  	_ =	task.clear_ibuf [dreg:s7], $0x2FFFF;
	_ =	strace $0x9FFFFFFF  }
0xc8: {  	(tm) =	ssettm $0x7FFFFFFF  }
0xc9: {  	_ =	shalt  }
tec
execute0_lowered:
.L_overlay_start_1:
0x0: {  	(tag) =	ssettag $0x1  }
0x1: {  	s0 =	rddreg [dreg:$0x0]  }
0x2: {  	s2 =	rddreg [dreg:$0x1]  }
0x3: {  	s1 =	srdreg.scid;
	s4 =	stileid.u32;
	s3 =	simm.s32 $0x0  }
0x4: {  	s12 =	simm.s32 $0x9;
	s14 =	simm.s32 $0x50;
	s15 =	simm.s32 $0x4E20  }
0x5: {  	s16 =	simm.s32 $0x6220;
	s17 =	simm.s32 $0x5320;
	s20 =	simm.s32 $0x2  }
0x6: {  	s21 =	simm.s32 $0x5820;
	s22 =	simm.s32 $0x6C20;
	s28 =	simm.s32 $0x5  }
0x7: {  	s29 =	simm.s32 $0x6;
	s1 =	sand.u32 $0x1, s1;
	s4 =	sshll.u32 s4, $0x1  }
0x8: {  	s30 =	simm.s32 $0x4;
	[smem:$0x7FF] =	sst s3;
	s6 =	sor.u32 s1, s4  }
0x9: {  	s5 =	sadd.s32 $0x1E200, s0;
	s1 =	ssub.s32 $0x2, s1;
	s7 =	smul.u32 $0x4E2, s6  }
0xa: {  	_ =	strace $0x80000053;
	s8 =	smul.u32 $0x27100, s6;
	s23 =	sshrl.u32 s1, $0x1  }
0xb: {  	s4 =	sadd.s32 $0x19200, s0;
	s6 =	smul.u32 $0x7D, s6;
	s1 =	ssub.s32 s1, s23  }
0xc: {  	s23 =	simm.s32 $0x1;
	s0 =	sadd.s32 s7, s0;
	s24 =	sshrl.u32 s8, $0x3  }
0xd: {  	s9 =	sadd.s32 $0x1, s6;
	s31 =	smax.u32 s1, $0x1;
	s1 =	simm.s32 $0x0  }
0xe: {  	s25 =	sadd.s32 $0xF400, s0;
	s0 =	sadd.s32 $0x5600, s0;
	[dreg:$0x6] =	wrdreg s31  }
0xf: {  	s26 =	sadd.s32 s2, s24;
	s24 =	simm.s32 $0x3;
	[dreg:$0x3] =	wrdreg s25  }
0x10: {  	[dreg:$0x4] =	wrdreg s0;
	s0 =	sadd.s32 $0x4D80, s26;
	s25 =	simm.s32 $0x5D20  }
0x11: {  	s26 =	simm.s32 $0x7120;
	[dreg:$0x5] =	wrdreg s0;
	s0 =	simm.s32 $0x8  }
.LBB2_1:
0x12: {  	s7 =	rddreg [dreg:$0x3]  }
0x13: {  	[tilespmem:s3], [sflag:$0x9] =	stream.linear.gather [hbm4b:s7+s3], $0x2710, $0x38;
	[tilespmem:$0x7620] =	vst v63  }
0x14: {  	_ =	swait.ge [sflag:s12], $0x2710  }
0x15: {  	[sflag:s12] =	ssyncset.done $0x0  }
0x16: {  	s8 =	simm.s32 $0x2710;
	s18 =	rddreg [dreg:$0x4];
	[sflag:s12] =	ssyncadd.s32 $0xFFFFD8F0  }
0x17: {  	[tilespmem:s8], [sflag:$0x9] =	stream.linear.gather [hbm4b:s18+s3], $0x2710, $0x38;
	[tilespmem:$0x7620] =	vst v63  }
0x18: {  	_ =	swait.ge [sflag:s12], $0x2710  }
0x19: {  	[sflag:s12] =	ssyncset.done $0x0  }
0x1a: {  	[sflag:s12] =	ssyncadd.s32 $0xFFFFD8F0  }
0x1b: {  	[tilespmem:s15], [sflag:$0x1] =	stream.indirect.gather [hbm4b:s4+s14], $0x10, s3, s14, $0xb8;
	[tilespmem:$0x7620] =	vst v63  }
0x1c: {  	_ = 	snop  }
0x1d: {  	[tilespmem:s16], [sflag:$0x1] =	stream.indirect.gather [hbm4b:s5+s14], $0x10, s8, s14, $0xb8;
	[tilespmem:$0x7620] =	vst v63  }
0x1e: {  	_ = 	snop  }
0x1f: {  	[tilespmem:s17], [sflag:$0x2] =	stream.indirect.gather [hbm4b:s4+s14], $0x10, s14, s14, $0xb8;
	[tilespmem:$0x7620] =	vst v63  }
0x20: {  	s19 =	simm.s32 $0x2760;
	s31 =	simm.s32 $0x6720;
	s18 =	simm.s32 $0x0  }
0x21: {  	[tilespmem:s31], [sflag:$0x2] =	stream.indirect.gather [hbm4b:s5+s14], $0x10, s19, s14, $0xb8;
	[tilespmem:$0x7620] =	vst v63  }
.LBB2_2:
0x22: {  	s7 =	sshll.u32 s18, $0x2;
	p0 =	seq.s32 s18, $0x0  }
0x23: {  	s8 =	simm.s32 @!p0 $0x7;
	s13 =	sor.u32 @!p0 $0x2, s7  }
0x24: {  	_ =	swait.ge @!p0 [sflag:s8], $0x500;
	s13 =	simm.s32 @p0 $0x2  }
0x25: {  	[sflag:s8] =	ssyncset.done @!p0 $0x0;
	s10 =	smul.u32 $0x50, s13  }
0x26: {  	[sflag:s8] =	ssyncadd.s32 @!p0 $0xFFFFFB00  }
0x27: {  	[tilespmem:s21], [sflag:$0x3] =	stream.indirect.gather [hbm4b:s4+s14], $0x10, s10, s14, $0xb8;
	[tilespmem:$0x7620] =	vst v63  }
0x28: {  	s31 =	sadd.s32 $0x2710, s10  }
0x29: {  	[tilespmem:s22], [sflag:$0x3] =	stream.indirect.gather [hbm4b:s5+s14], $0x10, s31, s14, $0xb8;
	[tilespmem:$0x7620] =	vst v63  }
0x2a: {  	_ =	swait.ge [sflag:s23], $0x500  }
0x2b: {  	[sflag:s23] =	ssyncset.done $0x0  }
0x2c: {  	[sflag:s23] =	ssyncadd.s32 $0xFFFFFB00  }
0x2d: {  	_ =	swait.ge [sflag:s23], $0x500  }
0x2e: {  	[sflag:s23] =	ssyncset.done $0x0  }
0x2f: {  	s19 =	simm.s32 $0x4E60;
	[sflag:s23] =	ssyncadd.s32 $0xFFFFFB00  }
0x30: {  	s8 =	simm.s32 $0x6260;
	v0 =	vld [tilespmem:s19+$0xFFFFFFC0]  }
0x31: {  	v1 =	vld [tilespmem:s8+$0xFFFFFFC0];
	_ =	sdelay $0x4  }
0x32: {  	v0 =	vadd.f32 v1, v0;
	_ =	sdelay $0x1  }
0x33: {  	[tilespmem:s19+$0xFFFFFFC0] =	vst v0;
	v0 =	vld [tilespmem:s19+$0xFFFFFFD0]  }
0x34: {  	v1 =	vld [tilespmem:s8+$0xFFFFFFD0];
	_ =	sdelay $0x4  }
0x35: {  	v0 =	vadd.f32 v1, v0;
	_ =	sdelay $0x1  }
0x36: {  	[tilespmem:s19+$0xFFFFFFD0] =	vst v0;
	v0 =	vld [tilespmem:s19+$0xFFFFFFE0]  }
0x37: {  	v1 =	vld [tilespmem:s8+$0xFFFFFFE0];
	_ =	sdelay $0x4  }
0x38: {  	v0 =	vadd.f32 v1, v0;
	_ =	sdelay $0x1  }
0x39: {  	[tilespmem:s19+$0xFFFFFFE0] =	vst v0;
	v0 =	vld [tilespmem:s19+$0xFFFFFFF0]  }
0x3a: {  	v1 =	vld [tilespmem:s8+$0xFFFFFFF0];
	_ =	sdelay $0x4  }
0x3b: {  	v0 =	vadd.f32 v1, v0;
	_ =	sdelay $0x1  }
0x3c: {  	[tilespmem:s19+$0xFFFFFFF0] =	vst v0;
	v0 =	vld [tilespmem:s19+$0x0]  }
0x3d: {  	v1 =	vld [tilespmem:s8+$0x0];
	_ =	sdelay $0x4  }
0x3e: {  	v0 =	vadd.f32 v1, v0;
	_ =	sdelay $0x1  }
0x3f: {  	[tilespmem:s19+$0x0] =	vst v0;
	v0 =	vld [tilespmem:s19+$0x10]  }
0x40: {  	v1 =	vld [tilespmem:s8+$0x10];
	_ =	sdelay $0x4  }
0x41: {  	v0 =	vadd.f32 v1, v0;
	_ =	sdelay $0x1  }
0x42: {  	[tilespmem:s19+$0x10] =	vst v0;
	v0 =	vld [tilespmem:s19+$0x20]  }
0x43: {  	v1 =	vld [tilespmem:s8+$0x20];
	_ =	sdelay $0x4  }
0x44: {  	v0 =	vadd.f32 v1, v0;
	_ =	sdelay $0x1  }
0x45: {  	[tilespmem:s19+$0x20] =	vst v0;
	v0 =	vld [tilespmem:s19+$0x30]  }
0x46: {  	v1 =	vld [tilespmem:s8+$0x30];
	_ =	sdelay $0x4  }
0x47: {  	v0 =	vadd.f32 v1, v0  }
0x48: {  	s11 =	simm.s32 $0x4EE0;
	s10 =	simm.s32 $0x0  }
.LBB2_3:
0x49: {  	v1 =	vld [tilespmem:s11+$0xFFFFFFC0];
	[tilespmem:s19+$0x30] =	vst v0;
	s8 =	sadd.s32 $0x80, s8;
	s19 =	smov.u32 s11  }
0x4a: {  	s10 =	sadd.s32 $0x8, s10;
	v0 =	vld [tilespmem:s8+$0xFFFFFFC0]  }
0x4b: {  	p1 =	slt.u32 s10, $0x48;
	_ =	sdelay $0x3  }
0x4c: {  	v0 =	vadd.f32 v0, v1;
	_ =	sdelay $0x1  }
0x4d: {  	[tilespmem:s11+$0xFFFFFFC0] =	vst v0;
	v0 =	vld [tilespmem:s11+$0xFFFFFFD0]  }
0x4e: {  	v1 =	vld [tilespmem:s8+$0xFFFFFFD0];
	_ =	sdelay $0x4  }
0x4f: {  	v0 =	vadd.f32 v1, v0;
	_ =	sdelay $0x1  }
0x50: {  	[tilespmem:s11+$0xFFFFFFD0] =	vst v0;
	v0 =	vld [tilespmem:s11+$0xFFFFFFE0]  }
0x51: {  	v1 =	vld [tilespmem:s8+$0xFFFFFFE0];
	_ =	sdelay $0x4  }
0x52: {  	v0 =	vadd.f32 v1, v0;
	_ =	sdelay $0x1  }
0x53: {  	[tilespmem:s11+$0xFFFFFFE0] =	vst v0;
	v0 =	vld [tilespmem:s11+$0xFFFFFFF0]  }
0x54: {  	v1 =	vld [tilespmem:s8+$0xFFFFFFF0];
	_ =	sdelay $0x4  }
0x55: {  	v0 =	vadd.f32 v1, v0;
	_ =	sdelay $0x1  }
0x56: {  	[tilespmem:s11+$0xFFFFFFF0] =	vst v0;
	v0 =	vld [tilespmem:s11+$0x0]  }
0x57: {  	v1 =	vld [tilespmem:s8+$0x0];
	_ =	sdelay $0x4  }
0x58: {  	v0 =	vadd.f32 v1, v0;
	_ =	sdelay $0x1  }
0x59: {  	[tilespmem:s11+$0x0] =	vst v0;
	v0 =	vld [tilespmem:s11+$0x10]  }
0x5a: {  	v1 =	vld [tilespmem:s8+$0x10];
	_ =	sdelay $0x4  }
0x5b: {  	v0 =	vadd.f32 v1, v0;
	_ =	sdelay $0x1  }
0x5c: {  	[tilespmem:s11+$0x10] =	vst v0;
	v0 =	vld [tilespmem:s11+$0x20]  }
0x5d: {  	v1 =	vld [tilespmem:s8+$0x20];
	_ =	sdelay $0x4  }
0x5e: {  	v0 =	vadd.f32 v1, v0;
	_ =	sdelay $0x1  }
0x5f: {  	[tilespmem:s11+$0x20] =	vst v0;
	v0 =	vld [tilespmem:s11+$0x30]  }
0x60: {  	v1 =	vld [tilespmem:s8+$0x30];
	_ =	sdelay $0x1  }
.Ltmp0:
0x61: {  	(pc) =	sbr.rel @p1 .LBB2_3-.Ltmp0, $3  }
0x62: {  	_ =	sdelay $0x1  }
0x63: {  	v0 =	vadd.f32 v1, v0  }
0x64: {  	s11 =	sadd.s32 $0x80, s11  }
0x65: {  	s8 =	sadd.s32 s6, s7  }
0x66: {  	s8 =	smul.u32 $0xA0, s8;
	_ =	sdelay $0x1  }
0x67: {  	[tilespmem:s19+$0x30] =	vst v0;
	s8 =	sadd.s32 s2, s8  }
0x68: {  	[hbm4b:s8+s3] =	stream.linear.scatter [tilespmem:s15], [sflag:$0x5], $0x500, $0x38;
	[tilespmem:$0x7620] =	vst v63  }
0x69: {  	s19 =	sor.u32 @!p0 $0x3, s7;
	s8 =	simm.s32 @!p0 $0x8  }
0x6a: {  	s19 =	simm.s32 @p0 $0x3;
	_ =	swait.ge @!p0 [sflag:s8], $0x500  }
0x6b: {  	s10 =	smul.u32 $0x50, s19;
	[sflag:s8] =	ssyncset.done @!p0 $0x0  }
0x6c: {  	[sflag:s8] =	ssyncadd.s32 @!p0 $0xFFFFFB00  }
0x6d: {  	[tilespmem:s25], [sflag:$0x4] =	stream.indirect.gather [hbm4b:s4+s14], $0x10, s10, s14, $0xb8;
	[tilespmem:$0x7620] =	vst v63  }
0x6e: {  	s11 =	sadd.s32 $0x2710, s10  }
0x6f: {  	[tilespmem:s26], [sflag:$0x4] =	stream.indirect.gather [hbm4b:s5+s14], $0x10, s11, s14, $0xb8;
	[tilespmem:$0x7620] =	vst v63  }
0x70: {  	_ =	swait.ge [sflag:s20], $0x500  }
0x71: {  	[sflag:s20] =	ssyncset.done $0x0  }
0x72: {  	[sflag:s20] =	ssyncadd.s32 $0xFFFFFB00  }
0x73: {  	_ =	swait.ge [sflag:s20], $0x500  }
0x74: {  	[sflag:s20] =	ssyncset.done $0x0  }
0x75: {  	s8 =	simm.s32 $0x5360;
	[sflag:s20] =	ssyncadd.s32 $0xFFFFFB00  }
0x76: {  	s10 =	simm.s32 $0x6760;
	v0 =	vld [tilespmem:s8+$0xFFFFFFC0]  }
0x77: {  	v1 =	vld [tilespmem:s10+$0xFFFFFFC0];
	_ =	sdelay $0x4  }
0x78: {  	v0 =	vadd.f32 v1, v0;
	_ =	sdelay $0x1  }
0x79: {  	[tilespmem:s8+$0xFFFFFFC0] =	vst v0;
	v0 =	vld [tilespmem:s8+$0xFFFFFFD0]  }
0x7a: {  	v1 =	vld [tilespmem:s10+$0xFFFFFFD0];
	_ =	sdelay $0x4  }
0x7b: {  	v0 =	vadd.f32 v1, v0;
	_ =	sdelay $0x1  }
0x7c: {  	[tilespmem:s8+$0xFFFFFFD0] =	vst v0;
	v0 =	vld [tilespmem:s8+$0xFFFFFFE0]  }
0x7d: {  	v1 =	vld [tilespmem:s10+$0xFFFFFFE0];
	_ =	sdelay $0x4  }
0x7e: {  	v0 =	vadd.f32 v1, v0;
	_ =	sdelay $0x1  }
0x7f: {  	[tilespmem:s8+$0xFFFFFFE0] =	vst v0;
	v0 =	vld [tilespmem:s8+$0xFFFFFFF0]  }
0x80: {  	v1 =	vld [tilespmem:s10+$0xFFFFFFF0];
	_ =	sdelay $0x4  }
0x81: {  	v0 =	vadd.f32 v1, v0;
	_ =	sdelay $0x1  }
0x82: {  	[tilespmem:s8+$0xFFFFFFF0] =	vst v0;
	v0 =	vld [tilespmem:s8+$0x0]  }
0x83: {  	v1 =	vld [tilespmem:s10+$0x0];
	_ =	sdelay $0x4  }
0x84: {  	v0 =	vadd.f32 v1, v0;
	_ =	sdelay $0x1  }
0x85: {  	[tilespmem:s8+$0x0] =	vst v0;
	v0 =	vld [tilespmem:s8+$0x10]  }
0x86: {  	v1 =	vld [tilespmem:s10+$0x10];
	_ =	sdelay $0x4  }
0x87: {  	v0 =	vadd.f32 v1, v0;
	_ =	sdelay $0x1  }
0x88: {  	[tilespmem:s8+$0x10] =	vst v0;
	v0 =	vld [tilespmem:s8+$0x20]  }
0x89: {  	v1 =	vld [tilespmem:s10+$0x20];
	_ =	sdelay $0x4  }
0x8a: {  	v0 =	vadd.f32 v1, v0;
	_ =	sdelay $0x1  }
0x8b: {  	[tilespmem:s8+$0x20] =	vst v0;
	v0 =	vld [tilespmem:s8+$0x30]  }
0x8c: {  	v1 =	vld [tilespmem:s10+$0x30];
	_ =	sdelay $0x4  }
0x8d: {  	v0 =	vadd.f32 v1, v0  }
0x8e: {  	s31 =	simm.s32 $0x53E0;
	s11 =	simm.s32 $0x0  }
.LBB2_5:
0x8f: {  	v1 =	vld [tilespmem:s31+$0xFFFFFFC0];
	[tilespmem:s8+$0x30] =	vst v0;
	s10 =	sadd.s32 $0x80, s10;
	s8 =	smov.u32 s31  }
0x90: {  	s11 =	sadd.s32 $0x8, s11;
	v0 =	vld [tilespmem:s10+$0xFFFFFFC0]  }
0x91: {  	p0 =	slt.u32 s11, $0x48;
	_ =	sdelay $0x3  }
0x92: {  	v0 =	vadd.f32 v0, v1;
	_ =	sdelay $0x1  }
0x93: {  	[tilespmem:s31+$0xFFFFFFC0] =	vst v0;
	v0 =	vld [tilespmem:s31+$0xFFFFFFD0]  }
0x94: {  	v1 =	vld [tilespmem:s10+$0xFFFFFFD0];
	_ =	sdelay $0x4  }
0x95: {  	v0 =	vadd.f32 v1, v0;
	_ =	sdelay $0x1  }
0x96: {  	[tilespmem:s31+$0xFFFFFFD0] =	vst v0;
	v0 =	vld [tilespmem:s31+$0xFFFFFFE0]  }
0x97: {  	v1 =	vld [tilespmem:s10+$0xFFFFFFE0];
	_ =	sdelay $0x4  }
0x98: {  	v0 =	vadd.f32 v1, v0;
	_ =	sdelay $0x1  }
0x99: {  	[tilespmem:s31+$0xFFFFFFE0] =	vst v0;
	v0 =	vld [tilespmem:s31+$0xFFFFFFF0]  }
0x9a: {  	v1 =	vld [tilespmem:s10+$0xFFFFFFF0];
	_ =	sdelay $0x4  }
0x9b: {  	v0 =	vadd.f32 v1, v0;
	_ =	sdelay $0x1  }
0x9c: {  	[tilespmem:s31+$0xFFFFFFF0] =	vst v0;
	v0 =	vld [tilespmem:s31+$0x0]  }
0x9d: {  	v1 =	vld [tilespmem:s10+$0x0];
	_ =	sdelay $0x4  }
0x9e: {  	v0 =	vadd.f32 v1, v0;
	_ =	sdelay $0x1  }
0x9f: {  	[tilespmem:s31+$0x0] =	vst v0;
	v0 =	vld [tilespmem:s31+$0x10]  }
0xa0: {  	v1 =	vld [tilespmem:s10+$0x10];
	_ =	sdelay $0x4  }
0xa1: {  	v0 =	vadd.f32 v1, v0;
	_ =	sdelay $0x1  }
0xa2: {  	[tilespmem:s31+$0x10] =	vst v0;
	v0 =	vld [tilespmem:s31+$0x20]  }
0xa3: {  	v1 =	vld [tilespmem:s10+$0x20];
	_ =	sdelay $0x4  }
0xa4: {  	v0 =	vadd.f32 v1, v0;
	_ =	sdelay $0x1  }
0xa5: {  	[tilespmem:s31+$0x20] =	vst v0;
	v0 =	vld [tilespmem:s31+$0x30]  }
0xa6: {  	v1 =	vld [tilespmem:s10+$0x30];
	_ =	sdelay $0x1  }
.Ltmp1:
0xa7: {  	(pc) =	sbr.rel @p0 .LBB2_5-.Ltmp1, $3  }
0xa8: {  	_ =	sdelay $0x1  }
0xa9: {  	v0 =	vadd.f32 v1, v0  }
0xaa: {  	s31 =	sadd.s32 $0x80, s31  }
0xab: {  	s7 =	sadd.s32 s7, s9  }
0xac: {  	s7 =	smul.u32 $0xA0, s7;
	_ =	sdelay $0x1  }
0xad: {  	[tilespmem:s8+$0x30] =	vst v0;
	s7 =	sadd.s32 s2, s7  }
0xae: {  	[hbm4b:s7+s3] =	stream.linear.scatter [tilespmem:s17], [sflag:$0x6], $0x500, $0x38;
	[tilespmem:$0x7620] =	vst v63  }
0xaf: {  	s7 =	smul.u32 $0x140, s18;
	_ =	swait.ge [sflag:s28], $0x500  }
0xb0: {  	[sflag:s28] =	ssyncset.done $0x0  }
0xb1: {  	s10 =	sadd.s32 $0x140, s7;
	[sflag:s28] =	ssyncadd.s32 $0xFFFFFB00  }
0xb2: {  	[tilespmem:s15], [sflag:$0x1] =	stream.indirect.gather [hbm4b:s4+s14], $0x10, s10, s14, $0xb8;
	[tilespmem:$0x7620] =	vst v63  }
0xb3: {  	s11 =	sadd.s32 $0x2850, s7  }
0xb4: {  	[tilespmem:s16], [sflag:$0x1] =	stream.indirect.gather [hbm4b:s5+s14], $0x10, s11, s14, $0xb8;
	[tilespmem:$0x7620] =	vst v63  }
0xb5: {  	_ =	swait.ge [sflag:s24], $0x500  }
0xb6: {  	[sflag:s24] =	ssyncset.done $0x0  }
0xb7: {  	[sflag:s24] =	ssyncadd.s32 $0xFFFFFB00  }
0xb8: {  	_ =	swait.ge [sflag:s24], $0x500  }
0xb9: {  	[sflag:s24] =	ssyncset.done $0x0  }
0xba: {  	s8 =	simm.s32 $0x5860;
	[sflag:s24] =	ssyncadd.s32 $0xFFFFFB00  }
0xbb: {  	s10 =	simm.s32 $0x6C60;
	v0 =	vld [tilespmem:s8+$0xFFFFFFC0]  }
0xbc: {  	v1 =	vld [tilespmem:s10+$0xFFFFFFC0];
	_ =	sdelay $0x4  }
0xbd: {  	v0 =	vadd.f32 v1, v0;
	_ =	sdelay $0x1  }
0xbe: {  	[tilespmem:s8+$0xFFFFFFC0] =	vst v0;
	v0 =	vld [tilespmem:s8+$0xFFFFFFD0]  }
0xbf: {  	v1 =	vld [tilespmem:s10+$0xFFFFFFD0];
	_ =	sdelay $0x4  }
0xc0: {  	v0 =	vadd.f32 v1, v0;
	_ =	sdelay $0x1  }
0xc1: {  	[tilespmem:s8+$0xFFFFFFD0] =	vst v0;
	v0 =	vld [tilespmem:s8+$0xFFFFFFE0]  }
0xc2: {  	v1 =	vld [tilespmem:s10+$0xFFFFFFE0];
	_ =	sdelay $0x4  }
0xc3: {  	v0 =	vadd.f32 v1, v0;
	_ =	sdelay $0x1  }
0xc4: {  	[tilespmem:s8+$0xFFFFFFE0] =	vst v0;
	v0 =	vld [tilespmem:s8+$0xFFFFFFF0]  }
0xc5: {  	v1 =	vld [tilespmem:s10+$0xFFFFFFF0];
	_ =	sdelay $0x4  }
0xc6: {  	v0 =	vadd.f32 v1, v0;
	_ =	sdelay $0x1  }
0xc7: {  	[tilespmem:s8+$0xFFFFFFF0] =	vst v0;
	v0 =	vld [tilespmem:s8+$0x0]  }
0xc8: {  	v1 =	vld [tilespmem:s10+$0x0];
	_ =	sdelay $0x4  }
0xc9: {  	v0 =	vadd.f32 v1, v0;
	_ =	sdelay $0x1  }
0xca: {  	[tilespmem:s8+$0x0] =	vst v0;
	v0 =	vld [tilespmem:s8+$0x10]  }
0xcb: {  	v1 =	vld [tilespmem:s10+$0x10];
	_ =	sdelay $0x4  }
0xcc: {  	v0 =	vadd.f32 v1, v0;
	_ =	sdelay $0x1  }
0xcd: {  	[tilespmem:s8+$0x10] =	vst v0;
	v0 =	vld [tilespmem:s8+$0x20]  }
0xce: {  	v1 =	vld [tilespmem:s10+$0x20];
	_ =	sdelay $0x4  }
0xcf: {  	v0 =	vadd.f32 v1, v0;
	_ =	sdelay $0x1  }
0xd0: {  	[tilespmem:s8+$0x20] =	vst v0;
	v0 =	vld [tilespmem:s8+$0x30]  }
0xd1: {  	v1 =	vld [tilespmem:s10+$0x30];
	_ =	sdelay $0x4  }
0xd2: {  	v0 =	vadd.f32 v1, v0  }
0xd3: {  	s31 =	simm.s32 $0x58E0;
	s11 =	simm.s32 $0x0  }
.LBB2_7:
0xd4: {  	v1 =	vld [tilespmem:s31+$0xFFFFFFC0];
	[tilespmem:s8+$0x30] =	vst v0;
	s10 =	sadd.s32 $0x80, s10;
	s8 =	smov.u32 s31  }
0xd5: {  	s11 =	sadd.s32 $0x8, s11;
	v0 =	vld [tilespmem:s10+$0xFFFFFFC0]  }
0xd6: {  	p0 =	slt.u32 s11, $0x48;
	_ =	sdelay $0x3  }
0xd7: {  	v0 =	vadd.f32 v0, v1;
	_ =	sdelay $0x1  }
0xd8: {  	[tilespmem:s31+$0xFFFFFFC0] =	vst v0;
	v0 =	vld [tilespmem:s31+$0xFFFFFFD0]  }
0xd9: {  	v1 =	vld [tilespmem:s10+$0xFFFFFFD0];
	_ =	sdelay $0x4  }
0xda: {  	v0 =	vadd.f32 v1, v0;
	_ =	sdelay $0x1  }
0xdb: {  	[tilespmem:s31+$0xFFFFFFD0] =	vst v0;
	v0 =	vld [tilespmem:s31+$0xFFFFFFE0]  }
0xdc: {  	v1 =	vld [tilespmem:s10+$0xFFFFFFE0];
	_ =	sdelay $0x4  }
0xdd: {  	v0 =	vadd.f32 v1, v0;
	_ =	sdelay $0x1  }
0xde: {  	[tilespmem:s31+$0xFFFFFFE0] =	vst v0;
	v0 =	vld [tilespmem:s31+$0xFFFFFFF0]  }
0xdf: {  	v1 =	vld [tilespmem:s10+$0xFFFFFFF0];
	_ =	sdelay $0x4  }
0xe0: {  	v0 =	vadd.f32 v1, v0;
	_ =	sdelay $0x1  }
0xe1: {  	[tilespmem:s31+$0xFFFFFFF0] =	vst v0;
	v0 =	vld [tilespmem:s31+$0x0]  }
0xe2: {  	v1 =	vld [tilespmem:s10+$0x0];
	_ =	sdelay $0x4  }
0xe3: {  	v0 =	vadd.f32 v1, v0;
	_ =	sdelay $0x1  }
0xe4: {  	[tilespmem:s31+$0x0] =	vst v0;
	v0 =	vld [tilespmem:s31+$0x10]  }
0xe5: {  	v1 =	vld [tilespmem:s10+$0x10];
	_ =	sdelay $0x4  }
0xe6: {  	v0 =	vadd.f32 v1, v0;
	_ =	sdelay $0x1  }
0xe7: {  	[tilespmem:s31+$0x10] =	vst v0;
	v0 =	vld [tilespmem:s31+$0x20]  }
0xe8: {  	v1 =	vld [tilespmem:s10+$0x20];
	_ =	sdelay $0x4  }
0xe9: {  	v0 =	vadd.f32 v1, v0;
	_ =	sdelay $0x1  }
0xea: {  	[tilespmem:s31+$0x20] =	vst v0;
	v0 =	vld [tilespmem:s31+$0x30]  }
0xeb: {  	v1 =	vld [tilespmem:s10+$0x30];
	_ =	sdelay $0x1  }
.Ltmp2:
0xec: {  	(pc) =	sbr.rel @p0 .LBB2_7-.Ltmp2, $3  }
0xed: {  	_ =	sdelay $0x1  }
0xee: {  	v0 =	vadd.f32 v1, v0  }
0xef: {  	s31 =	sadd.s32 $0x80, s31  }
0xf0: {  	s10 =	sadd.s32 s6, s13  }
0xf1: {  	s10 =	smul.u32 $0xA0, s10;
	_ =	sdelay $0x1  }
0xf2: {  	[tilespmem:s8+$0x30] =	vst v0;
	s31 =	sadd.s32 s2, s10  }
0xf3: {  	[hbm4b:s31+s3] =	stream.linear.scatter [tilespmem:s21], [sflag:$0x7], $0x500, $0x38;
	[tilespmem:$0x7620] =	vst v63  }
0xf4: {  	p0 =	seq.s32 s18, $0x1E;
	_ =	swait.ge [sflag:s29], $0x500  }
0xf5: {  	s8 =	sadd.s32 @!p0 $0x190, s7;
	[sflag:s29] =	ssyncset.done $0x0  }
0xf6: {  	s11 =	simm.s32 @!p0 $0x5320;
	s10 =	simm.s32 @!p0 $0x50;
	[sflag:s29] =	ssyncadd.s32 $0xFFFFFB00  }
0xf7: {  	[tilespmem:s11], [sflag:$0x2] =	stream.indirect.gather @!p0 [hbm4b:s4+s10], $0x10, s8, s10, $0xb8;
	[tilespmem:$0x7620] =	vst v63  }
0xf8: {  	s7 =	sadd.s32 @!p0 $0x28A0, s7;
	s8 =	simm.s32 @!p0 $0x6720  }
0xf9: {  	[tilespmem:s8], [sflag:$0x2] =	stream.indirect.gather @!p0 [hbm4b:s5+s10], $0x10, s7, s10, $0xb8;
	[tilespmem:$0x7620] =	vst v63  }
0xfa: {  	_ =	swait.ge [sflag:s30], $0x500  }
0xfb: {  	[sflag:s30] =	ssyncset.done $0x0  }
0xfc: {  	[sflag:s30] =	ssyncadd.s32 $0xFFFFFB00  }
0xfd: {  	_ =	swait.ge [sflag:s30], $0x500  }
0xfe: {  	[sflag:s30] =	ssyncset.done $0x0  }
0xff: {  	s7 =	simm.s32 $0x5D60;
	[sflag:s30] =	ssyncadd.s32 $0xFFFFFB00  }
0x100: {  	s8 =	simm.s32 $0x7160;
	v0 =	vld [tilespmem:s7+$0xFFFFFFC0]  }
0x101: {  	v1 =	vld [tilespmem:s8+$0xFFFFFFC0];
	_ =	sdelay $0x4  }
0x102: {  	v0 =	vadd.f32 v1, v0;
	_ =	sdelay $0x1  }
0x103: {  	[tilespmem:s7+$0xFFFFFFC0] =	vst v0;
	v0 =	vld [tilespmem:s7+$0xFFFFFFD0]  }
0x104: {  	v1 =	vld [tilespmem:s8+$0xFFFFFFD0];
	_ =	sdelay $0x4  }
0x105: {  	v0 =	vadd.f32 v1, v0;
	_ =	sdelay $0x1  }
0x106: {  	[tilespmem:s7+$0xFFFFFFD0] =	vst v0;
	v0 =	vld [tilespmem:s7+$0xFFFFFFE0]  }
0x107: {  	v1 =	vld [tilespmem:s8+$0xFFFFFFE0];
	_ =	sdelay $0x4  }
0x108: {  	v0 =	vadd.f32 v1, v0;
	_ =	sdelay $0x1  }
0x109: {  	[tilespmem:s7+$0xFFFFFFE0] =	vst v0;
	v0 =	vld [tilespmem:s7+$0xFFFFFFF0]  }
0x10a: {  	v1 =	vld [tilespmem:s8+$0xFFFFFFF0];
	_ =	sdelay $0x4  }
0x10b: {  	v0 =	vadd.f32 v1, v0;
	_ =	sdelay $0x1  }
0x10c: {  	[tilespmem:s7+$0xFFFFFFF0] =	vst v0;
	v0 =	vld [tilespmem:s7+$0x0]  }
0x10d: {  	v1 =	vld [tilespmem:s8+$0x0];
	_ =	sdelay $0x4  }
0x10e: {  	v0 =	vadd.f32 v1, v0;
	_ =	sdelay $0x1  }
0x10f: {  	[tilespmem:s7+$0x0] =	vst v0;
	v0 =	vld [tilespmem:s7+$0x10]  }
0x110: {  	v1 =	vld [tilespmem:s8+$0x10];
	_ =	sdelay $0x4  }
0x111: {  	v0 =	vadd.f32 v1, v0;
	_ =	sdelay $0x1  }
0x112: {  	[tilespmem:s7+$0x10] =	vst v0;
	v0 =	vld [tilespmem:s7+$0x20]  }
0x113: {  	v1 =	vld [tilespmem:s8+$0x20];
	_ =	sdelay $0x4  }
0x114: {  	v0 =	vadd.f32 v1, v0;
	_ =	sdelay $0x1  }
0x115: {  	[tilespmem:s7+$0x20] =	vst v0;
	v0 =	vld [tilespmem:s7+$0x30]  }
0x116: {  	v1 =	vld [tilespmem:s8+$0x30];
	_ =	sdelay $0x4  }
0x117: {  	v0 =	vadd.f32 v1, v0  }
0x118: {  	s11 =	simm.s32 $0x5DE0;
	s10 =	simm.s32 $0x0  }
.LBB2_9:
0x119: {  	v1 =	vld [tilespmem:s11+$0xFFFFFFC0];
	[tilespmem:s7+$0x30] =	vst v0;
	s8 =	sadd.s32 $0x80, s8;
	s7 =	smov.u32 s11  }
0x11a: {  	s10 =	sadd.s32 $0x8, s10;
	v0 =	vld [tilespmem:s8+$0xFFFFFFC0]  }
0x11b: {  	p0 =	slt.u32 s10, $0x48;
	_ =	sdelay $0x3  }
0x11c: {  	v0 =	vadd.f32 v0, v1;
	_ =	sdelay $0x1  }
0x11d: {  	[tilespmem:s11+$0xFFFFFFC0] =	vst v0;
	v0 =	vld [tilespmem:s11+$0xFFFFFFD0]  }
0x11e: {  	v1 =	vld [tilespmem:s8+$0xFFFFFFD0];
	_ =	sdelay $0x4  }
0x11f: {  	v0 =	vadd.f32 v1, v0;
	_ =	sdelay $0x1  }
0x120: {  	[tilespmem:s11+$0xFFFFFFD0] =	vst v0;
	v0 =	vld [tilespmem:s11+$0xFFFFFFE0]  }
0x121: {  	v1 =	vld [tilespmem:s8+$0xFFFFFFE0];
	_ =	sdelay $0x4  }
0x122: {  	v0 =	vadd.f32 v1, v0;
	_ =	sdelay $0x1  }
0x123: {  	[tilespmem:s11+$0xFFFFFFE0] =	vst v0;
	v0 =	vld [tilespmem:s11+$0xFFFFFFF0]  }
0x124: {  	v1 =	vld [tilespmem:s8+$0xFFFFFFF0];
	_ =	sdelay $0x4  }
0x125: {  	v0 =	vadd.f32 v1, v0;
	_ =	sdelay $0x1  }
0x126: {  	[tilespmem:s11+$0xFFFFFFF0] =	vst v0;
	v0 =	vld [tilespmem:s11+$0x0]  }
0x127: {  	v1 =	vld [tilespmem:s8+$0x0];
	_ =	sdelay $0x4  }
0x128: {  	v0 =	vadd.f32 v1, v0;
	_ =	sdelay $0x1  }
0x129: {  	[tilespmem:s11+$0x0] =	vst v0;
	v0 =	vld [tilespmem:s11+$0x10]  }
0x12a: {  	v1 =	vld [tilespmem:s8+$0x10];
	_ =	sdelay $0x4  }
0x12b: {  	v0 =	vadd.f32 v1, v0;
	_ =	sdelay $0x1  }
0x12c: {  	[tilespmem:s11+$0x10] =	vst v0;
	v0 =	vld [tilespmem:s11+$0x20]  }
0x12d: {  	v1 =	vld [tilespmem:s8+$0x20];
	_ =	sdelay $0x4  }
0x12e: {  	v0 =	vadd.f32 v1, v0;
	_ =	sdelay $0x1  }
0x12f: {  	[tilespmem:s11+$0x20] =	vst v0;
	v0 =	vld [tilespmem:s11+$0x30]  }
0x130: {  	v1 =	vld [tilespmem:s8+$0x30];
	_ =	sdelay $0x1  }
.Ltmp3:
0x131: {  	(pc) =	sbr.rel @p0 .LBB2_9-.Ltmp3, $3  }
0x132: {  	_ =	sdelay $0x1  }
0x133: {  	v0 =	vadd.f32 v1, v0  }
0x134: {  	s11 =	sadd.s32 $0x80, s11  }
0x135: {  	s18 =	sadd.s32 $0x1, s18  }
0x136: {  	p0 =	sne.s32 s18, $0x1F  }
.Ltmp4:
0x137: {  	s8 =	sadd.s32 s6, s19;
	(pc) =	sbr.rel @p0 .LBB2_2-.Ltmp4, $3  }
0x138: {  	s8 =	smul.u32 $0xA0, s8;
	_ =	sdelay $0x1  }
0x139: {  	[tilespmem:s7+$0x30] =	vst v0;
	s31 =	sadd.s32 s2, s8  }
0x13a: {  	[hbm4b:s31+s3] =	stream.linear.scatter [tilespmem:s25], [sflag:$0x8], $0x500, $0x38;
	[tilespmem:$0x7620] =	vst v63  }
0x13b: {  	_ =	swait.ge [sflag:s23], $0x500  }
0x13c: {  	[sflag:s23] =	ssyncset.done $0x0  }
0x13d: {  	[sflag:s23] =	ssyncadd.s32 $0xFFFFFB00  }
0x13e: {  	_ =	swait.ge [sflag:s23], $0x500  }
0x13f: {  	[sflag:s23] =	ssyncset.done $0x0  }
0x140: {  	s7 =	simm.s32 $0x4E60;
	[sflag:s23] =	ssyncadd.s32 $0xFFFFFB00  }
0x141: {  	s8 =	simm.s32 $0x6260;
	v0 =	vld [tilespmem:s7+$0xFFFFFFC0]  }
0x142: {  	v1 =	vld [tilespmem:s8+$0xFFFFFFC0];
	_ =	sdelay $0x4  }
0x143: {  	v0 =	vadd.f32 v1, v0;
	_ =	sdelay $0x1  }
0x144: {  	[tilespmem:s7+$0xFFFFFFC0] =	vst v0;
	v0 =	vld [tilespmem:s7+$0xFFFFFFD0]  }
0x145: {  	v1 =	vld [tilespmem:s8+$0xFFFFFFD0];
	_ =	sdelay $0x4  }
0x146: {  	v0 =	vadd.f32 v1, v0;
	_ =	sdelay $0x1  }
0x147: {  	[tilespmem:s7+$0xFFFFFFD0] =	vst v0;
	v0 =	vld [tilespmem:s7+$0xFFFFFFE0]  }
0x148: {  	v1 =	vld [tilespmem:s8+$0xFFFFFFE0];
	_ =	sdelay $0x4  }
0x149: {  	v0 =	vadd.f32 v1, v0;
	_ =	sdelay $0x1  }
0x14a: {  	[tilespmem:s7+$0xFFFFFFE0] =	vst v0;
	v0 =	vld [tilespmem:s7+$0xFFFFFFF0]  }
0x14b: {  	v1 =	vld [tilespmem:s8+$0xFFFFFFF0];
	_ =	sdelay $0x4  }
0x14c: {  	v0 =	vadd.f32 v1, v0;
	_ =	sdelay $0x1  }
0x14d: {  	[tilespmem:s7+$0xFFFFFFF0] =	vst v0;
	v0 =	vld [tilespmem:s7+$0x0]  }
0x14e: {  	v1 =	vld [tilespmem:s8+$0x0];
	_ =	sdelay $0x4  }
0x14f: {  	v0 =	vadd.f32 v1, v0;
	_ =	sdelay $0x1  }
0x150: {  	[tilespmem:s7+$0x0] =	vst v0;
	v0 =	vld [tilespmem:s7+$0x10]  }
0x151: {  	v1 =	vld [tilespmem:s8+$0x10];
	_ =	sdelay $0x4  }
0x152: {  	v0 =	vadd.f32 v1, v0;
	_ =	sdelay $0x1  }
0x153: {  	[tilespmem:s7+$0x10] =	vst v0;
	v0 =	vld [tilespmem:s7+$0x20]  }
0x154: {  	v1 =	vld [tilespmem:s8+$0x20];
	_ =	sdelay $0x4  }
0x155: {  	v0 =	vadd.f32 v1, v0;
	_ =	sdelay $0x1  }
0x156: {  	[tilespmem:s7+$0x20] =	vst v0;
	v0 =	vld [tilespmem:s7+$0x30]  }
0x157: {  	v1 =	vld [tilespmem:s8+$0x30];
	_ =	sdelay $0x4  }
0x158: {  	v0 =	vadd.f32 v1, v0  }
0x159: {  	s10 =	simm.s32 $0x0;
	s11 =	simm.s32 $0x4EE0  }
.LBB2_12:
0x15a: {  	v1 =	vld [tilespmem:s11+$0xFFFFFFC0];
	[tilespmem:s7+$0x30] =	vst v0;
	s8 =	sadd.s32 $0x80, s8;
	s7 =	smov.u32 s11  }
0x15b: {  	s10 =	sadd.s32 $0x8, s10;
	v0 =	vld [tilespmem:s8+$0xFFFFFFC0]  }
0x15c: {  	p0 =	slt.u32 s10, $0x48;
	_ =	sdelay $0x3  }
0x15d: {  	v0 =	vadd.f32 v0, v1;
	_ =	sdelay $0x1  }
0x15e: {  	[tilespmem:s11+$0xFFFFFFC0] =	vst v0;
	v0 =	vld [tilespmem:s11+$0xFFFFFFD0]  }
0x15f: {  	v1 =	vld [tilespmem:s8+$0xFFFFFFD0];
	_ =	sdelay $0x4  }
0x160: {  	v0 =	vadd.f32 v1, v0;
	_ =	sdelay $0x1  }
0x161: {  	[tilespmem:s11+$0xFFFFFFD0] =	vst v0;
	v0 =	vld [tilespmem:s11+$0xFFFFFFE0]  }
0x162: {  	v1 =	vld [tilespmem:s8+$0xFFFFFFE0];
	_ =	sdelay $0x4  }
0x163: {  	v0 =	vadd.f32 v1, v0;
	_ =	sdelay $0x1  }
0x164: {  	[tilespmem:s11+$0xFFFFFFE0] =	vst v0;
	v0 =	vld [tilespmem:s11+$0xFFFFFFF0]  }
0x165: {  	v1 =	vld [tilespmem:s8+$0xFFFFFFF0];
	_ =	sdelay $0x4  }
0x166: {  	v0 =	vadd.f32 v1, v0;
	_ =	sdelay $0x1  }
0x167: {  	[tilespmem:s11+$0xFFFFFFF0] =	vst v0;
	v0 =	vld [tilespmem:s11+$0x0]  }
0x168: {  	v1 =	vld [tilespmem:s8+$0x0];
	_ =	sdelay $0x4  }
0x169: {  	v0 =	vadd.f32 v1, v0;
	_ =	sdelay $0x1  }
0x16a: {  	[tilespmem:s11+$0x0] =	vst v0;
	v0 =	vld [tilespmem:s11+$0x10]  }
0x16b: {  	v1 =	vld [tilespmem:s8+$0x10];
	_ =	sdelay $0x4  }
0x16c: {  	v0 =	vadd.f32 v1, v0;
	_ =	sdelay $0x1  }
0x16d: {  	[tilespmem:s11+$0x10] =	vst v0;
	v0 =	vld [tilespmem:s11+$0x20]  }
0x16e: {  	v1 =	vld [tilespmem:s8+$0x20];
	_ =	sdelay $0x4  }
0x16f: {  	v0 =	vadd.f32 v1, v0;
	_ =	sdelay $0x1  }
0x170: {  	[tilespmem:s11+$0x20] =	vst v0;
	v0 =	vld [tilespmem:s11+$0x30]  }
0x171: {  	v1 =	vld [tilespmem:s8+$0x30];
	_ =	sdelay $0x1  }
.Ltmp5:
0x172: {  	(pc) =	sbr.rel @p0 .LBB2_12-.Ltmp5, $3  }
0x173: {  	_ =	sdelay $0x1  }
0x174: {  	v0 =	vadd.f32 v1, v0  }
0x175: {  	s11 =	sadd.s32 $0x80, s11  }
0x176: {  	[tilespmem:s7+$0x30] =	vst v0;
	s18 =	rddreg [dreg:$0x5];
	s19 =	simm.s32 $0x7  }
0x177: {  	[hbm4b:s18+s3] =	stream.linear.scatter [tilespmem:s15], [sflag:$0x5], $0x500, $0x38;
	[tilespmem:$0x7620] =	vst v63  }
0x178: {  	_ =	swait.ge [sflag:s19], $0x500  }
0x179: {  	[sflag:s19] =	ssyncset.done $0x0  }
0x17a: {  	[sflag:s19] =	ssyncadd.s32 $0xFFFFFB00  }
0x17b: {  	_ =	swait.ge [sflag:s0], $0x500  }
0x17c: {  	[sflag:s0] =	ssyncset.done $0x0  }
0x17d: {  	[sflag:s0] =	ssyncadd.s32 $0xFFFFFB00  }
0x17e: {  	_ =	swait.ge [sflag:s28], $0x500  }
0x17f: {  	s1 =	sadd.s32 $0x1, s1;
	s31 =	rddreg [dreg:$0x6]  }
0x180: {  	p0 =	sne.s32 s1, s31  }
.Ltmp6:
0x181: {  	_ = 	snop;
	(pc) =	sbr.rel @p0 .LBB2_1-.Ltmp6, $3  }
0x182: {  	_ =	sdelay $0x1  }
0x183: {  	[sflag:s28] =	ssyncset.done $0x0  }
0x184: {  	[sflag:s28] =	ssyncadd.s32 $0xFFFFFB00  }
0x185: {  	_ =	sfence.sel $0x180000  }
0x186: {  	[bflag:$0x0] =	sbarrier.arrive $0xFFFF  }
0x187: {  	_ =	strace $0x90000053  }
0x188: {  	s0 =	stileid.u32;
	[bflag:$0x2] =	sbarrier.arrive $0xFFFF  }
0x189: {  	p0 =	sne.s32 s0, $0x0;
	s0 =	rddreg [dreg:$0x2]  }
0x18a: {  	s0 =	sadd.s32 @!p0 $0x100000, s0  }
0x18b: {  	[sflag:s0] =	ssyncadd.tile.s32 @!p0 $0x1;
	_ =	shalt  }
.Lfunc_end2:
_tile_overlayer_lowered:
.L_overlay_start_2:
0x18c: {  	(tag) =	ssettag $0x2  }
0x18d: {  	s0 =	rddreg [dreg:$0x0];
	s2 =	stileid.u32  }
0x18e: {  	s1 =	rddreg [dreg:$0x1];
	p0 =	sne.s32 s2, $0x0  }
0x18f: {  	s3 =	rddreg [dreg:$0x2];
	[bflag:$0x3] =	sbarrier.arrive $0xFFFF;
	s2 =	simm.s32 @!p0 $0x1C09  }
0x190: {  	[timem:s3], [sflag:s2] =	dma.local @!p0 [hbm:s0], s1  }
0x191: {  	s0 =	simm.s32 @!p0 $0x9  }
0x192: {  	_ =	swait.ge @!p0 [sflag:s0], s1  }
0x193: {  	s1 =	ssub.s32 @!p0 $0x0, s1;
	[sflag:s0] =	ssyncset.done @!p0 $0x0  }
0x194: {  	[sflag:s0] =	ssyncadd.s32 @!p0 s1  }
0x195: {  	[bflag:$0x3] =	sbarrier.arrive $0xFFFF  }
0x196: {  	_ =	shalt  }

// kernel: kernel.28.cloned.1.call-start
scs
__scs_entry_jumppad:
0x0: {  	(pc) =	sbr.rel $0x88, $3  }
0x1: {  	(tag) =	ssettag $0x0;
	lr =	simm.s32 $0x1  }
0x2: {  	[smem:$0x3F95] =	sst lr;
	_ =	strace $0xD0000000  }
0x3: {  	_ = 	snop  }
0x4: {  	_ = 	snop  }
0x5: {  	_ = 	snop  }
0x6: {  	_ = 	snop  }
0x7: {  	_ = 	snop  }
__scs_overlays_trampoline_lowered:
0x8: {  	[smem:$0x3FA4] =	sst s0  }
0x9: {  	[smem:$0x3FA5] =	sst s1  }
0xa: {  	[smem:$0x3FA6] =	sst s2  }
0xb: {  	[smem:$0x3FA7] =	sst s3  }
0xc: {  	[smem:$0x3FA8] =	sst s4  }
0xd: {  	[smem:$0x3FA9] =	sst s5  }
0xe: {  	[smem:$0x3FAA] =	sst s6  }
0xf: {  	[smem:$0x3FAB] =	sst s7  }
0x10: {  	[smem:$0x3FAC] =	sst s8  }
0x11: {  	[smem:$0x3FAD] =	sst s9;
	s0 =	simm.s32 @!p0 $0x0  }
0x12: {  	s1 =	sld [smem:$0x3F93];
	s0 =	simm.s32 @p0 $0x1  }
0x13: {  	[smem:$0x3FAE] =	sst s0;
	s0 =	simm.s32 @!p1 $0x0  }
0x14: {  	s2 =	sld [smem:$0x3F92];
	s0 =	simm.s32 @p1 $0x1  }
0x15: {  	[smem:$0x3FAF] =	sst s0;
	s0 =	simm.s32 @!p2 $0x0  }
0x16: {  	s3 =	sld [smem:$0x3FDB];
	s0 =	simm.s32 @p2 $0x1  }
0x17: {  	s4 =	simm.s32 $0x1BF5;
	[smem:$0x3FB1] =	sst s0  }
0x18: {  	s0 =	sld [smem:$0x3F94];
	_ =	swait.ge [sflag:s4], $0x0  }
0x19: {  	s7 =	sld [smem:$0x3F95]  }
0x1a: {  	s8 =	sadd.s32 $0xFFFFE003, lr  }
0x1b: {  	s9 =	sadd.s32 $0xFFFFFEF7, lr;
	s5 =	simm.s32 $0xFFFFFFFF;
	p2 =	slt.u32 s8, $0xFFFFF086  }
0x1c: {  	p1 =	slt.u32 s9, $0xF7A;
	s5 =	simm.s32 @!p2 $0x0  }
0x1d: {  	s5 =	simm.s32 @p1 $0x1;
	p0 =	seq.s32 s7, s2  }
0x1e: {  	s7 =	smul.u32 @!p0 $0xF7A, s2;
	p2 =	seq.s32 @!p0 s5, $0x0  }
0x1f: {  	s9 =	smul.u32 $0xF7A, s1;
	s8 =	simm.s32 @!p0 $0x1BF5;
	p2 =	por !p2, p0  }
0x20: {  	[sflag:s8] =	ssyncset.s32 @!p0 $0xFFFFF086;
	s6 =	sadd.s32 @!p0 s3, s7;
	s7 =	simm.s32 @!p0 $0x108  }
0x21: {  	s3 =	sadd.s32 s3, s9;
	s6 =	sadd.s32 @!p0 $0x88, s6;
	s7 =	simm.s32 @p2 $0x1082  }
0x22: {  	[simem:s7], [sflag:s8] =	dma.local @!p0 [hbm:s6], $0xF7A  }
0x23: {  	s9 =	sor.u32 $0xD0000000, s2;
	s6 =	simm.s32 $0x108;
	_ =	swait.ge @!p0 [sflag:s8], $0x0  }
0x24: {  	s3 =	sadd.s32 $0x88, s3;
	s6 =	simm.s32 @!p1 $0x1082;
	[sflag:s4] =	ssyncset.s32 $0xFFFFF086  }
0x25: {  	[simem:s6], [sflag:s4] =	dma.local [hbm:s3], $0xF7A  }
0x26: {  	[smem:$0x3F95] =	sst s1;
	(tag) =	ssettag s2;
	_ =	strace s9  }
0x27: {  	s1 =	sld [smem:$0x3FA5]  }
0x28: {  	s2 =	sld [smem:$0x3FA6]  }
0x29: {  	s4 =	sld [smem:$0x3FA8]  }
0x2a: {  	p0 =	seq.s32 s5, $0x0;
	s5 =	sld [smem:$0x3FA9]  }
0x2b: {  	s6 =	sld [smem:$0x3FAA]  }
0x2c: {  	s7 =	sld [smem:$0x3FAB]  }
0x2d: {  	s3 =	simm.s32 $0x108;
	s8 =	sld [smem:$0x3FAC]  }
0x2e: {  	s3 =	simm.s32 @!p0 $0x1082;
	s9 =	sld [smem:$0x3FAD]  }
0x2f: {  	lr =	sadd.s32 s0, s3;
	s0 =	sld [smem:$0x3FA4]  }
0x30: {  	s3 =	sld [smem:$0x3FA7]  }
0x31: {  	[smem:$0x3FB0] =	sst s10  }
0x32: {  	s10 =	sld [smem:$0x3FAE];
	_ =	sdelay $0x3  }
0x33: {  	p0 =	seq.s32 s10, $0x1;
	s10 =	sld [smem:$0x3FB0];
	_ =	sdelay $0x3  }
0x34: {  	[smem:$0x3FB0] =	sst s10  }
0x35: {  	s10 =	sld [smem:$0x3FAF];
	_ =	sdelay $0x3  }
0x36: {  	p1 =	seq.s32 s10, $0x1;
	s10 =	sld [smem:$0x3FB0];
	_ =	sdelay $0x3  }
0x37: {  	[smem:$0x3FB0] =	sst s10  }
0x38: {  	s10 =	sld [smem:$0x3FB1]  }
0x39: {  	_ = 	snop;
	(pc) =	sbr.ind lr, $3  }
0x3a: {  	_ = 	snop  }
0x3b: {  	_ = 	snop  }
0x3c: {  	p2 =	seq.s32 s10, $0x1;
	s10 =	sld [smem:$0x3FB0]  }
0x3d: {  	_ =	shalt  }
0x3e: {  	_ =	shalt  }
0x3f: {  	_ =	shalt  }
0x40: {  	_ =	shalt  }
0x41: {  	_ =	shalt  }
0x42: {  	_ =	shalt  }
0x43: {  	_ =	shalt  }
0x44: {  	_ =	shalt  }
0x45: {  	_ =	shalt  }
0x46: {  	_ =	shalt  }
0x47: {  	_ =	shalt  }
0x48: {  	_ =	shalt  }
0x49: {  	_ =	shalt  }
0x4a: {  	_ =	shalt  }
0x4b: {  	_ =	shalt  }
0x4c: {  	_ =	shalt  }
0x4d: {  	_ =	shalt  }
0x4e: {  	_ =	shalt  }
0x4f: {  	_ =	shalt  }
0x50: {  	_ =	shalt  }
0x51: {  	_ =	shalt  }
0x52: {  	_ =	shalt  }
0x53: {  	_ =	shalt  }
0x54: {  	_ =	shalt  }
0x55: {  	_ =	shalt  }
0x56: {  	_ =	shalt  }
0x57: {  	_ =	shalt  }
0x58: {  	_ =	shalt  }
0x59: {  	_ =	shalt  }
0x5a: {  	_ =	shalt  }
0x5b: {  	_ =	shalt  }
0x5c: {  	_ =	shalt  }
0x5d: {  	_ =	shalt  }
0x5e: {  	_ =	shalt  }
0x5f: {  	_ =	shalt  }
0x60: {  	_ =	shalt  }
0x61: {  	_ =	shalt  }
0x62: {  	_ =	shalt  }
0x63: {  	_ =	shalt  }
0x64: {  	_ =	shalt  }
0x65: {  	_ =	shalt  }
0x66: {  	_ =	shalt  }
0x67: {  	_ =	shalt  }
0x68: {  	_ =	shalt  }
0x69: {  	_ =	shalt  }
0x6a: {  	_ =	shalt  }
0x6b: {  	_ =	shalt  }
0x6c: {  	_ =	shalt  }
0x6d: {  	_ =	shalt  }
0x6e: {  	_ =	shalt  }
0x6f: {  	_ =	shalt  }
0x70: {  	_ =	shalt  }
0x71: {  	_ =	shalt  }
0x72: {  	_ =	shalt  }
0x73: {  	_ =	shalt  }
0x74: {  	_ =	shalt  }
0x75: {  	_ =	shalt  }
0x76: {  	_ =	shalt  }
0x77: {  	_ =	shalt  }
0x78: {  	_ =	shalt  }
0x79: {  	_ =	shalt  }
0x7a: {  	_ =	shalt  }
0x7b: {  	_ =	shalt  }
0x7c: {  	_ =	shalt  }
0x7d: {  	_ =	shalt  }
0x7e: {  	_ =	shalt  }
0x7f: {  	_ =	shalt  }
0x80: {  	_ =	shalt  }
0x81: {  	_ =	shalt  }
0x82: {  	_ =	shalt  }
0x83: {  	_ =	shalt  }
0x84: {  	_ =	shalt  }
0x85: {  	_ =	shalt  }
0x86: {  	_ =	shalt  }
0x87: {  	_ =	shalt  }
.Lfunc_end0:
.L_simem_size_0:
called_computation.5_lowered:
.L_overlay_start_0:
0x88: {  	s2 =	sld [smem:$0x3FD9]  }
0x89: {  	s3 =	sld [smem:$0x3FFE];
	_ =	sdelay $0x1  }
0x8a: {  	s1 =	srdreg.scid  }
0x8b: {  	s0 =	sand.u32 $0x1, s1  }
0x8c: {  	s15 =	sshll.u32 s0, $0xA;
	s2 =	sadd.s32 s3, s2  }
0x8d: {  	s2 =	sadd.s32 s2, s15  }
0x8e: {  	[smem:$0x3FBC] =	sst s2  }
0x8f: {  	_ = 	snop  }
0x90: {  	s2 =	sld [smem:$0x3FD0];
	_ =	sdelay $0x2  }
0x91: {  	s16 =	simm.s32 $0xB;
	s4 =	simm.s32 $0x10  }
0x92: {  	[smem:s4], [sflag:s16] =	dma.local [hbm:s2], $0x1  }
0x93: {  	_ =	swait.eq [sflag:s16], $0x1  }
0x94: {  	[sflag:s16] =	ssyncset.done $0x0  }
0x95: {  	[sflag:s16] =	ssyncadd.s32 $0xFFFFFFFF  }
0x96: {  	s17 =	sld [smem:$0x11];
	(tm) =	ssettm $0x1  }
0x97: {  	s18 =	sld [smem:$0x3FFB];
	_ =	sdelay $0x3  }
0x98: {  	_ =	strace s18  }
0x99: {  	s2 =	sld [smem:$0x3FFC];
	_ =	sdelay $0x3  }
0x9a: {  	_ =	strace s2  }
0x9b: {  	s2 =	sld [smem:$0x3FFD];
	_ =	sdelay $0x3  }
0x9c: {  	_ =	strace s2  }
0x9d: {  	_ =	strace $0x8FFFFFFF  }
0x9e: {  	s19 =	sld [smem:$0x3FDB];
	_ =	sdelay $0x1  }
0x9f: {  	s20 =	simm.s32 $_scs_section_size  }
0xa0: {  	s5 =	simm.s32 $_size__tile_overlayer_lowered;
	s6 =	simm.s32 $_tile_overlayer_lowered  }
0xa1: {  	s7 =	simm.s32 $0x1BFF;
	s21 =	sshll.u32 s6, $0x1;
	s4 =	sadd.s32 s20, s19  }
0xa2: {  	s22 =	simm.s32 $0x0;
	s5 =	sshll.u32 s5, $0x1;
	s6 =	sadd.s32 s21, s4  }
0xa3: {  	[timem:s22], [sflag:s7] =	dma.local [hbm:s6], s5  }
0xa4: {  	_ =	swait.ge [sflag:s7], s5  }
0xa5: {  	s5 =	ssub.s32 $0x0, s5;
	[sflag:s7] =	ssyncset.done $0x0  }
0xa6: {  	[sflag:s7] =	ssyncadd.s32 s5;
	_ =	sdelay $0x1  }
0xa7: {  	s23 =	simm.s32 $0x1B8B  }
0xa8: {  	_ =	swait.ge [sflag:s23], $0x1  }
0xa9: {  	[sflag:s23] =	ssyncset.done $0x0  }
0xaa: {  	[sflag:s23] =	ssyncadd.s32 $0xFFFFFFFF  }
0xab: {  	s5 =	sld [smem:$0x0]  }
0xac: {  	s6 =	sand.u32 $0xFFFFFFFE, s1  }
0xad: {  	p0 =	sne.s32 s1, s6  }
0xae: {  	s6 =	sshll.u32 @p0 s6, $0xE  }
0xaf: {  	s6 =	sadd.s32 @p0 $0x11B8D, s6;
	s7 =	sshll.u32 @p0 s5, $0x11  }
0xb0: {  	s6 =	sor.u32 @p0 s7, s6  }
0xb1: {  	[sflag:s6] =	ssyncadd.remote.s32 @p0 $0x1;
	_ =	sdelay $0x1  }
0xb2: {  	s6 =	simm.s32 @p0 $0x1B8D  }
0xb3: {  	_ =	swait.eq @p0 [sflag:s6], $0x1  }
0xb4: {  	[sflag:s6] =	ssyncadd.s32 @p0 $0xFFFFFFFF  }
0xb5: {  	s7 =	sshll.u32 @!p0 s1, $0xE  }
0xb6: {  	s7 =	sor.u32 @!p0 $0x4000, s7;
	s6 =	simm.s32 @!p0 $0x1B8D  }
0xb7: {  	s5 =	sshll.u32 @!p0 s5, $0x11;
	s7 =	sadd.s32 @!p0 $0x11B8D, s7;
	_ =	swait.eq @!p0 [sflag:s6], $0x1  }
0xb8: {  	s5 =	sor.u32 @!p0 s5, s7;
	[sflag:s6] =	ssyncadd.s32 @!p0 $0xFFFFFFFF  }
0xb9: {  	s25 =	simm.s32 $0x1B8E;
	s24 =	sld [smem:$0x3FFE];
	[sflag:s5] =	ssyncadd.remote.s32 @!p0 $0x1  }
0xba: {  	s26 =	simm.s32 $execute0_lowered;
	[smem:$0x3FD2] =	sst s25  }
0xbb: {  	s6 =	sshll.u32 s26, $0x1;
	_ =	strace $0x80000055;
	[dreg:$0x1] =	wrdreg $0xFFFFFFFF  }
0xbc: {  	s28 =	simm.s32 $_size_execute0_lowered;
	s4 =	sadd.s32 s4, s6;
	[dreg:$0x0] =	wrdreg $0x0  }
0xbd: {  	s6 =	sshll.u32 s28, $0x1;
	[dreg:$0x2] =	wrdreg s4  }
0xbe: {  	[dreg:$0x3] =	wrdreg s6  }
0xbf: {  	[dreg:$0x4] =	wrdreg $0xC0  }
0xc0: {  	_ =	task [dreg:s22], $0x5FFFF  }
0xc1: {  	[dreg:$0x1] =	wrdreg $0xFFFFFFFF  }
0xc2: {  	[dreg:$0x0] =	wrdreg $0x60  }
0xc3: {  	[dreg:$0x2] =	wrdreg s24  }
0xc4: {  	[dreg:$0x3] =	wrdreg s17  }
0xc5: {  	[dreg:$0x4] =	wrdreg $0xA  }
0xc6: {  	_ =	task.clear_ibuf [dreg:s22], $0x5FFFF;
	_ =	strace $0x90000055  }
0xc7: {  	s29 =	simm.s32 $0xA;
	_ =	strace $0x80000057  }
0xc8: {  	_ =	swait.ge [sflag:s29], $0x1  }
0xc9: {  	[sflag:s29] =	ssyncadd.s32 $0xFFFFFFFF  }
0xca: {  	_ =	strace $0x90000057  }
0xcb: {  	_ =	sfence  }
0xcc: {  	s30 =	sld [smem:$0x0];
	_ =	sdelay $0x2  }
0xcd: {  	s31 =	sshll.u32 s1, $0xD;
	s1 =	sshrl.u32 s1, $0x2  }
0xce: {  	s4 =	sand.u32 $0x4000, s31;
	s1 =	sadd.s32 s1, s30  }
0xcf: {  	s0 =	sor.u32 s4, s0;
	s1 =	sshll.u32 s1, $0x11  }
0xd0: {  	s0 =	sor.u32 s1, s0  }
0xd1: {  	s0 =	sadd.s32 $0x8F2B, s0  }
0xd2: {  	[sflag:s0] =	ssyncadd.remote.s32 $0x1  }
0xd3: {  	_ =	sfence.sel $0xFFFF  }
0xd4: {  	[dreg:$0x0] =	wrdreg $0xFFFFFFFF;
	(pc) =	sbr.abs _section_cstart, $3  }
0xd5: {  	[dreg:$0x1] =	wrdreg $0xFFFFFFFF  }
0xd6: {  	_ =	task.clear_ibuf [dreg:s22], $0x2FFFF;
	_ =	strace $0x9FFFFFFF  }
0xd7: {  	(tm) =	ssettm $0x7FFFFFFF  }
tec
execute0_lowered:
.L_overlay_start_1:
0x0: {  	(tag) =	ssettag $0x1  }
0x1: {  	s0 =	rddreg [dreg:$0x0]  }
0x2: {  	s2 =	rddreg [dreg:$0x1]  }
0x3: {  	s1 =	srdreg.scid;
	s9 =	stileid.u32  }
0x4: {  	s4 =	simm.s32 $0x0;
	s14 =	simm.s32 $0x50;
	s15 =	simm.s32 $0x4E20  }
0x5: {  	s16 =	simm.s32 $0x9E20;
	s28 =	simm.s32 $0x8A20;
	s29 =	simm.s32 $0xDA20  }
0x6: {  	s30 =	simm.s32 $0x5;
	s31 =	simm.s32 $0x6;
	s1 =	sand.u32 $0x1, s1  }
0x7: {  	s3 =	sshll.u32 s9, $0x1;
	[smem:$0x7FF] =	sst s4;
	s22 =	smul.u32 $0x4E200, s9  }
0x8: {  	s3 =	sor.u32 s1, s3;
	s6 =	ssub.s32 $0x2, s1;
	s1 =	smul.u32 $0x27100, s1  }
0x9: {  	s4 =	sadd.s32 $0x23200, s0;
	_ =	strace $0x80000056;
	s5 =	smul.u32 $0x4E2, s3  }
0xa: {  	s7 =	sshrl.u32 s6, $0x1;
	s8 =	smul.u32 $0x138800, s3;
	s24 =	sadd.s32 s22, s2  }
0xb: {  	s22 =	simm.s32 $0xC620;
	s6 =	ssub.s32 s6, s7;
	s26 =	sadd.s32 s1, s24  }
0xc: {  	s24 =	simm.s32 $0x40;
	s0 =	sadd.s32 s5, s0;
	s5 =	smul.u32 $0x7D, s3  }
0xd: {  	s21 =	sshrl.u32 s8, $0x3;
	s8 =	sadd.s32 $0x8, s2;
	s25 =	smax.u32 s6, $0x1  }
0xe: {  	[dreg:$0x3] =	wrdreg s26;
	s26 =	simm.s32 $0x3;
	s20 =	sadd.s32 $0xF400, s0  }
0xf: {  	s0 =	sadd.s32 $0x5600, s0;
	s23 =	sadd.s32 s2, s21;
	[dreg:$0x8] =	wrdreg s25  }
0x10: {  	s21 =	simm.s32 $0x7620;
	s25 =	simm.s32 $0x80;
	[dreg:$0x4] =	wrdreg s20  }
0x11: {  	[dreg:$0x5] =	wrdreg s0;
	s3 =	sadd.s32 $0x26C00, s23;
	s0 =	sadd.s32 $0x26C08, s23  }
0x12: {  	s20 =	simm.s32 $0x2;
	s23 =	simm.s32 $0x1;
	[dreg:$0x6] =	wrdreg s3  }
0x13: {  	[dreg:$0x7] =	wrdreg s0;
	s0 =	simm.s32 $0x4;
	s3 =	simm.s32 $0x0  }
.LBB2_1:
0x14: {  	[dreg:$0x9] =	wrdreg s3  }
0x15: {  	s1 =	simm.s32 $0x0;
	s7 =	rddreg [dreg:$0x4];
	s6 =	simm.s32 $0x9  }
0x16: {  	[tilespmem:s1], [sflag:$0x9] =	stream.linear.gather [hbm4b:s7+s1], $0x2710, $0x38;
	[tilespmem:$0xEE20] =	vst v63  }
0x17: {  	_ =	swait.ge [sflag:s6], $0x2710  }
0x18: {  	[sflag:s6] =	ssyncset.done $0x0  }
0x19: {  	s7 =	simm.s32 $0x2710;
	s9 =	rddreg [dreg:$0x5];
	[sflag:s6] =	ssyncadd.s32 $0xFFFFD8F0  }
0x1a: {  	[tilespmem:s7], [sflag:$0x9] =	stream.linear.gather [hbm4b:s9+s1], $0x2710, $0x38;
	[tilespmem:$0xEE20] =	vst v63  }
0x1b: {  	_ =	swait.ge [sflag:s6], $0x2710  }
0x1c: {  	[sflag:s6] =	ssyncset.done $0x0  }
0x1d: {  	[sflag:s6] =	ssyncadd.s32 $0xFFFFD8F0  }
0x1e: {  	[tilespmem:s15], [sflag:$0x1] =	stream.indirect.gather [hbm4b:s4+s14], $0x40, s1, s14, $0xb8;
	[tilespmem:$0xEE20] =	vst v63  }
0x1f: {  	_ = 	snop  }
0x20: {  	[tilespmem:s16], [sflag:$0x1] =	stream.indirect.gather [hbm4b:s4+s14], $0x40, s7, s14, $0xb8;
	[tilespmem:$0xEE20] =	vst v63  }
0x21: {  	p0 =	por $0x1, $0x1;
	s6 =	simm.s32 $0x6220  }
0x22: {  	[tilespmem:s6], [sflag:$0x2] =	stream.indirect.gather [hbm4b:s4+s14], $0x40, s14, s14, $0xb8;
	[tilespmem:$0xEE20] =	vst v63  }
0x23: {  	s10 =	simm.s32 $0x2760;
	s11 =	simm.s32 $0xB220;
	s1 =	simm.s32 @!p0 $0x7  }
0x24: {  	[tilespmem:s11], [sflag:$0x2] =	stream.indirect.gather [hbm4b:s4+s14], $0x40, s10, s14, $0xb8;
	[tilespmem:$0xEE20] =	vst v63  }
0x25: {  	_ =	swait.ge @!p0 [sflag:s1], $0x1400  }
0x26: {  	[sflag:s1] =	ssyncset.done @!p0 $0x0  }
0x27: {  	s3 =	simm.s32 @!p0 $0x2;
	[sflag:s1] =	ssyncadd.s32 @!p0 $0xFFFFEC00  }
0x28: {  	s3 =	simm.s32 @p0 $0x2;
	_ =	swait.ge @!p0 [sflag:s1], $0x1400  }
0x29: {  	s12 =	smul.u32 $0x50, s3;
	[sflag:s1] =	ssyncset.done @!p0 $0x0  }
0x2a: {  	[sflag:s1] =	ssyncadd.s32 @!p0 $0xFFFFEC00  }
0x2b: {  	[tilespmem:s21], [sflag:$0x3] =	stream.indirect.gather [hbm4b:s4+s14], $0x40, s12, s14, $0xb8;
	[tilespmem:$0xEE20] =	vst v63  }
0x2c: {  	s13 =	sadd.s32 $0x2710, s12  }
0x2d: {  	[tilespmem:s22], [sflag:$0x3] =	stream.indirect.gather [hbm4b:s4+s14], $0x40, s13, s14, $0xb8;
	[tilespmem:$0xEE20] =	vst v63  }
0x2e: {  	_ =	swait.ge [sflag:s23], $0x1400  }
0x2f: {  	[sflag:s23] =	ssyncset.done $0x0  }
0x30: {  	[sflag:s23] =	ssyncadd.s32 $0xFFFFEC00  }
0x31: {  	_ =	swait.ge [sflag:s23], $0x1400  }
0x32: {  	s17 =	rddreg [dreg:$0x3];
	[sflag:s23] =	ssyncset.done $0x0  }
0x33: {  	[sflag:s23] =	ssyncadd.s32 $0xFFFFEC00;
	s1 =	sadd.s32 $0x0, s17  }
0x34: {  	[hbm4b:s1+s24] =	stream.strided.scatter [tilespmem:s15], [sflag:$0x5], $0x1400, s25, s24, $0x38;
	[tilespmem:$0xEE20] =	vst v63  }
0x35: {  	s9 =	simm.s32 @!p0 $0x8;
	s18 =	sadd.s32 $0x8, s1  }
0x36: {  	[hbm4b:s18+s24] =	stream.strided.scatter [tilespmem:s16], [sflag:$0x5], $0x1400, s25, s24, $0x38;
	[tilespmem:$0xEE20] =	vst v63  }
0x37: {  	_ =	swait.ge @!p0 [sflag:s9], $0x1400  }
0x38: {  	[sflag:s9] =	ssyncset.done @!p0 $0x0  }
0x39: {  	s7 =	simm.s32 $0x3;
	[sflag:s9] =	ssyncadd.s32 @!p0 $0xFFFFEC00  }
0x3a: {  	s7 =	simm.s32 @p0 $0x3;
	_ =	swait.ge @!p0 [sflag:s9], $0x1400  }
0x3b: {  	s10 =	smul.u32 $0x50, s7;
	[sflag:s9] =	ssyncset.done @!p0 $0x0  }
0x3c: {  	[sflag:s9] =	ssyncadd.s32 @!p0 $0xFFFFEC00  }
0x3d: {  	[tilespmem:s28], [sflag:$0x4] =	stream.indirect.gather [hbm4b:s4+s14], $0x40, s10, s14, $0xb8;
	[tilespmem:$0xEE20] =	vst v63  }
0x3e: {  	s19 =	sadd.s32 $0x2710, s10  }
0x3f: {  	[tilespmem:s29], [sflag:$0x4] =	stream.indirect.gather [hbm4b:s4+s14], $0x40, s19, s14, $0xb8;
	[tilespmem:$0xEE20] =	vst v63  }
0x40: {  	_ =	swait.ge [sflag:s20], $0x1400  }
0x41: {  	[sflag:s20] =	ssyncset.done $0x0  }
0x42: {  	[sflag:s20] =	ssyncadd.s32 $0xFFFFEC00  }
0x43: {  	_ =	swait.ge [sflag:s20], $0x1400  }
0x44: {  	[sflag:s20] =	ssyncset.done $0x0  }
0x45: {  	s10 =	sadd.s32 $0x500, s1;
	[sflag:s20] =	ssyncadd.s32 $0xFFFFEC00  }
0x46: {  	[hbm4b:s10+s24] =	stream.strided.scatter [tilespmem:s6], [sflag:$0x6], $0x1400, s25, s24, $0x38;
	[tilespmem:$0xEE20] =	vst v63  }
0x47: {  	s1 =	sadd.s32 $0x508, s1  }
0x48: {  	[hbm4b:s1+s24] =	stream.strided.scatter [tilespmem:s11], [sflag:$0x6], $0x1400, s25, s24, $0x38;
	[tilespmem:$0xEE20] =	vst v63  }
0x49: {  	_ =	swait.ge [sflag:s30], $0x1400  }
0x4a: {  	[sflag:s30] =	ssyncset.done $0x0  }
0x4b: {  	[sflag:s30] =	ssyncadd.s32 $0xFFFFEC00  }
0x4c: {  	_ =	swait.ge [sflag:s30], $0x1400  }
0x4d: {  	[sflag:s30] =	ssyncset.done $0x0  }
0x4e: {  	s11 =	simm.s32 $0x140;
	[sflag:s30] =	ssyncadd.s32 $0xFFFFEC00  }
0x4f: {  	[tilespmem:s15], [sflag:$0x1] =	stream.indirect.gather [hbm4b:s4+s14], $0x40, s11, s14, $0xb8;
	[tilespmem:$0xEE20] =	vst v63  }
0x50: {  	s12 =	simm.s32 $0x2850  }
0x51: {  	[tilespmem:s16], [sflag:$0x1] =	stream.indirect.gather [hbm4b:s4+s14], $0x40, s12, s14, $0xb8;
	[tilespmem:$0xEE20] =	vst v63  }
0x52: {  	_ =	swait.ge [sflag:s26], $0x1400  }
0x53: {  	[sflag:s26] =	ssyncset.done $0x0  }
0x54: {  	s13 =	sadd.s32 s5, s3;
	[sflag:s26] =	ssyncadd.s32 $0xFFFFEC00  }
0x55: {  	s1 =	smul.u32 $0x500, s13;
	_ =	swait.ge [sflag:s26], $0x1400  }
0x56: {  	[sflag:s26] =	ssyncset.done $0x0  }
0x57: {  	s17 =	sadd.s32 s2, s1;
	[sflag:s26] =	ssyncadd.s32 $0xFFFFEC00  }
0x58: {  	[hbm4b:s17+s24] =	stream.strided.scatter [tilespmem:s21], [sflag:$0x7], $0x1400, s25, s24, $0x38;
	[tilespmem:$0xEE20] =	vst v63  }
0x59: {  	s1 =	sadd.s32 s1, s8  }
0x5a: {  	[hbm4b:s1+s24] =	stream.strided.scatter [tilespmem:s22], [sflag:$0x7], $0x1400, s25, s24, $0x38;
	[tilespmem:$0xEE20] =	vst v63  }
0x5b: {  	_ =	swait.ge [sflag:s31], $0x1400  }
0x5c: {  	[sflag:s31] =	ssyncset.done $0x0  }
0x5d: {  	[sflag:s31] =	ssyncadd.s32 $0xFFFFEC00  }
0x5e: {  	p0 =	por $0x0, $0x0;
	_ =	swait.ge [sflag:s31], $0x1400  }
0x5f: {  	s3 =	simm.s32 @!p0 $0x50;
	[sflag:s31] =	ssyncset.done $0x0  }
0x60: {  	s9 =	simm.s32 @!p0 $0x6220;
	s1 =	simm.s32 $0x190;
	[sflag:s31] =	ssyncadd.s32 $0xFFFFEC00  }
0x61: {  	[tilespmem:s9], [sflag:$0x2] =	stream.indirect.gather @!p0 [hbm4b:s4+s3], $0x40, s1, s3, $0xb8;
	[tilespmem:$0xEE20] =	vst v63  }
0x62: {  	s1 =	simm.s32 $0x28A0;
	s9 =	simm.s32 @!p0 $0xB220  }
0x63: {  	[tilespmem:s9], [sflag:$0x2] =	stream.indirect.gather @!p0 [hbm4b:s4+s3], $0x40, s1, s3, $0xb8;
	[tilespmem:$0xEE20] =	vst v63  }
0x64: {  	_ =	swait.ge [sflag:s0], $0x1400  }
0x65: {  	p1 =	por $0x0, $0x0;
	s18 =	sadd.s32 s5, s7;
	[sflag:s0] =	ssyncset.done $0x0  }
0x66: {  	s10 =	simm.s32 $0x2D0;
	s13 =	simm.s32 $0x29E0;
	[sflag:s0] =	ssyncadd.s32 $0xFFFFEC00  }
0x67: {  	s11 =	simm.s32 $0x2800;
	s1 =	smul.u32 $0x500, s18;
	_ =	swait.ge [sflag:s0], $0x1400  }
0x68: {  	s9 =	simm.s32 $0x1400;
	s18 =	simm.s32 $0x7;
	[sflag:s0] =	ssyncset.done $0x0  }
0x69: {  	s19 =	sadd.s32 s2, s1;
	s1 =	sadd.s32 s1, s8;
	[sflag:s0] =	ssyncadd.s32 $0xFFFFEC00  }
0x6a: {  	[hbm4b:s19+s24] =	stream.strided.scatter [tilespmem:s28], [sflag:$0x8], $0x1400, s25, s24, $0x38;
	[tilespmem:$0xEE20] =	vst v63  }
.LBB2_2:
0x6b: {  	s6 =	simm.s32 @!p1 $0x7  }
0x6c: {  	[hbm4b:s1+s24] =	stream.strided.scatter [tilespmem:s29], [sflag:$0x8], $0x1400, s25, s24, $0x38;
	[tilespmem:$0xEE20] =	vst v63  }
0x6d: {  	_ =	swait.ge @!p1 [sflag:s6], $0x1400  }
0x6e: {  	[sflag:s6] =	ssyncset.done @!p1 $0x0  }
0x6f: {  	s17 =	sadd.s32 @!p1 $0xFFFFFFFF, s18;
	[sflag:s6] =	ssyncadd.s32 @!p1 $0xFFFFEC00  }
0x70: {  	s17 =	simm.s32 @p1 $0x2;
	_ =	swait.ge @!p1 [sflag:s6], $0x1400  }
0x71: {  	s19 =	sadd.s32 s5, s17;
	s17 =	smul.u32 $0x50, s17;
	[sflag:s6] =	ssyncset.done @!p1 $0x0  }
0x72: {  	[sflag:s6] =	ssyncadd.s32 @!p1 $0xFFFFEC00  }
0x73: {  	[tilespmem:s21], [sflag:$0x3] =	stream.indirect.gather [hbm4b:s4+s14], $0x40, s17, s14, $0xb8;
	[tilespmem:$0xEE20] =	vst v63  }
0x74: {  	s17 =	sadd.s32 $0x2710, s17  }
0x75: {  	[tilespmem:s22], [sflag:$0x3] =	stream.indirect.gather [hbm4b:s4+s14], $0x40, s17, s14, $0xb8;
	[tilespmem:$0xEE20] =	vst v63  }
0x76: {  	_ =	swait.ge [sflag:s23], $0x1400  }
0x77: {  	[sflag:s23] =	ssyncset.done $0x0  }
0x78: {  	[sflag:s23] =	ssyncadd.s32 $0xFFFFEC00  }
0x79: {  	_ =	swait.ge [sflag:s23], $0x1400  }
0x7a: {  	s1 =	smul.u32 $0x500, s19;
	s19 =	rddreg [dreg:$0x3];
	[sflag:s23] =	ssyncset.done $0x0  }
0x7b: {  	[sflag:s23] =	ssyncadd.s32 $0xFFFFEC00;
	s6 =	sadd.s32 s9, s19  }
0x7c: {  	[hbm4b:s6+s24] =	stream.strided.scatter [tilespmem:s15], [sflag:$0x5], $0x1400, s25, s24, $0x38;
	[tilespmem:$0xEE20] =	vst v63  }
0x7d: {  	s19 =	simm.s32 @!p1 $0x8;
	s17 =	sadd.s32 $0x8, s6  }
0x7e: {  	[hbm4b:s17+s24] =	stream.strided.scatter [tilespmem:s16], [sflag:$0x5], $0x1400, s25, s24, $0x38;
	[tilespmem:$0xEE20] =	vst v63  }
0x7f: {  	_ =	swait.ge @!p1 [sflag:s19], $0x1400  }
0x80: {  	[sflag:s19] =	ssyncset.done @!p1 $0x0  }
0x81: {  	s7 =	smov.u32 s18;
	[sflag:s19] =	ssyncadd.s32 @!p1 $0xFFFFEC00  }
0x82: {  	s7 =	simm.s32 @p1 $0x3;
	_ =	swait.ge @!p1 [sflag:s19], $0x1400  }
0x83: {  	s3 =	sadd.s32 s5, s7;
	s7 =	smul.u32 $0x50, s7;
	[sflag:s19] =	ssyncset.done @!p1 $0x0  }
0x84: {  	[sflag:s19] =	ssyncadd.s32 @!p1 $0xFFFFEC00  }
0x85: {  	[tilespmem:s28], [sflag:$0x4] =	stream.indirect.gather [hbm4b:s4+s14], $0x40, s7, s14, $0xb8;
	[tilespmem:$0xEE20] =	vst v63  }
0x86: {  	s7 =	sadd.s32 $0x2710, s7  }
0x87: {  	[tilespmem:s29], [sflag:$0x4] =	stream.indirect.gather [hbm4b:s4+s14], $0x40, s7, s14, $0xb8;
	[tilespmem:$0xEE20] =	vst v63  }
0x88: {  	_ =	swait.ge [sflag:s20], $0x1400  }
0x89: {  	[sflag:s20] =	ssyncset.done $0x0  }
0x8a: {  	[sflag:s20] =	ssyncadd.s32 $0xFFFFEC00  }
0x8b: {  	_ =	swait.ge [sflag:s20], $0x1400  }
0x8c: {  	[sflag:s20] =	ssyncset.done $0x0  }
0x8d: {  	s17 =	sadd.s32 $0x500, s6;
	s19 =	simm.s32 $0x6220;
	[sflag:s20] =	ssyncadd.s32 $0xFFFFEC00  }
0x8e: {  	[hbm4b:s17+s24] =	stream.strided.scatter [tilespmem:s19], [sflag:$0x6], $0x1400, s25, s24, $0x38;
	[tilespmem:$0xEE20] =	vst v63  }
0x8f: {  	s6 =	sadd.s32 $0x508, s6;
	s19 =	simm.s32 $0xB220  }
0x90: {  	[hbm4b:s6+s24] =	stream.strided.scatter [tilespmem:s19], [sflag:$0x6], $0x1400, s25, s24, $0x38;
	[tilespmem:$0xEE20] =	vst v63  }
0x91: {  	_ =	swait.ge [sflag:s30], $0x1400  }
0x92: {  	[sflag:s30] =	ssyncset.done $0x0  }
0x93: {  	[sflag:s30] =	ssyncadd.s32 $0xFFFFEC00  }
0x94: {  	_ =	swait.ge [sflag:s30], $0x1400  }
0x95: {  	[sflag:s30] =	ssyncset.done $0x0  }
0x96: {  	s7 =	sadd.s32 $0xFFFFFFB0, s10;
	[sflag:s30] =	ssyncadd.s32 $0xFFFFEC00  }
0x97: {  	[tilespmem:s15], [sflag:$0x1] =	stream.indirect.gather [hbm4b:s4+s14], $0x40, s7, s14, $0xb8;
	[tilespmem:$0xEE20] =	vst v63  }
0x98: {  	s17 =	sadd.s32 $0xFFFFFFB0, s13  }
0x99: {  	[tilespmem:s16], [sflag:$0x1] =	stream.indirect.gather [hbm4b:s4+s14], $0x40, s17, s14, $0xb8;
	[tilespmem:$0xEE20] =	vst v63  }
0x9a: {  	_ =	swait.ge [sflag:s26], $0x1400  }
0x9b: {  	[sflag:s26] =	ssyncset.done $0x0  }
0x9c: {  	[sflag:s26] =	ssyncadd.s32 $0xFFFFEC00  }
0x9d: {  	_ =	swait.ge [sflag:s26], $0x1400  }
0x9e: {  	[sflag:s26] =	ssyncset.done $0x0  }
0x9f: {  	s19 =	sadd.s32 s2, s1;
	[sflag:s26] =	ssyncadd.s32 $0xFFFFEC00  }
0xa0: {  	[hbm4b:s19+s24] =	stream.strided.scatter [tilespmem:s21], [sflag:$0x7], $0x1400, s25, s24, $0x38;
	[tilespmem:$0xEE20] =	vst v63  }
0xa1: {  	s1 =	sadd.s32 s1, s8  }
0xa2: {  	[hbm4b:s1+s24] =	stream.strided.scatter [tilespmem:s22], [sflag:$0x7], $0x1400, s25, s24, $0x38;
	[tilespmem:$0xEE20] =	vst v63  }
0xa3: {  	_ =	swait.ge [sflag:s31], $0x1400  }
0xa4: {  	[sflag:s31] =	ssyncset.done $0x0  }
0xa5: {  	[sflag:s31] =	ssyncadd.s32 $0xFFFFEC00  }
0xa6: {  	_ =	swait.ge [sflag:s31], $0x1400  }
0xa7: {  	p1 =	seq.s32 s9, $0x25800;
	[sflag:s31] =	ssyncset.done $0x0  }
0xa8: {  	s6 =	simm.s32 @!p1 $0x6220;
	s1 =	simm.s32 @!p1 $0x50;
	[sflag:s31] =	ssyncadd.s32 $0xFFFFEC00  }
0xa9: {  	[tilespmem:s6], [sflag:$0x2] =	stream.indirect.gather @!p1 [hbm4b:s4+s1], $0x40, s10, s1, $0xb8;
	[tilespmem:$0xEE20] =	vst v63  }
0xaa: {  	s6 =	simm.s32 @!p1 $0xB220  }
0xab: {  	[tilespmem:s6], [sflag:$0x2] =	stream.indirect.gather @!p1 [hbm4b:s4+s1], $0x40, s13, s1, $0xb8;
	[tilespmem:$0xEE20] =	vst v63  }
0xac: {  	s12 =	smov.u32 s11;
	s11 =	sadd.s32 $0x1400, s11;
	_ =	swait.ge [sflag:s0], $0x1400  }
0xad: {  	p0 =	sne.s32 s11, $0x26C00;
	s3 =	smul.u32 $0x500, s3;
	[sflag:s0] =	ssyncset.done $0x0  }
.Ltmp0:
0xae: {  	s18 =	sadd.s32 $0x4, s18;
	[sflag:s0] =	ssyncadd.s32 $0xFFFFEC00;
	(pc) =	sbr.rel @p0 .LBB2_2-.Ltmp0, $4  }
0xaf: {  	s9 =	smov.u32 s12;
	s10 =	sadd.s32 $0x140, s10;
	_ =	swait.ge [sflag:s0], $0x1400  }
0xb0: {  	s13 =	sadd.s32 $0x140, s13;
	s1 =	sadd.s32 s3, s8;
	[sflag:s0] =	ssyncset.done $0x0  }
0xb1: {  	p1 =	seq.s32 s9, $0x0;
	s3 =	sadd.s32 s2, s3;
	[sflag:s0] =	ssyncadd.s32 $0xFFFFEC00  }
0xb2: {  	[hbm4b:s3+s24] =	stream.strided.scatter [tilespmem:s28], [sflag:$0x8], $0x1400, s25, s24, $0x38;
	[tilespmem:$0xEE20] =	vst v63  }
0xb3: {  	s3 =	simm.s32 @!p1 $0x7  }
0xb4: {  	[hbm4b:s1+s24] =	stream.strided.scatter [tilespmem:s29], [sflag:$0x8], $0x1400, s25, s24, $0x38;
	[tilespmem:$0xEE20] =	vst v63  }
0xb5: {  	_ =	swait.ge @!p1 [sflag:s3], $0x1400  }
0xb6: {  	[sflag:s3] =	ssyncset.done @!p1 $0x0  }
0xb7: {  	s1 =	sadd.s32 @!p1 $0xFFFFFFFF, s18;
	[sflag:s3] =	ssyncadd.s32 @!p1 $0xFFFFEC00  }
0xb8: {  	s1 =	simm.s32 @p1 $0x2;
	_ =	swait.ge @!p1 [sflag:s3], $0x1400  }
0xb9: {  	s6 =	smul.u32 $0x50, s1;
	[sflag:s3] =	ssyncset.done @!p1 $0x0  }
0xba: {  	[sflag:s3] =	ssyncadd.s32 @!p1 $0xFFFFEC00  }
0xbb: {  	[tilespmem:s21], [sflag:$0x3] =	stream.indirect.gather [hbm4b:s4+s14], $0x40, s6, s14, $0xb8;
	[tilespmem:$0xEE20] =	vst v63  }
0xbc: {  	s11 =	sadd.s32 $0x2710, s6  }
0xbd: {  	[tilespmem:s22], [sflag:$0x3] =	stream.indirect.gather [hbm4b:s4+s14], $0x40, s11, s14, $0xb8;
	[tilespmem:$0xEE20] =	vst v63  }
0xbe: {  	_ =	swait.ge [sflag:s23], $0x1400  }
0xbf: {  	[sflag:s23] =	ssyncset.done $0x0  }
0xc0: {  	[sflag:s23] =	ssyncadd.s32 $0xFFFFEC00  }
0xc1: {  	_ =	swait.ge [sflag:s23], $0x1400  }
0xc2: {  	s12 =	rddreg [dreg:$0x3];
	[sflag:s23] =	ssyncset.done $0x0  }
0xc3: {  	[sflag:s23] =	ssyncadd.s32 $0xFFFFEC00;
	s3 =	sadd.s32 s9, s12  }
0xc4: {  	[hbm4b:s3+s24] =	stream.strided.scatter [tilespmem:s15], [sflag:$0x5], $0x1400, s25, s24, $0x38;
	[tilespmem:$0xEE20] =	vst v63  }
0xc5: {  	s7 =	simm.s32 @!p1 $0x8;
	s17 =	sadd.s32 $0x8, s3  }
0xc6: {  	[hbm4b:s17+s24] =	stream.strided.scatter [tilespmem:s16], [sflag:$0x5], $0x1400, s25, s24, $0x38;
	[tilespmem:$0xEE20] =	vst v63  }
0xc7: {  	_ =	swait.ge @!p1 [sflag:s7], $0x1400  }
0xc8: {  	[sflag:s7] =	ssyncset.done @!p1 $0x0  }
0xc9: {  	[sflag:s7] =	ssyncadd.s32 @!p1 $0xFFFFEC00  }
0xca: {  	s18 =	simm.s32 @p1 $0x3;
	_ =	swait.ge @!p1 [sflag:s7], $0x1400  }
0xcb: {  	s19 =	smul.u32 $0x50, s18;
	[sflag:s7] =	ssyncset.done @!p1 $0x0  }
0xcc: {  	[sflag:s7] =	ssyncadd.s32 @!p1 $0xFFFFEC00  }
0xcd: {  	[tilespmem:s28], [sflag:$0x4] =	stream.indirect.gather [hbm4b:s4+s14], $0x40, s19, s14, $0xb8;
	[tilespmem:$0xEE20] =	vst v63  }
0xce: {  	s6 =	sadd.s32 $0x2710, s19  }
0xcf: {  	[tilespmem:s29], [sflag:$0x4] =	stream.indirect.gather [hbm4b:s4+s14], $0x40, s6, s14, $0xb8;
	[tilespmem:$0xEE20] =	vst v63  }
0xd0: {  	_ =	swait.ge [sflag:s20], $0x1400  }
0xd1: {  	[sflag:s20] =	ssyncset.done $0x0  }
0xd2: {  	[sflag:s20] =	ssyncadd.s32 $0xFFFFEC00  }
0xd3: {  	_ =	swait.ge [sflag:s20], $0x1400  }
0xd4: {  	[sflag:s20] =	ssyncset.done $0x0  }
0xd5: {  	s12 =	simm.s32 $0x6220;
	s11 =	sadd.s32 $0x500, s3;
	[sflag:s20] =	ssyncadd.s32 $0xFFFFEC00  }
0xd6: {  	[hbm4b:s11+s24] =	stream.strided.scatter [tilespmem:s12], [sflag:$0x6], $0x1400, s25, s24, $0x38;
	[tilespmem:$0xEE20] =	vst v63  }
0xd7: {  	s3 =	sadd.s32 $0x508, s3;
	s17 =	simm.s32 $0xB220  }
0xd8: {  	[hbm4b:s3+s24] =	stream.strided.scatter [tilespmem:s17], [sflag:$0x6], $0x1400, s25, s24, $0x38;
	[tilespmem:$0xEE20] =	vst v63  }
0xd9: {  	_ =	swait.ge [sflag:s30], $0x1400  }
0xda: {  	[sflag:s30] =	ssyncset.done $0x0  }
0xdb: {  	[sflag:s30] =	ssyncadd.s32 $0xFFFFEC00  }
0xdc: {  	_ =	swait.ge [sflag:s30], $0x1400  }
0xdd: {  	[sflag:s30] =	ssyncset.done $0x0  }
0xde: {  	s19 =	sadd.s32 $0xFFFFFFB0, s10;
	[sflag:s30] =	ssyncadd.s32 $0xFFFFEC00  }
0xdf: {  	[tilespmem:s15], [sflag:$0x1] =	stream.indirect.gather [hbm4b:s4+s14], $0x40, s19, s14, $0xb8;
	[tilespmem:$0xEE20] =	vst v63  }
0xe0: {  	s6 =	sadd.s32 $0xFFFFFFB0, s13  }
0xe1: {  	[tilespmem:s16], [sflag:$0x1] =	stream.indirect.gather [hbm4b:s4+s14], $0x40, s6, s14, $0xb8;
	[tilespmem:$0xEE20] =	vst v63  }
0xe2: {  	_ =	swait.ge [sflag:s26], $0x1400  }
0xe3: {  	[sflag:s26] =	ssyncset.done $0x0  }
0xe4: {  	s1 =	sadd.s32 s5, s1;
	[sflag:s26] =	ssyncadd.s32 $0xFFFFEC00  }
0xe5: {  	s1 =	smul.u32 $0x500, s1;
	_ =	swait.ge [sflag:s26], $0x1400  }
0xe6: {  	[sflag:s26] =	ssyncset.done $0x0  }
0xe7: {  	s7 =	sadd.s32 s2, s1;
	[sflag:s26] =	ssyncadd.s32 $0xFFFFEC00  }
0xe8: {  	[hbm4b:s7+s24] =	stream.strided.scatter [tilespmem:s21], [sflag:$0x7], $0x1400, s25, s24, $0x38;
	[tilespmem:$0xEE20] =	vst v63  }
0xe9: {  	s1 =	sadd.s32 s1, s8  }
0xea: {  	[hbm4b:s1+s24] =	stream.strided.scatter [tilespmem:s22], [sflag:$0x7], $0x1400, s25, s24, $0x38;
	[tilespmem:$0xEE20] =	vst v63  }
0xeb: {  	_ =	swait.ge [sflag:s31], $0x1400  }
0xec: {  	[sflag:s31] =	ssyncset.done $0x0  }
0xed: {  	[sflag:s31] =	ssyncadd.s32 $0xFFFFEC00  }
0xee: {  	_ =	swait.ge [sflag:s31], $0x1400  }
0xef: {  	p0 =	seq.s32 s9, $0x25800;
	[sflag:s31] =	ssyncset.done $0x0  }
0xf0: {  	s3 =	simm.s32 @!p0 $0x6220;
	s1 =	simm.s32 @!p0 $0x50;
	[sflag:s31] =	ssyncadd.s32 $0xFFFFEC00  }
0xf1: {  	[tilespmem:s3], [sflag:$0x2] =	stream.indirect.gather @!p0 [hbm4b:s4+s1], $0x40, s10, s1, $0xb8;
	[tilespmem:$0xEE20] =	vst v63  }
0xf2: {  	s3 =	simm.s32 @!p0 $0xB220  }
0xf3: {  	[tilespmem:s3], [sflag:$0x2] =	stream.indirect.gather @!p0 [hbm4b:s4+s1], $0x40, s13, s1, $0xb8;
	[tilespmem:$0xEE20] =	vst v63  }
0xf4: {  	_ =	swait.ge [sflag:s0], $0x1400  }
0xf5: {  	[sflag:s0] =	ssyncset.done $0x0  }
0xf6: {  	s9 =	sadd.s32 s5, s18;
	[sflag:s0] =	ssyncadd.s32 $0xFFFFEC00  }
0xf7: {  	s1 =	smul.u32 $0x500, s9;
	_ =	swait.ge [sflag:s0], $0x1400  }
0xf8: {  	[sflag:s0] =	ssyncset.done $0x0  }
0xf9: {  	s10 =	sadd.s32 s2, s1;
	[sflag:s0] =	ssyncadd.s32 $0xFFFFEC00  }
0xfa: {  	[hbm4b:s10+s24] =	stream.strided.scatter [tilespmem:s28], [sflag:$0x8], $0x1400, s25, s24, $0x38;
	[tilespmem:$0xEE20] =	vst v63  }
0xfb: {  	s1 =	sadd.s32 s1, s8  }
0xfc: {  	[hbm4b:s1+s24] =	stream.strided.scatter [tilespmem:s29], [sflag:$0x8], $0x1400, s25, s24, $0x38;
	[tilespmem:$0xEE20] =	vst v63  }
0xfd: {  	_ =	swait.ge [sflag:s23], $0x1400  }
0xfe: {  	[sflag:s23] =	ssyncset.done $0x0  }
0xff: {  	[sflag:s23] =	ssyncadd.s32 $0xFFFFEC00  }
0x100: {  	_ =	swait.ge [sflag:s23], $0x1400  }
0x101: {  	[sflag:s23] =	ssyncset.done $0x0  }
0x102: {  	s11 =	rddreg [dreg:$0x6];
	[sflag:s23] =	ssyncadd.s32 $0xFFFFEC00  }
0x103: {  	[hbm4b:s11+s24] =	stream.strided.scatter [tilespmem:s15], [sflag:$0x5], $0x1400, s25, s24, $0x38;
	[tilespmem:$0xEE20] =	vst v63  }
0x104: {  	s13 =	simm.s32 $0x7;
	s12 =	rddreg [dreg:$0x7]  }
0x105: {  	[hbm4b:s12+s24] =	stream.strided.scatter [tilespmem:s16], [sflag:$0x5], $0x1400, s25, s24, $0x38;
	[tilespmem:$0xEE20] =	vst v63  }
0x106: {  	_ =	swait.ge [sflag:s13], $0x1400  }
0x107: {  	[sflag:s13] =	ssyncset.done $0x0  }
0x108: {  	[sflag:s13] =	ssyncadd.s32 $0xFFFFEC00  }
0x109: {  	_ =	swait.ge [sflag:s13], $0x1400  }
0x10a: {  	[sflag:s13] =	ssyncset.done $0x0  }
0x10b: {  	s17 =	simm.s32 $0x8;
	[sflag:s13] =	ssyncadd.s32 $0xFFFFEC00  }
0x10c: {  	_ =	swait.ge [sflag:s17], $0x1400  }
0x10d: {  	[sflag:s17] =	ssyncset.done $0x0  }
0x10e: {  	[sflag:s17] =	ssyncadd.s32 $0xFFFFEC00  }
0x10f: {  	_ =	swait.ge [sflag:s17], $0x1400  }
0x110: {  	[sflag:s17] =	ssyncset.done $0x0  }
0x111: {  	[sflag:s17] =	ssyncadd.s32 $0xFFFFEC00  }
0x112: {  	_ =	swait.ge [sflag:s30], $0x1400  }
0x113: {  	[sflag:s30] =	ssyncset.done $0x0  }
0x114: {  	[sflag:s30] =	ssyncadd.s32 $0xFFFFEC00  }
0x115: {  	_ =	swait.ge [sflag:s30], $0x1400  }
0x116: {  	s18 =	rddreg [dreg:$0x9]  }
0x117: {  	s19 =	rddreg [dreg:$0x8];
	s3 =	sadd.s32 $0x1, s18  }
0x118: {  	p0 =	sne.s32 s3, s19  }
.Ltmp1:
0x119: {  	_ = 	snop;
	(pc) =	sbr.rel @p0 .LBB2_1-.Ltmp1, $3  }
0x11a: {  	_ =	sdelay $0x1  }
0x11b: {  	[sflag:s30] =	ssyncset.done $0x0  }
0x11c: {  	[sflag:s30] =	ssyncadd.s32 $0xFFFFEC00  }
0x11d: {  	_ =	sfence.sel $0x180000  }
0x11e: {  	[bflag:$0x0] =	sbarrier.arrive $0xFFFF  }
0x11f: {  	_ =	strace $0x90000056  }
0x120: {  	s0 =	stileid.u32;
	[bflag:$0x2] =	sbarrier.arrive $0xFFFF  }
0x121: {  	p0 =	sne.s32 s0, $0x0;
	s0 =	rddreg [dreg:$0x2]  }
0x122: {  	s0 =	sadd.s32 @!p0 $0x100000, s0  }
0x123: {  	[sflag:s0] =	ssyncadd.tile.s32 @!p0 $0x1;
	_ =	shalt  }
.Lfunc_end2:
_tile_overlayer_lowered:
.L_overlay_start_2:
0x124: {  	(tag) =	ssettag $0x2  }
0x125: {  	s0 =	rddreg [dreg:$0x0];
	s2 =	stileid.u32  }
0x126: {  	s1 =	rddreg [dreg:$0x1];
	p0 =	sne.s32 s2, $0x0  }
0x127: {  	s3 =	rddreg [dreg:$0x2];
	[bflag:$0x3] =	sbarrier.arrive $0xFFFF;
	s2 =	simm.s32 @!p0 $0x1C09  }
0x128: {  	[timem:s3], [sflag:s2] =	dma.local @!p0 [hbm:s0], s1  }
0x129: {  	s0 =	simm.s32 @!p0 $0x9  }
0x12a: {  	_ =	swait.ge @!p0 [sflag:s0], s1  }
0x12b: {  	s1 =	ssub.s32 @!p0 $0x0, s1;
	[sflag:s0] =	ssyncset.done @!p0 $0x0  }
0x12c: {  	[sflag:s0] =	ssyncadd.s32 @!p0 s1  }
0x12d: {  	[bflag:$0x3] =	sbarrier.arrive $0xFFFF  }
0x12e: {  	_ =	shalt  }

</sc_bundles>
